<compile_context>
chip_gen: v7x
topology: tpu7x:2x2x1
jax: 0.10.2.dev20260603
libtpu: 0.0.44.dev20260713+nightly
codegen_flags: <defaults>
</compile_context>

<pallas_src>
import jax
import jax.numpy as jnp
from jax import lax
from jax.experimental import pallas as pl
from jax.experimental.pallas import tpu as pltpu
from jax.experimental.pallas import tpu_sc as plsc

N_NODES = 10000
N_EDGES = 320000
IN_FEAT = 128
OUT_FEAT = 128

NC = 2
NS = 16
NW = NC * NS
CH = 128
LANES = 16
N_PAD = 10240
ROWS_PER_TILE = N_PAD // NS
T_EDGES = -(-N_EDGES // (NW * CH)) * CH
E_PAD = T_EDGES * NW
N_CHUNKS = T_EDGES // CH



def _mm_body(f_ref, w_ref, o_ref):
    o_ref[...] = jnp.dot(f_ref[...], w_ref[...],
                         preferred_element_type=jnp.float32)


def _matmul(feat, W):
    m = feat.shape[0]
    bm = 1000
    return pl.pallas_call(
        _mm_body,
        grid=(m // bm,),
        in_specs=[
            pl.BlockSpec((bm, IN_FEAT), lambda i: (i, 0)),
            pl.BlockSpec((IN_FEAT, OUT_FEAT), lambda i: (0, 0)),
        ],
        out_specs=pl.BlockSpec((bm, OUT_FEAT), lambda i: (i, 0)),
        out_shape=jax.ShapeDtypeStruct((m, OUT_FEAT), jnp.float32),
    )(feat, W)



def _add_body(p_ref, o_ref):
    o_ref[...] = p_ref[0] + p_ref[1]


def _add_partials(partials):
    n = N_NODES
    bm = 1000
    return pl.pallas_call(
        _add_body,
        grid=(n // bm,),
        in_specs=[pl.BlockSpec((NC, bm, OUT_FEAT), lambda i: (0, i, 0))],
        out_specs=pl.BlockSpec((bm, OUT_FEAT), lambda i: (i, 0)),
        out_shape=jax.ShapeDtypeStruct((n, OUT_FEAT), jnp.float32),
    )(partials)



HALF = 64
N_HALF = T_EDGES // HALF
N_HROWS = (N_HALF + 2) // 2


def _spmm_body(emb_hbm, src_hbm, dst_hbm, val_hbm, zeros_hbm, out_hbm,
               src_a, dst_a, val_a, srcc0, srcc1, dstc0, dstc1,
               rows0, rows1, acc, gsem0, gsem1):
    c = lax.axis_index("c")
    s = lax.axis_index("s")
    wid = c * NS + s
    base_rows = s * ROWS_PER_TILE

    pltpu.sync_copy(zeros_hbm, acc.at[pl.ds(base_rows, ROWS_PER_TILE)])
    pltpu.sync_copy(src_hbm.at[wid], src_a)
    pltpu.sync_copy(dst_hbm.at[wid], dst_a)
    pltpu.sync_copy(val_hbm.at[wid], val_a)
    plsc.subcore_barrier()

    rows = (rows0, rows1)
    srcs = (srcc0, srcc1)
    dsts = (dstc0, dstc1)
    gsems = (gsem0, gsem1)

    def copy_idx(staged, dest, k):
        row = k // 2
        off = (k % 2) * HALF
        for g in range(HALF // LANES):
            dest[pl.ds(g * LANES, LANES)] = (
                staged[row, pl.ds(off + g * LANES, LANES)])

    def g_start(b):
        pltpu.async_copy(emb_hbm.at[srcs[b]], rows[b], gsems[b])

    def g_wait(b):
        pltpu.make_async_copy(emb_hbm.at[srcs[b]], rows[b], gsems[b]).wait()

    copy_idx(src_a, srcc0, 0)
    g_start(0)

    @pl.loop(0, N_HALF, step=2)
    def _chunk(i):
        for b in range(2):
            k = i + b
            nb = 1 - b
            copy_idx(src_a, srcs[nb], k + 1)
            g_start(nb)

            g_wait(b)

            buf = rows[b]
            row = k // 2
            off = (k % 2) * HALF

            @pl.loop(0, HALF // LANES)
            def _scale(g):
                vvec = val_a[row, pl.ds(off + g * LANES, LANES)]
                for j in range(LANES):
                    v = vvec[j]
                    e = g * LANES + j
                    for d in range(OUT_FEAT // LANES):
                        sl = pl.ds(d * LANES, LANES)
                        buf[e, sl] = buf[e, sl] * v

            copy_idx(dst_a, dsts[b], k)
            pltpu.sync_copy(buf, acc.at[dsts[b]], add=True)

    g_wait(0)

    plsc.subcore_barrier()
    pltpu.sync_copy(acc.at[pl.ds(base_rows, ROWS_PER_TILE)],
                    out_hbm.at[c, pl.ds(base_rows, ROWS_PER_TILE)])


_sc_mesh = plsc.VectorSubcoreMesh(core_axis_name="c", subcore_axis_name="s")

_spmm = pl.kernel(
    _spmm_body,
    out_type=jax.ShapeDtypeStruct((NC, N_PAD, OUT_FEAT), jnp.float32),
    mesh=_sc_mesh,
    scratch_types=[
        pltpu.VMEM((N_HROWS, CH), jnp.int32),
        pltpu.VMEM((N_HROWS, CH), jnp.int32),
        pltpu.VMEM((N_HROWS, CH), jnp.float32),
        pltpu.VMEM((HALF,), jnp.int32),
        pltpu.VMEM((HALF,), jnp.int32),
        pltpu.VMEM((HALF,), jnp.int32),
        pltpu.VMEM((HALF,), jnp.int32),
        pltpu.VMEM((HALF, OUT_FEAT), jnp.float32),
        pltpu.VMEM((HALF, OUT_FEAT), jnp.float32),
        pltpu.VMEM_SHARED((N_PAD, OUT_FEAT), jnp.float32),
        pltpu.SemaphoreType.DMA,
        pltpu.SemaphoreType.DMA,
    ],
)


def kernel(feat, edge_index, adj_values, W):
    emb = _matmul(feat, W)

    src = edge_index[1].astype(jnp.int32)
    dst = edge_index[0].astype(jnp.int32)
    vals = adj_values.astype(jnp.float32)
    pad = E_PAD - N_EDGES

    def pad_tiles(a):
        a = jnp.concatenate([a, jnp.zeros((pad,), a.dtype)])
        a = a.reshape(NW, T_EDGES)
        extra = N_HROWS * CH - T_EDGES
        a = jnp.concatenate([a, jnp.zeros((NW, extra), a.dtype)], axis=1)
        return a.reshape(NW, N_HROWS, CH)

    src = pad_tiles(src)
    dst = pad_tiles(dst)
    vals = pad_tiles(vals)
    zeros = jnp.zeros((ROWS_PER_TILE, OUT_FEAT), jnp.float32)

    partials = _spmm(emb, src, dst, vals, zeros)
    x = _add_partials(partials)
    return (emb, x)

# --- scband reference (transcript-rebuilt; emitter-appended) ---
"""Pipeline reference for scband-encoder-33105607917952 (READ-ONLY COPY).

The authoritative reference and input builder live on the scoring server;
editing this copy changes nothing except your own understanding.
"""

import jax, jax.numpy as jnp
import numpy as np

N_NODES = 10000
N_EDGES = 320000
IN_FEAT = 128
OUT_FEAT = 128


def setup_inputs(seed: int = 0) -> dict:
    key = jax.random.key(seed)
    k1, k2, k3, k4 = jax.random.split(key, 4)
    feat = jax.random.normal(k1, (N_NODES, IN_FEAT), dtype=jnp.float32)
    edge_index = jax.random.randint(k2, (2, N_EDGES), 0, N_NODES, dtype=jnp.int64)
    adj_values = jax.random.uniform(k3, (N_EDGES,), dtype=jnp.float32)
    # Xavier uniform init for the weight, matching torch.nn.init.xavier_uniform_
    limit = float(np.sqrt(6.0 / (IN_FEAT + OUT_FEAT)))
    W = jax.random.uniform(k4, (IN_FEAT, OUT_FEAT), dtype=jnp.float32, minval=-limit, maxval=limit)
    return {"feat": feat, "edge_index": edge_index, "adj_values": adj_values, "W": W}


def reference(feat, edge_index, adj_values, W):
    # feat_embeding = torch.mm(feat, self.weight)
    feat_embedding = feat @ W
    # x = torch.spmm(adj, feat_embeding) with adj given in COO form:
    # adj[dst, src] = adj_values  => x[dst] = sum_e adj_values[e] * feat_embedding[src[e]]
    src = edge_index[1]
    dst = edge_index[0]
    gathered = jnp.take(feat_embedding, src, axis=0) * adj_values[:, None]
    x = jax.ops.segment_sum(gathered, dst, num_segments=feat.shape[0])
    return (feat_embedding, x)

if __name__ == "__main__":
    import jax
    _d = setup_inputs()
    print(jax.jit(kernel)(*tuple(_d.values())))

</pallas_src>

<mosaic_0001>
#map = affine_map<(d0, d1) -> (0, 0)>
#map1 = affine_map<(d0, d1) -> (0, 0, 0)>
module attributes {stable_mosaic.version = 14 : i64} {
  func.func @_spmm_body(%arg0: i32, %arg1: i32, %arg2: memref<10000x128xf32, #tpu.memory_space<hbm>>, %arg3: memref<32x80x128xi32, #tpu.memory_space<hbm>>, %arg4: memref<32x80x128xi32, #tpu.memory_space<hbm>>, %arg5: memref<32x80x128xf32, #tpu.memory_space<hbm>>, %arg6: memref<640x128xf32, #tpu.memory_space<hbm>>, %arg7: memref<2x10240x128xf32, #tpu.memory_space<hbm>>, %arg8: memref<80x128xi32, #tpu.memory_space<vmem>>, %arg9: memref<80x128xi32, #tpu.memory_space<vmem>>, %arg10: memref<80x128xf32, #tpu.memory_space<vmem>>, %arg11: memref<64xi32, #tpu.memory_space<vmem>>, %arg12: memref<64xi32, #tpu.memory_space<vmem>>, %arg13: memref<64xi32, #tpu.memory_space<vmem>>, %arg14: memref<64xi32, #tpu.memory_space<vmem>>, %arg15: memref<64x128xf32, #tpu.memory_space<vmem>>, %arg16: memref<64x128xf32, #tpu.memory_space<vmem>>, %arg17: memref<10240x128xf32, #tpu.memory_space<vmem_shared>>, %arg18: memref<!tpu.dma_semaphore, #tpu.memory_space<semaphore_mem>>, %arg19: memref<!tpu.dma_semaphore, #tpu.memory_space<semaphore_mem>>) attributes {dimension_semantics = [#tpu.dimension_semantics<core_parallel>, #tpu.dimension_semantics<subcore_parallel>], iteration_bounds = array<i64: 2, 16>, scalar_prefetch = 0 : i64, scratch_operands = 12 : i64, tpu.core_type = #tpu.core_type<sc_vector_subcore>, window_params = [{transform_indices = #map}, {transform_indices = #map1}, {transform_indices = #map1}, {transform_indices = #map1}, {transform_indices = #map}, {transform_indices = #map1}]} {
    %mul3A = arith.constant 16 : i32
    %mul3A_0 = arith.muli %arg0, %mul3A : i32
    %add3A = arith.addi %mul3A_0, %arg1 : i32
    %mul3A_1 = arith.constant 640 : i32
    %mul3A_2 = arith.muli %arg1, %mul3A_1 : i32
    "tpu.region"() ({
      %run_scoped3A = tpu.sem_alloc : memref<!tpu.dma_semaphore, #tpu.memory_space<semaphore_mem>>
      %dma_start3A_46 = arith.constant 0 : i32
      %dma_start3A_47 = tpu.memref_slice %arg17[%mul3A_2, %dma_start3A_46] : memref<10240x128xf32, #tpu.memory_space<vmem_shared>> -> memref<640x128xf32, #tpu.memory_space<vmem_shared>>
      tpu.enqueue_dma source(%arg6 : memref<640x128xf32, #tpu.memory_space<hbm>>) target(%dma_start3A_47 : memref<640x128xf32, #tpu.memory_space<vmem_shared>>) target_semaphore(%run_scoped3A : memref<!tpu.dma_semaphore, #tpu.memory_space<semaphore_mem>>)
      %dma_wait3A_48 = arith.constant 0 : i32
      %dma_wait3A_49 = tpu.memref_slice %arg17[%mul3A_2, %dma_wait3A_48] : memref<10240x128xf32, #tpu.memory_space<vmem_shared>> -> memref<640x128xf32, #tpu.memory_space<vmem_shared>>
      tpu.wait_dma2 semaphore(%run_scoped3A : memref<!tpu.dma_semaphore, #tpu.memory_space<semaphore_mem>>) src(%arg6 : memref<640x128xf32, #tpu.memory_space<hbm>>) dst(%dma_wait3A_49 : memref<640x128xf32, #tpu.memory_space<vmem_shared>>)
      tpu.yield
    }) : () -> ()
    "tpu.region"() ({
      %run_scoped3A = tpu.sem_alloc : memref<!tpu.dma_semaphore, #tpu.memory_space<semaphore_mem>>
      %dma_start3A_46 = arith.constant 0 : i32
      %dma_start3A_47 = arith.constant 0 : i32
      %dma_start3A_48 = tpu.memref_slice %arg3[%add3A, %dma_start3A_46, %dma_start3A_47] : memref<32x80x128xi32, #tpu.memory_space<hbm>> -> memref<1x80x128xi32, #tpu.memory_space<hbm>>
      %dma_start3A_49 = tpu.memref_squeeze %dma_start3A_48 : memref<1x80x128xi32, #tpu.memory_space<hbm>> -> memref<80x128xi32, #tpu.memory_space<hbm>>
      %dma_start3A_50 = arith.constant 0 : i32
      %dma_start3A_51 = arith.constant 0 : i32
      %dma_start3A_52 = tpu.memref_slice %arg3[%add3A, %dma_start3A_50, %dma_start3A_51] : memref<32x80x128xi32, #tpu.memory_space<hbm>> -> memref<1x80x128xi32, #tpu.memory_space<hbm>>
      %dma_start3A_53 = tpu.memref_squeeze %dma_start3A_52 : memref<1x80x128xi32, #tpu.memory_space<hbm>> -> memref<80x128xi32, #tpu.memory_space<hbm>>
      tpu.enqueue_dma source(%dma_start3A_53 : memref<80x128xi32, #tpu.memory_space<hbm>>) target(%arg8 : memref<80x128xi32, #tpu.memory_space<vmem>>) target_semaphore(%run_scoped3A : memref<!tpu.dma_semaphore, #tpu.memory_space<semaphore_mem>>)
      %dma_wait3A_54 = arith.constant 0 : i32
      %dma_wait3A_55 = arith.constant 0 : i32
      %dma_wait3A_56 = tpu.memref_slice %arg3[%add3A, %dma_wait3A_54, %dma_wait3A_55] : memref<32x80x128xi32, #tpu.memory_space<hbm>> -> memref<1x80x128xi32, #tpu.memory_space<hbm>>
      %dma_wait3A_57 = tpu.memref_squeeze %dma_wait3A_56 : memref<1x80x128xi32, #tpu.memory_space<hbm>> -> memref<80x128xi32, #tpu.memory_space<hbm>>
      %dma_wait3A_58 = arith.constant 0 : i32
      %dma_wait3A_59 = arith.constant 0 : i32
      %dma_wait3A_60 = tpu.memref_slice %arg3[%add3A, %dma_wait3A_58, %dma_wait3A_59] : memref<32x80x128xi32, #tpu.memory_space<hbm>> -> memref<1x80x128xi32, #tpu.memory_space<hbm>>
      %dma_wait3A_61 = tpu.memref_squeeze %dma_wait3A_60 : memref<1x80x128xi32, #tpu.memory_space<hbm>> -> memref<80x128xi32, #tpu.memory_space<hbm>>
      tpu.wait_dma2 semaphore(%run_scoped3A : memref<!tpu.dma_semaphore, #tpu.memory_space<semaphore_mem>>) src(%dma_wait3A_61 : memref<80x128xi32, #tpu.memory_space<hbm>>) dst(%arg8 : memref<80x128xi32, #tpu.memory_space<vmem>>)
      tpu.yield
    }) : () -> ()
    "tpu.region"() ({
      %run_scoped3A = tpu.sem_alloc : memref<!tpu.dma_semaphore, #tpu.memory_space<semaphore_mem>>
      %dma_start3A_46 = arith.constant 0 : i32
      %dma_start3A_47 = arith.constant 0 : i32
      %dma_start3A_48 = tpu.memref_slice %arg4[%add3A, %dma_start3A_46, %dma_start3A_47] : memref<32x80x128xi32, #tpu.memory_space<hbm>> -> memref<1x80x128xi32, #tpu.memory_space<hbm>>
      %dma_start3A_49 = tpu.memref_squeeze %dma_start3A_48 : memref<1x80x128xi32, #tpu.memory_space<hbm>> -> memref<80x128xi32, #tpu.memory_space<hbm>>
      %dma_start3A_50 = arith.constant 0 : i32
      %dma_start3A_51 = arith.constant 0 : i32
      %dma_start3A_52 = tpu.memref_slice %arg4[%add3A, %dma_start3A_50, %dma_start3A_51] : memref<32x80x128xi32, #tpu.memory_space<hbm>> -> memref<1x80x128xi32, #tpu.memory_space<hbm>>
      %dma_start3A_53 = tpu.memref_squeeze %dma_start3A_52 : memref<1x80x128xi32, #tpu.memory_space<hbm>> -> memref<80x128xi32, #tpu.memory_space<hbm>>
      tpu.enqueue_dma source(%dma_start3A_53 : memref<80x128xi32, #tpu.memory_space<hbm>>) target(%arg9 : memref<80x128xi32, #tpu.memory_space<vmem>>) target_semaphore(%run_scoped3A : memref<!tpu.dma_semaphore, #tpu.memory_space<semaphore_mem>>)
      %dma_wait3A_54 = arith.constant 0 : i32
      %dma_wait3A_55 = arith.constant 0 : i32
      %dma_wait3A_56 = tpu.memref_slice %arg4[%add3A, %dma_wait3A_54, %dma_wait3A_55] : memref<32x80x128xi32, #tpu.memory_space<hbm>> -> memref<1x80x128xi32, #tpu.memory_space<hbm>>
      %dma_wait3A_57 = tpu.memref_squeeze %dma_wait3A_56 : memref<1x80x128xi32, #tpu.memory_space<hbm>> -> memref<80x128xi32, #tpu.memory_space<hbm>>
      %dma_wait3A_58 = arith.constant 0 : i32
      %dma_wait3A_59 = arith.constant 0 : i32
      %dma_wait3A_60 = tpu.memref_slice %arg4[%add3A, %dma_wait3A_58, %dma_wait3A_59] : memref<32x80x128xi32, #tpu.memory_space<hbm>> -> memref<1x80x128xi32, #tpu.memory_space<hbm>>
      %dma_wait3A_61 = tpu.memref_squeeze %dma_wait3A_60 : memref<1x80x128xi32, #tpu.memory_space<hbm>> -> memref<80x128xi32, #tpu.memory_space<hbm>>
      tpu.wait_dma2 semaphore(%run_scoped3A : memref<!tpu.dma_semaphore, #tpu.memory_space<semaphore_mem>>) src(%dma_wait3A_61 : memref<80x128xi32, #tpu.memory_space<hbm>>) dst(%arg9 : memref<80x128xi32, #tpu.memory_space<vmem>>)
      tpu.yield
    }) : () -> ()
    "tpu.region"() ({
      %run_scoped3A = tpu.sem_alloc : memref<!tpu.dma_semaphore, #tpu.memory_space<semaphore_mem>>
      %dma_start3A_46 = arith.constant 0 : i32
      %dma_start3A_47 = arith.constant 0 : i32
      %dma_start3A_48 = tpu.memref_slice %arg5[%add3A, %dma_start3A_46, %dma_start3A_47] : memref<32x80x128xf32, #tpu.memory_space<hbm>> -> memref<1x80x128xf32, #tpu.memory_space<hbm>>
      %dma_start3A_49 = tpu.memref_squeeze %dma_start3A_48 : memref<1x80x128xf32, #tpu.memory_space<hbm>> -> memref<80x128xf32, #tpu.memory_space<hbm>>
      %dma_start3A_50 = arith.constant 0 : i32
      %dma_start3A_51 = arith.constant 0 : i32
      %dma_start3A_52 = tpu.memref_slice %arg5[%add3A, %dma_start3A_50, %dma_start3A_51] : memref<32x80x128xf32, #tpu.memory_space<hbm>> -> memref<1x80x128xf32, #tpu.memory_space<hbm>>
      %dma_start3A_53 = tpu.memref_squeeze %dma_start3A_52 : memref<1x80x128xf32, #tpu.memory_space<hbm>> -> memref<80x128xf32, #tpu.memory_space<hbm>>
      tpu.enqueue_dma source(%dma_start3A_53 : memref<80x128xf32, #tpu.memory_space<hbm>>) target(%arg10 : memref<80x128xf32, #tpu.memory_space<vmem>>) target_semaphore(%run_scoped3A : memref<!tpu.dma_semaphore, #tpu.memory_space<semaphore_mem>>)
      %dma_wait3A_54 = arith.constant 0 : i32
      %dma_wait3A_55 = arith.constant 0 : i32
      %dma_wait3A_56 = tpu.memref_slice %arg5[%add3A, %dma_wait3A_54, %dma_wait3A_55] : memref<32x80x128xf32, #tpu.memory_space<hbm>> -> memref<1x80x128xf32, #tpu.memory_space<hbm>>
      %dma_wait3A_57 = tpu.memref_squeeze %dma_wait3A_56 : memref<1x80x128xf32, #tpu.memory_space<hbm>> -> memref<80x128xf32, #tpu.memory_space<hbm>>
      %dma_wait3A_58 = arith.constant 0 : i32
      %dma_wait3A_59 = arith.constant 0 : i32
      %dma_wait3A_60 = tpu.memref_slice %arg5[%add3A, %dma_wait3A_58, %dma_wait3A_59] : memref<32x80x128xf32, #tpu.memory_space<hbm>> -> memref<1x80x128xf32, #tpu.memory_space<hbm>>
      %dma_wait3A_61 = tpu.memref_squeeze %dma_wait3A_60 : memref<1x80x128xf32, #tpu.memory_space<hbm>> -> memref<80x128xf32, #tpu.memory_space<hbm>>
      tpu.wait_dma2 semaphore(%run_scoped3A : memref<!tpu.dma_semaphore, #tpu.memory_space<semaphore_mem>>) src(%dma_wait3A_61 : memref<80x128xf32, #tpu.memory_space<hbm>>) dst(%arg10 : memref<80x128xf32, #tpu.memory_space<vmem>>)
      tpu.yield
    }) : () -> ()
    %barrier3A = arith.constant 0 : index
    tpu.barrier barrier_id(%barrier3A)
    %get3A = arith.constant 0 : i32
    %get3A_3 = arith.index_cast %get3A : i32 to index
    %get3A_4 = arith.constant 0 : index
    %get3A_5 = tpu.vector_load %arg8[%get3A_3, %get3A_4] {strides = array<i32>} : memref<80x128xi32, #tpu.memory_space<vmem>>, vector<1x16xi32>,
    %get3A_6 = vector.shape_cast %get3A_5 : vector<1x16xi32> to vector<16xi32>
    %swap3A = arith.constant 0 : index
    %swap3A_7 = tpu.vector_load %arg11[%swap3A] {strides = array<i32>} : memref<64xi32, #tpu.memory_space<vmem>>, vector<16xi32>,
    %swap3A_8 = vector.shape_cast %swap3A_7 : vector<16xi32> to vector<16xi32>
    %swap3A_9 = vector.shape_cast %get3A_6 : vector<16xi32> to vector<16xi32>
    tpu.vector_store %arg11[%swap3A], %swap3A_9 {strides = array<i32>} : memref<64xi32, #tpu.memory_space<vmem>>, vector<16xi32>,
    %get3A_10 = arith.constant 0 : i32
    %get3A_11 = arith.index_cast %get3A_10 : i32 to index
    %get3A_12 = arith.constant 16 : index
    %get3A_13 = tpu.vector_load %arg8[%get3A_11, %get3A_12] {strides = array<i32>} : memref<80x128xi32, #tpu.memory_space<vmem>>, vector<1x16xi32>,
    %get3A_14 = vector.shape_cast %get3A_13 : vector<1x16xi32> to vector<16xi32>
    %swap3A_15 = arith.constant 16 : index
    %swap3A_16 = tpu.vector_load %arg11[%swap3A_15] {strides = array<i32>} : memref<64xi32, #tpu.memory_space<vmem>>, vector<16xi32>,
    %swap3A_17 = vector.shape_cast %swap3A_16 : vector<16xi32> to vector<16xi32>
    %swap3A_18 = vector.shape_cast %get3A_14 : vector<16xi32> to vector<16xi32>
    tpu.vector_store %arg11[%swap3A_15], %swap3A_18 {strides = array<i32>} : memref<64xi32, #tpu.memory_space<vmem>>, vector<16xi32>,
    %get3A_19 = arith.constant 0 : i32
    %get3A_20 = arith.index_cast %get3A_19 : i32 to index
    %get3A_21 = arith.constant 32 : index
    %get3A_22 = tpu.vector_load %arg8[%get3A_20, %get3A_21] {strides = array<i32>} : memref<80x128xi32, #tpu.memory_space<vmem>>, vector<1x16xi32>,
    %get3A_23 = vector.shape_cast %get3A_22 : vector<1x16xi32> to vector<16xi32>
    %swap3A_24 = arith.constant 32 : index
    %swap3A_25 = tpu.vector_load %arg11[%swap3A_24] {strides = array<i32>} : memref<64xi32, #tpu.memory_space<vmem>>, vector<16xi32>,
    %swap3A_26 = vector.shape_cast %swap3A_25 : vector<16xi32> to vector<16xi32>
    %swap3A_27 = vector.shape_cast %get3A_23 : vector<16xi32> to vector<16xi32>
    tpu.vector_store %arg11[%swap3A_24], %swap3A_27 {strides = array<i32>} : memref<64xi32, #tpu.memory_space<vmem>>, vector<16xi32>,
    %get3A_28 = arith.constant 0 : i32
    %get3A_29 = arith.index_cast %get3A_28 : i32 to index
    %get3A_30 = arith.constant 48 : index
    %get3A_31 = tpu.vector_load %arg8[%get3A_29, %get3A_30] {strides = array<i32>} : memref<80x128xi32, #tpu.memory_space<vmem>>, vector<1x16xi32>,
    %get3A_32 = vector.shape_cast %get3A_31 : vector<1x16xi32> to vector<16xi32>
    %swap3A_33 = arith.constant 48 : index
    %swap3A_34 = tpu.vector_load %arg11[%swap3A_33] {strides = array<i32>} : memref<64xi32, #tpu.memory_space<vmem>>, vector<16xi32>,
    %swap3A_35 = vector.shape_cast %swap3A_34 : vector<16xi32> to vector<16xi32>
    %swap3A_36 = vector.shape_cast %get3A_32 : vector<16xi32> to vector<16xi32>
    tpu.vector_store %arg11[%swap3A_33], %swap3A_36 {strides = array<i32>} : memref<64xi32, #tpu.memory_space<vmem>>, vector<16xi32>,
    %dma_start3A = arith.constant 0 : i32
    %dma_start3A_37 = arith.constant 0 : i32
    %dma_start3A_38 = tpu.memref_slice %arg2[%dma_start3A, %dma_start3A_37] : memref<10000x128xf32, #tpu.memory_space<hbm>> -> memref<10000x128xf32, #tpu.memory_space<hbm>>
    tpu.enqueue_indirect_dma source(%dma_start3A_38 : memref<10000x128xf32, #tpu.memory_space<hbm>>) target(%arg15 : memref<64x128xf32, #tpu.memory_space<vmem>>) offsets(%arg11 : memref<64xi32, #tpu.memory_space<vmem>>) semaphore(%arg18 : memref<!tpu.dma_semaphore, #tpu.memory_space<semaphore_mem>>)
    %scan3A = arith.constant 0 : i32
    %scan3A_39 = arith.constant 79 : i32
    %scan3A_40 = arith.addi %scan3A, %scan3A_39 : i32
    %scan3A_41 = arith.constant 1 : i32
    scf.for %scan3A_46 = %scan3A to %scan3A_40 step %scan3A_41  : i32 {
      %mul3A_47 = arith.constant 2 : i32
      %mul3A_48 = arith.muli %scan3A_46, %mul3A_47 : i32
      %add3A_49 = arith.constant 0 : i32
      %add3A_50 = arith.addi %add3A_49, %mul3A_48 : i32
      %add3A_51 = arith.constant 0 : i32
      %add3A_52 = arith.addi %add3A_50, %add3A_51 : i32
      %add3A_53 = arith.constant 1 : i32
      %add3A_54 = arith.addi %add3A_52, %add3A_53 : i32
      %jit3A = arith.constant 2 : i32
      %div3A = arith.divsi %add3A_54, %jit3A : i32
      %sign3A = arith.constant 0 : i32
      %sign3A_55 = arith.cmpi sgt, %add3A_54, %sign3A : i32
      %sign3A_56 = arith.extui %sign3A_55 : i1 to i32
      %sign3A_57 = arith.constant 0 : i32
      %sign3A_58 = arith.cmpi slt, %add3A_54, %sign3A_57 : i32
      %sign3A_59 = arith.extui %sign3A_58 : i1 to i32
      %sign3A_60 = arith.subi %sign3A_56, %sign3A_59 : i32
      %sign3A_61 = arith.constant 0 : i32
      %sign3A_62 = arith.cmpi sgt, %jit3A, %sign3A_61 : i32
      %sign3A_63 = arith.extui %sign3A_62 : i1 to i32
      %sign3A_64 = arith.constant 0 : i32
      %sign3A_65 = arith.cmpi slt, %jit3A, %sign3A_64 : i32
      %sign3A_66 = arith.extui %sign3A_65 : i1 to i32
      %sign3A_67 = arith.subi %sign3A_63, %sign3A_66 : i32
      %ne3A = arith.cmpi ne, %sign3A_60, %sign3A_67 : i32
      %rem3A = arith.remsi %add3A_54, %jit3A : i32
      %ne3A_68 = arith.constant 0 : i32
      %ne3A_69 = arith.cmpi ne, %rem3A, %ne3A_68 : i32
      %and3A = arith.andi %ne3A, %ne3A_69 : i1
      %sub3A = arith.constant 1 : i32
      %sub3A_70 = arith.subi %div3A, %sub3A : i32
      %select_n3A = arith.select %and3A, %sub3A_70, %div3A : i32
      %jit3A_71 = arith.constant 2 : i32
      %eq3A = arith.constant 0 : i32
      %eq3A_72 = arith.cmpi eq, %jit3A_71, %eq3A : i32
      %jit3A_73 = arith.constant 1 : i32
      %select_n3A_74 = arith.select %eq3A_72, %jit3A_73, %jit3A_71 : i32
      %rem3A_75 = arith.remsi %add3A_54, %select_n3A_74 : i32
      %ne3A_76 = arith.constant 0 : i32
      %ne3A_77 = arith.cmpi ne, %rem3A_75, %ne3A_76 : i32
      %lt3A = arith.constant 0 : i32
      %lt3A_78 = arith.cmpi slt, %rem3A_75, %lt3A : i32
      %lt3A_79 = arith.constant 0 : i32
      %lt3A_80 = arith.cmpi slt, %select_n3A_74, %lt3A_79 : i32
      %ne3A_81 = arith.xori %lt3A_78, %lt3A_80 : i1
      %and3A_82 = arith.andi %ne3A_81, %ne3A_77 : i1
      %add3A_83 = arith.addi %rem3A_75, %select_n3A_74 : i32
      %select_n3A_84 = arith.select %and3A_82, %add3A_83, %rem3A_75 : i32
      %mul3A_85 = arith.constant 64 : i32
      %mul3A_86 = arith.muli %select_n3A_84, %mul3A_85 : i32
      %add3A_87 = arith.constant 0 : i32
      %add3A_88 = arith.addi %mul3A_86, %add3A_87 : i32
      %get3A_89 = arith.index_cast %select_n3A : i32 to index
      %get3A_90 = arith.index_cast %add3A_88 : i32 to index
      %get3A_91 = tpu.vector_load %arg8[%get3A_89, %get3A_90] {strides = array<i32>} : memref<80x128xi32, #tpu.memory_space<vmem>>, vector<1x16xi32>,
      %get3A_92 = vector.shape_cast %get3A_91 : vector<1x16xi32> to vector<16xi32>
      %swap3A_93 = arith.constant 0 : index
      %swap3A_94 = tpu.vector_load %arg12[%swap3A_93] {strides = array<i32>} : memref<64xi32, #tpu.memory_space<vmem>>, vector<16xi32>,
      %swap3A_95 = vector.shape_cast %swap3A_94 : vector<16xi32> to vector<16xi32>
      %swap3A_96 = vector.shape_cast %get3A_92 : vector<16xi32> to vector<16xi32>
      tpu.vector_store %arg12[%swap3A_93], %swap3A_96 {strides = array<i32>} : memref<64xi32, #tpu.memory_space<vmem>>, vector<16xi32>,
      %add3A_97 = arith.constant 16 : i32
      %add3A_98 = arith.addi %mul3A_86, %add3A_97 : i32
      %get3A_99 = arith.index_cast %select_n3A : i32 to index
      %get3A_100 = arith.index_cast %add3A_98 : i32 to index
      %get3A_101 = tpu.vector_load %arg8[%get3A_99, %get3A_100] {strides = array<i32>} : memref<80x128xi32, #tpu.memory_space<vmem>>, vector<1x16xi32>,
      %get3A_102 = vector.shape_cast %get3A_101 : vector<1x16xi32> to vector<16xi32>
      %swap3A_103 = arith.constant 16 : index
      %swap3A_104 = tpu.vector_load %arg12[%swap3A_103] {strides = array<i32>} : memref<64xi32, #tpu.memory_space<vmem>>, vector<16xi32>,
      %swap3A_105 = vector.shape_cast %swap3A_104 : vector<16xi32> to vector<16xi32>
      %swap3A_106 = vector.shape_cast %get3A_102 : vector<16xi32> to vector<16xi32>
      tpu.vector_store %arg12[%swap3A_103], %swap3A_106 {strides = array<i32>} : memref<64xi32, #tpu.memory_space<vmem>>, vector<16xi32>,
      %add3A_107 = arith.constant 32 : i32
      %add3A_108 = arith.addi %mul3A_86, %add3A_107 : i32
      %get3A_109 = arith.index_cast %select_n3A : i32 to index
      %get3A_110 = arith.index_cast %add3A_108 : i32 to index
      %get3A_111 = tpu.vector_load %arg8[%get3A_109, %get3A_110] {strides = array<i32>} : memref<80x128xi32, #tpu.memory_space<vmem>>, vector<1x16xi32>,
      %get3A_112 = vector.shape_cast %get3A_111 : vector<1x16xi32> to vector<16xi32>
      %swap3A_113 = arith.constant 32 : index
      %swap3A_114 = tpu.vector_load %arg12[%swap3A_113] {strides = array<i32>} : memref<64xi32, #tpu.memory_space<vmem>>, vector<16xi32>,
      %swap3A_115 = vector.shape_cast %swap3A_114 : vector<16xi32> to vector<16xi32>
      %swap3A_116 = vector.shape_cast %get3A_112 : vector<16xi32> to vector<16xi32>
      tpu.vector_store %arg12[%swap3A_113], %swap3A_116 {strides = array<i32>} : memref<64xi32, #tpu.memory_space<vmem>>, vector<16xi32>,
      %add3A_117 = arith.constant 48 : i32
      %add3A_118 = arith.addi %mul3A_86, %add3A_117 : i32
      %get3A_119 = arith.index_cast %select_n3A : i32 to index
      %get3A_120 = arith.index_cast %add3A_118 : i32 to index
      %get3A_121 = tpu.vector_load %arg8[%get3A_119, %get3A_120] {strides = array<i32>} : memref<80x128xi32, #tpu.memory_space<vmem>>, vector<1x16xi32>,
      %get3A_122 = vector.shape_cast %get3A_121 : vector<1x16xi32> to vector<16xi32>
      %swap3A_123 = arith.constant 48 : index
      %swap3A_124 = tpu.vector_load %arg12[%swap3A_123] {strides = array<i32>} : memref<64xi32, #tpu.memory_space<vmem>>, vector<16xi32>,
      %swap3A_125 = vector.shape_cast %swap3A_124 : vector<16xi32> to vector<16xi32>
      %swap3A_126 = vector.shape_cast %get3A_122 : vector<16xi32> to vector<16xi32>
      tpu.vector_store %arg12[%swap3A_123], %swap3A_126 {strides = array<i32>} : memref<64xi32, #tpu.memory_space<vmem>>, vector<16xi32>,
      %dma_start3A_127 = arith.constant 0 : i32
      %dma_start3A_128 = arith.constant 0 : i32
      %dma_start3A_129 = tpu.memref_slice %arg2[%dma_start3A_127, %dma_start3A_128] : memref<10000x128xf32, #tpu.memory_space<hbm>> -> memref<10000x128xf32, #tpu.memory_space<hbm>>
      tpu.enqueue_indirect_dma source(%dma_start3A_129 : memref<10000x128xf32, #tpu.memory_space<hbm>>) target(%arg16 : memref<64x128xf32, #tpu.memory_space<vmem>>) offsets(%arg12 : memref<64xi32, #tpu.memory_space<vmem>>) semaphore(%arg19 : memref<!tpu.dma_semaphore, #tpu.memory_space<semaphore_mem>>)
      %dma_wait3A_130 = arith.constant 0 : i32
      %dma_wait3A_131 = arith.constant 0 : i32
      %dma_wait3A_132 = tpu.memref_slice %arg2[%dma_wait3A_130, %dma_wait3A_131] : memref<10000x128xf32, #tpu.memory_space<hbm>> -> memref<10000x128xf32, #tpu.memory_space<hbm>>
      tpu.wait_indirect_dma semaphore(%arg18 : memref<!tpu.dma_semaphore, #tpu.memory_space<semaphore_mem>>) src(%dma_wait3A_132 : memref<10000x128xf32, #tpu.memory_space<hbm>>) dst(%arg15 : memref<64x128xf32, #tpu.memory_space<vmem>>)
      %jit3A_133 = arith.constant 2 : i32
      %div3A_134 = arith.divsi %add3A_52, %jit3A_133 : i32
      %sign3A_135 = arith.constant 0 : i32
      %sign3A_136 = arith.cmpi sgt, %add3A_52, %sign3A_135 : i32
      %sign3A_137 = arith.extui %sign3A_136 : i1 to i32
      %sign3A_138 = arith.constant 0 : i32
      %sign3A_139 = arith.cmpi slt, %add3A_52, %sign3A_138 : i32
      %sign3A_140 = arith.extui %sign3A_139 : i1 to i32
      %sign3A_141 = arith.subi %sign3A_137, %sign3A_140 : i32
      %sign3A_142 = arith.constant 0 : i32
      %sign3A_143 = arith.cmpi sgt, %jit3A_133, %sign3A_142 : i32
      %sign3A_144 = arith.extui %sign3A_143 : i1 to i32
      %sign3A_145 = arith.constant 0 : i32
      %sign3A_146 = arith.cmpi slt, %jit3A_133, %sign3A_145 : i32
      %sign3A_147 = arith.extui %sign3A_146 : i1 to i32
      %sign3A_148 = arith.subi %sign3A_144, %sign3A_147 : i32
      %ne3A_149 = arith.cmpi ne, %sign3A_141, %sign3A_148 : i32
      %rem3A_150 = arith.remsi %add3A_52, %jit3A_133 : i32
      %ne3A_151 = arith.constant 0 : i32
      %ne3A_152 = arith.cmpi ne, %rem3A_150, %ne3A_151 : i32
      %and3A_153 = arith.andi %ne3A_149, %ne3A_152 : i1
      %sub3A_154 = arith.constant 1 : i32
      %sub3A_155 = arith.subi %div3A_134, %sub3A_154 : i32
      %select_n3A_156 = arith.select %and3A_153, %sub3A_155, %div3A_134 : i32
      %jit3A_157 = arith.constant 2 : i32
      %eq3A_158 = arith.constant 0 : i32
      %eq3A_159 = arith.cmpi eq, %jit3A_157, %eq3A_158 : i32
      %jit3A_160 = arith.constant 1 : i32
      %select_n3A_161 = arith.select %eq3A_159, %jit3A_160, %jit3A_157 : i32
      %rem3A_162 = arith.remsi %add3A_52, %select_n3A_161 : i32
      %ne3A_163 = arith.constant 0 : i32
      %ne3A_164 = arith.cmpi ne, %rem3A_162, %ne3A_163 : i32
      %lt3A_165 = arith.constant 0 : i32
      %lt3A_166 = arith.cmpi slt, %rem3A_162, %lt3A_165 : i32
      %lt3A_167 = arith.constant 0 : i32
      %lt3A_168 = arith.cmpi slt, %select_n3A_161, %lt3A_167 : i32
      %ne3A_169 = arith.xori %lt3A_166, %lt3A_168 : i1
      %and3A_170 = arith.andi %ne3A_169, %ne3A_164 : i1
      %add3A_171 = arith.addi %rem3A_162, %select_n3A_161 : i32
      %select_n3A_172 = arith.select %and3A_170, %add3A_171, %rem3A_162 : i32
      %mul3A_173 = arith.constant 64 : i32
      %mul3A_174 = arith.muli %select_n3A_172, %mul3A_173 : i32
      %scan3A_175 = arith.constant 0 : i32
      %scan3A_176 = arith.constant 4 : i32
      %scan3A_177 = arith.addi %scan3A_175, %scan3A_176 : i32
      %scan3A_178 = arith.constant 1 : i32
      scf.for %scan3A_483 = %scan3A_175 to %scan3A_177 step %scan3A_178  : i32 {
        %mul3A_484 = arith.constant 1 : i32
        %mul3A_485 = arith.muli %scan3A_483, %mul3A_484 : i32
        %add3A_486 = arith.constant 0 : i32
        %add3A_487 = arith.addi %add3A_486, %mul3A_485 : i32
        %mul3A_488 = arith.constant 16 : i32
        %mul3A_489 = arith.muli %add3A_487, %mul3A_488 : i32
        %add3A_490 = arith.addi %mul3A_174, %mul3A_489 : i32
        %get3A_491 = arith.index_cast %select_n3A_156 : i32 to index
        %get3A_492 = arith.index_cast %add3A_490 : i32 to index
        %get3A_493 = tpu.vector_load %arg10[%get3A_491, %get3A_492] {strides = array<i32>} : memref<80x128xf32, #tpu.memory_space<vmem>>, vector<1x16xf32>,
        %get3A_494 = vector.shape_cast %get3A_493 : vector<1x16xf32> to vector<16xf32>
        %slice3A = vector.extract_strided_slice %get3A_494 {offsets = [0], sizes = [1], strides = [1]} : vector<16xf32> to vector<1xf32>
        %squeeze3A = vector.extract %slice3A[0] : f32 from vector<1xf32>
        %mul3A_495 = arith.constant 16 : i32
        %mul3A_496 = arith.muli %add3A_487, %mul3A_495 : i32
        %add3A_497 = arith.constant 0 : i32
        %add3A_498 = arith.addi %mul3A_496, %add3A_497 : i32
        %get3A_499 = arith.index_cast %add3A_498 : i32 to index
        %get3A_500 = arith.constant 0 : index
        %get3A_501 = tpu.vector_load %arg15[%get3A_499, %get3A_500] {strides = array<i32>} : memref<64x128xf32, #tpu.memory_space<vmem>>, vector<1x16xf32>,
        %get3A_502 = vector.shape_cast %get3A_501 : vector<1x16xf32> to vector<16xf32>
        %mul3A_503 = vector.broadcast %squeeze3A : f32 to vector<16xf32>
        %mul3A_504 = arith.mulf %get3A_502, %mul3A_503 : vector<16xf32>
        %swap3A_505 = arith.index_cast %add3A_498 : i32 to index
        %swap3A_506 = arith.constant 0 : index
        %swap3A_507 = tpu.vector_load %arg15[%swap3A_505, %swap3A_506] {strides = array<i32>} : memref<64x128xf32, #tpu.memory_space<vmem>>, vector<1x16xf32>,
        %swap3A_508 = vector.shape_cast %swap3A_507 : vector<1x16xf32> to vector<16xf32>
        %swap3A_509 = vector.shape_cast %mul3A_504 : vector<16xf32> to vector<1x16xf32>
        tpu.vector_store %arg15[%swap3A_505, %swap3A_506], %swap3A_509 {strides = array<i32>} : memref<64x128xf32, #tpu.memory_space<vmem>>, vector<1x16xf32>,
        %get3A_510 = arith.index_cast %add3A_498 : i32 to index
        %get3A_511 = arith.constant 16 : index
        %get3A_512 = tpu.vector_load %arg15[%get3A_510, %get3A_511] {strides = array<i32>} : memref<64x128xf32, #tpu.memory_space<vmem>>, vector<1x16xf32>,
        %get3A_513 = vector.shape_cast %get3A_512 : vector<1x16xf32> to vector<16xf32>
        %mul3A_514 = vector.broadcast %squeeze3A : f32 to vector<16xf32>
        %mul3A_515 = arith.mulf %get3A_513, %mul3A_514 : vector<16xf32>
        %swap3A_516 = arith.index_cast %add3A_498 : i32 to index
        %swap3A_517 = arith.constant 16 : index
        %swap3A_518 = tpu.vector_load %arg15[%swap3A_516, %swap3A_517] {strides = array<i32>} : memref<64x128xf32, #tpu.memory_space<vmem>>, vector<1x16xf32>,
        %swap3A_519 = vector.shape_cast %swap3A_518 : vector<1x16xf32> to vector<16xf32>
        %swap3A_520 = vector.shape_cast %mul3A_515 : vector<16xf32> to vector<1x16xf32>
        tpu.vector_store %arg15[%swap3A_516, %swap3A_517], %swap3A_520 {strides = array<i32>} : memref<64x128xf32, #tpu.memory_space<vmem>>, vector<1x16xf32>,
        %get3A_521 = arith.index_cast %add3A_498 : i32 to index
        %get3A_522 = arith.constant 32 : index
        %get3A_523 = tpu.vector_load %arg15[%get3A_521, %get3A_522] {strides = array<i32>} : memref<64x128xf32, #tpu.memory_space<vmem>>, vector<1x16xf32>,
        %get3A_524 = vector.shape_cast %get3A_523 : vector<1x16xf32> to vector<16xf32>
        %mul3A_525 = vector.broadcast %squeeze3A : f32 to vector<16xf32>
        %mul3A_526 = arith.mulf %get3A_524, %mul3A_525 : vector<16xf32>
        %swap3A_527 = arith.index_cast %add3A_498 : i32 to index
        %swap3A_528 = arith.constant 32 : index
        %swap3A_529 = tpu.vector_load %arg15[%swap3A_527, %swap3A_528] {strides = array<i32>} : memref<64x128xf32, #tpu.memory_space<vmem>>, vector<1x16xf32>,
        %swap3A_530 = vector.shape_cast %swap3A_529 : vector<1x16xf32> to vector<16xf32>
        %swap3A_531 = vector.shape_cast %mul3A_526 : vector<16xf32> to vector<1x16xf32>
        tpu.vector_store %arg15[%swap3A_527, %swap3A_528], %swap3A_531 {strides = array<i32>} : memref<64x128xf32, #tpu.memory_space<vmem>>, vector<1x16xf32>,
        %get3A_532 = arith.index_cast %add3A_498 : i32 to index
        %get3A_533 = arith.constant 48 : index
        %get3A_534 = tpu.vector_load %arg15[%get3A_532, %get3A_533] {strides = array<i32>} : memref<64x128xf32, #tpu.memory_space<vmem>>, vector<1x16xf32>,
        %get3A_535 = vector.shape_cast %get3A_534 : vector<1x16xf32> to vector<16xf32>
        %mul3A_536 = vector.broadcast %squeeze3A : f32 to vector<16xf32>
        %mul3A_537 = arith.mulf %get3A_535, %mul3A_536 : vector<16xf32>
        %swap3A_538 = arith.index_cast %add3A_498 : i32 to index
        %swap3A_539 = arith.constant 48 : index
        %swap3A_540 = tpu.vector_load %arg15[%swap3A_538, %swap3A_539] {strides = array<i32>} : memref<64x128xf32, #tpu.memory_space<vmem>>, vector<1x16xf32>,
        %swap3A_541 = vector.shape_cast %swap3A_540 : vector<1x16xf32> to vector<16xf32>
        %swap3A_542 = vector.shape_cast %mul3A_537 : vector<16xf32> to vector<1x16xf32>
        tpu.vector_store %arg15[%swap3A_538, %swap3A_539], %swap3A_542 {strides = array<i32>} : memref<64x128xf32, #tpu.memory_space<vmem>>, vector<1x16xf32>,
        %get3A_543 = arith.index_cast %add3A_498 : i32 to index
        %get3A_544 = arith.constant 64 : index
        %get3A_545 = tpu.vector_load %arg15[%get3A_543, %get3A_544] {strides = array<i32>} : memref<64x128xf32, #tpu.memory_space<vmem>>, vector<1x16xf32>,
        %get3A_546 = vector.shape_cast %get3A_545 : vector<1x16xf32> to vector<16xf32>
        %mul3A_547 = vector.broadcast %squeeze3A : f32 to vector<16xf32>
        %mul3A_548 = arith.mulf %get3A_546, %mul3A_547 : vector<16xf32>
        %swap3A_549 = arith.index_cast %add3A_498 : i32 to index
        %swap3A_550 = arith.constant 64 : index
        %swap3A_551 = tpu.vector_load %arg15[%swap3A_549, %swap3A_550] {strides = array<i32>} : memref<64x128xf32, #tpu.memory_space<vmem>>, vector<1x16xf32>,
        %swap3A_552 = vector.shape_cast %swap3A_551 : vector<1x16xf32> to vector<16xf32>
        %swap3A_553 = vector.shape_cast %mul3A_548 : vector<16xf32> to vector<1x16xf32>
        tpu.vector_store %arg15[%swap3A_549, %swap3A_550], %swap3A_553 {strides = array<i32>} : memref<64x128xf32, #tpu.memory_space<vmem>>, vector<1x16xf32>,
        %get3A_554 = arith.index_cast %add3A_498 : i32 to index
        %get3A_555 = arith.constant 80 : index
        %get3A_556 = tpu.vector_load %arg15[%get3A_554, %get3A_555] {strides = array<i32>} : memref<64x128xf32, #tpu.memory_space<vmem>>, vector<1x16xf32>,
        %get3A_557 = vector.shape_cast %get3A_556 : vector<1x16xf32> to vector<16xf32>
        %mul3A_558 = vector.broadcast %squeeze3A : f32 to vector<16xf32>
        %mul3A_559 = arith.mulf %get3A_557, %mul3A_558 : vector<16xf32>
        %swap3A_560 = arith.index_cast %add3A_498 : i32 to index
        %swap3A_561 = arith.constant 80 : index
        %swap3A_562 = tpu.vector_load %arg15[%swap3A_560, %swap3A_561] {strides = array<i32>} : memref<64x128xf32, #tpu.memory_space<vmem>>, vector<1x16xf32>,
        %swap3A_563 = vector.shape_cast %swap3A_562 : vector<1x16xf32> to vector<16xf32>
        %swap3A_564 = vector.shape_cast %mul3A_559 : vector<16xf32> to vector<1x16xf32>
        tpu.vector_store %arg15[%swap3A_560, %swap3A_561], %swap3A_564 {strides = array<i32>} : memref<64x128xf32, #tpu.memory_space<vmem>>, vector<1x16xf32>,
        %get3A_565 = arith.index_cast %add3A_498 : i32 to index
        %get3A_566 = arith.constant 96 : index
        %get3A_567 = tpu.vector_load %arg15[%get3A_565, %get3A_566] {strides = array<i32>} : memref<64x128xf32, #tpu.memory_space<vmem>>, vector<1x16xf32>,
        %get3A_568 = vector.shape_cast %get3A_567 : vector<1x16xf32> to vector<16xf32>
        %mul3A_569 = vector.broadcast %squeeze3A : f32 to vector<16xf32>
        %mul3A_570 = arith.mulf %get3A_568, %mul3A_569 : vector<16xf32>
        %swap3A_571 = arith.index_cast %add3A_498 : i32 to index
        %swap3A_572 = arith.constant 96 : index
        %swap3A_573 = tpu.vector_load %arg15[%swap3A_571, %swap3A_572] {strides = array<i32>} : memref<64x128xf32, #tpu.memory_space<vmem>>, vector<1x16xf32>,
        %swap3A_574 = vector.shape_cast %swap3A_573 : vector<1x16xf32> to vector<16xf32>
        %swap3A_575 = vector.shape_cast %mul3A_570 : vector<16xf32> to vector<1x16xf32>
        tpu.vector_store %arg15[%swap3A_571, %swap3A_572], %swap3A_575 {strides = array<i32>} : memref<64x128xf32, #tpu.memory_space<vmem>>, vector<1x16xf32>,
        %get3A_576 = arith.index_cast %add3A_498 : i32 to index
        %get3A_577 = arith.constant 112 : index
        %get3A_578 = tpu.vector_load %arg15[%get3A_576, %get3A_577] {strides = array<i32>} : memref<64x128xf32, #tpu.memory_space<vmem>>, vector<1x16xf32>,
        %get3A_579 = vector.shape_cast %get3A_578 : vector<1x16xf32> to vector<16xf32>
        %mul3A_580 = vector.broadcast %squeeze3A : f32 to vector<16xf32>
        %mul3A_581 = arith.mulf %get3A_579, %mul3A_580 : vector<16xf32>
        %swap3A_582 = arith.index_cast %add3A_498 : i32 to index
        %swap3A_583 = arith.constant 112 : index
        %swap3A_584 = tpu.vector_load %arg15[%swap3A_582, %swap3A_583] {strides = array<i32>} : memref<64x128xf32, #tpu.memory_space<vmem>>, vector<1x16xf32>,
        %swap3A_585 = vector.shape_cast %swap3A_584 : vector<1x16xf32> to vector<16xf32>
        %swap3A_586 = vector.shape_cast %mul3A_581 : vector<16xf32> to vector<1x16xf32>
        tpu.vector_store %arg15[%swap3A_582, %swap3A_583], %swap3A_586 {strides = array<i32>} : memref<64x128xf32, #tpu.memory_space<vmem>>, vector<1x16xf32>,
        %slice3A_587 = vector.extract_strided_slice %get3A_494 {offsets = [1], sizes = [1], strides = [1]} : vector<16xf32> to vector<1xf32>
        %squeeze3A_588 = vector.extract %slice3A_587[0] : f32 from vector<1xf32>
        %mul3A_589 = arith.constant 16 : i32
        %mul3A_590 = arith.muli %add3A_487, %mul3A_589 : i32
        %add3A_591 = arith.constant 1 : i32
        %add3A_592 = arith.addi %mul3A_590, %add3A_591 : i32
        %get3A_593 = arith.index_cast %add3A_592 : i32 to index
        %get3A_594 = arith.constant 0 : index
        %get3A_595 = tpu.vector_load %arg15[%get3A_593, %get3A_594] {strides = array<i32>} : memref<64x128xf32, #tpu.memory_space<vmem>>, vector<1x16xf32>,
        %get3A_596 = vector.shape_cast %get3A_595 : vector<1x16xf32> to vector<16xf32>
        %mul3A_597 = vector.broadcast %squeeze3A_588 : f32 to vector<16xf32>
        %mul3A_598 = arith.mulf %get3A_596, %mul3A_597 : vector<16xf32>
        %swap3A_599 = arith.index_cast %add3A_592 : i32 to index
        %swap3A_600 = arith.constant 0 : index
        %swap3A_601 = tpu.vector_load %arg15[%swap3A_599, %swap3A_600] {strides = array<i32>} : memref<64x128xf32, #tpu.memory_space<vmem>>, vector<1x16xf32>,
        %swap3A_602 = vector.shape_cast %swap3A_601 : vector<1x16xf32> to vector<16xf32>
        %swap3A_603 = vector.shape_cast %mul3A_598 : vector<16xf32> to vector<1x16xf32>
        tpu.vector_store %arg15[%swap3A_599, %swap3A_600], %swap3A_603 {strides = array<i32>} : memref<64x128xf32, #tpu.memory_space<vmem>>, vector<1x16xf32>,
        %get3A_604 = arith.index_cast %add3A_592 : i32 to index
        %get3A_605 = arith.constant 16 : index
        %get3A_606 = tpu.vector_load %arg15[%get3A_604, %get3A_605] {strides = array<i32>} : memref<64x128xf32, #tpu.memory_space<vmem>>, vector<1x16xf32>,
        %get3A_607 = vector.shape_cast %get3A_606 : vector<1x16xf32> to vector<16xf32>
        %mul3A_608 = vector.broadcast %squeeze3A_588 : f32 to vector<16xf32>
        %mul3A_609 = arith.mulf %get3A_607, %mul3A_608 : vector<16xf32>
        %swap3A_610 = arith.index_cast %add3A_592 : i32 to index
        %swap3A_611 = arith.constant 16 : index
        %swap3A_612 = tpu.vector_load %arg15[%swap3A_610, %swap3A_611] {strides = array<i32>} : memref<64x128xf32, #tpu.memory_space<vmem>>, vector<1x16xf32>,
        %swap3A_613 = vector.shape_cast %swap3A_612 : vector<1x16xf32> to vector<16xf32>
        %swap3A_614 = vector.shape_cast %mul3A_609 : vector<16xf32> to vector<1x16xf32>
        tpu.vector_store %arg15[%swap3A_610, %swap3A_611], %swap3A_614 {strides = array<i32>} : memref<64x128xf32, #tpu.memory_space<vmem>>, vector<1x16xf32>,
        %get3A_615 = arith.index_cast %add3A_592 : i32 to index
        %get3A_616 = arith.constant 32 : index
        %get3A_617 = tpu.vector_load %arg15[%get3A_615, %get3A_616] {strides = array<i32>} : memref<64x128xf32, #tpu.memory_space<vmem>>, vector<1x16xf32>,
        %get3A_618 = vector.shape_cast %get3A_617 : vector<1x16xf32> to vector<16xf32>
        %mul3A_619 = vector.broadcast %squeeze3A_588 : f32 to vector<16xf32>
        %mul3A_620 = arith.mulf %get3A_618, %mul3A_619 : vector<16xf32>
        %swap3A_621 = arith.index_cast %add3A_592 : i32 to index
        %swap3A_622 = arith.constant 32 : index
        %swap3A_623 = tpu.vector_load %arg15[%swap3A_621, %swap3A_622] {strides = array<i32>} : memref<64x128xf32, #tpu.memory_space<vmem>>, vector<1x16xf32>,
        %swap3A_624 = vector.shape_cast %swap3A_623 : vector<1x16xf32> to vector<16xf32>
        %swap3A_625 = vector.shape_cast %mul3A_620 : vector<16xf32> to vector<1x16xf32>
        tpu.vector_store %arg15[%swap3A_621, %swap3A_622], %swap3A_625 {strides = array<i32>} : memref<64x128xf32, #tpu.memory_space<vmem>>, vector<1x16xf32>,
        %get3A_626 = arith.index_cast %add3A_592 : i32 to index
        %get3A_627 = arith.constant 48 : index
        %get3A_628 = tpu.vector_load %arg15[%get3A_626, %get3A_627] {strides = array<i32>} : memref<64x128xf32, #tpu.memory_space<vmem>>, vector<1x16xf32>,
        %get3A_629 = vector.shape_cast %get3A_628 : vector<1x16xf32> to vector<16xf32>
        %mul3A_630 = vector.broadcast %squeeze3A_588 : f32 to vector<16xf32>
        %mul3A_631 = arith.mulf %get3A_629, %mul3A_630 : vector<16xf32>
        %swap3A_632 = arith.index_cast %add3A_592 : i32 to index
        %swap3A_633 = arith.constant 48 : index
        %swap3A_634 = tpu.vector_load %arg15[%swap3A_632, %swap3A_633] {strides = array<i32>} : memref<64x128xf32, #tpu.memory_space<vmem>>, vector<1x16xf32>,
        %swap3A_635 = vector.shape_cast %swap3A_634 : vector<1x16xf32> to vector<16xf32>
        %swap3A_636 = vector.shape_cast %mul3A_631 : vector<16xf32> to vector<1x16xf32>
        tpu.vector_store %arg15[%swap3A_632, %swap3A_633], %swap3A_636 {strides = array<i32>} : memref<64x128xf32, #tpu.memory_space<vmem>>, vector<1x16xf32>,
        %get3A_637 = arith.index_cast %add3A_592 : i32 to index
        %get3A_638 = arith.constant 64 : index
        %get3A_639 = tpu.vector_load %arg15[%get3A_637, %get3A_638] {strides = array<i32>} : memref<64x128xf32, #tpu.memory_space<vmem>>, vector<1x16xf32>,
        %get3A_640 = vector.shape_cast %get3A_639 : vector<1x16xf32> to vector<16xf32>
        %mul3A_641 = vector.broadcast %squeeze3A_588 : f32 to vector<16xf32>
        %mul3A_642 = arith.mulf %get3A_640, %mul3A_641 : vector<16xf32>
        %swap3A_643 = arith.index_cast %add3A_592 : i32 to index
        %swap3A_644 = arith.constant 64 : index
        %swap3A_645 = tpu.vector_load %arg15[%swap3A_643, %swap3A_644] {strides = array<i32>} : memref<64x128xf32, #tpu.memory_space<vmem>>, vector<1x16xf32>,
        %swap3A_646 = vector.shape_cast %swap3A_645 : vector<1x16xf32> to vector<16xf32>
        %swap3A_647 = vector.shape_cast %mul3A_642 : vector<16xf32> to vector<1x16xf32>
        tpu.vector_store %arg15[%swap3A_643, %swap3A_644], %swap3A_647 {strides = array<i32>} : memref<64x128xf32, #tpu.memory_space<vmem>>, vector<1x16xf32>,
        %get3A_648 = arith.index_cast %add3A_592 : i32 to index
        %get3A_649 = arith.constant 80 : index
        %get3A_650 = tpu.vector_load %arg15[%get3A_648, %get3A_649] {strides = array<i32>} : memref<64x128xf32, #tpu.memory_space<vmem>>, vector<1x16xf32>,
        %get3A_651 = vector.shape_cast %get3A_650 : vector<1x16xf32> to vector<16xf32>
        %mul3A_652 = vector.broadcast %squeeze3A_588 : f32 to vector<16xf32>
        %mul3A_653 = arith.mulf %get3A_651, %mul3A_652 : vector<16xf32>
        %swap3A_654 = arith.index_cast %add3A_592 : i32 to index
        %swap3A_655 = arith.constant 80 : index
        %swap3A_656 = tpu.vector_load %arg15[%swap3A_654, %swap3A_655] {strides = array<i32>} : memref<64x128xf32, #tpu.memory_space<vmem>>, vector<1x16xf32>,
        %swap3A_657 = vector.shape_cast %swap3A_656 : vector<1x16xf32> to vector<16xf32>
        %swap3A_658 = vector.shape_cast %mul3A_653 : vector<16xf32> to vector<1x16xf32>
        tpu.vector_store %arg15[%swap3A_654, %swap3A_655], %swap3A_658 {strides = array<i32>} : memref<64x128xf32, #tpu.memory_space<vmem>>, vector<1x16xf32>,
        %get3A_659 = arith.index_cast %add3A_592 : i32 to index
        %get3A_660 = arith.constant 96 : index
        %get3A_661 = tpu.vector_load %arg15[%get3A_659, %get3A_660] {strides = array<i32>} : memref<64x128xf32, #tpu.memory_space<vmem>>, vector<1x16xf32>,
        %get3A_662 = vector.shape_cast %get3A_661 : vector<1x16xf32> to vector<16xf32>
        %mul3A_663 = vector.broadcast %squeeze3A_588 : f32 to vector<16xf32>
        %mul3A_664 = arith.mulf %get3A_662, %mul3A_663 : vector<16xf32>
        %swap3A_665 = arith.index_cast %add3A_592 : i32 to index
        %swap3A_666 = arith.constant 96 : index
        %swap3A_667 = tpu.vector_load %arg15[%swap3A_665, %swap3A_666] {strides = array<i32>} : memref<64x128xf32, #tpu.memory_space<vmem>>, vector<1x16xf32>,
        %swap3A_668 = vector.shape_cast %swap3A_667 : vector<1x16xf32> to vector<16xf32>
        %swap3A_669 = vector.shape_cast %mul3A_664 : vector<16xf32> to vector<1x16xf32>
        tpu.vector_store %arg15[%swap3A_665, %swap3A_666], %swap3A_669 {strides = array<i32>} : memref<64x128xf32, #tpu.memory_space<vmem>>, vector<1x16xf32>,
        %get3A_670 = arith.index_cast %add3A_592 : i32 to index
        %get3A_671 = arith.constant 112 : index
        %get3A_672 = tpu.vector_load %arg15[%get3A_670, %get3A_671] {strides = array<i32>} : memref<64x128xf32, #tpu.memory_space<vmem>>, vector<1x16xf32>,
        %get3A_673 = vector.shape_cast %get3A_672 : vector<1x16xf32> to vector<16xf32>
        %mul3A_674 = vector.broadcast %squeeze3A_588 : f32 to vector<16xf32>
        %mul3A_675 = arith.mulf %get3A_673, %mul3A_674 : vector<16xf32>
        %swap3A_676 = arith.index_cast %add3A_592 : i32 to index
        %swap3A_677 = arith.constant 112 : index
        %swap3A_678 = tpu.vector_load %arg15[%swap3A_676, %swap3A_677] {strides = array<i32>} : memref<64x128xf32, #tpu.memory_space<vmem>>, vector<1x16xf32>,
        %swap3A_679 = vector.shape_cast %swap3A_678 : vector<1x16xf32> to vector<16xf32>
        %swap3A_680 = vector.shape_cast %mul3A_675 : vector<16xf32> to vector<1x16xf32>
        tpu.vector_store %arg15[%swap3A_676, %swap3A_677], %swap3A_680 {strides = array<i32>} : memref<64x128xf32, #tpu.memory_space<vmem>>, vector<1x16xf32>,
        %slice3A_681 = vector.extract_strided_slice %get3A_494 {offsets = [2], sizes = [1], strides = [1]} : vector<16xf32> to vector<1xf32>
        %squeeze3A_682 = vector.extract %slice3A_681[0] : f32 from vector<1xf32>
        %mul3A_683 = arith.constant 16 : i32
        %mul3A_684 = arith.muli %add3A_487, %mul3A_683 : i32
        %add3A_685 = arith.constant 2 : i32
        %add3A_686 = arith.addi %mul3A_684, %add3A_685 : i32
        %get3A_687 = arith.index_cast %add3A_686 : i32 to index
        %get3A_688 = arith.constant 0 : index
        %get3A_689 = tpu.vector_load %arg15[%get3A_687, %get3A_688] {strides = array<i32>} : memref<64x128xf32, #tpu.memory_space<vmem>>, vector<1x16xf32>,
        %get3A_690 = vector.shape_cast %get3A_689 : vector<1x16xf32> to vector<16xf32>
        %mul3A_691 = vector.broadcast %squeeze3A_682 : f32 to vector<16xf32>
        %mul3A_692 = arith.mulf %get3A_690, %mul3A_691 : vector<16xf32>
        %swap3A_693 = arith.index_cast %add3A_686 : i32 to index
        %swap3A_694 = arith.constant 0 : index
        %swap3A_695 = tpu.vector_load %arg15[%swap3A_693, %swap3A_694] {strides = array<i32>} : memref<64x128xf32, #tpu.memory_space<vmem>>, vector<1x16xf32>,
        %swap3A_696 = vector.shape_cast %swap3A_695 : vector<1x16xf32> to vector<16xf32>
        %swap3A_697 = vector.shape_cast %mul3A_692 : vector<16xf32> to vector<1x16xf32>
        tpu.vector_store %arg15[%swap3A_693, %swap3A_694], %swap3A_697 {strides = array<i32>} : memref<64x128xf32, #tpu.memory_space<vmem>>, vector<1x16xf32>,
        %get3A_698 = arith.index_cast %add3A_686 : i32 to index
        %get3A_699 = arith.constant 16 : index
        %get3A_700 = tpu.vector_load %arg15[%get3A_698, %get3A_699] {strides = array<i32>} : memref<64x128xf32, #tpu.memory_space<vmem>>, vector<1x16xf32>,
        %get3A_701 = vector.shape_cast %get3A_700 : vector<1x16xf32> to vector<16xf32>
        %mul3A_702 = vector.broadcast %squeeze3A_682 : f32 to vector<16xf32>
        %mul3A_703 = arith.mulf %get3A_701, %mul3A_702 : vector<16xf32>
        %swap3A_704 = arith.index_cast %add3A_686 : i32 to index
        %swap3A_705 = arith.constant 16 : index
        %swap3A_706 = tpu.vector_load %arg15[%swap3A_704, %swap3A_705] {strides = array<i32>} : memref<64x128xf32, #tpu.memory_space<vmem>>, vector<1x16xf32>,
        %swap3A_707 = vector.shape_cast %swap3A_706 : vector<1x16xf32> to vector<16xf32>
        %swap3A_708 = vector.shape_cast %mul3A_703 : vector<16xf32> to vector<1x16xf32>
        tpu.vector_store %arg15[%swap3A_704, %swap3A_705], %swap3A_708 {strides = array<i32>} : memref<64x128xf32, #tpu.memory_space<vmem>>, vector<1x16xf32>,
        %get3A_709 = arith.index_cast %add3A_686 : i32 to index
        %get3A_710 = arith.constant 32 : index
        %get3A_711 = tpu.vector_load %arg15[%get3A_709, %get3A_710] {strides = array<i32>} : memref<64x128xf32, #tpu.memory_space<vmem>>, vector<1x16xf32>,
        %get3A_712 = vector.shape_cast %get3A_711 : vector<1x16xf32> to vector<16xf32>
        %mul3A_713 = vector.broadcast %squeeze3A_682 : f32 to vector<16xf32>
        %mul3A_714 = arith.mulf %get3A_712, %mul3A_713 : vector<16xf32>
        %swap3A_715 = arith.index_cast %add3A_686 : i32 to index
        %swap3A_716 = arith.constant 32 : index
        %swap3A_717 = tpu.vector_load %arg15[%swap3A_715, %swap3A_716] {strides = array<i32>} : memref<64x128xf32, #tpu.memory_space<vmem>>, vector<1x16xf32>,
        %swap3A_718 = vector.shape_cast %swap3A_717 : vector<1x16xf32> to vector<16xf32>
        %swap3A_719 = vector.shape_cast %mul3A_714 : vector<16xf32> to vector<1x16xf32>
        tpu.vector_store %arg15[%swap3A_715, %swap3A_716], %swap3A_719 {strides = array<i32>} : memref<64x128xf32, #tpu.memory_space<vmem>>, vector<1x16xf32>,
        %get3A_720 = arith.index_cast %add3A_686 : i32 to index
        %get3A_721 = arith.constant 48 : index
        %get3A_722 = tpu.vector_load %arg15[%get3A_720, %get3A_721] {strides = array<i32>} : memref<64x128xf32, #tpu.memory_space<vmem>>, vector<1x16xf32>,
        %get3A_723 = vector.shape_cast %get3A_722 : vector<1x16xf32> to vector<16xf32>
        %mul3A_724 = vector.broadcast %squeeze3A_682 : f32 to vector<16xf32>
        %mul3A_725 = arith.mulf %get3A_723, %mul3A_724 : vector<16xf32>
        %swap3A_726 = arith.index_cast %add3A_686 : i32 to index
        %swap3A_727 = arith.constant 48 : index
        %swap3A_728 = tpu.vector_load %arg15[%swap3A_726, %swap3A_727] {strides = array<i32>} : memref<64x128xf32, #tpu.memory_space<vmem>>, vector<1x16xf32>,
        %swap3A_729 = vector.shape_cast %swap3A_728 : vector<1x16xf32> to vector<16xf32>
        %swap3A_730 = vector.shape_cast %mul3A_725 : vector<16xf32> to vector<1x16xf32>
        tpu.vector_store %arg15[%swap3A_726, %swap3A_727], %swap3A_730 {strides = array<i32>} : memref<64x128xf32, #tpu.memory_space<vmem>>, vector<1x16xf32>,
        %get3A_731 = arith.index_cast %add3A_686 : i32 to index
        %get3A_732 = arith.constant 64 : index
        %get3A_733 = tpu.vector_load %arg15[%get3A_731, %get3A_732] {strides = array<i32>} : memref<64x128xf32, #tpu.memory_space<vmem>>, vector<1x16xf32>,
        %get3A_734 = vector.shape_cast %get3A_733 : vector<1x16xf32> to vector<16xf32>
        %mul3A_735 = vector.broadcast %squeeze3A_682 : f32 to vector<16xf32>
        %mul3A_736 = arith.mulf %get3A_734, %mul3A_735 : vector<16xf32>
        %swap3A_737 = arith.index_cast %add3A_686 : i32 to index
        %swap3A_738 = arith.constant 64 : index
        %swap3A_739 = tpu.vector_load %arg15[%swap3A_737, %swap3A_738] {strides = array<i32>} : memref<64x128xf32, #tpu.memory_space<vmem>>, vector<1x16xf32>,
        %swap3A_740 = vector.shape_cast %swap3A_739 : vector<1x16xf32> to vector<16xf32>
        %swap3A_741 = vector.shape_cast %mul3A_736 : vector<16xf32> to vector<1x16xf32>
        tpu.vector_store %arg15[%swap3A_737, %swap3A_738], %swap3A_741 {strides = array<i32>} : memref<64x128xf32, #tpu.memory_space<vmem>>, vector<1x16xf32>,
        %get3A_742 = arith.index_cast %add3A_686 : i32 to index
        %get3A_743 = arith.constant 80 : index
        %get3A_744 = tpu.vector_load %arg15[%get3A_742, %get3A_743] {strides = array<i32>} : memref<64x128xf32, #tpu.memory_space<vmem>>, vector<1x16xf32>,
        %get3A_745 = vector.shape_cast %get3A_744 : vector<1x16xf32> to vector<16xf32>
        %mul3A_746 = vector.broadcast %squeeze3A_682 : f32 to vector<16xf32>
        %mul3A_747 = arith.mulf %get3A_745, %mul3A_746 : vector<16xf32>
        %swap3A_748 = arith.index_cast %add3A_686 : i32 to index
        %swap3A_749 = arith.constant 80 : index
        %swap3A_750 = tpu.vector_load %arg15[%swap3A_748, %swap3A_749] {strides = array<i32>} : memref<64x128xf32, #tpu.memory_space<vmem>>, vector<1x16xf32>,
        %swap3A_751 = vector.shape_cast %swap3A_750 : vector<1x16xf32> to vector<16xf32>
        %swap3A_752 = vector.shape_cast %mul3A_747 : vector<16xf32> to vector<1x16xf32>
        tpu.vector_store %arg15[%swap3A_748, %swap3A_749], %swap3A_752 {strides = array<i32>} : memref<64x128xf32, #tpu.memory_space<vmem>>, vector<1x16xf32>,
        %get3A_753 = arith.index_cast %add3A_686 : i32 to index
        %get3A_754 = arith.constant 96 : index
        %get3A_755 = tpu.vector_load %arg15[%get3A_753, %get3A_754] {strides = array<i32>} : memref<64x128xf32, #tpu.memory_space<vmem>>, vector<1x16xf32>,
        %get3A_756 = vector.shape_cast %get3A_755 : vector<1x16xf32> to vector<16xf32>
        %mul3A_757 = vector.broadcast %squeeze3A_682 : f32 to vector<16xf32>
        %mul3A_758 = arith.mulf %get3A_756, %mul3A_757 : vector<16xf32>
        %swap3A_759 = arith.index_cast %add3A_686 : i32 to index
        %swap3A_760 = arith.constant 96 : index
        %swap3A_761 = tpu.vector_load %arg15[%swap3A_759, %swap3A_760] {strides = array<i32>} : memref<64x128xf32, #tpu.memory_space<vmem>>, vector<1x16xf32>,
        %swap3A_762 = vector.shape_cast %swap3A_761 : vector<1x16xf32> to vector<16xf32>
        %swap3A_763 = vector.shape_cast %mul3A_758 : vector<16xf32> to vector<1x16xf32>
        tpu.vector_store %arg15[%swap3A_759, %swap3A_760], %swap3A_763 {strides = array<i32>} : memref<64x128xf32, #tpu.memory_space<vmem>>, vector<1x16xf32>,
        %get3A_764 = arith.index_cast %add3A_686 : i32 to index
        %get3A_765 = arith.constant 112 : index
        %get3A_766 = tpu.vector_load %arg15[%get3A_764, %get3A_765] {strides = array<i32>} : memref<64x128xf32, #tpu.memory_space<vmem>>, vector<1x16xf32>,
        %get3A_767 = vector.shape_cast %get3A_766 : vector<1x16xf32> to vector<16xf32>
        %mul3A_768 = vector.broadcast %squeeze3A_682 : f32 to vector<16xf32>
        %mul3A_769 = arith.mulf %get3A_767, %mul3A_768 : vector<16xf32>
        %swap3A_770 = arith.index_cast %add3A_686 : i32 to index
        %swap3A_771 = arith.constant 112 : index
        %swap3A_772 = tpu.vector_load %arg15[%swap3A_770, %swap3A_771] {strides = array<i32>} : memref<64x128xf32, #tpu.memory_space<vmem>>, vector<1x16xf32>,
        %swap3A_773 = vector.shape_cast %swap3A_772 : vector<1x16xf32> to vector<16xf32>
        %swap3A_774 = vector.shape_cast %mul3A_769 : vector<16xf32> to vector<1x16xf32>
        tpu.vector_store %arg15[%swap3A_770, %swap3A_771], %swap3A_774 {strides = array<i32>} : memref<64x128xf32, #tpu.memory_space<vmem>>, vector<1x16xf32>,
        %slice3A_775 = vector.extract_strided_slice %get3A_494 {offsets = [3], sizes = [1], strides = [1]} : vector<16xf32> to vector<1xf32>
        %squeeze3A_776 = vector.extract %slice3A_775[0] : f32 from vector<1xf32>
        %mul3A_777 = arith.constant 16 : i32
        %mul3A_778 = arith.muli %add3A_487, %mul3A_777 : i32
        %add3A_779 = arith.constant 3 : i32
        %add3A_780 = arith.addi %mul3A_778, %add3A_779 : i32
        %get3A_781 = arith.index_cast %add3A_780 : i32 to index
        %get3A_782 = arith.constant 0 : index
        %get3A_783 = tpu.vector_load %arg15[%get3A_781, %get3A_782] {strides = array<i32>} : memref<64x128xf32, #tpu.memory_space<vmem>>, vector<1x16xf32>,
        %get3A_784 = vector.shape_cast %get3A_783 : vector<1x16xf32> to vector<16xf32>
        %mul3A_785 = vector.broadcast %squeeze3A_776 : f32 to vector<16xf32>
        %mul3A_786 = arith.mulf %get3A_784, %mul3A_785 : vector<16xf32>
        %swap3A_787 = arith.index_cast %add3A_780 : i32 to index
        %swap3A_788 = arith.constant 0 : index
        %swap3A_789 = tpu.vector_load %arg15[%swap3A_787, %swap3A_788] {strides = array<i32>} : memref<64x128xf32, #tpu.memory_space<vmem>>, vector<1x16xf32>,
        %swap3A_790 = vector.shape_cast %swap3A_789 : vector<1x16xf32> to vector<16xf32>
        %swap3A_791 = vector.shape_cast %mul3A_786 : vector<16xf32> to vector<1x16xf32>
        tpu.vector_store %arg15[%swap3A_787, %swap3A_788], %swap3A_791 {strides = array<i32>} : memref<64x128xf32, #tpu.memory_space<vmem>>, vector<1x16xf32>,
        %get3A_792 = arith.index_cast %add3A_780 : i32 to index
        %get3A_793 = arith.constant 16 : index
        %get3A_794 = tpu.vector_load %arg15[%get3A_792, %get3A_793] {strides = array<i32>} : memref<64x128xf32, #tpu.memory_space<vmem>>, vector<1x16xf32>,
        %get3A_795 = vector.shape_cast %get3A_794 : vector<1x16xf32> to vector<16xf32>
        %mul3A_796 = vector.broadcast %squeeze3A_776 : f32 to vector<16xf32>
        %mul3A_797 = arith.mulf %get3A_795, %mul3A_796 : vector<16xf32>
        %swap3A_798 = arith.index_cast %add3A_780 : i32 to index
        %swap3A_799 = arith.constant 16 : index
        %swap3A_800 = tpu.vector_load %arg15[%swap3A_798, %swap3A_799] {strides = array<i32>} : memref<64x128xf32, #tpu.memory_space<vmem>>, vector<1x16xf32>,
        %swap3A_801 = vector.shape_cast %swap3A_800 : vector<1x16xf32> to vector<16xf32>
        %swap3A_802 = vector.shape_cast %mul3A_797 : vector<16xf32> to vector<1x16xf32>
        tpu.vector_store %arg15[%swap3A_798, %swap3A_799], %swap3A_802 {strides = array<i32>} : memref<64x128xf32, #tpu.memory_space<vmem>>, vector<1x16xf32>,
        %get3A_803 = arith.index_cast %add3A_780 : i32 to index
        %get3A_804 = arith.constant 32 : index
        %get3A_805 = tpu.vector_load %arg15[%get3A_803, %get3A_804] {strides = array<i32>} : memref<64x128xf32, #tpu.memory_space<vmem>>, vector<1x16xf32>,
        %get3A_806 = vector.shape_cast %get3A_805 : vector<1x16xf32> to vector<16xf32>
        %mul3A_807 = vector.broadcast %squeeze3A_776 : f32 to vector<16xf32>
        %mul3A_808 = arith.mulf %get3A_806, %mul3A_807 : vector<16xf32>
        %swap3A_809 = arith.index_cast %add3A_780 : i32 to index
        %swap3A_810 = arith.constant 32 : index
        %swap3A_811 = tpu.vector_load %arg15[%swap3A_809, %swap3A_810] {strides = array<i32>} : memref<64x128xf32, #tpu.memory_space<vmem>>, vector<1x16xf32>,
        %swap3A_812 = vector.shape_cast %swap3A_811 : vector<1x16xf32> to vector<16xf32>
        %swap3A_813 = vector.shape_cast %mul3A_808 : vector<16xf32> to vector<1x16xf32>
        tpu.vector_store %arg15[%swap3A_809, %swap3A_810], %swap3A_813 {strides = array<i32>} : memref<64x128xf32, #tpu.memory_space<vmem>>, vector<1x16xf32>,
        %get3A_814 = arith.index_cast %add3A_780 : i32 to index
        %get3A_815 = arith.constant 48 : index
        %get3A_816 = tpu.vector_load %arg15[%get3A_814, %get3A_815] {strides = array<i32>} : memref<64x128xf32, #tpu.memory_space<vmem>>, vector<1x16xf32>,
        %get3A_817 = vector.shape_cast %get3A_816 : vector<1x16xf32> to vector<16xf32>
        %mul3A_818 = vector.broadcast %squeeze3A_776 : f32 to vector<16xf32>
        %mul3A_819 = arith.mulf %get3A_817, %mul3A_818 : vector<16xf32>
        %swap3A_820 = arith.index_cast %add3A_780 : i32 to index
        %swap3A_821 = arith.constant 48 : index
        %swap3A_822 = tpu.vector_load %arg15[%swap3A_820, %swap3A_821] {strides = array<i32>} : memref<64x128xf32, #tpu.memory_space<vmem>>, vector<1x16xf32>,
        %swap3A_823 = vector.shape_cast %swap3A_822 : vector<1x16xf32> to vector<16xf32>
        %swap3A_824 = vector.shape_cast %mul3A_819 : vector<16xf32> to vector<1x16xf32>
        tpu.vector_store %arg15[%swap3A_820, %swap3A_821], %swap3A_824 {strides = array<i32>} : memref<64x128xf32, #tpu.memory_space<vmem>>, vector<1x16xf32>,
        %get3A_825 = arith.index_cast %add3A_780 : i32 to index
        %get3A_826 = arith.constant 64 : index
        %get3A_827 = tpu.vector_load %arg15[%get3A_825, %get3A_826] {strides = array<i32>} : memref<64x128xf32, #tpu.memory_space<vmem>>, vector<1x16xf32>,
        %get3A_828 = vector.shape_cast %get3A_827 : vector<1x16xf32> to vector<16xf32>
        %mul3A_829 = vector.broadcast %squeeze3A_776 : f32 to vector<16xf32>
        %mul3A_830 = arith.mulf %get3A_828, %mul3A_829 : vector<16xf32>
        %swap3A_831 = arith.index_cast %add3A_780 : i32 to index
        %swap3A_832 = arith.constant 64 : index
        %swap3A_833 = tpu.vector_load %arg15[%swap3A_831, %swap3A_832] {strides = array<i32>} : memref<64x128xf32, #tpu.memory_space<vmem>>, vector<1x16xf32>,
        %swap3A_834 = vector.shape_cast %swap3A_833 : vector<1x16xf32> to vector<16xf32>
        %swap3A_835 = vector.shape_cast %mul3A_830 : vector<16xf32> to vector<1x16xf32>
        tpu.vector_store %arg15[%swap3A_831, %swap3A_832], %swap3A_835 {strides = array<i32>} : memref<64x128xf32, #tpu.memory_space<vmem>>, vector<1x16xf32>,
        %get3A_836 = arith.index_cast %add3A_780 : i32 to index
        %get3A_837 = arith.constant 80 : index
        %get3A_838 = tpu.vector_load %arg15[%get3A_836, %get3A_837] {strides = array<i32>} : memref<64x128xf32, #tpu.memory_space<vmem>>, vector<1x16xf32>,
        %get3A_839 = vector.shape_cast %get3A_838 : vector<1x16xf32> to vector<16xf32>
        %mul3A_840 = vector.broadcast %squeeze3A_776 : f32 to vector<16xf32>
        %mul3A_841 = arith.mulf %get3A_839, %mul3A_840 : vector<16xf32>
        %swap3A_842 = arith.index_cast %add3A_780 : i32 to index
        %swap3A_843 = arith.constant 80 : index
        %swap3A_844 = tpu.vector_load %arg15[%swap3A_842, %swap3A_843] {strides = array<i32>} : memref<64x128xf32, #tpu.memory_space<vmem>>, vector<1x16xf32>,
        %swap3A_845 = vector.shape_cast %swap3A_844 : vector<1x16xf32> to vector<16xf32>
        %swap3A_846 = vector.shape_cast %mul3A_841 : vector<16xf32> to vector<1x16xf32>
        tpu.vector_store %arg15[%swap3A_842, %swap3A_843], %swap3A_846 {strides = array<i32>} : memref<64x128xf32, #tpu.memory_space<vmem>>, vector<1x16xf32>,
        %get3A_847 = arith.index_cast %add3A_780 : i32 to index
        %get3A_848 = arith.constant 96 : index
        %get3A_849 = tpu.vector_load %arg15[%get3A_847, %get3A_848] {strides = array<i32>} : memref<64x128xf32, #tpu.memory_space<vmem>>, vector<1x16xf32>,
        %get3A_850 = vector.shape_cast %get3A_849 : vector<1x16xf32> to vector<16xf32>
        %mul3A_851 = vector.broadcast %squeeze3A_776 : f32 to vector<16xf32>
        %mul3A_852 = arith.mulf %get3A_850, %mul3A_851 : vector<16xf32>
        %swap3A_853 = arith.index_cast %add3A_780 : i32 to index
        %swap3A_854 = arith.constant 96 : index
        %swap3A_855 = tpu.vector_load %arg15[%swap3A_853, %swap3A_854] {strides = array<i32>} : memref<64x128xf32, #tpu.memory_space<vmem>>, vector<1x16xf32>,
        %swap3A_856 = vector.shape_cast %swap3A_855 : vector<1x16xf32> to vector<16xf32>
        %swap3A_857 = vector.shape_cast %mul3A_852 : vector<16xf32> to vector<1x16xf32>
        tpu.vector_store %arg15[%swap3A_853, %swap3A_854], %swap3A_857 {strides = array<i32>} : memref<64x128xf32, #tpu.memory_space<vmem>>, vector<1x16xf32>,
        %get3A_858 = arith.index_cast %add3A_780 : i32 to index
        %get3A_859 = arith.constant 112 : index
        %get3A_860 = tpu.vector_load %arg15[%get3A_858, %get3A_859] {strides = array<i32>} : memref<64x128xf32, #tpu.memory_space<vmem>>, vector<1x16xf32>,
        %get3A_861 = vector.shape_cast %get3A_860 : vector<1x16xf32> to vector<16xf32>
        %mul3A_862 = vector.broadcast %squeeze3A_776 : f32 to vector<16xf32>
        %mul3A_863 = arith.mulf %get3A_861, %mul3A_862 : vector<16xf32>
        %swap3A_864 = arith.index_cast %add3A_780 : i32 to index
        %swap3A_865 = arith.constant 112 : index
        %swap3A_866 = tpu.vector_load %arg15[%swap3A_864, %swap3A_865] {strides = array<i32>} : memref<64x128xf32, #tpu.memory_space<vmem>>, vector<1x16xf32>,
        %swap3A_867 = vector.shape_cast %swap3A_866 : vector<1x16xf32> to vector<16xf32>
        %swap3A_868 = vector.shape_cast %mul3A_863 : vector<16xf32> to vector<1x16xf32>
        tpu.vector_store %arg15[%swap3A_864, %swap3A_865], %swap3A_868 {strides = array<i32>} : memref<64x128xf32, #tpu.memory_space<vmem>>, vector<1x16xf32>,
        %slice3A_869 = vector.extract_strided_slice %get3A_494 {offsets = [4], sizes = [1], strides = [1]} : vector<16xf32> to vector<1xf32>
        %squeeze3A_870 = vector.extract %slice3A_869[0] : f32 from vector<1xf32>
        %mul3A_871 = arith.constant 16 : i32
        %mul3A_872 = arith.muli %add3A_487, %mul3A_871 : i32
        %add3A_873 = arith.constant 4 : i32
        %add3A_874 = arith.addi %mul3A_872, %add3A_873 : i32
        %get3A_875 = arith.index_cast %add3A_874 : i32 to index
        %get3A_876 = arith.constant 0 : index
        %get3A_877 = tpu.vector_load %arg15[%get3A_875, %get3A_876] {strides = array<i32>} : memref<64x128xf32, #tpu.memory_space<vmem>>, vector<1x16xf32>,
        %get3A_878 = vector.shape_cast %get3A_877 : vector<1x16xf32> to vector<16xf32>
        %mul3A_879 = vector.broadcast %squeeze3A_870 : f32 to vector<16xf32>
        %mul3A_880 = arith.mulf %get3A_878, %mul3A_879 : vector<16xf32>
        %swap3A_881 = arith.index_cast %add3A_874 : i32 to index
        %swap3A_882 = arith.constant 0 : index
        %swap3A_883 = tpu.vector_load %arg15[%swap3A_881, %swap3A_882] {strides = array<i32>} : memref<64x128xf32, #tpu.memory_space<vmem>>, vector<1x16xf32>,
        %swap3A_884 = vector.shape_cast %swap3A_883 : vector<1x16xf32> to vector<16xf32>
        %swap3A_885 = vector.shape_cast %mul3A_880 : vector<16xf32> to vector<1x16xf32>
        tpu.vector_store %arg15[%swap3A_881, %swap3A_882], %swap3A_885 {strides = array<i32>} : memref<64x128xf32, #tpu.memory_space<vmem>>, vector<1x16xf32>,
        %get3A_886 = arith.index_cast %add3A_874 : i32 to index
        %get3A_887 = arith.constant 16 : index
        %get3A_888 = tpu.vector_load %arg15[%get3A_886, %get3A_887] {strides = array<i32>} : memref<64x128xf32, #tpu.memory_space<vmem>>, vector<1x16xf32>,
        %get3A_889 = vector.shape_cast %get3A_888 : vector<1x16xf32> to vector<16xf32>
        %mul3A_890 = vector.broadcast %squeeze3A_870 : f32 to vector<16xf32>
        %mul3A_891 = arith.mulf %get3A_889, %mul3A_890 : vector<16xf32>
        %swap3A_892 = arith.index_cast %add3A_874 : i32 to index
        %swap3A_893 = arith.constant 16 : index
        %swap3A_894 = tpu.vector_load %arg15[%swap3A_892, %swap3A_893] {strides = array<i32>} : memref<64x128xf32, #tpu.memory_space<vmem>>, vector<1x16xf32>,
        %swap3A_895 = vector.shape_cast %swap3A_894 : vector<1x16xf32> to vector<16xf32>
        %swap3A_896 = vector.shape_cast %mul3A_891 : vector<16xf32> to vector<1x16xf32>
        tpu.vector_store %arg15[%swap3A_892, %swap3A_893], %swap3A_896 {strides = array<i32>} : memref<64x128xf32, #tpu.memory_space<vmem>>, vector<1x16xf32>,
        %get3A_897 = arith.index_cast %add3A_874 : i32 to index
        %get3A_898 = arith.constant 32 : index
        %get3A_899 = tpu.vector_load %arg15[%get3A_897, %get3A_898] {strides = array<i32>} : memref<64x128xf32, #tpu.memory_space<vmem>>, vector<1x16xf32>,
        %get3A_900 = vector.shape_cast %get3A_899 : vector<1x16xf32> to vector<16xf32>
        %mul3A_901 = vector.broadcast %squeeze3A_870 : f32 to vector<16xf32>
        %mul3A_902 = arith.mulf %get3A_900, %mul3A_901 : vector<16xf32>
        %swap3A_903 = arith.index_cast %add3A_874 : i32 to index
        %swap3A_904 = arith.constant 32 : index
        %swap3A_905 = tpu.vector_load %arg15[%swap3A_903, %swap3A_904] {strides = array<i32>} : memref<64x128xf32, #tpu.memory_space<vmem>>, vector<1x16xf32>,
        %swap3A_906 = vector.shape_cast %swap3A_905 : vector<1x16xf32> to vector<16xf32>
        %swap3A_907 = vector.shape_cast %mul3A_902 : vector<16xf32> to vector<1x16xf32>
        tpu.vector_store %arg15[%swap3A_903, %swap3A_904], %swap3A_907 {strides = array<i32>} : memref<64x128xf32, #tpu.memory_space<vmem>>, vector<1x16xf32>,
        %get3A_908 = arith.index_cast %add3A_874 : i32 to index
        %get3A_909 = arith.constant 48 : index
        %get3A_910 = tpu.vector_load %arg15[%get3A_908, %get3A_909] {strides = array<i32>} : memref<64x128xf32, #tpu.memory_space<vmem>>, vector<1x16xf32>,
        %get3A_911 = vector.shape_cast %get3A_910 : vector<1x16xf32> to vector<16xf32>
        %mul3A_912 = vector.broadcast %squeeze3A_870 : f32 to vector<16xf32>
        %mul3A_913 = arith.mulf %get3A_911, %mul3A_912 : vector<16xf32>
        %swap3A_914 = arith.index_cast %add3A_874 : i32 to index
        %swap3A_915 = arith.constant 48 : index
        %swap3A_916 = tpu.vector_load %arg15[%swap3A_914, %swap3A_915] {strides = array<i32>} : memref<64x128xf32, #tpu.memory_space<vmem>>, vector<1x16xf32>,
        %swap3A_917 = vector.shape_cast %swap3A_916 : vector<1x16xf32> to vector<16xf32>
        %swap3A_918 = vector.shape_cast %mul3A_913 : vector<16xf32> to vector<1x16xf32>
        tpu.vector_store %arg15[%swap3A_914, %swap3A_915], %swap3A_918 {strides = array<i32>} : memref<64x128xf32, #tpu.memory_space<vmem>>, vector<1x16xf32>,
        %get3A_919 = arith.index_cast %add3A_874 : i32 to index
        %get3A_920 = arith.constant 64 : index
        %get3A_921 = tpu.vector_load %arg15[%get3A_919, %get3A_920] {strides = array<i32>} : memref<64x128xf32, #tpu.memory_space<vmem>>, vector<1x16xf32>,
        %get3A_922 = vector.shape_cast %get3A_921 : vector<1x16xf32> to vector<16xf32>
        %mul3A_923 = vector.broadcast %squeeze3A_870 : f32 to vector<16xf32>
        %mul3A_924 = arith.mulf %get3A_922, %mul3A_923 : vector<16xf32>
        %swap3A_925 = arith.index_cast %add3A_874 : i32 to index
        %swap3A_926 = arith.constant 64 : index
        %swap3A_927 = tpu.vector_load %arg15[%swap3A_925, %swap3A_926] {strides = array<i32>} : memref<64x128xf32, #tpu.memory_space<vmem>>, vector<1x16xf32>,
        %swap3A_928 = vector.shape_cast %swap3A_927 : vector<1x16xf32> to vector<16xf32>
        %swap3A_929 = vector.shape_cast %mul3A_924 : vector<16xf32> to vector<1x16xf32>
        tpu.vector_store %arg15[%swap3A_925, %swap3A_926], %swap3A_929 {strides = array<i32>} : memref<64x128xf32, #tpu.memory_space<vmem>>, vector<1x16xf32>,
        %get3A_930 = arith.index_cast %add3A_874 : i32 to index
        %get3A_931 = arith.constant 80 : index
        %get3A_932 = tpu.vector_load %arg15[%get3A_930, %get3A_931] {strides = array<i32>} : memref<64x128xf32, #tpu.memory_space<vmem>>, vector<1x16xf32>,
        %get3A_933 = vector.shape_cast %get3A_932 : vector<1x16xf32> to vector<16xf32>
        %mul3A_934 = vector.broadcast %squeeze3A_870 : f32 to vector<16xf32>
        %mul3A_935 = arith.mulf %get3A_933, %mul3A_934 : vector<16xf32>
        %swap3A_936 = arith.index_cast %add3A_874 : i32 to index
        %swap3A_937 = arith.constant 80 : index
        %swap3A_938 = tpu.vector_load %arg15[%swap3A_936, %swap3A_937] {strides = array<i32>} : memref<64x128xf32, #tpu.memory_space<vmem>>, vector<1x16xf32>,
        %swap3A_939 = vector.shape_cast %swap3A_938 : vector<1x16xf32> to vector<16xf32>
        %swap3A_940 = vector.shape_cast %mul3A_935 : vector<16xf32> to vector<1x16xf32>
        tpu.vector_store %arg15[%swap3A_936, %swap3A_937], %swap3A_940 {strides = array<i32>} : memref<64x128xf32, #tpu.memory_space<vmem>>, vector<1x16xf32>,
        %get3A_941 = arith.index_cast %add3A_874 : i32 to index
        %get3A_942 = arith.constant 96 : index
        %get3A_943 = tpu.vector_load %arg15[%get3A_941, %get3A_942] {strides = array<i32>} : memref<64x128xf32, #tpu.memory_space<vmem>>, vector<1x16xf32>,
        %get3A_944 = vector.shape_cast %get3A_943 : vector<1x16xf32> to vector<16xf32>
        %mul3A_945 = vector.broadcast %squeeze3A_870 : f32 to vector<16xf32>
        %mul3A_946 = arith.mulf %get3A_944, %mul3A_945 : vector<16xf32>
        %swap3A_947 = arith.index_cast %add3A_874 : i32 to index
        %swap3A_948 = arith.constant 96 : index
        %swap3A_949 = tpu.vector_load %arg15[%swap3A_947, %swap3A_948] {strides = array<i32>} : memref<64x128xf32, #tpu.memory_space<vmem>>, vector<1x16xf32>,
        %swap3A_950 = vector.shape_cast %swap3A_949 : vector<1x16xf32> to vector<16xf32>
        %swap3A_951 = vector.shape_cast %mul3A_946 : vector<16xf32> to vector<1x16xf32>
        tpu.vector_store %arg15[%swap3A_947, %swap3A_948], %swap3A_951 {strides = array<i32>} : memref<64x128xf32, #tpu.memory_space<vmem>>, vector<1x16xf32>,
        %get3A_952 = arith.index_cast %add3A_874 : i32 to index
        %get3A_953 = arith.constant 112 : index
        %get3A_954 = tpu.vector_load %arg15[%get3A_952, %get3A_953] {strides = array<i32>} : memref<64x128xf32, #tpu.memory_space<vmem>>, vector<1x16xf32>,
        %get3A_955 = vector.shape_cast %get3A_954 : vector<1x16xf32> to vector<16xf32>
        %mul3A_956 = vector.broadcast %squeeze3A_870 : f32 to vector<16xf32>
        %mul3A_957 = arith.mulf %get3A_955, %mul3A_956 : vector<16xf32>
        %swap3A_958 = arith.index_cast %add3A_874 : i32 to index
        %swap3A_959 = arith.constant 112 : index
        %swap3A_960 = tpu.vector_load %arg15[%swap3A_958, %swap3A_959] {strides = array<i32>} : memref<64x128xf32, #tpu.memory_space<vmem>>, vector<1x16xf32>,
        %swap3A_961 = vector.shape_cast %swap3A_960 : vector<1x16xf32> to vector<16xf32>
        %swap3A_962 = vector.shape_cast %mul3A_957 : vector<16xf32> to vector<1x16xf32>
        tpu.vector_store %arg15[%swap3A_958, %swap3A_959], %swap3A_962 {strides = array<i32>} : memref<64x128xf32, #tpu.memory_space<vmem>>, vector<1x16xf32>,
        %slice3A_963 = vector.extract_strided_slice %get3A_494 {offsets = [5], sizes = [1], strides = [1]} : vector<16xf32> to vector<1xf32>
        %squeeze3A_964 = vector.extract %slice3A_963[0] : f32 from vector<1xf32>
        %mul3A_965 = arith.constant 16 : i32
        %mul3A_966 = arith.muli %add3A_487, %mul3A_965 : i32
        %add3A_967 = arith.constant 5 : i32
        %add3A_968 = arith.addi %mul3A_966, %add3A_967 : i32
        %get3A_969 = arith.index_cast %add3A_968 : i32 to index
        %get3A_970 = arith.constant 0 : index
        %get3A_971 = tpu.vector_load %arg15[%get3A_969, %get3A_970] {strides = array<i32>} : memref<64x128xf32, #tpu.memory_space<vmem>>, vector<1x16xf32>,
        %get3A_972 = vector.shape_cast %get3A_971 : vector<1x16xf32> to vector<16xf32>
        %mul3A_973 = vector.broadcast %squeeze3A_964 : f32 to vector<16xf32>
        %mul3A_974 = arith.mulf %get3A_972, %mul3A_973 : vector<16xf32>
        %swap3A_975 = arith.index_cast %add3A_968 : i32 to index
        %swap3A_976 = arith.constant 0 : index
        %swap3A_977 = tpu.vector_load %arg15[%swap3A_975, %swap3A_976] {strides = array<i32>} : memref<64x128xf32, #tpu.memory_space<vmem>>, vector<1x16xf32>,
        %swap3A_978 = vector.shape_cast %swap3A_977 : vector<1x16xf32> to vector<16xf32>
        %swap3A_979 = vector.shape_cast %mul3A_974 : vector<16xf32> to vector<1x16xf32>
        tpu.vector_store %arg15[%swap3A_975, %swap3A_976], %swap3A_979 {strides = array<i32>} : memref<64x128xf32, #tpu.memory_space<vmem>>, vector<1x16xf32>,
        %get3A_980 = arith.index_cast %add3A_968 : i32 to index
        %get3A_981 = arith.constant 16 : index
        %get3A_982 = tpu.vector_load %arg15[%get3A_980, %get3A_981] {strides = array<i32>} : memref<64x128xf32, #tpu.memory_space<vmem>>, vector<1x16xf32>,
        %get3A_983 = vector.shape_cast %get3A_982 : vector<1x16xf32> to vector<16xf32>
        %mul3A_984 = vector.broadcast %squeeze3A_964 : f32 to vector<16xf32>
        %mul3A_985 = arith.mulf %get3A_983, %mul3A_984 : vector<16xf32>
        %swap3A_986 = arith.index_cast %add3A_968 : i32 to index
        %swap3A_987 = arith.constant 16 : index
        %swap3A_988 = tpu.vector_load %arg15[%swap3A_986, %swap3A_987] {strides = array<i32>} : memref<64x128xf32, #tpu.memory_space<vmem>>, vector<1x16xf32>,
        %swap3A_989 = vector.shape_cast %swap3A_988 : vector<1x16xf32> to vector<16xf32>
        %swap3A_990 = vector.shape_cast %mul3A_985 : vector<16xf32> to vector<1x16xf32>
        tpu.vector_store %arg15[%swap3A_986, %swap3A_987], %swap3A_990 {strides = array<i32>} : memref<64x128xf32, #tpu.memory_space<vmem>>, vector<1x16xf32>,
        %get3A_991 = arith.index_cast %add3A_968 : i32 to index
        %get3A_992 = arith.constant 32 : index
        %get3A_993 = tpu.vector_load %arg15[%get3A_991, %get3A_992] {strides = array<i32>} : memref<64x128xf32, #tpu.memory_space<vmem>>, vector<1x16xf32>,
        %get3A_994 = vector.shape_cast %get3A_993 : vector<1x16xf32> to vector<16xf32>
        %mul3A_995 = vector.broadcast %squeeze3A_964 : f32 to vector<16xf32>
        %mul3A_996 = arith.mulf %get3A_994, %mul3A_995 : vector<16xf32>
        %swap3A_997 = arith.index_cast %add3A_968 : i32 to index
        %swap3A_998 = arith.constant 32 : index
        %swap3A_999 = tpu.vector_load %arg15[%swap3A_997, %swap3A_998] {strides = array<i32>} : memref<64x128xf32, #tpu.memory_space<vmem>>, vector<1x16xf32>,
        %swap3A_1000 = vector.shape_cast %swap3A_999 : vector<1x16xf32> to vector<16xf32>
        %swap3A_1001 = vector.shape_cast %mul3A_996 : vector<16xf32> to vector<1x16xf32>
        tpu.vector_store %arg15[%swap3A_997, %swap3A_998], %swap3A_1001 {strides = array<i32>} : memref<64x128xf32, #tpu.memory_space<vmem>>, vector<1x16xf32>,
        %get3A_1002 = arith.index_cast %add3A_968 : i32 to index
        %get3A_1003 = arith.constant 48 : index
        %get3A_1004 = tpu.vector_load %arg15[%get3A_1002, %get3A_1003] {strides = array<i32>} : memref<64x128xf32, #tpu.memory_space<vmem>>, vector<1x16xf32>,
        %get3A_1005 = vector.shape_cast %get3A_1004 : vector<1x16xf32> to vector<16xf32>
        %mul3A_1006 = vector.broadcast %squeeze3A_964 : f32 to vector<16xf32>
        %mul3A_1007 = arith.mulf %get3A_1005, %mul3A_1006 : vector<16xf32>
        %swap3A_1008 = arith.index_cast %add3A_968 : i32 to index
        %swap3A_1009 = arith.constant 48 : index
        %swap3A_1010 = tpu.vector_load %arg15[%swap3A_1008, %swap3A_1009] {strides = array<i32>} : memref<64x128xf32, #tpu.memory_space<vmem>>, vector<1x16xf32>,
        %swap3A_1011 = vector.shape_cast %swap3A_1010 : vector<1x16xf32> to vector<16xf32>
        %swap3A_1012 = vector.shape_cast %mul3A_1007 : vector<16xf32> to vector<1x16xf32>
        tpu.vector_store %arg15[%swap3A_1008, %swap3A_1009], %swap3A_1012 {strides = array<i32>} : memref<64x128xf32, #tpu.memory_space<vmem>>, vector<1x16xf32>,
        %get3A_1013 = arith.index_cast %add3A_968 : i32 to index
        %get3A_1014 = arith.constant 64 : index
        %get3A_1015 = tpu.vector_load %arg15[%get3A_1013, %get3A_1014] {strides = array<i32>} : memref<64x128xf32, #tpu.memory_space<vmem>>, vector<1x16xf32>,
        %get3A_1016 = vector.shape_cast %get3A_1015 : vector<1x16xf32> to vector<16xf32>
        %mul3A_1017 = vector.broadcast %squeeze3A_964 : f32 to vector<16xf32>
        %mul3A_1018 = arith.mulf %get3A_1016, %mul3A_1017 : vector<16xf32>
        %swap3A_1019 = arith.index_cast %add3A_968 : i32 to index
        %swap3A_1020 = arith.constant 64 : index
        %swap3A_1021 = tpu.vector_load %arg15[%swap3A_1019, %swap3A_1020] {strides = array<i32>} : memref<64x128xf32, #tpu.memory_space<vmem>>, vector<1x16xf32>,
        %swap3A_1022 = vector.shape_cast %swap3A_1021 : vector<1x16xf32> to vector<16xf32>
        %swap3A_1023 = vector.shape_cast %mul3A_1018 : vector<16xf32> to vector<1x16xf32>
        tpu.vector_store %arg15[%swap3A_1019, %swap3A_1020], %swap3A_1023 {strides = array<i32>} : memref<64x128xf32, #tpu.memory_space<vmem>>, vector<1x16xf32>,
        %get3A_1024 = arith.index_cast %add3A_968 : i32 to index
        %get3A_1025 = arith.constant 80 : index
        %get3A_1026 = tpu.vector_load %arg15[%get3A_1024, %get3A_1025] {strides = array<i32>} : memref<64x128xf32, #tpu.memory_space<vmem>>, vector<1x16xf32>,
        %get3A_1027 = vector.shape_cast %get3A_1026 : vector<1x16xf32> to vector<16xf32>
        %mul3A_1028 = vector.broadcast %squeeze3A_964 : f32 to vector<16xf32>
        %mul3A_1029 = arith.mulf %get3A_1027, %mul3A_1028 : vector<16xf32>
        %swap3A_1030 = arith.index_cast %add3A_968 : i32 to index
        %swap3A_1031 = arith.constant 80 : index
        %swap3A_1032 = tpu.vector_load %arg15[%swap3A_1030, %swap3A_1031] {strides = array<i32>} : memref<64x128xf32, #tpu.memory_space<vmem>>, vector<1x16xf32>,
        %swap3A_1033 = vector.shape_cast %swap3A_1032 : vector<1x16xf32> to vector<16xf32>
        %swap3A_1034 = vector.shape_cast %mul3A_1029 : vector<16xf32> to vector<1x16xf32>
        tpu.vector_store %arg15[%swap3A_1030, %swap3A_1031], %swap3A_1034 {strides = array<i32>} : memref<64x128xf32, #tpu.memory_space<vmem>>, vector<1x16xf32>,
        %get3A_1035 = arith.index_cast %add3A_968 : i32 to index
        %get3A_1036 = arith.constant 96 : index
        %get3A_1037 = tpu.vector_load %arg15[%get3A_1035, %get3A_1036] {strides = array<i32>} : memref<64x128xf32, #tpu.memory_space<vmem>>, vector<1x16xf32>,
        %get3A_1038 = vector.shape_cast %get3A_1037 : vector<1x16xf32> to vector<16xf32>
        %mul3A_1039 = vector.broadcast %squeeze3A_964 : f32 to vector<16xf32>
        %mul3A_1040 = arith.mulf %get3A_1038, %mul3A_1039 : vector<16xf32>
        %swap3A_1041 = arith.index_cast %add3A_968 : i32 to index
        %swap3A_1042 = arith.constant 96 : index
        %swap3A_1043 = tpu.vector_load %arg15[%swap3A_1041, %swap3A_1042] {strides = array<i32>} : memref<64x128xf32, #tpu.memory_space<vmem>>, vector<1x16xf32>,
        %swap3A_1044 = vector.shape_cast %swap3A_1043 : vector<1x16xf32> to vector<16xf32>
        %swap3A_1045 = vector.shape_cast %mul3A_1040 : vector<16xf32> to vector<1x16xf32>
        tpu.vector_store %arg15[%swap3A_1041, %swap3A_1042], %swap3A_1045 {strides = array<i32>} : memref<64x128xf32, #tpu.memory_space<vmem>>, vector<1x16xf32>,
        %get3A_1046 = arith.index_cast %add3A_968 : i32 to index
        %get3A_1047 = arith.constant 112 : index
        %get3A_1048 = tpu.vector_load %arg15[%get3A_1046, %get3A_1047] {strides = array<i32>} : memref<64x128xf32, #tpu.memory_space<vmem>>, vector<1x16xf32>,
        %get3A_1049 = vector.shape_cast %get3A_1048 : vector<1x16xf32> to vector<16xf32>
        %mul3A_1050 = vector.broadcast %squeeze3A_964 : f32 to vector<16xf32>
        %mul3A_1051 = arith.mulf %get3A_1049, %mul3A_1050 : vector<16xf32>
        %swap3A_1052 = arith.index_cast %add3A_968 : i32 to index
        %swap3A_1053 = arith.constant 112 : index
        %swap3A_1054 = tpu.vector_load %arg15[%swap3A_1052, %swap3A_1053] {strides = array<i32>} : memref<64x128xf32, #tpu.memory_space<vmem>>, vector<1x16xf32>,
        %swap3A_1055 = vector.shape_cast %swap3A_1054 : vector<1x16xf32> to vector<16xf32>
        %swap3A_1056 = vector.shape_cast %mul3A_1051 : vector<16xf32> to vector<1x16xf32>
        tpu.vector_store %arg15[%swap3A_1052, %swap3A_1053], %swap3A_1056 {strides = array<i32>} : memref<64x128xf32, #tpu.memory_space<vmem>>, vector<1x16xf32>,
        %slice3A_1057 = vector.extract_strided_slice %get3A_494 {offsets = [6], sizes = [1], strides = [1]} : vector<16xf32> to vector<1xf32>
        %squeeze3A_1058 = vector.extract %slice3A_1057[0] : f32 from vector<1xf32>
        %mul3A_1059 = arith.constant 16 : i32
        %mul3A_1060 = arith.muli %add3A_487, %mul3A_1059 : i32
        %add3A_1061 = arith.constant 6 : i32
        %add3A_1062 = arith.addi %mul3A_1060, %add3A_1061 : i32
        %get3A_1063 = arith.index_cast %add3A_1062 : i32 to index
        %get3A_1064 = arith.constant 0 : index
        %get3A_1065 = tpu.vector_load %arg15[%get3A_1063, %get3A_1064] {strides = array<i32>} : memref<64x128xf32, #tpu.memory_space<vmem>>, vector<1x16xf32>,
        %get3A_1066 = vector.shape_cast %get3A_1065 : vector<1x16xf32> to vector<16xf32>
        %mul3A_1067 = vector.broadcast %squeeze3A_1058 : f32 to vector<16xf32>
        %mul3A_1068 = arith.mulf %get3A_1066, %mul3A_1067 : vector<16xf32>
        %swap3A_1069 = arith.index_cast %add3A_1062 : i32 to index
        %swap3A_1070 = arith.constant 0 : index
        %swap3A_1071 = tpu.vector_load %arg15[%swap3A_1069, %swap3A_1070] {strides = array<i32>} : memref<64x128xf32, #tpu.memory_space<vmem>>, vector<1x16xf32>,
        %swap3A_1072 = vector.shape_cast %swap3A_1071 : vector<1x16xf32> to vector<16xf32>
        %swap3A_1073 = vector.shape_cast %mul3A_1068 : vector<16xf32> to vector<1x16xf32>
        tpu.vector_store %arg15[%swap3A_1069, %swap3A_1070], %swap3A_1073 {strides = array<i32>} : memref<64x128xf32, #tpu.memory_space<vmem>>, vector<1x16xf32>,
        %get3A_1074 = arith.index_cast %add3A_1062 : i32 to index
        %get3A_1075 = arith.constant 16 : index
        %get3A_1076 = tpu.vector_load %arg15[%get3A_1074, %get3A_1075] {strides = array<i32>} : memref<64x128xf32, #tpu.memory_space<vmem>>, vector<1x16xf32>,
        %get3A_1077 = vector.shape_cast %get3A_1076 : vector<1x16xf32> to vector<16xf32>
        %mul3A_1078 = vector.broadcast %squeeze3A_1058 : f32 to vector<16xf32>
        %mul3A_1079 = arith.mulf %get3A_1077, %mul3A_1078 : vector<16xf32>
        %swap3A_1080 = arith.index_cast %add3A_1062 : i32 to index
        %swap3A_1081 = arith.constant 16 : index
        %swap3A_1082 = tpu.vector_load %arg15[%swap3A_1080, %swap3A_1081] {strides = array<i32>} : memref<64x128xf32, #tpu.memory_space<vmem>>, vector<1x16xf32>,
        %swap3A_1083 = vector.shape_cast %swap3A_1082 : vector<1x16xf32> to vector<16xf32>
        %swap3A_1084 = vector.shape_cast %mul3A_1079 : vector<16xf32> to vector<1x16xf32>
        tpu.vector_store %arg15[%swap3A_1080, %swap3A_1081], %swap3A_1084 {strides = array<i32>} : memref<64x128xf32, #tpu.memory_space<vmem>>, vector<1x16xf32>,
        %get3A_1085 = arith.index_cast %add3A_1062 : i32 to index
        %get3A_1086 = arith.constant 32 : index
        %get3A_1087 = tpu.vector_load %arg15[%get3A_1085, %get3A_1086] {strides = array<i32>} : memref<64x128xf32, #tpu.memory_space<vmem>>, vector<1x16xf32>,
        %get3A_1088 = vector.shape_cast %get3A_1087 : vector<1x16xf32> to vector<16xf32>
        %mul3A_1089 = vector.broadcast %squeeze3A_1058 : f32 to vector<16xf32>
        %mul3A_1090 = arith.mulf %get3A_1088, %mul3A_1089 : vector<16xf32>
        %swap3A_1091 = arith.index_cast %add3A_1062 : i32 to index
        %swap3A_1092 = arith.constant 32 : index
        %swap3A_1093 = tpu.vector_load %arg15[%swap3A_1091, %swap3A_1092] {strides = array<i32>} : memref<64x128xf32, #tpu.memory_space<vmem>>, vector<1x16xf32>,
        %swap3A_1094 = vector.shape_cast %swap3A_1093 : vector<1x16xf32> to vector<16xf32>
        %swap3A_1095 = vector.shape_cast %mul3A_1090 : vector<16xf32> to vector<1x16xf32>
        tpu.vector_store %arg15[%swap3A_1091, %swap3A_1092], %swap3A_1095 {strides = array<i32>} : memref<64x128xf32, #tpu.memory_space<vmem>>, vector<1x16xf32>,
        %get3A_1096 = arith.index_cast %add3A_1062 : i32 to index
        %get3A_1097 = arith.constant 48 : index
        %get3A_1098 = tpu.vector_load %arg15[%get3A_1096, %get3A_1097] {strides = array<i32>} : memref<64x128xf32, #tpu.memory_space<vmem>>, vector<1x16xf32>,
        %get3A_1099 = vector.shape_cast %get3A_1098 : vector<1x16xf32> to vector<16xf32>
        %mul3A_1100 = vector.broadcast %squeeze3A_1058 : f32 to vector<16xf32>
        %mul3A_1101 = arith.mulf %get3A_1099, %mul3A_1100 : vector<16xf32>
        %swap3A_1102 = arith.index_cast %add3A_1062 : i32 to index
        %swap3A_1103 = arith.constant 48 : index
        %swap3A_1104 = tpu.vector_load %arg15[%swap3A_1102, %swap3A_1103] {strides = array<i32>} : memref<64x128xf32, #tpu.memory_space<vmem>>, vector<1x16xf32>,
        %swap3A_1105 = vector.shape_cast %swap3A_1104 : vector<1x16xf32> to vector<16xf32>
        %swap3A_1106 = vector.shape_cast %mul3A_1101 : vector<16xf32> to vector<1x16xf32>
        tpu.vector_store %arg15[%swap3A_1102, %swap3A_1103], %swap3A_1106 {strides = array<i32>} : memref<64x128xf32, #tpu.memory_space<vmem>>, vector<1x16xf32>,
        %get3A_1107 = arith.index_cast %add3A_1062 : i32 to index
        %get3A_1108 = arith.constant 64 : index
        %get3A_1109 = tpu.vector_load %arg15[%get3A_1107, %get3A_1108] {strides = array<i32>} : memref<64x128xf32, #tpu.memory_space<vmem>>, vector<1x16xf32>,
        %get3A_1110 = vector.shape_cast %get3A_1109 : vector<1x16xf32> to vector<16xf32>
        %mul3A_1111 = vector.broadcast %squeeze3A_1058 : f32 to vector<16xf32>
        %mul3A_1112 = arith.mulf %get3A_1110, %mul3A_1111 : vector<16xf32>
        %swap3A_1113 = arith.index_cast %add3A_1062 : i32 to index
        %swap3A_1114 = arith.constant 64 : index
        %swap3A_1115 = tpu.vector_load %arg15[%swap3A_1113, %swap3A_1114] {strides = array<i32>} : memref<64x128xf32, #tpu.memory_space<vmem>>, vector<1x16xf32>,
        %swap3A_1116 = vector.shape_cast %swap3A_1115 : vector<1x16xf32> to vector<16xf32>
        %swap3A_1117 = vector.shape_cast %mul3A_1112 : vector<16xf32> to vector<1x16xf32>
        tpu.vector_store %arg15[%swap3A_1113, %swap3A_1114], %swap3A_1117 {strides = array<i32>} : memref<64x128xf32, #tpu.memory_space<vmem>>, vector<1x16xf32>,
        %get3A_1118 = arith.index_cast %add3A_1062 : i32 to index
        %get3A_1119 = arith.constant 80 : index
        %get3A_1120 = tpu.vector_load %arg15[%get3A_1118, %get3A_1119] {strides = array<i32>} : memref<64x128xf32, #tpu.memory_space<vmem>>, vector<1x16xf32>,
        %get3A_1121 = vector.shape_cast %get3A_1120 : vector<1x16xf32> to vector<16xf32>
        %mul3A_1122 = vector.broadcast %squeeze3A_1058 : f32 to vector<16xf32>
        %mul3A_1123 = arith.mulf %get3A_1121, %mul3A_1122 : vector<16xf32>
        %swap3A_1124 = arith.index_cast %add3A_1062 : i32 to index
        %swap3A_1125 = arith.constant 80 : index
        %swap3A_1126 = tpu.vector_load %arg15[%swap3A_1124, %swap3A_1125] {strides = array<i32>} : memref<64x128xf32, #tpu.memory_space<vmem>>, vector<1x16xf32>,
        %swap3A_1127 = vector.shape_cast %swap3A_1126 : vector<1x16xf32> to vector<16xf32>
        %swap3A_1128 = vector.shape_cast %mul3A_1123 : vector<16xf32> to vector<1x16xf32>
        tpu.vector_store %arg15[%swap3A_1124, %swap3A_1125], %swap3A_1128 {strides = array<i32>} : memref<64x128xf32, #tpu.memory_space<vmem>>, vector<1x16xf32>,
        %get3A_1129 = arith.index_cast %add3A_1062 : i32 to index
        %get3A_1130 = arith.constant 96 : index
        %get3A_1131 = tpu.vector_load %arg15[%get3A_1129, %get3A_1130] {strides = array<i32>} : memref<64x128xf32, #tpu.memory_space<vmem>>, vector<1x16xf32>,
        %get3A_1132 = vector.shape_cast %get3A_1131 : vector<1x16xf32> to vector<16xf32>
        %mul3A_1133 = vector.broadcast %squeeze3A_1058 : f32 to vector<16xf32>
        %mul3A_1134 = arith.mulf %get3A_1132, %mul3A_1133 : vector<16xf32>
        %swap3A_1135 = arith.index_cast %add3A_1062 : i32 to index
        %swap3A_1136 = arith.constant 96 : index
        %swap3A_1137 = tpu.vector_load %arg15[%swap3A_1135, %swap3A_1136] {strides = array<i32>} : memref<64x128xf32, #tpu.memory_space<vmem>>, vector<1x16xf32>,
        %swap3A_1138 = vector.shape_cast %swap3A_1137 : vector<1x16xf32> to vector<16xf32>
        %swap3A_1139 = vector.shape_cast %mul3A_1134 : vector<16xf32> to vector<1x16xf32>
        tpu.vector_store %arg15[%swap3A_1135, %swap3A_1136], %swap3A_1139 {strides = array<i32>} : memref<64x128xf32, #tpu.memory_space<vmem>>, vector<1x16xf32>,
        %get3A_1140 = arith.index_cast %add3A_1062 : i32 to index
        %get3A_1141 = arith.constant 112 : index
        %get3A_1142 = tpu.vector_load %arg15[%get3A_1140, %get3A_1141] {strides = array<i32>} : memref<64x128xf32, #tpu.memory_space<vmem>>, vector<1x16xf32>,
        %get3A_1143 = vector.shape_cast %get3A_1142 : vector<1x16xf32> to vector<16xf32>
        %mul3A_1144 = vector.broadcast %squeeze3A_1058 : f32 to vector<16xf32>
        %mul3A_1145 = arith.mulf %get3A_1143, %mul3A_1144 : vector<16xf32>
        %swap3A_1146 = arith.index_cast %add3A_1062 : i32 to index
        %swap3A_1147 = arith.constant 112 : index
        %swap3A_1148 = tpu.vector_load %arg15[%swap3A_1146, %swap3A_1147] {strides = array<i32>} : memref<64x128xf32, #tpu.memory_space<vmem>>, vector<1x16xf32>,
        %swap3A_1149 = vector.shape_cast %swap3A_1148 : vector<1x16xf32> to vector<16xf32>
        %swap3A_1150 = vector.shape_cast %mul3A_1145 : vector<16xf32> to vector<1x16xf32>
        tpu.vector_store %arg15[%swap3A_1146, %swap3A_1147], %swap3A_1150 {strides = array<i32>} : memref<64x128xf32, #tpu.memory_space<vmem>>, vector<1x16xf32>,
        %slice3A_1151 = vector.extract_strided_slice %get3A_494 {offsets = [7], sizes = [1], strides = [1]} : vector<16xf32> to vector<1xf32>
        %squeeze3A_1152 = vector.extract %slice3A_1151[0] : f32 from vector<1xf32>
        %mul3A_1153 = arith.constant 16 : i32
        %mul3A_1154 = arith.muli %add3A_487, %mul3A_1153 : i32
        %add3A_1155 = arith.constant 7 : i32
        %add3A_1156 = arith.addi %mul3A_1154, %add3A_1155 : i32
        %get3A_1157 = arith.index_cast %add3A_1156 : i32 to index
        %get3A_1158 = arith.constant 0 : index
        %get3A_1159 = tpu.vector_load %arg15[%get3A_1157, %get3A_1158] {strides = array<i32>} : memref<64x128xf32, #tpu.memory_space<vmem>>, vector<1x16xf32>,
        %get3A_1160 = vector.shape_cast %get3A_1159 : vector<1x16xf32> to vector<16xf32>
        %mul3A_1161 = vector.broadcast %squeeze3A_1152 : f32 to vector<16xf32>
        %mul3A_1162 = arith.mulf %get3A_1160, %mul3A_1161 : vector<16xf32>
        %swap3A_1163 = arith.index_cast %add3A_1156 : i32 to index
        %swap3A_1164 = arith.constant 0 : index
        %swap3A_1165 = tpu.vector_load %arg15[%swap3A_1163, %swap3A_1164] {strides = array<i32>} : memref<64x128xf32, #tpu.memory_space<vmem>>, vector<1x16xf32>,
        %swap3A_1166 = vector.shape_cast %swap3A_1165 : vector<1x16xf32> to vector<16xf32>
        %swap3A_1167 = vector.shape_cast %mul3A_1162 : vector<16xf32> to vector<1x16xf32>
        tpu.vector_store %arg15[%swap3A_1163, %swap3A_1164], %swap3A_1167 {strides = array<i32>} : memref<64x128xf32, #tpu.memory_space<vmem>>, vector<1x16xf32>,
        %get3A_1168 = arith.index_cast %add3A_1156 : i32 to index
        %get3A_1169 = arith.constant 16 : index
        %get3A_1170 = tpu.vector_load %arg15[%get3A_1168, %get3A_1169] {strides = array<i32>} : memref<64x128xf32, #tpu.memory_space<vmem>>, vector<1x16xf32>,
        %get3A_1171 = vector.shape_cast %get3A_1170 : vector<1x16xf32> to vector<16xf32>
        %mul3A_1172 = vector.broadcast %squeeze3A_1152 : f32 to vector<16xf32>
        %mul3A_1173 = arith.mulf %get3A_1171, %mul3A_1172 : vector<16xf32>
        %swap3A_1174 = arith.index_cast %add3A_1156 : i32 to index
        %swap3A_1175 = arith.constant 16 : index
        %swap3A_1176 = tpu.vector_load %arg15[%swap3A_1174, %swap3A_1175] {strides = array<i32>} : memref<64x128xf32, #tpu.memory_space<vmem>>, vector<1x16xf32>,
        %swap3A_1177 = vector.shape_cast %swap3A_1176 : vector<1x16xf32> to vector<16xf32>
        %swap3A_1178 = vector.shape_cast %mul3A_1173 : vector<16xf32> to vector<1x16xf32>
        tpu.vector_store %arg15[%swap3A_1174, %swap3A_1175], %swap3A_1178 {strides = array<i32>} : memref<64x128xf32, #tpu.memory_space<vmem>>, vector<1x16xf32>,
        %get3A_1179 = arith.index_cast %add3A_1156 : i32 to index
        %get3A_1180 = arith.constant 32 : index
        %get3A_1181 = tpu.vector_load %arg15[%get3A_1179, %get3A_1180] {strides = array<i32>} : memref<64x128xf32, #tpu.memory_space<vmem>>, vector<1x16xf32>,
        %get3A_1182 = vector.shape_cast %get3A_1181 : vector<1x16xf32> to vector<16xf32>
        %mul3A_1183 = vector.broadcast %squeeze3A_1152 : f32 to vector<16xf32>
        %mul3A_1184 = arith.mulf %get3A_1182, %mul3A_1183 : vector<16xf32>
        %swap3A_1185 = arith.index_cast %add3A_1156 : i32 to index
        %swap3A_1186 = arith.constant 32 : index
        %swap3A_1187 = tpu.vector_load %arg15[%swap3A_1185, %swap3A_1186] {strides = array<i32>} : memref<64x128xf32, #tpu.memory_space<vmem>>, vector<1x16xf32>,
        %swap3A_1188 = vector.shape_cast %swap3A_1187 : vector<1x16xf32> to vector<16xf32>
        %swap3A_1189 = vector.shape_cast %mul3A_1184 : vector<16xf32> to vector<1x16xf32>
        tpu.vector_store %arg15[%swap3A_1185, %swap3A_1186], %swap3A_1189 {strides = array<i32>} : memref<64x128xf32, #tpu.memory_space<vmem>>, vector<1x16xf32>,
        %get3A_1190 = arith.index_cast %add3A_1156 : i32 to index
        %get3A_1191 = arith.constant 48 : index
        %get3A_1192 = tpu.vector_load %arg15[%get3A_1190, %get3A_1191] {strides = array<i32>} : memref<64x128xf32, #tpu.memory_space<vmem>>, vector<1x16xf32>,
        %get3A_1193 = vector.shape_cast %get3A_1192 : vector<1x16xf32> to vector<16xf32>
        %mul3A_1194 = vector.broadcast %squeeze3A_1152 : f32 to vector<16xf32>
        %mul3A_1195 = arith.mulf %get3A_1193, %mul3A_1194 : vector<16xf32>
        %swap3A_1196 = arith.index_cast %add3A_1156 : i32 to index
        %swap3A_1197 = arith.constant 48 : index
        %swap3A_1198 = tpu.vector_load %arg15[%swap3A_1196, %swap3A_1197] {strides = array<i32>} : memref<64x128xf32, #tpu.memory_space<vmem>>, vector<1x16xf32>,
        %swap3A_1199 = vector.shape_cast %swap3A_1198 : vector<1x16xf32> to vector<16xf32>
        %swap3A_1200 = vector.shape_cast %mul3A_1195 : vector<16xf32> to vector<1x16xf32>
        tpu.vector_store %arg15[%swap3A_1196, %swap3A_1197], %swap3A_1200 {strides = array<i32>} : memref<64x128xf32, #tpu.memory_space<vmem>>, vector<1x16xf32>,
        %get3A_1201 = arith.index_cast %add3A_1156 : i32 to index
        %get3A_1202 = arith.constant 64 : index
        %get3A_1203 = tpu.vector_load %arg15[%get3A_1201, %get3A_1202] {strides = array<i32>} : memref<64x128xf32, #tpu.memory_space<vmem>>, vector<1x16xf32>,
        %get3A_1204 = vector.shape_cast %get3A_1203 : vector<1x16xf32> to vector<16xf32>
        %mul3A_1205 = vector.broadcast %squeeze3A_1152 : f32 to vector<16xf32>
        %mul3A_1206 = arith.mulf %get3A_1204, %mul3A_1205 : vector<16xf32>
        %swap3A_1207 = arith.index_cast %add3A_1156 : i32 to index
        %swap3A_1208 = arith.constant 64 : index
        %swap3A_1209 = tpu.vector_load %arg15[%swap3A_1207, %swap3A_1208] {strides = array<i32>} : memref<64x128xf32, #tpu.memory_space<vmem>>, vector<1x16xf32>,
        %swap3A_1210 = vector.shape_cast %swap3A_1209 : vector<1x16xf32> to vector<16xf32>
        %swap3A_1211 = vector.shape_cast %mul3A_1206 : vector<16xf32> to vector<1x16xf32>
        tpu.vector_store %arg15[%swap3A_1207, %swap3A_1208], %swap3A_1211 {strides = array<i32>} : memref<64x128xf32, #tpu.memory_space<vmem>>, vector<1x16xf32>,
        %get3A_1212 = arith.index_cast %add3A_1156 : i32 to index
        %get3A_1213 = arith.constant 80 : index
        %get3A_1214 = tpu.vector_load %arg15[%get3A_1212, %get3A_1213] {strides = array<i32>} : memref<64x128xf32, #tpu.memory_space<vmem>>, vector<1x16xf32>,
        %get3A_1215 = vector.shape_cast %get3A_1214 : vector<1x16xf32> to vector<16xf32>
        %mul3A_1216 = vector.broadcast %squeeze3A_1152 : f32 to vector<16xf32>
        %mul3A_1217 = arith.mulf %get3A_1215, %mul3A_1216 : vector<16xf32>
        %swap3A_1218 = arith.index_cast %add3A_1156 : i32 to index
        %swap3A_1219 = arith.constant 80 : index
        %swap3A_1220 = tpu.vector_load %arg15[%swap3A_1218, %swap3A_1219] {strides = array<i32>} : memref<64x128xf32, #tpu.memory_space<vmem>>, vector<1x16xf32>,
        %swap3A_1221 = vector.shape_cast %swap3A_1220 : vector<1x16xf32> to vector<16xf32>
        %swap3A_1222 = vector.shape_cast %mul3A_1217 : vector<16xf32> to vector<1x16xf32>
        tpu.vector_store %arg15[%swap3A_1218, %swap3A_1219], %swap3A_1222 {strides = array<i32>} : memref<64x128xf32, #tpu.memory_space<vmem>>, vector<1x16xf32>,
        %get3A_1223 = arith.index_cast %add3A_1156 : i32 to index
        %get3A_1224 = arith.constant 96 : index
        %get3A_1225 = tpu.vector_load %arg15[%get3A_1223, %get3A_1224] {strides = array<i32>} : memref<64x128xf32, #tpu.memory_space<vmem>>, vector<1x16xf32>,
        %get3A_1226 = vector.shape_cast %get3A_1225 : vector<1x16xf32> to vector<16xf32>
        %mul3A_1227 = vector.broadcast %squeeze3A_1152 : f32 to vector<16xf32>
        %mul3A_1228 = arith.mulf %get3A_1226, %mul3A_1227 : vector<16xf32>
        %swap3A_1229 = arith.index_cast %add3A_1156 : i32 to index
        %swap3A_1230 = arith.constant 96 : index
        %swap3A_1231 = tpu.vector_load %arg15[%swap3A_1229, %swap3A_1230] {strides = array<i32>} : memref<64x128xf32, #tpu.memory_space<vmem>>, vector<1x16xf32>,
        %swap3A_1232 = vector.shape_cast %swap3A_1231 : vector<1x16xf32> to vector<16xf32>
        %swap3A_1233 = vector.shape_cast %mul3A_1228 : vector<16xf32> to vector<1x16xf32>
        tpu.vector_store %arg15[%swap3A_1229, %swap3A_1230], %swap3A_1233 {strides = array<i32>} : memref<64x128xf32, #tpu.memory_space<vmem>>, vector<1x16xf32>,
        %get3A_1234 = arith.index_cast %add3A_1156 : i32 to index
        %get3A_1235 = arith.constant 112 : index
        %get3A_1236 = tpu.vector_load %arg15[%get3A_1234, %get3A_1235] {strides = array<i32>} : memref<64x128xf32, #tpu.memory_space<vmem>>, vector<1x16xf32>,
        %get3A_1237 = vector.shape_cast %get3A_1236 : vector<1x16xf32> to vector<16xf32>
        %mul3A_1238 = vector.broadcast %squeeze3A_1152 : f32 to vector<16xf32>
        %mul3A_1239 = arith.mulf %get3A_1237, %mul3A_1238 : vector<16xf32>
        %swap3A_1240 = arith.index_cast %add3A_1156 : i32 to index
        %swap3A_1241 = arith.constant 112 : index
        %swap3A_1242 = tpu.vector_load %arg15[%swap3A_1240, %swap3A_1241] {strides = array<i32>} : memref<64x128xf32, #tpu.memory_space<vmem>>, vector<1x16xf32>,
        %swap3A_1243 = vector.shape_cast %swap3A_1242 : vector<1x16xf32> to vector<16xf32>
        %swap3A_1244 = vector.shape_cast %mul3A_1239 : vector<16xf32> to vector<1x16xf32>
        tpu.vector_store %arg15[%swap3A_1240, %swap3A_1241], %swap3A_1244 {strides = array<i32>} : memref<64x128xf32, #tpu.memory_space<vmem>>, vector<1x16xf32>,
        %slice3A_1245 = vector.extract_strided_slice %get3A_494 {offsets = [8], sizes = [1], strides = [1]} : vector<16xf32> to vector<1xf32>
        %squeeze3A_1246 = vector.extract %slice3A_1245[0] : f32 from vector<1xf32>
        %mul3A_1247 = arith.constant 16 : i32
        %mul3A_1248 = arith.muli %add3A_487, %mul3A_1247 : i32
        %add3A_1249 = arith.constant 8 : i32
        %add3A_1250 = arith.addi %mul3A_1248, %add3A_1249 : i32
        %get3A_1251 = arith.index_cast %add3A_1250 : i32 to index
        %get3A_1252 = arith.constant 0 : index
        %get3A_1253 = tpu.vector_load %arg15[%get3A_1251, %get3A_1252] {strides = array<i32>} : memref<64x128xf32, #tpu.memory_space<vmem>>, vector<1x16xf32>,
        %get3A_1254 = vector.shape_cast %get3A_1253 : vector<1x16xf32> to vector<16xf32>
        %mul3A_1255 = vector.broadcast %squeeze3A_1246 : f32 to vector<16xf32>
        %mul3A_1256 = arith.mulf %get3A_1254, %mul3A_1255 : vector<16xf32>
        %swap3A_1257 = arith.index_cast %add3A_1250 : i32 to index
        %swap3A_1258 = arith.constant 0 : index
        %swap3A_1259 = tpu.vector_load %arg15[%swap3A_1257, %swap3A_1258] {strides = array<i32>} : memref<64x128xf32, #tpu.memory_space<vmem>>, vector<1x16xf32>,
        %swap3A_1260 = vector.shape_cast %swap3A_1259 : vector<1x16xf32> to vector<16xf32>
        %swap3A_1261 = vector.shape_cast %mul3A_1256 : vector<16xf32> to vector<1x16xf32>
        tpu.vector_store %arg15[%swap3A_1257, %swap3A_1258], %swap3A_1261 {strides = array<i32>} : memref<64x128xf32, #tpu.memory_space<vmem>>, vector<1x16xf32>,
        %get3A_1262 = arith.index_cast %add3A_1250 : i32 to index
        %get3A_1263 = arith.constant 16 : index
        %get3A_1264 = tpu.vector_load %arg15[%get3A_1262, %get3A_1263] {strides = array<i32>} : memref<64x128xf32, #tpu.memory_space<vmem>>, vector<1x16xf32>,
        %get3A_1265 = vector.shape_cast %get3A_1264 : vector<1x16xf32> to vector<16xf32>
        %mul3A_1266 = vector.broadcast %squeeze3A_1246 : f32 to vector<16xf32>
        %mul3A_1267 = arith.mulf %get3A_1265, %mul3A_1266 : vector<16xf32>
        %swap3A_1268 = arith.index_cast %add3A_1250 : i32 to index
        %swap3A_1269 = arith.constant 16 : index
        %swap3A_1270 = tpu.vector_load %arg15[%swap3A_1268, %swap3A_1269] {strides = array<i32>} : memref<64x128xf32, #tpu.memory_space<vmem>>, vector<1x16xf32>,
        %swap3A_1271 = vector.shape_cast %swap3A_1270 : vector<1x16xf32> to vector<16xf32>
        %swap3A_1272 = vector.shape_cast %mul3A_1267 : vector<16xf32> to vector<1x16xf32>
        tpu.vector_store %arg15[%swap3A_1268, %swap3A_1269], %swap3A_1272 {strides = array<i32>} : memref<64x128xf32, #tpu.memory_space<vmem>>, vector<1x16xf32>,
        %get3A_1273 = arith.index_cast %add3A_1250 : i32 to index
        %get3A_1274 = arith.constant 32 : index
        %get3A_1275 = tpu.vector_load %arg15[%get3A_1273, %get3A_1274] {strides = array<i32>} : memref<64x128xf32, #tpu.memory_space<vmem>>, vector<1x16xf32>,
        %get3A_1276 = vector.shape_cast %get3A_1275 : vector<1x16xf32> to vector<16xf32>
        %mul3A_1277 = vector.broadcast %squeeze3A_1246 : f32 to vector<16xf32>
        %mul3A_1278 = arith.mulf %get3A_1276, %mul3A_1277 : vector<16xf32>
        %swap3A_1279 = arith.index_cast %add3A_1250 : i32 to index
        %swap3A_1280 = arith.constant 32 : index
        %swap3A_1281 = tpu.vector_load %arg15[%swap3A_1279, %swap3A_1280] {strides = array<i32>} : memref<64x128xf32, #tpu.memory_space<vmem>>, vector<1x16xf32>,
        %swap3A_1282 = vector.shape_cast %swap3A_1281 : vector<1x16xf32> to vector<16xf32>
        %swap3A_1283 = vector.shape_cast %mul3A_1278 : vector<16xf32> to vector<1x16xf32>
        tpu.vector_store %arg15[%swap3A_1279, %swap3A_1280], %swap3A_1283 {strides = array<i32>} : memref<64x128xf32, #tpu.memory_space<vmem>>, vector<1x16xf32>,
        %get3A_1284 = arith.index_cast %add3A_1250 : i32 to index
        %get3A_1285 = arith.constant 48 : index
        %get3A_1286 = tpu.vector_load %arg15[%get3A_1284, %get3A_1285] {strides = array<i32>} : memref<64x128xf32, #tpu.memory_space<vmem>>, vector<1x16xf32>,
        %get3A_1287 = vector.shape_cast %get3A_1286 : vector<1x16xf32> to vector<16xf32>
        %mul3A_1288 = vector.broadcast %squeeze3A_1246 : f32 to vector<16xf32>
        %mul3A_1289 = arith.mulf %get3A_1287, %mul3A_1288 : vector<16xf32>
        %swap3A_1290 = arith.index_cast %add3A_1250 : i32 to index
        %swap3A_1291 = arith.constant 48 : index
        %swap3A_1292 = tpu.vector_load %arg15[%swap3A_1290, %swap3A_1291] {strides = array<i32>} : memref<64x128xf32, #tpu.memory_space<vmem>>, vector<1x16xf32>,
        %swap3A_1293 = vector.shape_cast %swap3A_1292 : vector<1x16xf32> to vector<16xf32>
        %swap3A_1294 = vector.shape_cast %mul3A_1289 : vector<16xf32> to vector<1x16xf32>
        tpu.vector_store %arg15[%swap3A_1290, %swap3A_1291], %swap3A_1294 {strides = array<i32>} : memref<64x128xf32, #tpu.memory_space<vmem>>, vector<1x16xf32>,
        %get3A_1295 = arith.index_cast %add3A_1250 : i32 to index
        %get3A_1296 = arith.constant 64 : index
        %get3A_1297 = tpu.vector_load %arg15[%get3A_1295, %get3A_1296] {strides = array<i32>} : memref<64x128xf32, #tpu.memory_space<vmem>>, vector<1x16xf32>,
        %get3A_1298 = vector.shape_cast %get3A_1297 : vector<1x16xf32> to vector<16xf32>
        %mul3A_1299 = vector.broadcast %squeeze3A_1246 : f32 to vector<16xf32>
        %mul3A_1300 = arith.mulf %get3A_1298, %mul3A_1299 : vector<16xf32>
        %swap3A_1301 = arith.index_cast %add3A_1250 : i32 to index
        %swap3A_1302 = arith.constant 64 : index
        %swap3A_1303 = tpu.vector_load %arg15[%swap3A_1301, %swap3A_1302] {strides = array<i32>} : memref<64x128xf32, #tpu.memory_space<vmem>>, vector<1x16xf32>,
        %swap3A_1304 = vector.shape_cast %swap3A_1303 : vector<1x16xf32> to vector<16xf32>
        %swap3A_1305 = vector.shape_cast %mul3A_1300 : vector<16xf32> to vector<1x16xf32>
        tpu.vector_store %arg15[%swap3A_1301, %swap3A_1302], %swap3A_1305 {strides = array<i32>} : memref<64x128xf32, #tpu.memory_space<vmem>>, vector<1x16xf32>,
        %get3A_1306 = arith.index_cast %add3A_1250 : i32 to index
        %get3A_1307 = arith.constant 80 : index
        %get3A_1308 = tpu.vector_load %arg15[%get3A_1306, %get3A_1307] {strides = array<i32>} : memref<64x128xf32, #tpu.memory_space<vmem>>, vector<1x16xf32>,
        %get3A_1309 = vector.shape_cast %get3A_1308 : vector<1x16xf32> to vector<16xf32>
        %mul3A_1310 = vector.broadcast %squeeze3A_1246 : f32 to vector<16xf32>
        %mul3A_1311 = arith.mulf %get3A_1309, %mul3A_1310 : vector<16xf32>
        %swap3A_1312 = arith.index_cast %add3A_1250 : i32 to index
        %swap3A_1313 = arith.constant 80 : index
        %swap3A_1314 = tpu.vector_load %arg15[%swap3A_1312, %swap3A_1313] {strides = array<i32>} : memref<64x128xf32, #tpu.memory_space<vmem>>, vector<1x16xf32>,
        %swap3A_1315 = vector.shape_cast %swap3A_1314 : vector<1x16xf32> to vector<16xf32>
        %swap3A_1316 = vector.shape_cast %mul3A_1311 : vector<16xf32> to vector<1x16xf32>
        tpu.vector_store %arg15[%swap3A_1312, %swap3A_1313], %swap3A_1316 {strides = array<i32>} : memref<64x128xf32, #tpu.memory_space<vmem>>, vector<1x16xf32>,
        %get3A_1317 = arith.index_cast %add3A_1250 : i32 to index
        %get3A_1318 = arith.constant 96 : index
        %get3A_1319 = tpu.vector_load %arg15[%get3A_1317, %get3A_1318] {strides = array<i32>} : memref<64x128xf32, #tpu.memory_space<vmem>>, vector<1x16xf32>,
        %get3A_1320 = vector.shape_cast %get3A_1319 : vector<1x16xf32> to vector<16xf32>
        %mul3A_1321 = vector.broadcast %squeeze3A_1246 : f32 to vector<16xf32>
        %mul3A_1322 = arith.mulf %get3A_1320, %mul3A_1321 : vector<16xf32>
        %swap3A_1323 = arith.index_cast %add3A_1250 : i32 to index
        %swap3A_1324 = arith.constant 96 : index
        %swap3A_1325 = tpu.vector_load %arg15[%swap3A_1323, %swap3A_1324] {strides = array<i32>} : memref<64x128xf32, #tpu.memory_space<vmem>>, vector<1x16xf32>,
        %swap3A_1326 = vector.shape_cast %swap3A_1325 : vector<1x16xf32> to vector<16xf32>
        %swap3A_1327 = vector.shape_cast %mul3A_1322 : vector<16xf32> to vector<1x16xf32>
        tpu.vector_store %arg15[%swap3A_1323, %swap3A_1324], %swap3A_1327 {strides = array<i32>} : memref<64x128xf32, #tpu.memory_space<vmem>>, vector<1x16xf32>,
        %get3A_1328 = arith.index_cast %add3A_1250 : i32 to index
        %get3A_1329 = arith.constant 112 : index
        %get3A_1330 = tpu.vector_load %arg15[%get3A_1328, %get3A_1329] {strides = array<i32>} : memref<64x128xf32, #tpu.memory_space<vmem>>, vector<1x16xf32>,
        %get3A_1331 = vector.shape_cast %get3A_1330 : vector<1x16xf32> to vector<16xf32>
        %mul3A_1332 = vector.broadcast %squeeze3A_1246 : f32 to vector<16xf32>
        %mul3A_1333 = arith.mulf %get3A_1331, %mul3A_1332 : vector<16xf32>
        %swap3A_1334 = arith.index_cast %add3A_1250 : i32 to index
        %swap3A_1335 = arith.constant 112 : index
        %swap3A_1336 = tpu.vector_load %arg15[%swap3A_1334, %swap3A_1335] {strides = array<i32>} : memref<64x128xf32, #tpu.memory_space<vmem>>, vector<1x16xf32>,
        %swap3A_1337 = vector.shape_cast %swap3A_1336 : vector<1x16xf32> to vector<16xf32>
        %swap3A_1338 = vector.shape_cast %mul3A_1333 : vector<16xf32> to vector<1x16xf32>
        tpu.vector_store %arg15[%swap3A_1334, %swap3A_1335], %swap3A_1338 {strides = array<i32>} : memref<64x128xf32, #tpu.memory_space<vmem>>, vector<1x16xf32>,
        %slice3A_1339 = vector.extract_strided_slice %get3A_494 {offsets = [9], sizes = [1], strides = [1]} : vector<16xf32> to vector<1xf32>
        %squeeze3A_1340 = vector.extract %slice3A_1339[0] : f32 from vector<1xf32>
        %mul3A_1341 = arith.constant 16 : i32
        %mul3A_1342 = arith.muli %add3A_487, %mul3A_1341 : i32
        %add3A_1343 = arith.constant 9 : i32
        %add3A_1344 = arith.addi %mul3A_1342, %add3A_1343 : i32
        %get3A_1345 = arith.index_cast %add3A_1344 : i32 to index
        %get3A_1346 = arith.constant 0 : index
        %get3A_1347 = tpu.vector_load %arg15[%get3A_1345, %get3A_1346] {strides = array<i32>} : memref<64x128xf32, #tpu.memory_space<vmem>>, vector<1x16xf32>,
        %get3A_1348 = vector.shape_cast %get3A_1347 : vector<1x16xf32> to vector<16xf32>
        %mul3A_1349 = vector.broadcast %squeeze3A_1340 : f32 to vector<16xf32>
        %mul3A_1350 = arith.mulf %get3A_1348, %mul3A_1349 : vector<16xf32>
        %swap3A_1351 = arith.index_cast %add3A_1344 : i32 to index
        %swap3A_1352 = arith.constant 0 : index
        %swap3A_1353 = tpu.vector_load %arg15[%swap3A_1351, %swap3A_1352] {strides = array<i32>} : memref<64x128xf32, #tpu.memory_space<vmem>>, vector<1x16xf32>,
        %swap3A_1354 = vector.shape_cast %swap3A_1353 : vector<1x16xf32> to vector<16xf32>
        %swap3A_1355 = vector.shape_cast %mul3A_1350 : vector<16xf32> to vector<1x16xf32>
        tpu.vector_store %arg15[%swap3A_1351, %swap3A_1352], %swap3A_1355 {strides = array<i32>} : memref<64x128xf32, #tpu.memory_space<vmem>>, vector<1x16xf32>,
        %get3A_1356 = arith.index_cast %add3A_1344 : i32 to index
        %get3A_1357 = arith.constant 16 : index
        %get3A_1358 = tpu.vector_load %arg15[%get3A_1356, %get3A_1357] {strides = array<i32>} : memref<64x128xf32, #tpu.memory_space<vmem>>, vector<1x16xf32>,
        %get3A_1359 = vector.shape_cast %get3A_1358 : vector<1x16xf32> to vector<16xf32>
        %mul3A_1360 = vector.broadcast %squeeze3A_1340 : f32 to vector<16xf32>
        %mul3A_1361 = arith.mulf %get3A_1359, %mul3A_1360 : vector<16xf32>
        %swap3A_1362 = arith.index_cast %add3A_1344 : i32 to index
        %swap3A_1363 = arith.constant 16 : index
        %swap3A_1364 = tpu.vector_load %arg15[%swap3A_1362, %swap3A_1363] {strides = array<i32>} : memref<64x128xf32, #tpu.memory_space<vmem>>, vector<1x16xf32>,
        %swap3A_1365 = vector.shape_cast %swap3A_1364 : vector<1x16xf32> to vector<16xf32>
        %swap3A_1366 = vector.shape_cast %mul3A_1361 : vector<16xf32> to vector<1x16xf32>
        tpu.vector_store %arg15[%swap3A_1362, %swap3A_1363], %swap3A_1366 {strides = array<i32>} : memref<64x128xf32, #tpu.memory_space<vmem>>, vector<1x16xf32>,
        %get3A_1367 = arith.index_cast %add3A_1344 : i32 to index
        %get3A_1368 = arith.constant 32 : index
        %get3A_1369 = tpu.vector_load %arg15[%get3A_1367, %get3A_1368] {strides = array<i32>} : memref<64x128xf32, #tpu.memory_space<vmem>>, vector<1x16xf32>,
        %get3A_1370 = vector.shape_cast %get3A_1369 : vector<1x16xf32> to vector<16xf32>
        %mul3A_1371 = vector.broadcast %squeeze3A_1340 : f32 to vector<16xf32>
        %mul3A_1372 = arith.mulf %get3A_1370, %mul3A_1371 : vector<16xf32>
        %swap3A_1373 = arith.index_cast %add3A_1344 : i32 to index
        %swap3A_1374 = arith.constant 32 : index
        %swap3A_1375 = tpu.vector_load %arg15[%swap3A_1373, %swap3A_1374] {strides = array<i32>} : memref<64x128xf32, #tpu.memory_space<vmem>>, vector<1x16xf32>,
        %swap3A_1376 = vector.shape_cast %swap3A_1375 : vector<1x16xf32> to vector<16xf32>
        %swap3A_1377 = vector.shape_cast %mul3A_1372 : vector<16xf32> to vector<1x16xf32>
        tpu.vector_store %arg15[%swap3A_1373, %swap3A_1374], %swap3A_1377 {strides = array<i32>} : memref<64x128xf32, #tpu.memory_space<vmem>>, vector<1x16xf32>,
        %get3A_1378 = arith.index_cast %add3A_1344 : i32 to index
        %get3A_1379 = arith.constant 48 : index
        %get3A_1380 = tpu.vector_load %arg15[%get3A_1378, %get3A_1379] {strides = array<i32>} : memref<64x128xf32, #tpu.memory_space<vmem>>, vector<1x16xf32>,
        %get3A_1381 = vector.shape_cast %get3A_1380 : vector<1x16xf32> to vector<16xf32>
        %mul3A_1382 = vector.broadcast %squeeze3A_1340 : f32 to vector<16xf32>
        %mul3A_1383 = arith.mulf %get3A_1381, %mul3A_1382 : vector<16xf32>
        %swap3A_1384 = arith.index_cast %add3A_1344 : i32 to index
        %swap3A_1385 = arith.constant 48 : index
        %swap3A_1386 = tpu.vector_load %arg15[%swap3A_1384, %swap3A_1385] {strides = array<i32>} : memref<64x128xf32, #tpu.memory_space<vmem>>, vector<1x16xf32>,
        %swap3A_1387 = vector.shape_cast %swap3A_1386 : vector<1x16xf32> to vector<16xf32>
        %swap3A_1388 = vector.shape_cast %mul3A_1383 : vector<16xf32> to vector<1x16xf32>
        tpu.vector_store %arg15[%swap3A_1384, %swap3A_1385], %swap3A_1388 {strides = array<i32>} : memref<64x128xf32, #tpu.memory_space<vmem>>, vector<1x16xf32>,
        %get3A_1389 = arith.index_cast %add3A_1344 : i32 to index
        %get3A_1390 = arith.constant 64 : index
        %get3A_1391 = tpu.vector_load %arg15[%get3A_1389, %get3A_1390] {strides = array<i32>} : memref<64x128xf32, #tpu.memory_space<vmem>>, vector<1x16xf32>,
        %get3A_1392 = vector.shape_cast %get3A_1391 : vector<1x16xf32> to vector<16xf32>
        %mul3A_1393 = vector.broadcast %squeeze3A_1340 : f32 to vector<16xf32>
        %mul3A_1394 = arith.mulf %get3A_1392, %mul3A_1393 : vector<16xf32>
        %swap3A_1395 = arith.index_cast %add3A_1344 : i32 to index
        %swap3A_1396 = arith.constant 64 : index
        %swap3A_1397 = tpu.vector_load %arg15[%swap3A_1395, %swap3A_1396] {strides = array<i32>} : memref<64x128xf32, #tpu.memory_space<vmem>>, vector<1x16xf32>,
        %swap3A_1398 = vector.shape_cast %swap3A_1397 : vector<1x16xf32> to vector<16xf32>
        %swap3A_1399 = vector.shape_cast %mul3A_1394 : vector<16xf32> to vector<1x16xf32>
        tpu.vector_store %arg15[%swap3A_1395, %swap3A_1396], %swap3A_1399 {strides = array<i32>} : memref<64x128xf32, #tpu.memory_space<vmem>>, vector<1x16xf32>,
        %get3A_1400 = arith.index_cast %add3A_1344 : i32 to index
        %get3A_1401 = arith.constant 80 : index
        %get3A_1402 = tpu.vector_load %arg15[%get3A_1400, %get3A_1401] {strides = array<i32>} : memref<64x128xf32, #tpu.memory_space<vmem>>, vector<1x16xf32>,
        %get3A_1403 = vector.shape_cast %get3A_1402 : vector<1x16xf32> to vector<16xf32>
        %mul3A_1404 = vector.broadcast %squeeze3A_1340 : f32 to vector<16xf32>
        %mul3A_1405 = arith.mulf %get3A_1403, %mul3A_1404 : vector<16xf32>
        %swap3A_1406 = arith.index_cast %add3A_1344 : i32 to index
        %swap3A_1407 = arith.constant 80 : index
        %swap3A_1408 = tpu.vector_load %arg15[%swap3A_1406, %swap3A_1407] {strides = array<i32>} : memref<64x128xf32, #tpu.memory_space<vmem>>, vector<1x16xf32>,
        %swap3A_1409 = vector.shape_cast %swap3A_1408 : vector<1x16xf32> to vector<16xf32>
        %swap3A_1410 = vector.shape_cast %mul3A_1405 : vector<16xf32> to vector<1x16xf32>
        tpu.vector_store %arg15[%swap3A_1406, %swap3A_1407], %swap3A_1410 {strides = array<i32>} : memref<64x128xf32, #tpu.memory_space<vmem>>, vector<1x16xf32>,
        %get3A_1411 = arith.index_cast %add3A_1344 : i32 to index
        %get3A_1412 = arith.constant 96 : index
        %get3A_1413 = tpu.vector_load %arg15[%get3A_1411, %get3A_1412] {strides = array<i32>} : memref<64x128xf32, #tpu.memory_space<vmem>>, vector<1x16xf32>,
        %get3A_1414 = vector.shape_cast %get3A_1413 : vector<1x16xf32> to vector<16xf32>
        %mul3A_1415 = vector.broadcast %squeeze3A_1340 : f32 to vector<16xf32>
        %mul3A_1416 = arith.mulf %get3A_1414, %mul3A_1415 : vector<16xf32>
        %swap3A_1417 = arith.index_cast %add3A_1344 : i32 to index
        %swap3A_1418 = arith.constant 96 : index
        %swap3A_1419 = tpu.vector_load %arg15[%swap3A_1417, %swap3A_1418] {strides = array<i32>} : memref<64x128xf32, #tpu.memory_space<vmem>>, vector<1x16xf32>,
        %swap3A_1420 = vector.shape_cast %swap3A_1419 : vector<1x16xf32> to vector<16xf32>
        %swap3A_1421 = vector.shape_cast %mul3A_1416 : vector<16xf32> to vector<1x16xf32>
        tpu.vector_store %arg15[%swap3A_1417, %swap3A_1418], %swap3A_1421 {strides = array<i32>} : memref<64x128xf32, #tpu.memory_space<vmem>>, vector<1x16xf32>,
        %get3A_1422 = arith.index_cast %add3A_1344 : i32 to index
        %get3A_1423 = arith.constant 112 : index
        %get3A_1424 = tpu.vector_load %arg15[%get3A_1422, %get3A_1423] {strides = array<i32>} : memref<64x128xf32, #tpu.memory_space<vmem>>, vector<1x16xf32>,
        %get3A_1425 = vector.shape_cast %get3A_1424 : vector<1x16xf32> to vector<16xf32>
        %mul3A_1426 = vector.broadcast %squeeze3A_1340 : f32 to vector<16xf32>
        %mul3A_1427 = arith.mulf %get3A_1425, %mul3A_1426 : vector<16xf32>
        %swap3A_1428 = arith.index_cast %add3A_1344 : i32 to index
        %swap3A_1429 = arith.constant 112 : index
        %swap3A_1430 = tpu.vector_load %arg15[%swap3A_1428, %swap3A_1429] {strides = array<i32>} : memref<64x128xf32, #tpu.memory_space<vmem>>, vector<1x16xf32>,
        %swap3A_1431 = vector.shape_cast %swap3A_1430 : vector<1x16xf32> to vector<16xf32>
        %swap3A_1432 = vector.shape_cast %mul3A_1427 : vector<16xf32> to vector<1x16xf32>
        tpu.vector_store %arg15[%swap3A_1428, %swap3A_1429], %swap3A_1432 {strides = array<i32>} : memref<64x128xf32, #tpu.memory_space<vmem>>, vector<1x16xf32>,
        %slice3A_1433 = vector.extract_strided_slice %get3A_494 {offsets = [10], sizes = [1], strides = [1]} : vector<16xf32> to vector<1xf32>
        %squeeze3A_1434 = vector.extract %slice3A_1433[0] : f32 from vector<1xf32>
        %mul3A_1435 = arith.constant 16 : i32
        %mul3A_1436 = arith.muli %add3A_487, %mul3A_1435 : i32
        %add3A_1437 = arith.constant 10 : i32
        %add3A_1438 = arith.addi %mul3A_1436, %add3A_1437 : i32
        %get3A_1439 = arith.index_cast %add3A_1438 : i32 to index
        %get3A_1440 = arith.constant 0 : index
        %get3A_1441 = tpu.vector_load %arg15[%get3A_1439, %get3A_1440] {strides = array<i32>} : memref<64x128xf32, #tpu.memory_space<vmem>>, vector<1x16xf32>,
        %get3A_1442 = vector.shape_cast %get3A_1441 : vector<1x16xf32> to vector<16xf32>
        %mul3A_1443 = vector.broadcast %squeeze3A_1434 : f32 to vector<16xf32>
        %mul3A_1444 = arith.mulf %get3A_1442, %mul3A_1443 : vector<16xf32>
        %swap3A_1445 = arith.index_cast %add3A_1438 : i32 to index
        %swap3A_1446 = arith.constant 0 : index
        %swap3A_1447 = tpu.vector_load %arg15[%swap3A_1445, %swap3A_1446] {strides = array<i32>} : memref<64x128xf32, #tpu.memory_space<vmem>>, vector<1x16xf32>,
        %swap3A_1448 = vector.shape_cast %swap3A_1447 : vector<1x16xf32> to vector<16xf32>
        %swap3A_1449 = vector.shape_cast %mul3A_1444 : vector<16xf32> to vector<1x16xf32>
        tpu.vector_store %arg15[%swap3A_1445, %swap3A_1446], %swap3A_1449 {strides = array<i32>} : memref<64x128xf32, #tpu.memory_space<vmem>>, vector<1x16xf32>,
        %get3A_1450 = arith.index_cast %add3A_1438 : i32 to index
        %get3A_1451 = arith.constant 16 : index
        %get3A_1452 = tpu.vector_load %arg15[%get3A_1450, %get3A_1451] {strides = array<i32>} : memref<64x128xf32, #tpu.memory_space<vmem>>, vector<1x16xf32>,
        %get3A_1453 = vector.shape_cast %get3A_1452 : vector<1x16xf32> to vector<16xf32>
        %mul3A_1454 = vector.broadcast %squeeze3A_1434 : f32 to vector<16xf32>
        %mul3A_1455 = arith.mulf %get3A_1453, %mul3A_1454 : vector<16xf32>
        %swap3A_1456 = arith.index_cast %add3A_1438 : i32 to index
        %swap3A_1457 = arith.constant 16 : index
        %swap3A_1458 = tpu.vector_load %arg15[%swap3A_1456, %swap3A_1457] {strides = array<i32>} : memref<64x128xf32, #tpu.memory_space<vmem>>, vector<1x16xf32>,
        %swap3A_1459 = vector.shape_cast %swap3A_1458 : vector<1x16xf32> to vector<16xf32>
        %swap3A_1460 = vector.shape_cast %mul3A_1455 : vector<16xf32> to vector<1x16xf32>
        tpu.vector_store %arg15[%swap3A_1456, %swap3A_1457], %swap3A_1460 {strides = array<i32>} : memref<64x128xf32, #tpu.memory_space<vmem>>, vector<1x16xf32>,
        %get3A_1461 = arith.index_cast %add3A_1438 : i32 to index
        %get3A_1462 = arith.constant 32 : index
        %get3A_1463 = tpu.vector_load %arg15[%get3A_1461, %get3A_1462] {strides = array<i32>} : memref<64x128xf32, #tpu.memory_space<vmem>>, vector<1x16xf32>,
        %get3A_1464 = vector.shape_cast %get3A_1463 : vector<1x16xf32> to vector<16xf32>
        %mul3A_1465 = vector.broadcast %squeeze3A_1434 : f32 to vector<16xf32>
        %mul3A_1466 = arith.mulf %get3A_1464, %mul3A_1465 : vector<16xf32>
        %swap3A_1467 = arith.index_cast %add3A_1438 : i32 to index
        %swap3A_1468 = arith.constant 32 : index
        %swap3A_1469 = tpu.vector_load %arg15[%swap3A_1467, %swap3A_1468] {strides = array<i32>} : memref<64x128xf32, #tpu.memory_space<vmem>>, vector<1x16xf32>,
        %swap3A_1470 = vector.shape_cast %swap3A_1469 : vector<1x16xf32> to vector<16xf32>
        %swap3A_1471 = vector.shape_cast %mul3A_1466 : vector<16xf32> to vector<1x16xf32>
        tpu.vector_store %arg15[%swap3A_1467, %swap3A_1468], %swap3A_1471 {strides = array<i32>} : memref<64x128xf32, #tpu.memory_space<vmem>>, vector<1x16xf32>,
        %get3A_1472 = arith.index_cast %add3A_1438 : i32 to index
        %get3A_1473 = arith.constant 48 : index
        %get3A_1474 = tpu.vector_load %arg15[%get3A_1472, %get3A_1473] {strides = array<i32>} : memref<64x128xf32, #tpu.memory_space<vmem>>, vector<1x16xf32>,
        %get3A_1475 = vector.shape_cast %get3A_1474 : vector<1x16xf32> to vector<16xf32>
        %mul3A_1476 = vector.broadcast %squeeze3A_1434 : f32 to vector<16xf32>
        %mul3A_1477 = arith.mulf %get3A_1475, %mul3A_1476 : vector<16xf32>
        %swap3A_1478 = arith.index_cast %add3A_1438 : i32 to index
        %swap3A_1479 = arith.constant 48 : index
        %swap3A_1480 = tpu.vector_load %arg15[%swap3A_1478, %swap3A_1479] {strides = array<i32>} : memref<64x128xf32, #tpu.memory_space<vmem>>, vector<1x16xf32>,
        %swap3A_1481 = vector.shape_cast %swap3A_1480 : vector<1x16xf32> to vector<16xf32>
        %swap3A_1482 = vector.shape_cast %mul3A_1477 : vector<16xf32> to vector<1x16xf32>
        tpu.vector_store %arg15[%swap3A_1478, %swap3A_1479], %swap3A_1482 {strides = array<i32>} : memref<64x128xf32, #tpu.memory_space<vmem>>, vector<1x16xf32>,
        %get3A_1483 = arith.index_cast %add3A_1438 : i32 to index
        %get3A_1484 = arith.constant 64 : index
        %get3A_1485 = tpu.vector_load %arg15[%get3A_1483, %get3A_1484] {strides = array<i32>} : memref<64x128xf32, #tpu.memory_space<vmem>>, vector<1x16xf32>,
        %get3A_1486 = vector.shape_cast %get3A_1485 : vector<1x16xf32> to vector<16xf32>
        %mul3A_1487 = vector.broadcast %squeeze3A_1434 : f32 to vector<16xf32>
        %mul3A_1488 = arith.mulf %get3A_1486, %mul3A_1487 : vector<16xf32>
        %swap3A_1489 = arith.index_cast %add3A_1438 : i32 to index
        %swap3A_1490 = arith.constant 64 : index
        %swap3A_1491 = tpu.vector_load %arg15[%swap3A_1489, %swap3A_1490] {strides = array<i32>} : memref<64x128xf32, #tpu.memory_space<vmem>>, vector<1x16xf32>,
        %swap3A_1492 = vector.shape_cast %swap3A_1491 : vector<1x16xf32> to vector<16xf32>
        %swap3A_1493 = vector.shape_cast %mul3A_1488 : vector<16xf32> to vector<1x16xf32>
        tpu.vector_store %arg15[%swap3A_1489, %swap3A_1490], %swap3A_1493 {strides = array<i32>} : memref<64x128xf32, #tpu.memory_space<vmem>>, vector<1x16xf32>,
        %get3A_1494 = arith.index_cast %add3A_1438 : i32 to index
        %get3A_1495 = arith.constant 80 : index
        %get3A_1496 = tpu.vector_load %arg15[%get3A_1494, %get3A_1495] {strides = array<i32>} : memref<64x128xf32, #tpu.memory_space<vmem>>, vector<1x16xf32>,
        %get3A_1497 = vector.shape_cast %get3A_1496 : vector<1x16xf32> to vector<16xf32>
        %mul3A_1498 = vector.broadcast %squeeze3A_1434 : f32 to vector<16xf32>
        %mul3A_1499 = arith.mulf %get3A_1497, %mul3A_1498 : vector<16xf32>
        %swap3A_1500 = arith.index_cast %add3A_1438 : i32 to index
        %swap3A_1501 = arith.constant 80 : index
        %swap3A_1502 = tpu.vector_load %arg15[%swap3A_1500, %swap3A_1501] {strides = array<i32>} : memref<64x128xf32, #tpu.memory_space<vmem>>, vector<1x16xf32>,
        %swap3A_1503 = vector.shape_cast %swap3A_1502 : vector<1x16xf32> to vector<16xf32>
        %swap3A_1504 = vector.shape_cast %mul3A_1499 : vector<16xf32> to vector<1x16xf32>
        tpu.vector_store %arg15[%swap3A_1500, %swap3A_1501], %swap3A_1504 {strides = array<i32>} : memref<64x128xf32, #tpu.memory_space<vmem>>, vector<1x16xf32>,
        %get3A_1505 = arith.index_cast %add3A_1438 : i32 to index
        %get3A_1506 = arith.constant 96 : index
        %get3A_1507 = tpu.vector_load %arg15[%get3A_1505, %get3A_1506] {strides = array<i32>} : memref<64x128xf32, #tpu.memory_space<vmem>>, vector<1x16xf32>,
        %get3A_1508 = vector.shape_cast %get3A_1507 : vector<1x16xf32> to vector<16xf32>
        %mul3A_1509 = vector.broadcast %squeeze3A_1434 : f32 to vector<16xf32>
        %mul3A_1510 = arith.mulf %get3A_1508, %mul3A_1509 : vector<16xf32>
        %swap3A_1511 = arith.index_cast %add3A_1438 : i32 to index
        %swap3A_1512 = arith.constant 96 : index
        %swap3A_1513 = tpu.vector_load %arg15[%swap3A_1511, %swap3A_1512] {strides = array<i32>} : memref<64x128xf32, #tpu.memory_space<vmem>>, vector<1x16xf32>,
        %swap3A_1514 = vector.shape_cast %swap3A_1513 : vector<1x16xf32> to vector<16xf32>
        %swap3A_1515 = vector.shape_cast %mul3A_1510 : vector<16xf32> to vector<1x16xf32>
        tpu.vector_store %arg15[%swap3A_1511, %swap3A_1512], %swap3A_1515 {strides = array<i32>} : memref<64x128xf32, #tpu.memory_space<vmem>>, vector<1x16xf32>,
        %get3A_1516 = arith.index_cast %add3A_1438 : i32 to index
        %get3A_1517 = arith.constant 112 : index
        %get3A_1518 = tpu.vector_load %arg15[%get3A_1516, %get3A_1517] {strides = array<i32>} : memref<64x128xf32, #tpu.memory_space<vmem>>, vector<1x16xf32>,
        %get3A_1519 = vector.shape_cast %get3A_1518 : vector<1x16xf32> to vector<16xf32>
        %mul3A_1520 = vector.broadcast %squeeze3A_1434 : f32 to vector<16xf32>
        %mul3A_1521 = arith.mulf %get3A_1519, %mul3A_1520 : vector<16xf32>
        %swap3A_1522 = arith.index_cast %add3A_1438 : i32 to index
        %swap3A_1523 = arith.constant 112 : index
        %swap3A_1524 = tpu.vector_load %arg15[%swap3A_1522, %swap3A_1523] {strides = array<i32>} : memref<64x128xf32, #tpu.memory_space<vmem>>, vector<1x16xf32>,
        %swap3A_1525 = vector.shape_cast %swap3A_1524 : vector<1x16xf32> to vector<16xf32>
        %swap3A_1526 = vector.shape_cast %mul3A_1521 : vector<16xf32> to vector<1x16xf32>
        tpu.vector_store %arg15[%swap3A_1522, %swap3A_1523], %swap3A_1526 {strides = array<i32>} : memref<64x128xf32, #tpu.memory_space<vmem>>, vector<1x16xf32>,
        %slice3A_1527 = vector.extract_strided_slice %get3A_494 {offsets = [11], sizes = [1], strides = [1]} : vector<16xf32> to vector<1xf32>
        %squeeze3A_1528 = vector.extract %slice3A_1527[0] : f32 from vector<1xf32>
        %mul3A_1529 = arith.constant 16 : i32
        %mul3A_1530 = arith.muli %add3A_487, %mul3A_1529 : i32
        %add3A_1531 = arith.constant 11 : i32
        %add3A_1532 = arith.addi %mul3A_1530, %add3A_1531 : i32
        %get3A_1533 = arith.index_cast %add3A_1532 : i32 to index
        %get3A_1534 = arith.constant 0 : index
        %get3A_1535 = tpu.vector_load %arg15[%get3A_1533, %get3A_1534] {strides = array<i32>} : memref<64x128xf32, #tpu.memory_space<vmem>>, vector<1x16xf32>,
        %get3A_1536 = vector.shape_cast %get3A_1535 : vector<1x16xf32> to vector<16xf32>
        %mul3A_1537 = vector.broadcast %squeeze3A_1528 : f32 to vector<16xf32>
        %mul3A_1538 = arith.mulf %get3A_1536, %mul3A_1537 : vector<16xf32>
        %swap3A_1539 = arith.index_cast %add3A_1532 : i32 to index
        %swap3A_1540 = arith.constant 0 : index
        %swap3A_1541 = tpu.vector_load %arg15[%swap3A_1539, %swap3A_1540] {strides = array<i32>} : memref<64x128xf32, #tpu.memory_space<vmem>>, vector<1x16xf32>,
        %swap3A_1542 = vector.shape_cast %swap3A_1541 : vector<1x16xf32> to vector<16xf32>
        %swap3A_1543 = vector.shape_cast %mul3A_1538 : vector<16xf32> to vector<1x16xf32>
        tpu.vector_store %arg15[%swap3A_1539, %swap3A_1540], %swap3A_1543 {strides = array<i32>} : memref<64x128xf32, #tpu.memory_space<vmem>>, vector<1x16xf32>,
        %get3A_1544 = arith.index_cast %add3A_1532 : i32 to index
        %get3A_1545 = arith.constant 16 : index
        %get3A_1546 = tpu.vector_load %arg15[%get3A_1544, %get3A_1545] {strides = array<i32>} : memref<64x128xf32, #tpu.memory_space<vmem>>, vector<1x16xf32>,
        %get3A_1547 = vector.shape_cast %get3A_1546 : vector<1x16xf32> to vector<16xf32>
        %mul3A_1548 = vector.broadcast %squeeze3A_1528 : f32 to vector<16xf32>
        %mul3A_1549 = arith.mulf %get3A_1547, %mul3A_1548 : vector<16xf32>
        %swap3A_1550 = arith.index_cast %add3A_1532 : i32 to index
        %swap3A_1551 = arith.constant 16 : index
        %swap3A_1552 = tpu.vector_load %arg15[%swap3A_1550, %swap3A_1551] {strides = array<i32>} : memref<64x128xf32, #tpu.memory_space<vmem>>, vector<1x16xf32>,
        %swap3A_1553 = vector.shape_cast %swap3A_1552 : vector<1x16xf32> to vector<16xf32>
        %swap3A_1554 = vector.shape_cast %mul3A_1549 : vector<16xf32> to vector<1x16xf32>
        tpu.vector_store %arg15[%swap3A_1550, %swap3A_1551], %swap3A_1554 {strides = array<i32>} : memref<64x128xf32, #tpu.memory_space<vmem>>, vector<1x16xf32>,
        %get3A_1555 = arith.index_cast %add3A_1532 : i32 to index
        %get3A_1556 = arith.constant 32 : index
        %get3A_1557 = tpu.vector_load %arg15[%get3A_1555, %get3A_1556] {strides = array<i32>} : memref<64x128xf32, #tpu.memory_space<vmem>>, vector<1x16xf32>,
        %get3A_1558 = vector.shape_cast %get3A_1557 : vector<1x16xf32> to vector<16xf32>
        %mul3A_1559 = vector.broadcast %squeeze3A_1528 : f32 to vector<16xf32>
        %mul3A_1560 = arith.mulf %get3A_1558, %mul3A_1559 : vector<16xf32>
        %swap3A_1561 = arith.index_cast %add3A_1532 : i32 to index
        %swap3A_1562 = arith.constant 32 : index
        %swap3A_1563 = tpu.vector_load %arg15[%swap3A_1561, %swap3A_1562] {strides = array<i32>} : memref<64x128xf32, #tpu.memory_space<vmem>>, vector<1x16xf32>,
        %swap3A_1564 = vector.shape_cast %swap3A_1563 : vector<1x16xf32> to vector<16xf32>
        %swap3A_1565 = vector.shape_cast %mul3A_1560 : vector<16xf32> to vector<1x16xf32>
        tpu.vector_store %arg15[%swap3A_1561, %swap3A_1562], %swap3A_1565 {strides = array<i32>} : memref<64x128xf32, #tpu.memory_space<vmem>>, vector<1x16xf32>,
        %get3A_1566 = arith.index_cast %add3A_1532 : i32 to index
        %get3A_1567 = arith.constant 48 : index
        %get3A_1568 = tpu.vector_load %arg15[%get3A_1566, %get3A_1567] {strides = array<i32>} : memref<64x128xf32, #tpu.memory_space<vmem>>, vector<1x16xf32>,
        %get3A_1569 = vector.shape_cast %get3A_1568 : vector<1x16xf32> to vector<16xf32>
        %mul3A_1570 = vector.broadcast %squeeze3A_1528 : f32 to vector<16xf32>
        %mul3A_1571 = arith.mulf %get3A_1569, %mul3A_1570 : vector<16xf32>
        %swap3A_1572 = arith.index_cast %add3A_1532 : i32 to index
        %swap3A_1573 = arith.constant 48 : index
        %swap3A_1574 = tpu.vector_load %arg15[%swap3A_1572, %swap3A_1573] {strides = array<i32>} : memref<64x128xf32, #tpu.memory_space<vmem>>, vector<1x16xf32>,
        %swap3A_1575 = vector.shape_cast %swap3A_1574 : vector<1x16xf32> to vector<16xf32>
        %swap3A_1576 = vector.shape_cast %mul3A_1571 : vector<16xf32> to vector<1x16xf32>
        tpu.vector_store %arg15[%swap3A_1572, %swap3A_1573], %swap3A_1576 {strides = array<i32>} : memref<64x128xf32, #tpu.memory_space<vmem>>, vector<1x16xf32>,
        %get3A_1577 = arith.index_cast %add3A_1532 : i32 to index
        %get3A_1578 = arith.constant 64 : index
        %get3A_1579 = tpu.vector_load %arg15[%get3A_1577, %get3A_1578] {strides = array<i32>} : memref<64x128xf32, #tpu.memory_space<vmem>>, vector<1x16xf32>,
        %get3A_1580 = vector.shape_cast %get3A_1579 : vector<1x16xf32> to vector<16xf32>
        %mul3A_1581 = vector.broadcast %squeeze3A_1528 : f32 to vector<16xf32>
        %mul3A_1582 = arith.mulf %get3A_1580, %mul3A_1581 : vector<16xf32>
        %swap3A_1583 = arith.index_cast %add3A_1532 : i32 to index
        %swap3A_1584 = arith.constant 64 : index
        %swap3A_1585 = tpu.vector_load %arg15[%swap3A_1583, %swap3A_1584] {strides = array<i32>} : memref<64x128xf32, #tpu.memory_space<vmem>>, vector<1x16xf32>,
        %swap3A_1586 = vector.shape_cast %swap3A_1585 : vector<1x16xf32> to vector<16xf32>
        %swap3A_1587 = vector.shape_cast %mul3A_1582 : vector<16xf32> to vector<1x16xf32>
        tpu.vector_store %arg15[%swap3A_1583, %swap3A_1584], %swap3A_1587 {strides = array<i32>} : memref<64x128xf32, #tpu.memory_space<vmem>>, vector<1x16xf32>,
        %get3A_1588 = arith.index_cast %add3A_1532 : i32 to index
        %get3A_1589 = arith.constant 80 : index
        %get3A_1590 = tpu.vector_load %arg15[%get3A_1588, %get3A_1589] {strides = array<i32>} : memref<64x128xf32, #tpu.memory_space<vmem>>, vector<1x16xf32>,
        %get3A_1591 = vector.shape_cast %get3A_1590 : vector<1x16xf32> to vector<16xf32>
        %mul3A_1592 = vector.broadcast %squeeze3A_1528 : f32 to vector<16xf32>
        %mul3A_1593 = arith.mulf %get3A_1591, %mul3A_1592 : vector<16xf32>
        %swap3A_1594 = arith.index_cast %add3A_1532 : i32 to index
        %swap3A_1595 = arith.constant 80 : index
        %swap3A_1596 = tpu.vector_load %arg15[%swap3A_1594, %swap3A_1595] {strides = array<i32>} : memref<64x128xf32, #tpu.memory_space<vmem>>, vector<1x16xf32>,
        %swap3A_1597 = vector.shape_cast %swap3A_1596 : vector<1x16xf32> to vector<16xf32>
        %swap3A_1598 = vector.shape_cast %mul3A_1593 : vector<16xf32> to vector<1x16xf32>
        tpu.vector_store %arg15[%swap3A_1594, %swap3A_1595], %swap3A_1598 {strides = array<i32>} : memref<64x128xf32, #tpu.memory_space<vmem>>, vector<1x16xf32>,
        %get3A_1599 = arith.index_cast %add3A_1532 : i32 to index
        %get3A_1600 = arith.constant 96 : index
        %get3A_1601 = tpu.vector_load %arg15[%get3A_1599, %get3A_1600] {strides = array<i32>} : memref<64x128xf32, #tpu.memory_space<vmem>>, vector<1x16xf32>,
        %get3A_1602 = vector.shape_cast %get3A_1601 : vector<1x16xf32> to vector<16xf32>
        %mul3A_1603 = vector.broadcast %squeeze3A_1528 : f32 to vector<16xf32>
        %mul3A_1604 = arith.mulf %get3A_1602, %mul3A_1603 : vector<16xf32>
        %swap3A_1605 = arith.index_cast %add3A_1532 : i32 to index
        %swap3A_1606 = arith.constant 96 : index
        %swap3A_1607 = tpu.vector_load %arg15[%swap3A_1605, %swap3A_1606] {strides = array<i32>} : memref<64x128xf32, #tpu.memory_space<vmem>>, vector<1x16xf32>,
        %swap3A_1608 = vector.shape_cast %swap3A_1607 : vector<1x16xf32> to vector<16xf32>
        %swap3A_1609 = vector.shape_cast %mul3A_1604 : vector<16xf32> to vector<1x16xf32>
        tpu.vector_store %arg15[%swap3A_1605, %swap3A_1606], %swap3A_1609 {strides = array<i32>} : memref<64x128xf32, #tpu.memory_space<vmem>>, vector<1x16xf32>,
        %get3A_1610 = arith.index_cast %add3A_1532 : i32 to index
        %get3A_1611 = arith.constant 112 : index
        %get3A_1612 = tpu.vector_load %arg15[%get3A_1610, %get3A_1611] {strides = array<i32>} : memref<64x128xf32, #tpu.memory_space<vmem>>, vector<1x16xf32>,
        %get3A_1613 = vector.shape_cast %get3A_1612 : vector<1x16xf32> to vector<16xf32>
        %mul3A_1614 = vector.broadcast %squeeze3A_1528 : f32 to vector<16xf32>
        %mul3A_1615 = arith.mulf %get3A_1613, %mul3A_1614 : vector<16xf32>
        %swap3A_1616 = arith.index_cast %add3A_1532 : i32 to index
        %swap3A_1617 = arith.constant 112 : index
        %swap3A_1618 = tpu.vector_load %arg15[%swap3A_1616, %swap3A_1617] {strides = array<i32>} : memref<64x128xf32, #tpu.memory_space<vmem>>, vector<1x16xf32>,
        %swap3A_1619 = vector.shape_cast %swap3A_1618 : vector<1x16xf32> to vector<16xf32>
        %swap3A_1620 = vector.shape_cast %mul3A_1615 : vector<16xf32> to vector<1x16xf32>
        tpu.vector_store %arg15[%swap3A_1616, %swap3A_1617], %swap3A_1620 {strides = array<i32>} : memref<64x128xf32, #tpu.memory_space<vmem>>, vector<1x16xf32>,
        %slice3A_1621 = vector.extract_strided_slice %get3A_494 {offsets = [12], sizes = [1], strides = [1]} : vector<16xf32> to vector<1xf32>
        %squeeze3A_1622 = vector.extract %slice3A_1621[0] : f32 from vector<1xf32>
        %mul3A_1623 = arith.constant 16 : i32
        %mul3A_1624 = arith.muli %add3A_487, %mul3A_1623 : i32
        %add3A_1625 = arith.constant 12 : i32
        %add3A_1626 = arith.addi %mul3A_1624, %add3A_1625 : i32
        %get3A_1627 = arith.index_cast %add3A_1626 : i32 to index
        %get3A_1628 = arith.constant 0 : index
        %get3A_1629 = tpu.vector_load %arg15[%get3A_1627, %get3A_1628] {strides = array<i32>} : memref<64x128xf32, #tpu.memory_space<vmem>>, vector<1x16xf32>,
        %get3A_1630 = vector.shape_cast %get3A_1629 : vector<1x16xf32> to vector<16xf32>
        %mul3A_1631 = vector.broadcast %squeeze3A_1622 : f32 to vector<16xf32>
        %mul3A_1632 = arith.mulf %get3A_1630, %mul3A_1631 : vector<16xf32>
        %swap3A_1633 = arith.index_cast %add3A_1626 : i32 to index
        %swap3A_1634 = arith.constant 0 : index
        %swap3A_1635 = tpu.vector_load %arg15[%swap3A_1633, %swap3A_1634] {strides = array<i32>} : memref<64x128xf32, #tpu.memory_space<vmem>>, vector<1x16xf32>,
        %swap3A_1636 = vector.shape_cast %swap3A_1635 : vector<1x16xf32> to vector<16xf32>
        %swap3A_1637 = vector.shape_cast %mul3A_1632 : vector<16xf32> to vector<1x16xf32>
        tpu.vector_store %arg15[%swap3A_1633, %swap3A_1634], %swap3A_1637 {strides = array<i32>} : memref<64x128xf32, #tpu.memory_space<vmem>>, vector<1x16xf32>,
        %get3A_1638 = arith.index_cast %add3A_1626 : i32 to index
        %get3A_1639 = arith.constant 16 : index
        %get3A_1640 = tpu.vector_load %arg15[%get3A_1638, %get3A_1639] {strides = array<i32>} : memref<64x128xf32, #tpu.memory_space<vmem>>, vector<1x16xf32>,
        %get3A_1641 = vector.shape_cast %get3A_1640 : vector<1x16xf32> to vector<16xf32>
        %mul3A_1642 = vector.broadcast %squeeze3A_1622 : f32 to vector<16xf32>
        %mul3A_1643 = arith.mulf %get3A_1641, %mul3A_1642 : vector<16xf32>
        %swap3A_1644 = arith.index_cast %add3A_1626 : i32 to index
        %swap3A_1645 = arith.constant 16 : index
        %swap3A_1646 = tpu.vector_load %arg15[%swap3A_1644, %swap3A_1645] {strides = array<i32>} : memref<64x128xf32, #tpu.memory_space<vmem>>, vector<1x16xf32>,
        %swap3A_1647 = vector.shape_cast %swap3A_1646 : vector<1x16xf32> to vector<16xf32>
        %swap3A_1648 = vector.shape_cast %mul3A_1643 : vector<16xf32> to vector<1x16xf32>
        tpu.vector_store %arg15[%swap3A_1644, %swap3A_1645], %swap3A_1648 {strides = array<i32>} : memref<64x128xf32, #tpu.memory_space<vmem>>, vector<1x16xf32>,
        %get3A_1649 = arith.index_cast %add3A_1626 : i32 to index
        %get3A_1650 = arith.constant 32 : index
        %get3A_1651 = tpu.vector_load %arg15[%get3A_1649, %get3A_1650] {strides = array<i32>} : memref<64x128xf32, #tpu.memory_space<vmem>>, vector<1x16xf32>,
        %get3A_1652 = vector.shape_cast %get3A_1651 : vector<1x16xf32> to vector<16xf32>
        %mul3A_1653 = vector.broadcast %squeeze3A_1622 : f32 to vector<16xf32>
        %mul3A_1654 = arith.mulf %get3A_1652, %mul3A_1653 : vector<16xf32>
        %swap3A_1655 = arith.index_cast %add3A_1626 : i32 to index
        %swap3A_1656 = arith.constant 32 : index
        %swap3A_1657 = tpu.vector_load %arg15[%swap3A_1655, %swap3A_1656] {strides = array<i32>} : memref<64x128xf32, #tpu.memory_space<vmem>>, vector<1x16xf32>,
        %swap3A_1658 = vector.shape_cast %swap3A_1657 : vector<1x16xf32> to vector<16xf32>
        %swap3A_1659 = vector.shape_cast %mul3A_1654 : vector<16xf32> to vector<1x16xf32>
        tpu.vector_store %arg15[%swap3A_1655, %swap3A_1656], %swap3A_1659 {strides = array<i32>} : memref<64x128xf32, #tpu.memory_space<vmem>>, vector<1x16xf32>,
        %get3A_1660 = arith.index_cast %add3A_1626 : i32 to index
        %get3A_1661 = arith.constant 48 : index
        %get3A_1662 = tpu.vector_load %arg15[%get3A_1660, %get3A_1661] {strides = array<i32>} : memref<64x128xf32, #tpu.memory_space<vmem>>, vector<1x16xf32>,
        %get3A_1663 = vector.shape_cast %get3A_1662 : vector<1x16xf32> to vector<16xf32>
        %mul3A_1664 = vector.broadcast %squeeze3A_1622 : f32 to vector<16xf32>
        %mul3A_1665 = arith.mulf %get3A_1663, %mul3A_1664 : vector<16xf32>
        %swap3A_1666 = arith.index_cast %add3A_1626 : i32 to index
        %swap3A_1667 = arith.constant 48 : index
        %swap3A_1668 = tpu.vector_load %arg15[%swap3A_1666, %swap3A_1667] {strides = array<i32>} : memref<64x128xf32, #tpu.memory_space<vmem>>, vector<1x16xf32>,
        %swap3A_1669 = vector.shape_cast %swap3A_1668 : vector<1x16xf32> to vector<16xf32>
        %swap3A_1670 = vector.shape_cast %mul3A_1665 : vector<16xf32> to vector<1x16xf32>
        tpu.vector_store %arg15[%swap3A_1666, %swap3A_1667], %swap3A_1670 {strides = array<i32>} : memref<64x128xf32, #tpu.memory_space<vmem>>, vector<1x16xf32>,
        %get3A_1671 = arith.index_cast %add3A_1626 : i32 to index
        %get3A_1672 = arith.constant 64 : index
        %get3A_1673 = tpu.vector_load %arg15[%get3A_1671, %get3A_1672] {strides = array<i32>} : memref<64x128xf32, #tpu.memory_space<vmem>>, vector<1x16xf32>,
        %get3A_1674 = vector.shape_cast %get3A_1673 : vector<1x16xf32> to vector<16xf32>
        %mul3A_1675 = vector.broadcast %squeeze3A_1622 : f32 to vector<16xf32>
        %mul3A_1676 = arith.mulf %get3A_1674, %mul3A_1675 : vector<16xf32>
        %swap3A_1677 = arith.index_cast %add3A_1626 : i32 to index
        %swap3A_1678 = arith.constant 64 : index
        %swap3A_1679 = tpu.vector_load %arg15[%swap3A_1677, %swap3A_1678] {strides = array<i32>} : memref<64x128xf32, #tpu.memory_space<vmem>>, vector<1x16xf32>,
        %swap3A_1680 = vector.shape_cast %swap3A_1679 : vector<1x16xf32> to vector<16xf32>
        %swap3A_1681 = vector.shape_cast %mul3A_1676 : vector<16xf32> to vector<1x16xf32>
        tpu.vector_store %arg15[%swap3A_1677, %swap3A_1678], %swap3A_1681 {strides = array<i32>} : memref<64x128xf32, #tpu.memory_space<vmem>>, vector<1x16xf32>,
        %get3A_1682 = arith.index_cast %add3A_1626 : i32 to index
        %get3A_1683 = arith.constant 80 : index
        %get3A_1684 = tpu.vector_load %arg15[%get3A_1682, %get3A_1683] {strides = array<i32>} : memref<64x128xf32, #tpu.memory_space<vmem>>, vector<1x16xf32>,
        %get3A_1685 = vector.shape_cast %get3A_1684 : vector<1x16xf32> to vector<16xf32>
        %mul3A_1686 = vector.broadcast %squeeze3A_1622 : f32 to vector<16xf32>
        %mul3A_1687 = arith.mulf %get3A_1685, %mul3A_1686 : vector<16xf32>
        %swap3A_1688 = arith.index_cast %add3A_1626 : i32 to index
        %swap3A_1689 = arith.constant 80 : index
        %swap3A_1690 = tpu.vector_load %arg15[%swap3A_1688, %swap3A_1689] {strides = array<i32>} : memref<64x128xf32, #tpu.memory_space<vmem>>, vector<1x16xf32>,
        %swap3A_1691 = vector.shape_cast %swap3A_1690 : vector<1x16xf32> to vector<16xf32>
        %swap3A_1692 = vector.shape_cast %mul3A_1687 : vector<16xf32> to vector<1x16xf32>
        tpu.vector_store %arg15[%swap3A_1688, %swap3A_1689], %swap3A_1692 {strides = array<i32>} : memref<64x128xf32, #tpu.memory_space<vmem>>, vector<1x16xf32>,
        %get3A_1693 = arith.index_cast %add3A_1626 : i32 to index
        %get3A_1694 = arith.constant 96 : index
        %get3A_1695 = tpu.vector_load %arg15[%get3A_1693, %get3A_1694] {strides = array<i32>} : memref<64x128xf32, #tpu.memory_space<vmem>>, vector<1x16xf32>,
        %get3A_1696 = vector.shape_cast %get3A_1695 : vector<1x16xf32> to vector<16xf32>
        %mul3A_1697 = vector.broadcast %squeeze3A_1622 : f32 to vector<16xf32>
        %mul3A_1698 = arith.mulf %get3A_1696, %mul3A_1697 : vector<16xf32>
        %swap3A_1699 = arith.index_cast %add3A_1626 : i32 to index
        %swap3A_1700 = arith.constant 96 : index
        %swap3A_1701 = tpu.vector_load %arg15[%swap3A_1699, %swap3A_1700] {strides = array<i32>} : memref<64x128xf32, #tpu.memory_space<vmem>>, vector<1x16xf32>,
        %swap3A_1702 = vector.shape_cast %swap3A_1701 : vector<1x16xf32> to vector<16xf32>
        %swap3A_1703 = vector.shape_cast %mul3A_1698 : vector<16xf32> to vector<1x16xf32>
        tpu.vector_store %arg15[%swap3A_1699, %swap3A_1700], %swap3A_1703 {strides = array<i32>} : memref<64x128xf32, #tpu.memory_space<vmem>>, vector<1x16xf32>,
        %get3A_1704 = arith.index_cast %add3A_1626 : i32 to index
        %get3A_1705 = arith.constant 112 : index
        %get3A_1706 = tpu.vector_load %arg15[%get3A_1704, %get3A_1705] {strides = array<i32>} : memref<64x128xf32, #tpu.memory_space<vmem>>, vector<1x16xf32>,
        %get3A_1707 = vector.shape_cast %get3A_1706 : vector<1x16xf32> to vector<16xf32>
        %mul3A_1708 = vector.broadcast %squeeze3A_1622 : f32 to vector<16xf32>
        %mul3A_1709 = arith.mulf %get3A_1707, %mul3A_1708 : vector<16xf32>
        %swap3A_1710 = arith.index_cast %add3A_1626 : i32 to index
        %swap3A_1711 = arith.constant 112 : index
        %swap3A_1712 = tpu.vector_load %arg15[%swap3A_1710, %swap3A_1711] {strides = array<i32>} : memref<64x128xf32, #tpu.memory_space<vmem>>, vector<1x16xf32>,
        %swap3A_1713 = vector.shape_cast %swap3A_1712 : vector<1x16xf32> to vector<16xf32>
        %swap3A_1714 = vector.shape_cast %mul3A_1709 : vector<16xf32> to vector<1x16xf32>
        tpu.vector_store %arg15[%swap3A_1710, %swap3A_1711], %swap3A_1714 {strides = array<i32>} : memref<64x128xf32, #tpu.memory_space<vmem>>, vector<1x16xf32>,
        %slice3A_1715 = vector.extract_strided_slice %get3A_494 {offsets = [13], sizes = [1], strides = [1]} : vector<16xf32> to vector<1xf32>
        %squeeze3A_1716 = vector.extract %slice3A_1715[0] : f32 from vector<1xf32>
        %mul3A_1717 = arith.constant 16 : i32
        %mul3A_1718 = arith.muli %add3A_487, %mul3A_1717 : i32
        %add3A_1719 = arith.constant 13 : i32
        %add3A_1720 = arith.addi %mul3A_1718, %add3A_1719 : i32
        %get3A_1721 = arith.index_cast %add3A_1720 : i32 to index
        %get3A_1722 = arith.constant 0 : index
        %get3A_1723 = tpu.vector_load %arg15[%get3A_1721, %get3A_1722] {strides = array<i32>} : memref<64x128xf32, #tpu.memory_space<vmem>>, vector<1x16xf32>,
        %get3A_1724 = vector.shape_cast %get3A_1723 : vector<1x16xf32> to vector<16xf32>
        %mul3A_1725 = vector.broadcast %squeeze3A_1716 : f32 to vector<16xf32>
        %mul3A_1726 = arith.mulf %get3A_1724, %mul3A_1725 : vector<16xf32>
        %swap3A_1727 = arith.index_cast %add3A_1720 : i32 to index
        %swap3A_1728 = arith.constant 0 : index
        %swap3A_1729 = tpu.vector_load %arg15[%swap3A_1727, %swap3A_1728] {strides = array<i32>} : memref<64x128xf32, #tpu.memory_space<vmem>>, vector<1x16xf32>,
        %swap3A_1730 = vector.shape_cast %swap3A_1729 : vector<1x16xf32> to vector<16xf32>
        %swap3A_1731 = vector.shape_cast %mul3A_1726 : vector<16xf32> to vector<1x16xf32>
        tpu.vector_store %arg15[%swap3A_1727, %swap3A_1728], %swap3A_1731 {strides = array<i32>} : memref<64x128xf32, #tpu.memory_space<vmem>>, vector<1x16xf32>,
        %get3A_1732 = arith.index_cast %add3A_1720 : i32 to index
        %get3A_1733 = arith.constant 16 : index
        %get3A_1734 = tpu.vector_load %arg15[%get3A_1732, %get3A_1733] {strides = array<i32>} : memref<64x128xf32, #tpu.memory_space<vmem>>, vector<1x16xf32>,
        %get3A_1735 = vector.shape_cast %get3A_1734 : vector<1x16xf32> to vector<16xf32>
        %mul3A_1736 = vector.broadcast %squeeze3A_1716 : f32 to vector<16xf32>
        %mul3A_1737 = arith.mulf %get3A_1735, %mul3A_1736 : vector<16xf32>
        %swap3A_1738 = arith.index_cast %add3A_1720 : i32 to index
        %swap3A_1739 = arith.constant 16 : index
        %swap3A_1740 = tpu.vector_load %arg15[%swap3A_1738, %swap3A_1739] {strides = array<i32>} : memref<64x128xf32, #tpu.memory_space<vmem>>, vector<1x16xf32>,
        %swap3A_1741 = vector.shape_cast %swap3A_1740 : vector<1x16xf32> to vector<16xf32>
        %swap3A_1742 = vector.shape_cast %mul3A_1737 : vector<16xf32> to vector<1x16xf32>
        tpu.vector_store %arg15[%swap3A_1738, %swap3A_1739], %swap3A_1742 {strides = array<i32>} : memref<64x128xf32, #tpu.memory_space<vmem>>, vector<1x16xf32>,
        %get3A_1743 = arith.index_cast %add3A_1720 : i32 to index
        %get3A_1744 = arith.constant 32 : index
        %get3A_1745 = tpu.vector_load %arg15[%get3A_1743, %get3A_1744] {strides = array<i32>} : memref<64x128xf32, #tpu.memory_space<vmem>>, vector<1x16xf32>,
        %get3A_1746 = vector.shape_cast %get3A_1745 : vector<1x16xf32> to vector<16xf32>
        %mul3A_1747 = vector.broadcast %squeeze3A_1716 : f32 to vector<16xf32>
        %mul3A_1748 = arith.mulf %get3A_1746, %mul3A_1747 : vector<16xf32>
        %swap3A_1749 = arith.index_cast %add3A_1720 : i32 to index
        %swap3A_1750 = arith.constant 32 : index
        %swap3A_1751 = tpu.vector_load %arg15[%swap3A_1749, %swap3A_1750] {strides = array<i32>} : memref<64x128xf32, #tpu.memory_space<vmem>>, vector<1x16xf32>,
        %swap3A_1752 = vector.shape_cast %swap3A_1751 : vector<1x16xf32> to vector<16xf32>
        %swap3A_1753 = vector.shape_cast %mul3A_1748 : vector<16xf32> to vector<1x16xf32>
        tpu.vector_store %arg15[%swap3A_1749, %swap3A_1750], %swap3A_1753 {strides = array<i32>} : memref<64x128xf32, #tpu.memory_space<vmem>>, vector<1x16xf32>,
        %get3A_1754 = arith.index_cast %add3A_1720 : i32 to index
        %get3A_1755 = arith.constant 48 : index
        %get3A_1756 = tpu.vector_load %arg15[%get3A_1754, %get3A_1755] {strides = array<i32>} : memref<64x128xf32, #tpu.memory_space<vmem>>, vector<1x16xf32>,
        %get3A_1757 = vector.shape_cast %get3A_1756 : vector<1x16xf32> to vector<16xf32>
        %mul3A_1758 = vector.broadcast %squeeze3A_1716 : f32 to vector<16xf32>
        %mul3A_1759 = arith.mulf %get3A_1757, %mul3A_1758 : vector<16xf32>
        %swap3A_1760 = arith.index_cast %add3A_1720 : i32 to index
        %swap3A_1761 = arith.constant 48 : index
        %swap3A_1762 = tpu.vector_load %arg15[%swap3A_1760, %swap3A_1761] {strides = array<i32>} : memref<64x128xf32, #tpu.memory_space<vmem>>, vector<1x16xf32>,
        %swap3A_1763 = vector.shape_cast %swap3A_1762 : vector<1x16xf32> to vector<16xf32>
        %swap3A_1764 = vector.shape_cast %mul3A_1759 : vector<16xf32> to vector<1x16xf32>
        tpu.vector_store %arg15[%swap3A_1760, %swap3A_1761], %swap3A_1764 {strides = array<i32>} : memref<64x128xf32, #tpu.memory_space<vmem>>, vector<1x16xf32>,
        %get3A_1765 = arith.index_cast %add3A_1720 : i32 to index
        %get3A_1766 = arith.constant 64 : index
        %get3A_1767 = tpu.vector_load %arg15[%get3A_1765, %get3A_1766] {strides = array<i32>} : memref<64x128xf32, #tpu.memory_space<vmem>>, vector<1x16xf32>,
        %get3A_1768 = vector.shape_cast %get3A_1767 : vector<1x16xf32> to vector<16xf32>
        %mul3A_1769 = vector.broadcast %squeeze3A_1716 : f32 to vector<16xf32>
        %mul3A_1770 = arith.mulf %get3A_1768, %mul3A_1769 : vector<16xf32>
        %swap3A_1771 = arith.index_cast %add3A_1720 : i32 to index
        %swap3A_1772 = arith.constant 64 : index
        %swap3A_1773 = tpu.vector_load %arg15[%swap3A_1771, %swap3A_1772] {strides = array<i32>} : memref<64x128xf32, #tpu.memory_space<vmem>>, vector<1x16xf32>,
        %swap3A_1774 = vector.shape_cast %swap3A_1773 : vector<1x16xf32> to vector<16xf32>
        %swap3A_1775 = vector.shape_cast %mul3A_1770 : vector<16xf32> to vector<1x16xf32>
        tpu.vector_store %arg15[%swap3A_1771, %swap3A_1772], %swap3A_1775 {strides = array<i32>} : memref<64x128xf32, #tpu.memory_space<vmem>>, vector<1x16xf32>,
        %get3A_1776 = arith.index_cast %add3A_1720 : i32 to index
        %get3A_1777 = arith.constant 80 : index
        %get3A_1778 = tpu.vector_load %arg15[%get3A_1776, %get3A_1777] {strides = array<i32>} : memref<64x128xf32, #tpu.memory_space<vmem>>, vector<1x16xf32>,
        %get3A_1779 = vector.shape_cast %get3A_1778 : vector<1x16xf32> to vector<16xf32>
        %mul3A_1780 = vector.broadcast %squeeze3A_1716 : f32 to vector<16xf32>
        %mul3A_1781 = arith.mulf %get3A_1779, %mul3A_1780 : vector<16xf32>
        %swap3A_1782 = arith.index_cast %add3A_1720 : i32 to index
        %swap3A_1783 = arith.constant 80 : index
        %swap3A_1784 = tpu.vector_load %arg15[%swap3A_1782, %swap3A_1783] {strides = array<i32>} : memref<64x128xf32, #tpu.memory_space<vmem>>, vector<1x16xf32>,
        %swap3A_1785 = vector.shape_cast %swap3A_1784 : vector<1x16xf32> to vector<16xf32>
        %swap3A_1786 = vector.shape_cast %mul3A_1781 : vector<16xf32> to vector<1x16xf32>
        tpu.vector_store %arg15[%swap3A_1782, %swap3A_1783], %swap3A_1786 {strides = array<i32>} : memref<64x128xf32, #tpu.memory_space<vmem>>, vector<1x16xf32>,
        %get3A_1787 = arith.index_cast %add3A_1720 : i32 to index
        %get3A_1788 = arith.constant 96 : index
        %get3A_1789 = tpu.vector_load %arg15[%get3A_1787, %get3A_1788] {strides = array<i32>} : memref<64x128xf32, #tpu.memory_space<vmem>>, vector<1x16xf32>,
        %get3A_1790 = vector.shape_cast %get3A_1789 : vector<1x16xf32> to vector<16xf32>
        %mul3A_1791 = vector.broadcast %squeeze3A_1716 : f32 to vector<16xf32>
        %mul3A_1792 = arith.mulf %get3A_1790, %mul3A_1791 : vector<16xf32>
        %swap3A_1793 = arith.index_cast %add3A_1720 : i32 to index
        %swap3A_1794 = arith.constant 96 : index
        %swap3A_1795 = tpu.vector_load %arg15[%swap3A_1793, %swap3A_1794] {strides = array<i32>} : memref<64x128xf32, #tpu.memory_space<vmem>>, vector<1x16xf32>,
        %swap3A_1796 = vector.shape_cast %swap3A_1795 : vector<1x16xf32> to vector<16xf32>
        %swap3A_1797 = vector.shape_cast %mul3A_1792 : vector<16xf32> to vector<1x16xf32>
        tpu.vector_store %arg15[%swap3A_1793, %swap3A_1794], %swap3A_1797 {strides = array<i32>} : memref<64x128xf32, #tpu.memory_space<vmem>>, vector<1x16xf32>,
        %get3A_1798 = arith.index_cast %add3A_1720 : i32 to index
        %get3A_1799 = arith.constant 112 : index
        %get3A_1800 = tpu.vector_load %arg15[%get3A_1798, %get3A_1799] {strides = array<i32>} : memref<64x128xf32, #tpu.memory_space<vmem>>, vector<1x16xf32>,
        %get3A_1801 = vector.shape_cast %get3A_1800 : vector<1x16xf32> to vector<16xf32>
        %mul3A_1802 = vector.broadcast %squeeze3A_1716 : f32 to vector<16xf32>
        %mul3A_1803 = arith.mulf %get3A_1801, %mul3A_1802 : vector<16xf32>
        %swap3A_1804 = arith.index_cast %add3A_1720 : i32 to index
        %swap3A_1805 = arith.constant 112 : index
        %swap3A_1806 = tpu.vector_load %arg15[%swap3A_1804, %swap3A_1805] {strides = array<i32>} : memref<64x128xf32, #tpu.memory_space<vmem>>, vector<1x16xf32>,
        %swap3A_1807 = vector.shape_cast %swap3A_1806 : vector<1x16xf32> to vector<16xf32>
        %swap3A_1808 = vector.shape_cast %mul3A_1803 : vector<16xf32> to vector<1x16xf32>
        tpu.vector_store %arg15[%swap3A_1804, %swap3A_1805], %swap3A_1808 {strides = array<i32>} : memref<64x128xf32, #tpu.memory_space<vmem>>, vector<1x16xf32>,
        %slice3A_1809 = vector.extract_strided_slice %get3A_494 {offsets = [14], sizes = [1], strides = [1]} : vector<16xf32> to vector<1xf32>
        %squeeze3A_1810 = vector.extract %slice3A_1809[0] : f32 from vector<1xf32>
        %mul3A_1811 = arith.constant 16 : i32
        %mul3A_1812 = arith.muli %add3A_487, %mul3A_1811 : i32
        %add3A_1813 = arith.constant 14 : i32
        %add3A_1814 = arith.addi %mul3A_1812, %add3A_1813 : i32
        %get3A_1815 = arith.index_cast %add3A_1814 : i32 to index
        %get3A_1816 = arith.constant 0 : index
        %get3A_1817 = tpu.vector_load %arg15[%get3A_1815, %get3A_1816] {strides = array<i32>} : memref<64x128xf32, #tpu.memory_space<vmem>>, vector<1x16xf32>,
        %get3A_1818 = vector.shape_cast %get3A_1817 : vector<1x16xf32> to vector<16xf32>
        %mul3A_1819 = vector.broadcast %squeeze3A_1810 : f32 to vector<16xf32>
        %mul3A_1820 = arith.mulf %get3A_1818, %mul3A_1819 : vector<16xf32>
        %swap3A_1821 = arith.index_cast %add3A_1814 : i32 to index
        %swap3A_1822 = arith.constant 0 : index
        %swap3A_1823 = tpu.vector_load %arg15[%swap3A_1821, %swap3A_1822] {strides = array<i32>} : memref<64x128xf32, #tpu.memory_space<vmem>>, vector<1x16xf32>,
        %swap3A_1824 = vector.shape_cast %swap3A_1823 : vector<1x16xf32> to vector<16xf32>
        %swap3A_1825 = vector.shape_cast %mul3A_1820 : vector<16xf32> to vector<1x16xf32>
        tpu.vector_store %arg15[%swap3A_1821, %swap3A_1822], %swap3A_1825 {strides = array<i32>} : memref<64x128xf32, #tpu.memory_space<vmem>>, vector<1x16xf32>,
        %get3A_1826 = arith.index_cast %add3A_1814 : i32 to index
        %get3A_1827 = arith.constant 16 : index
        %get3A_1828 = tpu.vector_load %arg15[%get3A_1826, %get3A_1827] {strides = array<i32>} : memref<64x128xf32, #tpu.memory_space<vmem>>, vector<1x16xf32>,
        %get3A_1829 = vector.shape_cast %get3A_1828 : vector<1x16xf32> to vector<16xf32>
        %mul3A_1830 = vector.broadcast %squeeze3A_1810 : f32 to vector<16xf32>
        %mul3A_1831 = arith.mulf %get3A_1829, %mul3A_1830 : vector<16xf32>
        %swap3A_1832 = arith.index_cast %add3A_1814 : i32 to index
        %swap3A_1833 = arith.constant 16 : index
        %swap3A_1834 = tpu.vector_load %arg15[%swap3A_1832, %swap3A_1833] {strides = array<i32>} : memref<64x128xf32, #tpu.memory_space<vmem>>, vector<1x16xf32>,
        %swap3A_1835 = vector.shape_cast %swap3A_1834 : vector<1x16xf32> to vector<16xf32>
        %swap3A_1836 = vector.shape_cast %mul3A_1831 : vector<16xf32> to vector<1x16xf32>
        tpu.vector_store %arg15[%swap3A_1832, %swap3A_1833], %swap3A_1836 {strides = array<i32>} : memref<64x128xf32, #tpu.memory_space<vmem>>, vector<1x16xf32>,
        %get3A_1837 = arith.index_cast %add3A_1814 : i32 to index
        %get3A_1838 = arith.constant 32 : index
        %get3A_1839 = tpu.vector_load %arg15[%get3A_1837, %get3A_1838] {strides = array<i32>} : memref<64x128xf32, #tpu.memory_space<vmem>>, vector<1x16xf32>,
        %get3A_1840 = vector.shape_cast %get3A_1839 : vector<1x16xf32> to vector<16xf32>
        %mul3A_1841 = vector.broadcast %squeeze3A_1810 : f32 to vector<16xf32>
        %mul3A_1842 = arith.mulf %get3A_1840, %mul3A_1841 : vector<16xf32>
        %swap3A_1843 = arith.index_cast %add3A_1814 : i32 to index
        %swap3A_1844 = arith.constant 32 : index
        %swap3A_1845 = tpu.vector_load %arg15[%swap3A_1843, %swap3A_1844] {strides = array<i32>} : memref<64x128xf32, #tpu.memory_space<vmem>>, vector<1x16xf32>,
        %swap3A_1846 = vector.shape_cast %swap3A_1845 : vector<1x16xf32> to vector<16xf32>
        %swap3A_1847 = vector.shape_cast %mul3A_1842 : vector<16xf32> to vector<1x16xf32>
        tpu.vector_store %arg15[%swap3A_1843, %swap3A_1844], %swap3A_1847 {strides = array<i32>} : memref<64x128xf32, #tpu.memory_space<vmem>>, vector<1x16xf32>,
        %get3A_1848 = arith.index_cast %add3A_1814 : i32 to index
        %get3A_1849 = arith.constant 48 : index
        %get3A_1850 = tpu.vector_load %arg15[%get3A_1848, %get3A_1849] {strides = array<i32>} : memref<64x128xf32, #tpu.memory_space<vmem>>, vector<1x16xf32>,
        %get3A_1851 = vector.shape_cast %get3A_1850 : vector<1x16xf32> to vector<16xf32>
        %mul3A_1852 = vector.broadcast %squeeze3A_1810 : f32 to vector<16xf32>
        %mul3A_1853 = arith.mulf %get3A_1851, %mul3A_1852 : vector<16xf32>
        %swap3A_1854 = arith.index_cast %add3A_1814 : i32 to index
        %swap3A_1855 = arith.constant 48 : index
        %swap3A_1856 = tpu.vector_load %arg15[%swap3A_1854, %swap3A_1855] {strides = array<i32>} : memref<64x128xf32, #tpu.memory_space<vmem>>, vector<1x16xf32>,
        %swap3A_1857 = vector.shape_cast %swap3A_1856 : vector<1x16xf32> to vector<16xf32>
        %swap3A_1858 = vector.shape_cast %mul3A_1853 : vector<16xf32> to vector<1x16xf32>
        tpu.vector_store %arg15[%swap3A_1854, %swap3A_1855], %swap3A_1858 {strides = array<i32>} : memref<64x128xf32, #tpu.memory_space<vmem>>, vector<1x16xf32>,
        %get3A_1859 = arith.index_cast %add3A_1814 : i32 to index
        %get3A_1860 = arith.constant 64 : index
        %get3A_1861 = tpu.vector_load %arg15[%get3A_1859, %get3A_1860] {strides = array<i32>} : memref<64x128xf32, #tpu.memory_space<vmem>>, vector<1x16xf32>,
        %get3A_1862 = vector.shape_cast %get3A_1861 : vector<1x16xf32> to vector<16xf32>
        %mul3A_1863 = vector.broadcast %squeeze3A_1810 : f32 to vector<16xf32>
        %mul3A_1864 = arith.mulf %get3A_1862, %mul3A_1863 : vector<16xf32>
        %swap3A_1865 = arith.index_cast %add3A_1814 : i32 to index
        %swap3A_1866 = arith.constant 64 : index
        %swap3A_1867 = tpu.vector_load %arg15[%swap3A_1865, %swap3A_1866] {strides = array<i32>} : memref<64x128xf32, #tpu.memory_space<vmem>>, vector<1x16xf32>,
        %swap3A_1868 = vector.shape_cast %swap3A_1867 : vector<1x16xf32> to vector<16xf32>
        %swap3A_1869 = vector.shape_cast %mul3A_1864 : vector<16xf32> to vector<1x16xf32>
        tpu.vector_store %arg15[%swap3A_1865, %swap3A_1866], %swap3A_1869 {strides = array<i32>} : memref<64x128xf32, #tpu.memory_space<vmem>>, vector<1x16xf32>,
        %get3A_1870 = arith.index_cast %add3A_1814 : i32 to index
        %get3A_1871 = arith.constant 80 : index
        %get3A_1872 = tpu.vector_load %arg15[%get3A_1870, %get3A_1871] {strides = array<i32>} : memref<64x128xf32, #tpu.memory_space<vmem>>, vector<1x16xf32>,
        %get3A_1873 = vector.shape_cast %get3A_1872 : vector<1x16xf32> to vector<16xf32>
        %mul3A_1874 = vector.broadcast %squeeze3A_1810 : f32 to vector<16xf32>
        %mul3A_1875 = arith.mulf %get3A_1873, %mul3A_1874 : vector<16xf32>
        %swap3A_1876 = arith.index_cast %add3A_1814 : i32 to index
        %swap3A_1877 = arith.constant 80 : index
        %swap3A_1878 = tpu.vector_load %arg15[%swap3A_1876, %swap3A_1877] {strides = array<i32>} : memref<64x128xf32, #tpu.memory_space<vmem>>, vector<1x16xf32>,
        %swap3A_1879 = vector.shape_cast %swap3A_1878 : vector<1x16xf32> to vector<16xf32>
        %swap3A_1880 = vector.shape_cast %mul3A_1875 : vector<16xf32> to vector<1x16xf32>
        tpu.vector_store %arg15[%swap3A_1876, %swap3A_1877], %swap3A_1880 {strides = array<i32>} : memref<64x128xf32, #tpu.memory_space<vmem>>, vector<1x16xf32>,
        %get3A_1881 = arith.index_cast %add3A_1814 : i32 to index
        %get3A_1882 = arith.constant 96 : index
        %get3A_1883 = tpu.vector_load %arg15[%get3A_1881, %get3A_1882] {strides = array<i32>} : memref<64x128xf32, #tpu.memory_space<vmem>>, vector<1x16xf32>,
        %get3A_1884 = vector.shape_cast %get3A_1883 : vector<1x16xf32> to vector<16xf32>
        %mul3A_1885 = vector.broadcast %squeeze3A_1810 : f32 to vector<16xf32>
        %mul3A_1886 = arith.mulf %get3A_1884, %mul3A_1885 : vector<16xf32>
        %swap3A_1887 = arith.index_cast %add3A_1814 : i32 to index
        %swap3A_1888 = arith.constant 96 : index
        %swap3A_1889 = tpu.vector_load %arg15[%swap3A_1887, %swap3A_1888] {strides = array<i32>} : memref<64x128xf32, #tpu.memory_space<vmem>>, vector<1x16xf32>,
        %swap3A_1890 = vector.shape_cast %swap3A_1889 : vector<1x16xf32> to vector<16xf32>
        %swap3A_1891 = vector.shape_cast %mul3A_1886 : vector<16xf32> to vector<1x16xf32>
        tpu.vector_store %arg15[%swap3A_1887, %swap3A_1888], %swap3A_1891 {strides = array<i32>} : memref<64x128xf32, #tpu.memory_space<vmem>>, vector<1x16xf32>,
        %get3A_1892 = arith.index_cast %add3A_1814 : i32 to index
        %get3A_1893 = arith.constant 112 : index
        %get3A_1894 = tpu.vector_load %arg15[%get3A_1892, %get3A_1893] {strides = array<i32>} : memref<64x128xf32, #tpu.memory_space<vmem>>, vector<1x16xf32>,
        %get3A_1895 = vector.shape_cast %get3A_1894 : vector<1x16xf32> to vector<16xf32>
        %mul3A_1896 = vector.broadcast %squeeze3A_1810 : f32 to vector<16xf32>
        %mul3A_1897 = arith.mulf %get3A_1895, %mul3A_1896 : vector<16xf32>
        %swap3A_1898 = arith.index_cast %add3A_1814 : i32 to index
        %swap3A_1899 = arith.constant 112 : index
        %swap3A_1900 = tpu.vector_load %arg15[%swap3A_1898, %swap3A_1899] {strides = array<i32>} : memref<64x128xf32, #tpu.memory_space<vmem>>, vector<1x16xf32>,
        %swap3A_1901 = vector.shape_cast %swap3A_1900 : vector<1x16xf32> to vector<16xf32>
        %swap3A_1902 = vector.shape_cast %mul3A_1897 : vector<16xf32> to vector<1x16xf32>
        tpu.vector_store %arg15[%swap3A_1898, %swap3A_1899], %swap3A_1902 {strides = array<i32>} : memref<64x128xf32, #tpu.memory_space<vmem>>, vector<1x16xf32>,
        %slice3A_1903 = vector.extract_strided_slice %get3A_494 {offsets = [15], sizes = [1], strides = [1]} : vector<16xf32> to vector<1xf32>
        %squeeze3A_1904 = vector.extract %slice3A_1903[0] : f32 from vector<1xf32>
        %mul3A_1905 = arith.constant 16 : i32
        %mul3A_1906 = arith.muli %add3A_487, %mul3A_1905 : i32
        %add3A_1907 = arith.constant 15 : i32
        %add3A_1908 = arith.addi %mul3A_1906, %add3A_1907 : i32
        %get3A_1909 = arith.index_cast %add3A_1908 : i32 to index
        %get3A_1910 = arith.constant 0 : index
        %get3A_1911 = tpu.vector_load %arg15[%get3A_1909, %get3A_1910] {strides = array<i32>} : memref<64x128xf32, #tpu.memory_space<vmem>>, vector<1x16xf32>,
        %get3A_1912 = vector.shape_cast %get3A_1911 : vector<1x16xf32> to vector<16xf32>
        %mul3A_1913 = vector.broadcast %squeeze3A_1904 : f32 to vector<16xf32>
        %mul3A_1914 = arith.mulf %get3A_1912, %mul3A_1913 : vector<16xf32>
        %swap3A_1915 = arith.index_cast %add3A_1908 : i32 to index
        %swap3A_1916 = arith.constant 0 : index
        %swap3A_1917 = tpu.vector_load %arg15[%swap3A_1915, %swap3A_1916] {strides = array<i32>} : memref<64x128xf32, #tpu.memory_space<vmem>>, vector<1x16xf32>,
        %swap3A_1918 = vector.shape_cast %swap3A_1917 : vector<1x16xf32> to vector<16xf32>
        %swap3A_1919 = vector.shape_cast %mul3A_1914 : vector<16xf32> to vector<1x16xf32>
        tpu.vector_store %arg15[%swap3A_1915, %swap3A_1916], %swap3A_1919 {strides = array<i32>} : memref<64x128xf32, #tpu.memory_space<vmem>>, vector<1x16xf32>,
        %get3A_1920 = arith.index_cast %add3A_1908 : i32 to index
        %get3A_1921 = arith.constant 16 : index
        %get3A_1922 = tpu.vector_load %arg15[%get3A_1920, %get3A_1921] {strides = array<i32>} : memref<64x128xf32, #tpu.memory_space<vmem>>, vector<1x16xf32>,
        %get3A_1923 = vector.shape_cast %get3A_1922 : vector<1x16xf32> to vector<16xf32>
        %mul3A_1924 = vector.broadcast %squeeze3A_1904 : f32 to vector<16xf32>
        %mul3A_1925 = arith.mulf %get3A_1923, %mul3A_1924 : vector<16xf32>
        %swap3A_1926 = arith.index_cast %add3A_1908 : i32 to index
        %swap3A_1927 = arith.constant 16 : index
        %swap3A_1928 = tpu.vector_load %arg15[%swap3A_1926, %swap3A_1927] {strides = array<i32>} : memref<64x128xf32, #tpu.memory_space<vmem>>, vector<1x16xf32>,
        %swap3A_1929 = vector.shape_cast %swap3A_1928 : vector<1x16xf32> to vector<16xf32>
        %swap3A_1930 = vector.shape_cast %mul3A_1925 : vector<16xf32> to vector<1x16xf32>
        tpu.vector_store %arg15[%swap3A_1926, %swap3A_1927], %swap3A_1930 {strides = array<i32>} : memref<64x128xf32, #tpu.memory_space<vmem>>, vector<1x16xf32>,
        %get3A_1931 = arith.index_cast %add3A_1908 : i32 to index
        %get3A_1932 = arith.constant 32 : index
        %get3A_1933 = tpu.vector_load %arg15[%get3A_1931, %get3A_1932] {strides = array<i32>} : memref<64x128xf32, #tpu.memory_space<vmem>>, vector<1x16xf32>,
        %get3A_1934 = vector.shape_cast %get3A_1933 : vector<1x16xf32> to vector<16xf32>
        %mul3A_1935 = vector.broadcast %squeeze3A_1904 : f32 to vector<16xf32>
        %mul3A_1936 = arith.mulf %get3A_1934, %mul3A_1935 : vector<16xf32>
        %swap3A_1937 = arith.index_cast %add3A_1908 : i32 to index
        %swap3A_1938 = arith.constant 32 : index
        %swap3A_1939 = tpu.vector_load %arg15[%swap3A_1937, %swap3A_1938] {strides = array<i32>} : memref<64x128xf32, #tpu.memory_space<vmem>>, vector<1x16xf32>,
        %swap3A_1940 = vector.shape_cast %swap3A_1939 : vector<1x16xf32> to vector<16xf32>
        %swap3A_1941 = vector.shape_cast %mul3A_1936 : vector<16xf32> to vector<1x16xf32>
        tpu.vector_store %arg15[%swap3A_1937, %swap3A_1938], %swap3A_1941 {strides = array<i32>} : memref<64x128xf32, #tpu.memory_space<vmem>>, vector<1x16xf32>,
        %get3A_1942 = arith.index_cast %add3A_1908 : i32 to index
        %get3A_1943 = arith.constant 48 : index
        %get3A_1944 = tpu.vector_load %arg15[%get3A_1942, %get3A_1943] {strides = array<i32>} : memref<64x128xf32, #tpu.memory_space<vmem>>, vector<1x16xf32>,
        %get3A_1945 = vector.shape_cast %get3A_1944 : vector<1x16xf32> to vector<16xf32>
        %mul3A_1946 = vector.broadcast %squeeze3A_1904 : f32 to vector<16xf32>
        %mul3A_1947 = arith.mulf %get3A_1945, %mul3A_1946 : vector<16xf32>
        %swap3A_1948 = arith.index_cast %add3A_1908 : i32 to index
        %swap3A_1949 = arith.constant 48 : index
        %swap3A_1950 = tpu.vector_load %arg15[%swap3A_1948, %swap3A_1949] {strides = array<i32>} : memref<64x128xf32, #tpu.memory_space<vmem>>, vector<1x16xf32>,
        %swap3A_1951 = vector.shape_cast %swap3A_1950 : vector<1x16xf32> to vector<16xf32>
        %swap3A_1952 = vector.shape_cast %mul3A_1947 : vector<16xf32> to vector<1x16xf32>
        tpu.vector_store %arg15[%swap3A_1948, %swap3A_1949], %swap3A_1952 {strides = array<i32>} : memref<64x128xf32, #tpu.memory_space<vmem>>, vector<1x16xf32>,
        %get3A_1953 = arith.index_cast %add3A_1908 : i32 to index
        %get3A_1954 = arith.constant 64 : index
        %get3A_1955 = tpu.vector_load %arg15[%get3A_1953, %get3A_1954] {strides = array<i32>} : memref<64x128xf32, #tpu.memory_space<vmem>>, vector<1x16xf32>,
        %get3A_1956 = vector.shape_cast %get3A_1955 : vector<1x16xf32> to vector<16xf32>
        %mul3A_1957 = vector.broadcast %squeeze3A_1904 : f32 to vector<16xf32>
        %mul3A_1958 = arith.mulf %get3A_1956, %mul3A_1957 : vector<16xf32>
        %swap3A_1959 = arith.index_cast %add3A_1908 : i32 to index
        %swap3A_1960 = arith.constant 64 : index
        %swap3A_1961 = tpu.vector_load %arg15[%swap3A_1959, %swap3A_1960] {strides = array<i32>} : memref<64x128xf32, #tpu.memory_space<vmem>>, vector<1x16xf32>,
        %swap3A_1962 = vector.shape_cast %swap3A_1961 : vector<1x16xf32> to vector<16xf32>
        %swap3A_1963 = vector.shape_cast %mul3A_1958 : vector<16xf32> to vector<1x16xf32>
        tpu.vector_store %arg15[%swap3A_1959, %swap3A_1960], %swap3A_1963 {strides = array<i32>} : memref<64x128xf32, #tpu.memory_space<vmem>>, vector<1x16xf32>,
        %get3A_1964 = arith.index_cast %add3A_1908 : i32 to index
        %get3A_1965 = arith.constant 80 : index
        %get3A_1966 = tpu.vector_load %arg15[%get3A_1964, %get3A_1965] {strides = array<i32>} : memref<64x128xf32, #tpu.memory_space<vmem>>, vector<1x16xf32>,
        %get3A_1967 = vector.shape_cast %get3A_1966 : vector<1x16xf32> to vector<16xf32>
        %mul3A_1968 = vector.broadcast %squeeze3A_1904 : f32 to vector<16xf32>
        %mul3A_1969 = arith.mulf %get3A_1967, %mul3A_1968 : vector<16xf32>
        %swap3A_1970 = arith.index_cast %add3A_1908 : i32 to index
        %swap3A_1971 = arith.constant 80 : index
        %swap3A_1972 = tpu.vector_load %arg15[%swap3A_1970, %swap3A_1971] {strides = array<i32>} : memref<64x128xf32, #tpu.memory_space<vmem>>, vector<1x16xf32>,
        %swap3A_1973 = vector.shape_cast %swap3A_1972 : vector<1x16xf32> to vector<16xf32>
        %swap3A_1974 = vector.shape_cast %mul3A_1969 : vector<16xf32> to vector<1x16xf32>
        tpu.vector_store %arg15[%swap3A_1970, %swap3A_1971], %swap3A_1974 {strides = array<i32>} : memref<64x128xf32, #tpu.memory_space<vmem>>, vector<1x16xf32>,
        %get3A_1975 = arith.index_cast %add3A_1908 : i32 to index
        %get3A_1976 = arith.constant 96 : index
        %get3A_1977 = tpu.vector_load %arg15[%get3A_1975, %get3A_1976] {strides = array<i32>} : memref<64x128xf32, #tpu.memory_space<vmem>>, vector<1x16xf32>,
        %get3A_1978 = vector.shape_cast %get3A_1977 : vector<1x16xf32> to vector<16xf32>
        %mul3A_1979 = vector.broadcast %squeeze3A_1904 : f32 to vector<16xf32>
        %mul3A_1980 = arith.mulf %get3A_1978, %mul3A_1979 : vector<16xf32>
        %swap3A_1981 = arith.index_cast %add3A_1908 : i32 to index
        %swap3A_1982 = arith.constant 96 : index
        %swap3A_1983 = tpu.vector_load %arg15[%swap3A_1981, %swap3A_1982] {strides = array<i32>} : memref<64x128xf32, #tpu.memory_space<vmem>>, vector<1x16xf32>,
        %swap3A_1984 = vector.shape_cast %swap3A_1983 : vector<1x16xf32> to vector<16xf32>
        %swap3A_1985 = vector.shape_cast %mul3A_1980 : vector<16xf32> to vector<1x16xf32>
        tpu.vector_store %arg15[%swap3A_1981, %swap3A_1982], %swap3A_1985 {strides = array<i32>} : memref<64x128xf32, #tpu.memory_space<vmem>>, vector<1x16xf32>,
        %get3A_1986 = arith.index_cast %add3A_1908 : i32 to index
        %get3A_1987 = arith.constant 112 : index
        %get3A_1988 = tpu.vector_load %arg15[%get3A_1986, %get3A_1987] {strides = array<i32>} : memref<64x128xf32, #tpu.memory_space<vmem>>, vector<1x16xf32>,
        %get3A_1989 = vector.shape_cast %get3A_1988 : vector<1x16xf32> to vector<16xf32>
        %mul3A_1990 = vector.broadcast %squeeze3A_1904 : f32 to vector<16xf32>
        %mul3A_1991 = arith.mulf %get3A_1989, %mul3A_1990 : vector<16xf32>
        %swap3A_1992 = arith.index_cast %add3A_1908 : i32 to index
        %swap3A_1993 = arith.constant 112 : index
        %swap3A_1994 = tpu.vector_load %arg15[%swap3A_1992, %swap3A_1993] {strides = array<i32>} : memref<64x128xf32, #tpu.memory_space<vmem>>, vector<1x16xf32>,
        %swap3A_1995 = vector.shape_cast %swap3A_1994 : vector<1x16xf32> to vector<16xf32>
        %swap3A_1996 = vector.shape_cast %mul3A_1991 : vector<16xf32> to vector<1x16xf32>
        tpu.vector_store %arg15[%swap3A_1992, %swap3A_1993], %swap3A_1996 {strides = array<i32>} : memref<64x128xf32, #tpu.memory_space<vmem>>, vector<1x16xf32>,
      }
      %scan3A_179 = arith.constant 4 : i32
      %jit3A_180 = arith.constant 2 : i32
      %div3A_181 = arith.divsi %add3A_52, %jit3A_180 : i32
      %sign3A_182 = arith.constant 0 : i32
      %sign3A_183 = arith.cmpi sgt, %add3A_52, %sign3A_182 : i32
      %sign3A_184 = arith.extui %sign3A_183 : i1 to i32
      %sign3A_185 = arith.constant 0 : i32
      %sign3A_186 = arith.cmpi slt, %add3A_52, %sign3A_185 : i32
      %sign3A_187 = arith.extui %sign3A_186 : i1 to i32
      %sign3A_188 = arith.subi %sign3A_184, %sign3A_187 : i32
      %sign3A_189 = arith.constant 0 : i32
      %sign3A_190 = arith.cmpi sgt, %jit3A_180, %sign3A_189 : i32
      %sign3A_191 = arith.extui %sign3A_190 : i1 to i32
      %sign3A_192 = arith.constant 0 : i32
      %sign3A_193 = arith.cmpi slt, %jit3A_180, %sign3A_192 : i32
      %sign3A_194 = arith.extui %sign3A_193 : i1 to i32
      %sign3A_195 = arith.subi %sign3A_191, %sign3A_194 : i32
      %ne3A_196 = arith.cmpi ne, %sign3A_188, %sign3A_195 : i32
      %rem3A_197 = arith.remsi %add3A_52, %jit3A_180 : i32
      %ne3A_198 = arith.constant 0 : i32
      %ne3A_199 = arith.cmpi ne, %rem3A_197, %ne3A_198 : i32
      %and3A_200 = arith.andi %ne3A_196, %ne3A_199 : i1
      %sub3A_201 = arith.constant 1 : i32
      %sub3A_202 = arith.subi %div3A_181, %sub3A_201 : i32
      %select_n3A_203 = arith.select %and3A_200, %sub3A_202, %div3A_181 : i32
      %jit3A_204 = arith.constant 2 : i32
      %eq3A_205 = arith.constant 0 : i32
      %eq3A_206 = arith.cmpi eq, %jit3A_204, %eq3A_205 : i32
      %jit3A_207 = arith.constant 1 : i32
      %select_n3A_208 = arith.select %eq3A_206, %jit3A_207, %jit3A_204 : i32
      %rem3A_209 = arith.remsi %add3A_52, %select_n3A_208 : i32
      %ne3A_210 = arith.constant 0 : i32
      %ne3A_211 = arith.cmpi ne, %rem3A_209, %ne3A_210 : i32
      %lt3A_212 = arith.constant 0 : i32
      %lt3A_213 = arith.cmpi slt, %rem3A_209, %lt3A_212 : i32
      %lt3A_214 = arith.constant 0 : i32
      %lt3A_215 = arith.cmpi slt, %select_n3A_208, %lt3A_214 : i32
      %ne3A_216 = arith.xori %lt3A_213, %lt3A_215 : i1
      %and3A_217 = arith.andi %ne3A_216, %ne3A_211 : i1
      %add3A_218 = arith.addi %rem3A_209, %select_n3A_208 : i32
      %select_n3A_219 = arith.select %and3A_217, %add3A_218, %rem3A_209 : i32
      %mul3A_220 = arith.constant 64 : i32
      %mul3A_221 = arith.muli %select_n3A_219, %mul3A_220 : i32
      %add3A_222 = arith.constant 0 : i32
      %add3A_223 = arith.addi %mul3A_221, %add3A_222 : i32
      %get3A_224 = arith.index_cast %select_n3A_203 : i32 to index
      %get3A_225 = arith.index_cast %add3A_223 : i32 to index
      %get3A_226 = tpu.vector_load %arg9[%get3A_224, %get3A_225] {strides = array<i32>} : memref<80x128xi32, #tpu.memory_space<vmem>>, vector<1x16xi32>,
      %get3A_227 = vector.shape_cast %get3A_226 : vector<1x16xi32> to vector<16xi32>
      %swap3A_228 = arith.constant 0 : index
      %swap3A_229 = tpu.vector_load %arg13[%swap3A_228] {strides = array<i32>} : memref<64xi32, #tpu.memory_space<vmem>>, vector<16xi32>,
      %swap3A_230 = vector.shape_cast %swap3A_229 : vector<16xi32> to vector<16xi32>
      %swap3A_231 = vector.shape_cast %get3A_227 : vector<16xi32> to vector<16xi32>
      tpu.vector_store %arg13[%swap3A_228], %swap3A_231 {strides = array<i32>} : memref<64xi32, #tpu.memory_space<vmem>>, vector<16xi32>,
      %add3A_232 = arith.constant 16 : i32
      %add3A_233 = arith.addi %mul3A_221, %add3A_232 : i32
      %get3A_234 = arith.index_cast %select_n3A_203 : i32 to index
      %get3A_235 = arith.index_cast %add3A_233 : i32 to index
      %get3A_236 = tpu.vector_load %arg9[%get3A_234, %get3A_235] {strides = array<i32>} : memref<80x128xi32, #tpu.memory_space<vmem>>, vector<1x16xi32>,
      %get3A_237 = vector.shape_cast %get3A_236 : vector<1x16xi32> to vector<16xi32>
      %swap3A_238 = arith.constant 16 : index
      %swap3A_239 = tpu.vector_load %arg13[%swap3A_238] {strides = array<i32>} : memref<64xi32, #tpu.memory_space<vmem>>, vector<16xi32>,
      %swap3A_240 = vector.shape_cast %swap3A_239 : vector<16xi32> to vector<16xi32>
      %swap3A_241 = vector.shape_cast %get3A_237 : vector<16xi32> to vector<16xi32>
      tpu.vector_store %arg13[%swap3A_238], %swap3A_241 {strides = array<i32>} : memref<64xi32, #tpu.memory_space<vmem>>, vector<16xi32>,
      %add3A_242 = arith.constant 32 : i32
      %add3A_243 = arith.addi %mul3A_221, %add3A_242 : i32
      %get3A_244 = arith.index_cast %select_n3A_203 : i32 to index
      %get3A_245 = arith.index_cast %add3A_243 : i32 to index
      %get3A_246 = tpu.vector_load %arg9[%get3A_244, %get3A_245] {strides = array<i32>} : memref<80x128xi32, #tpu.memory_space<vmem>>, vector<1x16xi32>,
      %get3A_247 = vector.shape_cast %get3A_246 : vector<1x16xi32> to vector<16xi32>
      %swap3A_248 = arith.constant 32 : index
      %swap3A_249 = tpu.vector_load %arg13[%swap3A_248] {strides = array<i32>} : memref<64xi32, #tpu.memory_space<vmem>>, vector<16xi32>,
      %swap3A_250 = vector.shape_cast %swap3A_249 : vector<16xi32> to vector<16xi32>
      %swap3A_251 = vector.shape_cast %get3A_247 : vector<16xi32> to vector<16xi32>
      tpu.vector_store %arg13[%swap3A_248], %swap3A_251 {strides = array<i32>} : memref<64xi32, #tpu.memory_space<vmem>>, vector<16xi32>,
      %add3A_252 = arith.constant 48 : i32
      %add3A_253 = arith.addi %mul3A_221, %add3A_252 : i32
      %get3A_254 = arith.index_cast %select_n3A_203 : i32 to index
      %get3A_255 = arith.index_cast %add3A_253 : i32 to index
      %get3A_256 = tpu.vector_load %arg9[%get3A_254, %get3A_255] {strides = array<i32>} : memref<80x128xi32, #tpu.memory_space<vmem>>, vector<1x16xi32>,
      %get3A_257 = vector.shape_cast %get3A_256 : vector<1x16xi32> to vector<16xi32>
      %swap3A_258 = arith.constant 48 : index
      %swap3A_259 = tpu.vector_load %arg13[%swap3A_258] {strides = array<i32>} : memref<64xi32, #tpu.memory_space<vmem>>, vector<16xi32>,
      %swap3A_260 = vector.shape_cast %swap3A_259 : vector<16xi32> to vector<16xi32>
      %swap3A_261 = vector.shape_cast %get3A_257 : vector<16xi32> to vector<16xi32>
      tpu.vector_store %arg13[%swap3A_258], %swap3A_261 {strides = array<i32>} : memref<64xi32, #tpu.memory_space<vmem>>, vector<16xi32>,
      "tpu.region"() ({
        %run_scoped3A = tpu.sem_alloc : memref<!tpu.dma_semaphore, #tpu.memory_space<semaphore_mem>>
        %dma_start3A_483 = arith.constant 0 : i32
        %dma_start3A_484 = arith.constant 0 : i32
        %dma_start3A_485 = tpu.memref_slice %arg17[%dma_start3A_483, %dma_start3A_484] : memref<10240x128xf32, #tpu.memory_space<vmem_shared>> -> memref<10240x128xf32, #tpu.memory_space<vmem_shared>>
        tpu.enqueue_indirect_dma source(%arg15 : memref<64x128xf32, #tpu.memory_space<vmem>>) target(%dma_start3A_485 : memref<10240x128xf32, #tpu.memory_space<vmem_shared>>) offsets(%arg13 : memref<64xi32, #tpu.memory_space<vmem>>) semaphore(%run_scoped3A : memref<!tpu.dma_semaphore, #tpu.memory_space<semaphore_mem>>) {add = true}
        %dma_wait3A_486 = arith.constant 0 : i32
        %dma_wait3A_487 = arith.constant 0 : i32
        %dma_wait3A_488 = tpu.memref_slice %arg17[%dma_wait3A_486, %dma_wait3A_487] : memref<10240x128xf32, #tpu.memory_space<vmem_shared>> -> memref<10240x128xf32, #tpu.memory_space<vmem_shared>>
        tpu.wait_indirect_dma semaphore(%run_scoped3A : memref<!tpu.dma_semaphore, #tpu.memory_space<semaphore_mem>>) src(%arg15 : memref<64x128xf32, #tpu.memory_space<vmem>>) dst(%dma_wait3A_488 : memref<10240x128xf32, #tpu.memory_space<vmem_shared>>)
        tpu.yield
      }) : () -> ()
      %add3A_262 = arith.constant 1 : i32
      %add3A_263 = arith.addi %add3A_50, %add3A_262 : i32
      %add3A_264 = arith.constant 1 : i32
      %add3A_265 = arith.addi %add3A_263, %add3A_264 : i32
      %jit3A_266 = arith.constant 2 : i32
      %div3A_267 = arith.divsi %add3A_265, %jit3A_266 : i32
      %sign3A_268 = arith.constant 0 : i32
      %sign3A_269 = arith.cmpi sgt, %add3A_265, %sign3A_268 : i32
      %sign3A_270 = arith.extui %sign3A_269 : i1 to i32
      %sign3A_271 = arith.constant 0 : i32
      %sign3A_272 = arith.cmpi slt, %add3A_265, %sign3A_271 : i32
      %sign3A_273 = arith.extui %sign3A_272 : i1 to i32
      %sign3A_274 = arith.subi %sign3A_270, %sign3A_273 : i32
      %sign3A_275 = arith.constant 0 : i32
      %sign3A_276 = arith.cmpi sgt, %jit3A_266, %sign3A_275 : i32
      %sign3A_277 = arith.extui %sign3A_276 : i1 to i32
      %sign3A_278 = arith.constant 0 : i32
      %sign3A_279 = arith.cmpi slt, %jit3A_266, %sign3A_278 : i32
      %sign3A_280 = arith.extui %sign3A_279 : i1 to i32
      %sign3A_281 = arith.subi %sign3A_277, %sign3A_280 : i32
      %ne3A_282 = arith.cmpi ne, %sign3A_274, %sign3A_281 : i32
      %rem3A_283 = arith.remsi %add3A_265, %jit3A_266 : i32
      %ne3A_284 = arith.constant 0 : i32
      %ne3A_285 = arith.cmpi ne, %rem3A_283, %ne3A_284 : i32
      %and3A_286 = arith.andi %ne3A_282, %ne3A_285 : i1
      %sub3A_287 = arith.constant 1 : i32
      %sub3A_288 = arith.subi %div3A_267, %sub3A_287 : i32
      %select_n3A_289 = arith.select %and3A_286, %sub3A_288, %div3A_267 : i32
      %jit3A_290 = arith.constant 2 : i32
      %eq3A_291 = arith.constant 0 : i32
      %eq3A_292 = arith.cmpi eq, %jit3A_290, %eq3A_291 : i32
      %jit3A_293 = arith.constant 1 : i32
      %select_n3A_294 = arith.select %eq3A_292, %jit3A_293, %jit3A_290 : i32
      %rem3A_295 = arith.remsi %add3A_265, %select_n3A_294 : i32
      %ne3A_296 = arith.constant 0 : i32
      %ne3A_297 = arith.cmpi ne, %rem3A_295, %ne3A_296 : i32
      %lt3A_298 = arith.constant 0 : i32
      %lt3A_299 = arith.cmpi slt, %rem3A_295, %lt3A_298 : i32
      %lt3A_300 = arith.constant 0 : i32
      %lt3A_301 = arith.cmpi slt, %select_n3A_294, %lt3A_300 : i32
      %ne3A_302 = arith.xori %lt3A_299, %lt3A_301 : i1
      %and3A_303 = arith.andi %ne3A_302, %ne3A_297 : i1
      %add3A_304 = arith.addi %rem3A_295, %select_n3A_294 : i32
      %select_n3A_305 = arith.select %and3A_303, %add3A_304, %rem3A_295 : i32
      %mul3A_306 = arith.constant 64 : i32
      %mul3A_307 = arith.muli %select_n3A_305, %mul3A_306 : i32
      %add3A_308 = arith.constant 0 : i32
      %add3A_309 = arith.addi %mul3A_307, %add3A_308 : i32
      %get3A_310 = arith.index_cast %select_n3A_289 : i32 to index
      %get3A_311 = arith.index_cast %add3A_309 : i32 to index
      %get3A_312 = tpu.vector_load %arg8[%get3A_310, %get3A_311] {strides = array<i32>} : memref<80x128xi32, #tpu.memory_space<vmem>>, vector<1x16xi32>,
      %get3A_313 = vector.shape_cast %get3A_312 : vector<1x16xi32> to vector<16xi32>
      %swap3A_314 = arith.constant 0 : index
      %swap3A_315 = tpu.vector_load %arg11[%swap3A_314] {strides = array<i32>} : memref<64xi32, #tpu.memory_space<vmem>>, vector<16xi32>,
      %swap3A_316 = vector.shape_cast %swap3A_315 : vector<16xi32> to vector<16xi32>
      %swap3A_317 = vector.shape_cast %get3A_313 : vector<16xi32> to vector<16xi32>
      tpu.vector_store %arg11[%swap3A_314], %swap3A_317 {strides = array<i32>} : memref<64xi32, #tpu.memory_space<vmem>>, vector<16xi32>,
      %add3A_318 = arith.constant 16 : i32
      %add3A_319 = arith.addi %mul3A_307, %add3A_318 : i32
      %get3A_320 = arith.index_cast %select_n3A_289 : i32 to index
      %get3A_321 = arith.index_cast %add3A_319 : i32 to index
      %get3A_322 = tpu.vector_load %arg8[%get3A_320, %get3A_321] {strides = array<i32>} : memref<80x128xi32, #tpu.memory_space<vmem>>, vector<1x16xi32>,
      %get3A_323 = vector.shape_cast %get3A_322 : vector<1x16xi32> to vector<16xi32>
      %swap3A_324 = arith.constant 16 : index
      %swap3A_325 = tpu.vector_load %arg11[%swap3A_324] {strides = array<i32>} : memref<64xi32, #tpu.memory_space<vmem>>, vector<16xi32>,
      %swap3A_326 = vector.shape_cast %swap3A_325 : vector<16xi32> to vector<16xi32>
      %swap3A_327 = vector.shape_cast %get3A_323 : vector<16xi32> to vector<16xi32>
      tpu.vector_store %arg11[%swap3A_324], %swap3A_327 {strides = array<i32>} : memref<64xi32, #tpu.memory_space<vmem>>, vector<16xi32>,
      %add3A_328 = arith.constant 32 : i32
      %add3A_329 = arith.addi %mul3A_307, %add3A_328 : i32
      %get3A_330 = arith.index_cast %select_n3A_289 : i32 to index
      %get3A_331 = arith.index_cast %add3A_329 : i32 to index
      %get3A_332 = tpu.vector_load %arg8[%get3A_330, %get3A_331] {strides = array<i32>} : memref<80x128xi32, #tpu.memory_space<vmem>>, vector<1x16xi32>,
      %get3A_333 = vector.shape_cast %get3A_332 : vector<1x16xi32> to vector<16xi32>
      %swap3A_334 = arith.constant 32 : index
      %swap3A_335 = tpu.vector_load %arg11[%swap3A_334] {strides = array<i32>} : memref<64xi32, #tpu.memory_space<vmem>>, vector<16xi32>,
      %swap3A_336 = vector.shape_cast %swap3A_335 : vector<16xi32> to vector<16xi32>
      %swap3A_337 = vector.shape_cast %get3A_333 : vector<16xi32> to vector<16xi32>
      tpu.vector_store %arg11[%swap3A_334], %swap3A_337 {strides = array<i32>} : memref<64xi32, #tpu.memory_space<vmem>>, vector<16xi32>,
      %add3A_338 = arith.constant 48 : i32
      %add3A_339 = arith.addi %mul3A_307, %add3A_338 : i32
      %get3A_340 = arith.index_cast %select_n3A_289 : i32 to index
      %get3A_341 = arith.index_cast %add3A_339 : i32 to index
      %get3A_342 = tpu.vector_load %arg8[%get3A_340, %get3A_341] {strides = array<i32>} : memref<80x128xi32, #tpu.memory_space<vmem>>, vector<1x16xi32>,
      %get3A_343 = vector.shape_cast %get3A_342 : vector<1x16xi32> to vector<16xi32>
      %swap3A_344 = arith.constant 48 : index
      %swap3A_345 = tpu.vector_load %arg11[%swap3A_344] {strides = array<i32>} : memref<64xi32, #tpu.memory_space<vmem>>, vector<16xi32>,
      %swap3A_346 = vector.shape_cast %swap3A_345 : vector<16xi32> to vector<16xi32>
      %swap3A_347 = vector.shape_cast %get3A_343 : vector<16xi32> to vector<16xi32>
      tpu.vector_store %arg11[%swap3A_344], %swap3A_347 {strides = array<i32>} : memref<64xi32, #tpu.memory_space<vmem>>, vector<16xi32>,
      %dma_start3A_348 = arith.constant 0 : i32
      %dma_start3A_349 = arith.constant 0 : i32
      %dma_start3A_350 = tpu.memref_slice %arg2[%dma_start3A_348, %dma_start3A_349] : memref<10000x128xf32, #tpu.memory_space<hbm>> -> memref<10000x128xf32, #tpu.memory_space<hbm>>
      tpu.enqueue_indirect_dma source(%dma_start3A_350 : memref<10000x128xf32, #tpu.memory_space<hbm>>) target(%arg15 : memref<64x128xf32, #tpu.memory_space<vmem>>) offsets(%arg11 : memref<64xi32, #tpu.memory_space<vmem>>) semaphore(%arg18 : memref<!tpu.dma_semaphore, #tpu.memory_space<semaphore_mem>>)
      %dma_wait3A_351 = arith.constant 0 : i32
      %dma_wait3A_352 = arith.constant 0 : i32
      %dma_wait3A_353 = tpu.memref_slice %arg2[%dma_wait3A_351, %dma_wait3A_352] : memref<10000x128xf32, #tpu.memory_space<hbm>> -> memref<10000x128xf32, #tpu.memory_space<hbm>>
      tpu.wait_indirect_dma semaphore(%arg19 : memref<!tpu.dma_semaphore, #tpu.memory_space<semaphore_mem>>) src(%dma_wait3A_353 : memref<10000x128xf32, #tpu.memory_space<hbm>>) dst(%arg16 : memref<64x128xf32, #tpu.memory_space<vmem>>)
      %jit3A_354 = arith.constant 2 : i32
      %div3A_355 = arith.divsi %add3A_263, %jit3A_354 : i32
      %sign3A_356 = arith.constant 0 : i32
      %sign3A_357 = arith.cmpi sgt, %add3A_263, %sign3A_356 : i32
      %sign3A_358 = arith.extui %sign3A_357 : i1 to i32
      %sign3A_359 = arith.constant 0 : i32
      %sign3A_360 = arith.cmpi slt, %add3A_263, %sign3A_359 : i32
      %sign3A_361 = arith.extui %sign3A_360 : i1 to i32
      %sign3A_362 = arith.subi %sign3A_358, %sign3A_361 : i32
      %sign3A_363 = arith.constant 0 : i32
      %sign3A_364 = arith.cmpi sgt, %jit3A_354, %sign3A_363 : i32
      %sign3A_365 = arith.extui %sign3A_364 : i1 to i32
      %sign3A_366 = arith.constant 0 : i32
      %sign3A_367 = arith.cmpi slt, %jit3A_354, %sign3A_366 : i32
      %sign3A_368 = arith.extui %sign3A_367 : i1 to i32
      %sign3A_369 = arith.subi %sign3A_365, %sign3A_368 : i32
      %ne3A_370 = arith.cmpi ne, %sign3A_362, %sign3A_369 : i32
      %rem3A_371 = arith.remsi %add3A_263, %jit3A_354 : i32
      %ne3A_372 = arith.constant 0 : i32
      %ne3A_373 = arith.cmpi ne, %rem3A_371, %ne3A_372 : i32
      %and3A_374 = arith.andi %ne3A_370, %ne3A_373 : i1
      %sub3A_375 = arith.constant 1 : i32
      %sub3A_376 = arith.subi %div3A_355, %sub3A_375 : i32
      %select_n3A_377 = arith.select %and3A_374, %sub3A_376, %div3A_355 : i32
      %jit3A_378 = arith.constant 2 : i32
      %eq3A_379 = arith.constant 0 : i32
      %eq3A_380 = arith.cmpi eq, %jit3A_378, %eq3A_379 : i32
      %jit3A_381 = arith.constant 1 : i32
      %select_n3A_382 = arith.select %eq3A_380, %jit3A_381, %jit3A_378 : i32
      %rem3A_383 = arith.remsi %add3A_263, %select_n3A_382 : i32
      %ne3A_384 = arith.constant 0 : i32
      %ne3A_385 = arith.cmpi ne, %rem3A_383, %ne3A_384 : i32
      %lt3A_386 = arith.constant 0 : i32
      %lt3A_387 = arith.cmpi slt, %rem3A_383, %lt3A_386 : i32
      %lt3A_388 = arith.constant 0 : i32
      %lt3A_389 = arith.cmpi slt, %select_n3A_382, %lt3A_388 : i32
      %ne3A_390 = arith.xori %lt3A_387, %lt3A_389 : i1
      %and3A_391 = arith.andi %ne3A_390, %ne3A_385 : i1
      %add3A_392 = arith.addi %rem3A_383, %select_n3A_382 : i32
      %select_n3A_393 = arith.select %and3A_391, %add3A_392, %rem3A_383 : i32
      %mul3A_394 = arith.constant 64 : i32
      %mul3A_395 = arith.muli %select_n3A_393, %mul3A_394 : i32
      %scan3A_396 = arith.constant 0 : i32
      %scan3A_397 = arith.constant 4 : i32
      %scan3A_398 = arith.addi %scan3A_396, %scan3A_397 : i32
      %scan3A_399 = arith.constant 1 : i32
      scf.for %scan3A_483 = %scan3A_396 to %scan3A_398 step %scan3A_399  : i32 {
        %mul3A_484 = arith.constant 1 : i32
        %mul3A_485 = arith.muli %scan3A_483, %mul3A_484 : i32
        %add3A_486 = arith.constant 0 : i32
        %add3A_487 = arith.addi %add3A_486, %mul3A_485 : i32
        %mul3A_488 = arith.constant 16 : i32
        %mul3A_489 = arith.muli %add3A_487, %mul3A_488 : i32
        %add3A_490 = arith.addi %mul3A_395, %mul3A_489 : i32
        %get3A_491 = arith.index_cast %select_n3A_377 : i32 to index
        %get3A_492 = arith.index_cast %add3A_490 : i32 to index
        %get3A_493 = tpu.vector_load %arg10[%get3A_491, %get3A_492] {strides = array<i32>} : memref<80x128xf32, #tpu.memory_space<vmem>>, vector<1x16xf32>,
        %get3A_494 = vector.shape_cast %get3A_493 : vector<1x16xf32> to vector<16xf32>
        %slice3A = vector.extract_strided_slice %get3A_494 {offsets = [0], sizes = [1], strides = [1]} : vector<16xf32> to vector<1xf32>
        %squeeze3A = vector.extract %slice3A[0] : f32 from vector<1xf32>
        %mul3A_495 = arith.constant 16 : i32
        %mul3A_496 = arith.muli %add3A_487, %mul3A_495 : i32
        %add3A_497 = arith.constant 0 : i32
        %add3A_498 = arith.addi %mul3A_496, %add3A_497 : i32
        %get3A_499 = arith.index_cast %add3A_498 : i32 to index
        %get3A_500 = arith.constant 0 : index
        %get3A_501 = tpu.vector_load %arg16[%get3A_499, %get3A_500] {strides = array<i32>} : memref<64x128xf32, #tpu.memory_space<vmem>>, vector<1x16xf32>,
        %get3A_502 = vector.shape_cast %get3A_501 : vector<1x16xf32> to vector<16xf32>
        %mul3A_503 = vector.broadcast %squeeze3A : f32 to vector<16xf32>
        %mul3A_504 = arith.mulf %get3A_502, %mul3A_503 : vector<16xf32>
        %swap3A_505 = arith.index_cast %add3A_498 : i32 to index
        %swap3A_506 = arith.constant 0 : index
        %swap3A_507 = tpu.vector_load %arg16[%swap3A_505, %swap3A_506] {strides = array<i32>} : memref<64x128xf32, #tpu.memory_space<vmem>>, vector<1x16xf32>,
        %swap3A_508 = vector.shape_cast %swap3A_507 : vector<1x16xf32> to vector<16xf32>
        %swap3A_509 = vector.shape_cast %mul3A_504 : vector<16xf32> to vector<1x16xf32>
        tpu.vector_store %arg16[%swap3A_505, %swap3A_506], %swap3A_509 {strides = array<i32>} : memref<64x128xf32, #tpu.memory_space<vmem>>, vector<1x16xf32>,
        %get3A_510 = arith.index_cast %add3A_498 : i32 to index
        %get3A_511 = arith.constant 16 : index
        %get3A_512 = tpu.vector_load %arg16[%get3A_510, %get3A_511] {strides = array<i32>} : memref<64x128xf32, #tpu.memory_space<vmem>>, vector<1x16xf32>,
        %get3A_513 = vector.shape_cast %get3A_512 : vector<1x16xf32> to vector<16xf32>
        %mul3A_514 = vector.broadcast %squeeze3A : f32 to vector<16xf32>
        %mul3A_515 = arith.mulf %get3A_513, %mul3A_514 : vector<16xf32>
        %swap3A_516 = arith.index_cast %add3A_498 : i32 to index
        %swap3A_517 = arith.constant 16 : index
        %swap3A_518 = tpu.vector_load %arg16[%swap3A_516, %swap3A_517] {strides = array<i32>} : memref<64x128xf32, #tpu.memory_space<vmem>>, vector<1x16xf32>,
        %swap3A_519 = vector.shape_cast %swap3A_518 : vector<1x16xf32> to vector<16xf32>
        %swap3A_520 = vector.shape_cast %mul3A_515 : vector<16xf32> to vector<1x16xf32>
        tpu.vector_store %arg16[%swap3A_516, %swap3A_517], %swap3A_520 {strides = array<i32>} : memref<64x128xf32, #tpu.memory_space<vmem>>, vector<1x16xf32>,
        %get3A_521 = arith.index_cast %add3A_498 : i32 to index
        %get3A_522 = arith.constant 32 : index
        %get3A_523 = tpu.vector_load %arg16[%get3A_521, %get3A_522] {strides = array<i32>} : memref<64x128xf32, #tpu.memory_space<vmem>>, vector<1x16xf32>,
        %get3A_524 = vector.shape_cast %get3A_523 : vector<1x16xf32> to vector<16xf32>
        %mul3A_525 = vector.broadcast %squeeze3A : f32 to vector<16xf32>
        %mul3A_526 = arith.mulf %get3A_524, %mul3A_525 : vector<16xf32>
        %swap3A_527 = arith.index_cast %add3A_498 : i32 to index
        %swap3A_528 = arith.constant 32 : index
        %swap3A_529 = tpu.vector_load %arg16[%swap3A_527, %swap3A_528] {strides = array<i32>} : memref<64x128xf32, #tpu.memory_space<vmem>>, vector<1x16xf32>,
        %swap3A_530 = vector.shape_cast %swap3A_529 : vector<1x16xf32> to vector<16xf32>
        %swap3A_531 = vector.shape_cast %mul3A_526 : vector<16xf32> to vector<1x16xf32>
        tpu.vector_store %arg16[%swap3A_527, %swap3A_528], %swap3A_531 {strides = array<i32>} : memref<64x128xf32, #tpu.memory_space<vmem>>, vector<1x16xf32>,
        %get3A_532 = arith.index_cast %add3A_498 : i32 to index
        %get3A_533 = arith.constant 48 : index
        %get3A_534 = tpu.vector_load %arg16[%get3A_532, %get3A_533] {strides = array<i32>} : memref<64x128xf32, #tpu.memory_space<vmem>>, vector<1x16xf32>,
        %get3A_535 = vector.shape_cast %get3A_534 : vector<1x16xf32> to vector<16xf32>
        %mul3A_536 = vector.broadcast %squeeze3A : f32 to vector<16xf32>
        %mul3A_537 = arith.mulf %get3A_535, %mul3A_536 : vector<16xf32>
        %swap3A_538 = arith.index_cast %add3A_498 : i32 to index
        %swap3A_539 = arith.constant 48 : index
        %swap3A_540 = tpu.vector_load %arg16[%swap3A_538, %swap3A_539] {strides = array<i32>} : memref<64x128xf32, #tpu.memory_space<vmem>>, vector<1x16xf32>,
        %swap3A_541 = vector.shape_cast %swap3A_540 : vector<1x16xf32> to vector<16xf32>
        %swap3A_542 = vector.shape_cast %mul3A_537 : vector<16xf32> to vector<1x16xf32>
        tpu.vector_store %arg16[%swap3A_538, %swap3A_539], %swap3A_542 {strides = array<i32>} : memref<64x128xf32, #tpu.memory_space<vmem>>, vector<1x16xf32>,
        %get3A_543 = arith.index_cast %add3A_498 : i32 to index
        %get3A_544 = arith.constant 64 : index
        %get3A_545 = tpu.vector_load %arg16[%get3A_543, %get3A_544] {strides = array<i32>} : memref<64x128xf32, #tpu.memory_space<vmem>>, vector<1x16xf32>,
        %get3A_546 = vector.shape_cast %get3A_545 : vector<1x16xf32> to vector<16xf32>
        %mul3A_547 = vector.broadcast %squeeze3A : f32 to vector<16xf32>
        %mul3A_548 = arith.mulf %get3A_546, %mul3A_547 : vector<16xf32>
        %swap3A_549 = arith.index_cast %add3A_498 : i32 to index
        %swap3A_550 = arith.constant 64 : index
        %swap3A_551 = tpu.vector_load %arg16[%swap3A_549, %swap3A_550] {strides = array<i32>} : memref<64x128xf32, #tpu.memory_space<vmem>>, vector<1x16xf32>,
        %swap3A_552 = vector.shape_cast %swap3A_551 : vector<1x16xf32> to vector<16xf32>
        %swap3A_553 = vector.shape_cast %mul3A_548 : vector<16xf32> to vector<1x16xf32>
        tpu.vector_store %arg16[%swap3A_549, %swap3A_550], %swap3A_553 {strides = array<i32>} : memref<64x128xf32, #tpu.memory_space<vmem>>, vector<1x16xf32>,
        %get3A_554 = arith.index_cast %add3A_498 : i32 to index
        %get3A_555 = arith.constant 80 : index
        %get3A_556 = tpu.vector_load %arg16[%get3A_554, %get3A_555] {strides = array<i32>} : memref<64x128xf32, #tpu.memory_space<vmem>>, vector<1x16xf32>,
        %get3A_557 = vector.shape_cast %get3A_556 : vector<1x16xf32> to vector<16xf32>
        %mul3A_558 = vector.broadcast %squeeze3A : f32 to vector<16xf32>
        %mul3A_559 = arith.mulf %get3A_557, %mul3A_558 : vector<16xf32>
        %swap3A_560 = arith.index_cast %add3A_498 : i32 to index
        %swap3A_561 = arith.constant 80 : index
        %swap3A_562 = tpu.vector_load %arg16[%swap3A_560, %swap3A_561] {strides = array<i32>} : memref<64x128xf32, #tpu.memory_space<vmem>>, vector<1x16xf32>,
        %swap3A_563 = vector.shape_cast %swap3A_562 : vector<1x16xf32> to vector<16xf32>
        %swap3A_564 = vector.shape_cast %mul3A_559 : vector<16xf32> to vector<1x16xf32>
        tpu.vector_store %arg16[%swap3A_560, %swap3A_561], %swap3A_564 {strides = array<i32>} : memref<64x128xf32, #tpu.memory_space<vmem>>, vector<1x16xf32>,
        %get3A_565 = arith.index_cast %add3A_498 : i32 to index
        %get3A_566 = arith.constant 96 : index
        %get3A_567 = tpu.vector_load %arg16[%get3A_565, %get3A_566] {strides = array<i32>} : memref<64x128xf32, #tpu.memory_space<vmem>>, vector<1x16xf32>,
        %get3A_568 = vector.shape_cast %get3A_567 : vector<1x16xf32> to vector<16xf32>
        %mul3A_569 = vector.broadcast %squeeze3A : f32 to vector<16xf32>
        %mul3A_570 = arith.mulf %get3A_568, %mul3A_569 : vector<16xf32>
        %swap3A_571 = arith.index_cast %add3A_498 : i32 to index
        %swap3A_572 = arith.constant 96 : index
        %swap3A_573 = tpu.vector_load %arg16[%swap3A_571, %swap3A_572] {strides = array<i32>} : memref<64x128xf32, #tpu.memory_space<vmem>>, vector<1x16xf32>,
        %swap3A_574 = vector.shape_cast %swap3A_573 : vector<1x16xf32> to vector<16xf32>
        %swap3A_575 = vector.shape_cast %mul3A_570 : vector<16xf32> to vector<1x16xf32>
        tpu.vector_store %arg16[%swap3A_571, %swap3A_572], %swap3A_575 {strides = array<i32>} : memref<64x128xf32, #tpu.memory_space<vmem>>, vector<1x16xf32>,
        %get3A_576 = arith.index_cast %add3A_498 : i32 to index
        %get3A_577 = arith.constant 112 : index
        %get3A_578 = tpu.vector_load %arg16[%get3A_576, %get3A_577] {strides = array<i32>} : memref<64x128xf32, #tpu.memory_space<vmem>>, vector<1x16xf32>,
        %get3A_579 = vector.shape_cast %get3A_578 : vector<1x16xf32> to vector<16xf32>
        %mul3A_580 = vector.broadcast %squeeze3A : f32 to vector<16xf32>
        %mul3A_581 = arith.mulf %get3A_579, %mul3A_580 : vector<16xf32>
        %swap3A_582 = arith.index_cast %add3A_498 : i32 to index
        %swap3A_583 = arith.constant 112 : index
        %swap3A_584 = tpu.vector_load %arg16[%swap3A_582, %swap3A_583] {strides = array<i32>} : memref<64x128xf32, #tpu.memory_space<vmem>>, vector<1x16xf32>,
        %swap3A_585 = vector.shape_cast %swap3A_584 : vector<1x16xf32> to vector<16xf32>
        %swap3A_586 = vector.shape_cast %mul3A_581 : vector<16xf32> to vector<1x16xf32>
        tpu.vector_store %arg16[%swap3A_582, %swap3A_583], %swap3A_586 {strides = array<i32>} : memref<64x128xf32, #tpu.memory_space<vmem>>, vector<1x16xf32>,
        %slice3A_587 = vector.extract_strided_slice %get3A_494 {offsets = [1], sizes = [1], strides = [1]} : vector<16xf32> to vector<1xf32>
        %squeeze3A_588 = vector.extract %slice3A_587[0] : f32 from vector<1xf32>
        %mul3A_589 = arith.constant 16 : i32
        %mul3A_590 = arith.muli %add3A_487, %mul3A_589 : i32
        %add3A_591 = arith.constant 1 : i32
        %add3A_592 = arith.addi %mul3A_590, %add3A_591 : i32
        %get3A_593 = arith.index_cast %add3A_592 : i32 to index
        %get3A_594 = arith.constant 0 : index
        %get3A_595 = tpu.vector_load %arg16[%get3A_593, %get3A_594] {strides = array<i32>} : memref<64x128xf32, #tpu.memory_space<vmem>>, vector<1x16xf32>,
        %get3A_596 = vector.shape_cast %get3A_595 : vector<1x16xf32> to vector<16xf32>
        %mul3A_597 = vector.broadcast %squeeze3A_588 : f32 to vector<16xf32>
        %mul3A_598 = arith.mulf %get3A_596, %mul3A_597 : vector<16xf32>
        %swap3A_599 = arith.index_cast %add3A_592 : i32 to index
        %swap3A_600 = arith.constant 0 : index
        %swap3A_601 = tpu.vector_load %arg16[%swap3A_599, %swap3A_600] {strides = array<i32>} : memref<64x128xf32, #tpu.memory_space<vmem>>, vector<1x16xf32>,
        %swap3A_602 = vector.shape_cast %swap3A_601 : vector<1x16xf32> to vector<16xf32>
        %swap3A_603 = vector.shape_cast %mul3A_598 : vector<16xf32> to vector<1x16xf32>
        tpu.vector_store %arg16[%swap3A_599, %swap3A_600], %swap3A_603 {strides = array<i32>} : memref<64x128xf32, #tpu.memory_space<vmem>>, vector<1x16xf32>,
        %get3A_604 = arith.index_cast %add3A_592 : i32 to index
        %get3A_605 = arith.constant 16 : index
        %get3A_606 = tpu.vector_load %arg16[%get3A_604, %get3A_605] {strides = array<i32>} : memref<64x128xf32, #tpu.memory_space<vmem>>, vector<1x16xf32>,
        %get3A_607 = vector.shape_cast %get3A_606 : vector<1x16xf32> to vector<16xf32>
        %mul3A_608 = vector.broadcast %squeeze3A_588 : f32 to vector<16xf32>
        %mul3A_609 = arith.mulf %get3A_607, %mul3A_608 : vector<16xf32>
        %swap3A_610 = arith.index_cast %add3A_592 : i32 to index
        %swap3A_611 = arith.constant 16 : index
        %swap3A_612 = tpu.vector_load %arg16[%swap3A_610, %swap3A_611] {strides = array<i32>} : memref<64x128xf32, #tpu.memory_space<vmem>>, vector<1x16xf32>,
        %swap3A_613 = vector.shape_cast %swap3A_612 : vector<1x16xf32> to vector<16xf32>
        %swap3A_614 = vector.shape_cast %mul3A_609 : vector<16xf32> to vector<1x16xf32>
        tpu.vector_store %arg16[%swap3A_610, %swap3A_611], %swap3A_614 {strides = array<i32>} : memref<64x128xf32, #tpu.memory_space<vmem>>, vector<1x16xf32>,
        %get3A_615 = arith.index_cast %add3A_592 : i32 to index
        %get3A_616 = arith.constant 32 : index
        %get3A_617 = tpu.vector_load %arg16[%get3A_615, %get3A_616] {strides = array<i32>} : memref<64x128xf32, #tpu.memory_space<vmem>>, vector<1x16xf32>,
        %get3A_618 = vector.shape_cast %get3A_617 : vector<1x16xf32> to vector<16xf32>
        %mul3A_619 = vector.broadcast %squeeze3A_588 : f32 to vector<16xf32>
        %mul3A_620 = arith.mulf %get3A_618, %mul3A_619 : vector<16xf32>
        %swap3A_621 = arith.index_cast %add3A_592 : i32 to index
        %swap3A_622 = arith.constant 32 : index
        %swap3A_623 = tpu.vector_load %arg16[%swap3A_621, %swap3A_622] {strides = array<i32>} : memref<64x128xf32, #tpu.memory_space<vmem>>, vector<1x16xf32>,
        %swap3A_624 = vector.shape_cast %swap3A_623 : vector<1x16xf32> to vector<16xf32>
        %swap3A_625 = vector.shape_cast %mul3A_620 : vector<16xf32> to vector<1x16xf32>
        tpu.vector_store %arg16[%swap3A_621, %swap3A_622], %swap3A_625 {strides = array<i32>} : memref<64x128xf32, #tpu.memory_space<vmem>>, vector<1x16xf32>,
        %get3A_626 = arith.index_cast %add3A_592 : i32 to index
        %get3A_627 = arith.constant 48 : index
        %get3A_628 = tpu.vector_load %arg16[%get3A_626, %get3A_627] {strides = array<i32>} : memref<64x128xf32, #tpu.memory_space<vmem>>, vector<1x16xf32>,
        %get3A_629 = vector.shape_cast %get3A_628 : vector<1x16xf32> to vector<16xf32>
        %mul3A_630 = vector.broadcast %squeeze3A_588 : f32 to vector<16xf32>
        %mul3A_631 = arith.mulf %get3A_629, %mul3A_630 : vector<16xf32>
        %swap3A_632 = arith.index_cast %add3A_592 : i32 to index
        %swap3A_633 = arith.constant 48 : index
        %swap3A_634 = tpu.vector_load %arg16[%swap3A_632, %swap3A_633] {strides = array<i32>} : memref<64x128xf32, #tpu.memory_space<vmem>>, vector<1x16xf32>,
        %swap3A_635 = vector.shape_cast %swap3A_634 : vector<1x16xf32> to vector<16xf32>
        %swap3A_636 = vector.shape_cast %mul3A_631 : vector<16xf32> to vector<1x16xf32>
        tpu.vector_store %arg16[%swap3A_632, %swap3A_633], %swap3A_636 {strides = array<i32>} : memref<64x128xf32, #tpu.memory_space<vmem>>, vector<1x16xf32>,
        %get3A_637 = arith.index_cast %add3A_592 : i32 to index
        %get3A_638 = arith.constant 64 : index
        %get3A_639 = tpu.vector_load %arg16[%get3A_637, %get3A_638] {strides = array<i32>} : memref<64x128xf32, #tpu.memory_space<vmem>>, vector<1x16xf32>,
        %get3A_640 = vector.shape_cast %get3A_639 : vector<1x16xf32> to vector<16xf32>
        %mul3A_641 = vector.broadcast %squeeze3A_588 : f32 to vector<16xf32>
        %mul3A_642 = arith.mulf %get3A_640, %mul3A_641 : vector<16xf32>
        %swap3A_643 = arith.index_cast %add3A_592 : i32 to index
        %swap3A_644 = arith.constant 64 : index
        %swap3A_645 = tpu.vector_load %arg16[%swap3A_643, %swap3A_644] {strides = array<i32>} : memref<64x128xf32, #tpu.memory_space<vmem>>, vector<1x16xf32>,
        %swap3A_646 = vector.shape_cast %swap3A_645 : vector<1x16xf32> to vector<16xf32>
        %swap3A_647 = vector.shape_cast %mul3A_642 : vector<16xf32> to vector<1x16xf32>
        tpu.vector_store %arg16[%swap3A_643, %swap3A_644], %swap3A_647 {strides = array<i32>} : memref<64x128xf32, #tpu.memory_space<vmem>>, vector<1x16xf32>,
        %get3A_648 = arith.index_cast %add3A_592 : i32 to index
        %get3A_649 = arith.constant 80 : index
        %get3A_650 = tpu.vector_load %arg16[%get3A_648, %get3A_649] {strides = array<i32>} : memref<64x128xf32, #tpu.memory_space<vmem>>, vector<1x16xf32>,
        %get3A_651 = vector.shape_cast %get3A_650 : vector<1x16xf32> to vector<16xf32>
        %mul3A_652 = vector.broadcast %squeeze3A_588 : f32 to vector<16xf32>
        %mul3A_653 = arith.mulf %get3A_651, %mul3A_652 : vector<16xf32>
        %swap3A_654 = arith.index_cast %add3A_592 : i32 to index
        %swap3A_655 = arith.constant 80 : index
        %swap3A_656 = tpu.vector_load %arg16[%swap3A_654, %swap3A_655] {strides = array<i32>} : memref<64x128xf32, #tpu.memory_space<vmem>>, vector<1x16xf32>,
        %swap3A_657 = vector.shape_cast %swap3A_656 : vector<1x16xf32> to vector<16xf32>
        %swap3A_658 = vector.shape_cast %mul3A_653 : vector<16xf32> to vector<1x16xf32>
        tpu.vector_store %arg16[%swap3A_654, %swap3A_655], %swap3A_658 {strides = array<i32>} : memref<64x128xf32, #tpu.memory_space<vmem>>, vector<1x16xf32>,
        %get3A_659 = arith.index_cast %add3A_592 : i32 to index
        %get3A_660 = arith.constant 96 : index
        %get3A_661 = tpu.vector_load %arg16[%get3A_659, %get3A_660] {strides = array<i32>} : memref<64x128xf32, #tpu.memory_space<vmem>>, vector<1x16xf32>,
        %get3A_662 = vector.shape_cast %get3A_661 : vector<1x16xf32> to vector<16xf32>
        %mul3A_663 = vector.broadcast %squeeze3A_588 : f32 to vector<16xf32>
        %mul3A_664 = arith.mulf %get3A_662, %mul3A_663 : vector<16xf32>
        %swap3A_665 = arith.index_cast %add3A_592 : i32 to index
        %swap3A_666 = arith.constant 96 : index
        %swap3A_667 = tpu.vector_load %arg16[%swap3A_665, %swap3A_666] {strides = array<i32>} : memref<64x128xf32, #tpu.memory_space<vmem>>, vector<1x16xf32>,
        %swap3A_668 = vector.shape_cast %swap3A_667 : vector<1x16xf32> to vector<16xf32>
        %swap3A_669 = vector.shape_cast %mul3A_664 : vector<16xf32> to vector<1x16xf32>
        tpu.vector_store %arg16[%swap3A_665, %swap3A_666], %swap3A_669 {strides = array<i32>} : memref<64x128xf32, #tpu.memory_space<vmem>>, vector<1x16xf32>,
        %get3A_670 = arith.index_cast %add3A_592 : i32 to index
        %get3A_671 = arith.constant 112 : index
        %get3A_672 = tpu.vector_load %arg16[%get3A_670, %get3A_671] {strides = array<i32>} : memref<64x128xf32, #tpu.memory_space<vmem>>, vector<1x16xf32>,
        %get3A_673 = vector.shape_cast %get3A_672 : vector<1x16xf32> to vector<16xf32>
        %mul3A_674 = vector.broadcast %squeeze3A_588 : f32 to vector<16xf32>
        %mul3A_675 = arith.mulf %get3A_673, %mul3A_674 : vector<16xf32>
        %swap3A_676 = arith.index_cast %add3A_592 : i32 to index
        %swap3A_677 = arith.constant 112 : index
        %swap3A_678 = tpu.vector_load %arg16[%swap3A_676, %swap3A_677] {strides = array<i32>} : memref<64x128xf32, #tpu.memory_space<vmem>>, vector<1x16xf32>,
        %swap3A_679 = vector.shape_cast %swap3A_678 : vector<1x16xf32> to vector<16xf32>
        %swap3A_680 = vector.shape_cast %mul3A_675 : vector<16xf32> to vector<1x16xf32>
        tpu.vector_store %arg16[%swap3A_676, %swap3A_677], %swap3A_680 {strides = array<i32>} : memref<64x128xf32, #tpu.memory_space<vmem>>, vector<1x16xf32>,
        %slice3A_681 = vector.extract_strided_slice %get3A_494 {offsets = [2], sizes = [1], strides = [1]} : vector<16xf32> to vector<1xf32>
        %squeeze3A_682 = vector.extract %slice3A_681[0] : f32 from vector<1xf32>
        %mul3A_683 = arith.constant 16 : i32
        %mul3A_684 = arith.muli %add3A_487, %mul3A_683 : i32
        %add3A_685 = arith.constant 2 : i32
        %add3A_686 = arith.addi %mul3A_684, %add3A_685 : i32
        %get3A_687 = arith.index_cast %add3A_686 : i32 to index
        %get3A_688 = arith.constant 0 : index
        %get3A_689 = tpu.vector_load %arg16[%get3A_687, %get3A_688] {strides = array<i32>} : memref<64x128xf32, #tpu.memory_space<vmem>>, vector<1x16xf32>,
        %get3A_690 = vector.shape_cast %get3A_689 : vector<1x16xf32> to vector<16xf32>
        %mul3A_691 = vector.broadcast %squeeze3A_682 : f32 to vector<16xf32>
        %mul3A_692 = arith.mulf %get3A_690, %mul3A_691 : vector<16xf32>
        %swap3A_693 = arith.index_cast %add3A_686 : i32 to index
        %swap3A_694 = arith.constant 0 : index
        %swap3A_695 = tpu.vector_load %arg16[%swap3A_693, %swap3A_694] {strides = array<i32>} : memref<64x128xf32, #tpu.memory_space<vmem>>, vector<1x16xf32>,
        %swap3A_696 = vector.shape_cast %swap3A_695 : vector<1x16xf32> to vector<16xf32>
        %swap3A_697 = vector.shape_cast %mul3A_692 : vector<16xf32> to vector<1x16xf32>
        tpu.vector_store %arg16[%swap3A_693, %swap3A_694], %swap3A_697 {strides = array<i32>} : memref<64x128xf32, #tpu.memory_space<vmem>>, vector<1x16xf32>,
        %get3A_698 = arith.index_cast %add3A_686 : i32 to index
        %get3A_699 = arith.constant 16 : index
        %get3A_700 = tpu.vector_load %arg16[%get3A_698, %get3A_699] {strides = array<i32>} : memref<64x128xf32, #tpu.memory_space<vmem>>, vector<1x16xf32>,
        %get3A_701 = vector.shape_cast %get3A_700 : vector<1x16xf32> to vector<16xf32>
        %mul3A_702 = vector.broadcast %squeeze3A_682 : f32 to vector<16xf32>
        %mul3A_703 = arith.mulf %get3A_701, %mul3A_702 : vector<16xf32>
        %swap3A_704 = arith.index_cast %add3A_686 : i32 to index
        %swap3A_705 = arith.constant 16 : index
        %swap3A_706 = tpu.vector_load %arg16[%swap3A_704, %swap3A_705] {strides = array<i32>} : memref<64x128xf32, #tpu.memory_space<vmem>>, vector<1x16xf32>,
        %swap3A_707 = vector.shape_cast %swap3A_706 : vector<1x16xf32> to vector<16xf32>
        %swap3A_708 = vector.shape_cast %mul3A_703 : vector<16xf32> to vector<1x16xf32>
        tpu.vector_store %arg16[%swap3A_704, %swap3A_705], %swap3A_708 {strides = array<i32>} : memref<64x128xf32, #tpu.memory_space<vmem>>, vector<1x16xf32>,
        %get3A_709 = arith.index_cast %add3A_686 : i32 to index
        %get3A_710 = arith.constant 32 : index
        %get3A_711 = tpu.vector_load %arg16[%get3A_709, %get3A_710] {strides = array<i32>} : memref<64x128xf32, #tpu.memory_space<vmem>>, vector<1x16xf32>,
        %get3A_712 = vector.shape_cast %get3A_711 : vector<1x16xf32> to vector<16xf32>
        %mul3A_713 = vector.broadcast %squeeze3A_682 : f32 to vector<16xf32>
        %mul3A_714 = arith.mulf %get3A_712, %mul3A_713 : vector<16xf32>
        %swap3A_715 = arith.index_cast %add3A_686 : i32 to index
        %swap3A_716 = arith.constant 32 : index
        %swap3A_717 = tpu.vector_load %arg16[%swap3A_715, %swap3A_716] {strides = array<i32>} : memref<64x128xf32, #tpu.memory_space<vmem>>, vector<1x16xf32>,
        %swap3A_718 = vector.shape_cast %swap3A_717 : vector<1x16xf32> to vector<16xf32>
        %swap3A_719 = vector.shape_cast %mul3A_714 : vector<16xf32> to vector<1x16xf32>
        tpu.vector_store %arg16[%swap3A_715, %swap3A_716], %swap3A_719 {strides = array<i32>} : memref<64x128xf32, #tpu.memory_space<vmem>>, vector<1x16xf32>,
        %get3A_720 = arith.index_cast %add3A_686 : i32 to index
        %get3A_721 = arith.constant 48 : index
        %get3A_722 = tpu.vector_load %arg16[%get3A_720, %get3A_721] {strides = array<i32>} : memref<64x128xf32, #tpu.memory_space<vmem>>, vector<1x16xf32>,
        %get3A_723 = vector.shape_cast %get3A_722 : vector<1x16xf32> to vector<16xf32>
        %mul3A_724 = vector.broadcast %squeeze3A_682 : f32 to vector<16xf32>
        %mul3A_725 = arith.mulf %get3A_723, %mul3A_724 : vector<16xf32>
        %swap3A_726 = arith.index_cast %add3A_686 : i32 to index
        %swap3A_727 = arith.constant 48 : index
        %swap3A_728 = tpu.vector_load %arg16[%swap3A_726, %swap3A_727] {strides = array<i32>} : memref<64x128xf32, #tpu.memory_space<vmem>>, vector<1x16xf32>,
        %swap3A_729 = vector.shape_cast %swap3A_728 : vector<1x16xf32> to vector<16xf32>
        %swap3A_730 = vector.shape_cast %mul3A_725 : vector<16xf32> to vector<1x16xf32>
        tpu.vector_store %arg16[%swap3A_726, %swap3A_727], %swap3A_730 {strides = array<i32>} : memref<64x128xf32, #tpu.memory_space<vmem>>, vector<1x16xf32>,
        %get3A_731 = arith.index_cast %add3A_686 : i32 to index
        %get3A_732 = arith.constant 64 : index
        %get3A_733 = tpu.vector_load %arg16[%get3A_731, %get3A_732] {strides = array<i32>} : memref<64x128xf32, #tpu.memory_space<vmem>>, vector<1x16xf32>,
        %get3A_734 = vector.shape_cast %get3A_733 : vector<1x16xf32> to vector<16xf32>
        %mul3A_735 = vector.broadcast %squeeze3A_682 : f32 to vector<16xf32>
        %mul3A_736 = arith.mulf %get3A_734, %mul3A_735 : vector<16xf32>
        %swap3A_737 = arith.index_cast %add3A_686 : i32 to index
        %swap3A_738 = arith.constant 64 : index
        %swap3A_739 = tpu.vector_load %arg16[%swap3A_737, %swap3A_738] {strides = array<i32>} : memref<64x128xf32, #tpu.memory_space<vmem>>, vector<1x16xf32>,
        %swap3A_740 = vector.shape_cast %swap3A_739 : vector<1x16xf32> to vector<16xf32>
        %swap3A_741 = vector.shape_cast %mul3A_736 : vector<16xf32> to vector<1x16xf32>
        tpu.vector_store %arg16[%swap3A_737, %swap3A_738], %swap3A_741 {strides = array<i32>} : memref<64x128xf32, #tpu.memory_space<vmem>>, vector<1x16xf32>,
        %get3A_742 = arith.index_cast %add3A_686 : i32 to index
        %get3A_743 = arith.constant 80 : index
        %get3A_744 = tpu.vector_load %arg16[%get3A_742, %get3A_743] {strides = array<i32>} : memref<64x128xf32, #tpu.memory_space<vmem>>, vector<1x16xf32>,
        %get3A_745 = vector.shape_cast %get3A_744 : vector<1x16xf32> to vector<16xf32>
        %mul3A_746 = vector.broadcast %squeeze3A_682 : f32 to vector<16xf32>
        %mul3A_747 = arith.mulf %get3A_745, %mul3A_746 : vector<16xf32>
        %swap3A_748 = arith.index_cast %add3A_686 : i32 to index
        %swap3A_749 = arith.constant 80 : index
        %swap3A_750 = tpu.vector_load %arg16[%swap3A_748, %swap3A_749] {strides = array<i32>} : memref<64x128xf32, #tpu.memory_space<vmem>>, vector<1x16xf32>,
        %swap3A_751 = vector.shape_cast %swap3A_750 : vector<1x16xf32> to vector<16xf32>
        %swap3A_752 = vector.shape_cast %mul3A_747 : vector<16xf32> to vector<1x16xf32>
        tpu.vector_store %arg16[%swap3A_748, %swap3A_749], %swap3A_752 {strides = array<i32>} : memref<64x128xf32, #tpu.memory_space<vmem>>, vector<1x16xf32>,
        %get3A_753 = arith.index_cast %add3A_686 : i32 to index
        %get3A_754 = arith.constant 96 : index
        %get3A_755 = tpu.vector_load %arg16[%get3A_753, %get3A_754] {strides = array<i32>} : memref<64x128xf32, #tpu.memory_space<vmem>>, vector<1x16xf32>,
        %get3A_756 = vector.shape_cast %get3A_755 : vector<1x16xf32> to vector<16xf32>
        %mul3A_757 = vector.broadcast %squeeze3A_682 : f32 to vector<16xf32>
        %mul3A_758 = arith.mulf %get3A_756, %mul3A_757 : vector<16xf32>
        %swap3A_759 = arith.index_cast %add3A_686 : i32 to index
        %swap3A_760 = arith.constant 96 : index
        %swap3A_761 = tpu.vector_load %arg16[%swap3A_759, %swap3A_760] {strides = array<i32>} : memref<64x128xf32, #tpu.memory_space<vmem>>, vector<1x16xf32>,
        %swap3A_762 = vector.shape_cast %swap3A_761 : vector<1x16xf32> to vector<16xf32>
        %swap3A_763 = vector.shape_cast %mul3A_758 : vector<16xf32> to vector<1x16xf32>
        tpu.vector_store %arg16[%swap3A_759, %swap3A_760], %swap3A_763 {strides = array<i32>} : memref<64x128xf32, #tpu.memory_space<vmem>>, vector<1x16xf32>,
        %get3A_764 = arith.index_cast %add3A_686 : i32 to index
        %get3A_765 = arith.constant 112 : index
        %get3A_766 = tpu.vector_load %arg16[%get3A_764, %get3A_765] {strides = array<i32>} : memref<64x128xf32, #tpu.memory_space<vmem>>, vector<1x16xf32>,
        %get3A_767 = vector.shape_cast %get3A_766 : vector<1x16xf32> to vector<16xf32>
        %mul3A_768 = vector.broadcast %squeeze3A_682 : f32 to vector<16xf32>
        %mul3A_769 = arith.mulf %get3A_767, %mul3A_768 : vector<16xf32>
        %swap3A_770 = arith.index_cast %add3A_686 : i32 to index
        %swap3A_771 = arith.constant 112 : index
        %swap3A_772 = tpu.vector_load %arg16[%swap3A_770, %swap3A_771] {strides = array<i32>} : memref<64x128xf32, #tpu.memory_space<vmem>>, vector<1x16xf32>,
        %swap3A_773 = vector.shape_cast %swap3A_772 : vector<1x16xf32> to vector<16xf32>
        %swap3A_774 = vector.shape_cast %mul3A_769 : vector<16xf32> to vector<1x16xf32>
        tpu.vector_store %arg16[%swap3A_770, %swap3A_771], %swap3A_774 {strides = array<i32>} : memref<64x128xf32, #tpu.memory_space<vmem>>, vector<1x16xf32>,
        %slice3A_775 = vector.extract_strided_slice %get3A_494 {offsets = [3], sizes = [1], strides = [1]} : vector<16xf32> to vector<1xf32>
        %squeeze3A_776 = vector.extract %slice3A_775[0] : f32 from vector<1xf32>
        %mul3A_777 = arith.constant 16 : i32
        %mul3A_778 = arith.muli %add3A_487, %mul3A_777 : i32
        %add3A_779 = arith.constant 3 : i32
        %add3A_780 = arith.addi %mul3A_778, %add3A_779 : i32
        %get3A_781 = arith.index_cast %add3A_780 : i32 to index
        %get3A_782 = arith.constant 0 : index
        %get3A_783 = tpu.vector_load %arg16[%get3A_781, %get3A_782] {strides = array<i32>} : memref<64x128xf32, #tpu.memory_space<vmem>>, vector<1x16xf32>,
        %get3A_784 = vector.shape_cast %get3A_783 : vector<1x16xf32> to vector<16xf32>
        %mul3A_785 = vector.broadcast %squeeze3A_776 : f32 to vector<16xf32>
        %mul3A_786 = arith.mulf %get3A_784, %mul3A_785 : vector<16xf32>
        %swap3A_787 = arith.index_cast %add3A_780 : i32 to index
        %swap3A_788 = arith.constant 0 : index
        %swap3A_789 = tpu.vector_load %arg16[%swap3A_787, %swap3A_788] {strides = array<i32>} : memref<64x128xf32, #tpu.memory_space<vmem>>, vector<1x16xf32>,
        %swap3A_790 = vector.shape_cast %swap3A_789 : vector<1x16xf32> to vector<16xf32>
        %swap3A_791 = vector.shape_cast %mul3A_786 : vector<16xf32> to vector<1x16xf32>
        tpu.vector_store %arg16[%swap3A_787, %swap3A_788], %swap3A_791 {strides = array<i32>} : memref<64x128xf32, #tpu.memory_space<vmem>>, vector<1x16xf32>,
        %get3A_792 = arith.index_cast %add3A_780 : i32 to index
        %get3A_793 = arith.constant 16 : index
        %get3A_794 = tpu.vector_load %arg16[%get3A_792, %get3A_793] {strides = array<i32>} : memref<64x128xf32, #tpu.memory_space<vmem>>, vector<1x16xf32>,
        %get3A_795 = vector.shape_cast %get3A_794 : vector<1x16xf32> to vector<16xf32>
        %mul3A_796 = vector.broadcast %squeeze3A_776 : f32 to vector<16xf32>
        %mul3A_797 = arith.mulf %get3A_795, %mul3A_796 : vector<16xf32>
        %swap3A_798 = arith.index_cast %add3A_780 : i32 to index
        %swap3A_799 = arith.constant 16 : index
        %swap3A_800 = tpu.vector_load %arg16[%swap3A_798, %swap3A_799] {strides = array<i32>} : memref<64x128xf32, #tpu.memory_space<vmem>>, vector<1x16xf32>,
        %swap3A_801 = vector.shape_cast %swap3A_800 : vector<1x16xf32> to vector<16xf32>
        %swap3A_802 = vector.shape_cast %mul3A_797 : vector<16xf32> to vector<1x16xf32>
        tpu.vector_store %arg16[%swap3A_798, %swap3A_799], %swap3A_802 {strides = array<i32>} : memref<64x128xf32, #tpu.memory_space<vmem>>, vector<1x16xf32>,
        %get3A_803 = arith.index_cast %add3A_780 : i32 to index
        %get3A_804 = arith.constant 32 : index
        %get3A_805 = tpu.vector_load %arg16[%get3A_803, %get3A_804] {strides = array<i32>} : memref<64x128xf32, #tpu.memory_space<vmem>>, vector<1x16xf32>,
        %get3A_806 = vector.shape_cast %get3A_805 : vector<1x16xf32> to vector<16xf32>
        %mul3A_807 = vector.broadcast %squeeze3A_776 : f32 to vector<16xf32>
        %mul3A_808 = arith.mulf %get3A_806, %mul3A_807 : vector<16xf32>
        %swap3A_809 = arith.index_cast %add3A_780 : i32 to index
        %swap3A_810 = arith.constant 32 : index
        %swap3A_811 = tpu.vector_load %arg16[%swap3A_809, %swap3A_810] {strides = array<i32>} : memref<64x128xf32, #tpu.memory_space<vmem>>, vector<1x16xf32>,
        %swap3A_812 = vector.shape_cast %swap3A_811 : vector<1x16xf32> to vector<16xf32>
        %swap3A_813 = vector.shape_cast %mul3A_808 : vector<16xf32> to vector<1x16xf32>
        tpu.vector_store %arg16[%swap3A_809, %swap3A_810], %swap3A_813 {strides = array<i32>} : memref<64x128xf32, #tpu.memory_space<vmem>>, vector<1x16xf32>,
        %get3A_814 = arith.index_cast %add3A_780 : i32 to index
        %get3A_815 = arith.constant 48 : index
        %get3A_816 = tpu.vector_load %arg16[%get3A_814, %get3A_815] {strides = array<i32>} : memref<64x128xf32, #tpu.memory_space<vmem>>, vector<1x16xf32>,
        %get3A_817 = vector.shape_cast %get3A_816 : vector<1x16xf32> to vector<16xf32>
        %mul3A_818 = vector.broadcast %squeeze3A_776 : f32 to vector<16xf32>
        %mul3A_819 = arith.mulf %get3A_817, %mul3A_818 : vector<16xf32>
        %swap3A_820 = arith.index_cast %add3A_780 : i32 to index
        %swap3A_821 = arith.constant 48 : index
        %swap3A_822 = tpu.vector_load %arg16[%swap3A_820, %swap3A_821] {strides = array<i32>} : memref<64x128xf32, #tpu.memory_space<vmem>>, vector<1x16xf32>,
        %swap3A_823 = vector.shape_cast %swap3A_822 : vector<1x16xf32> to vector<16xf32>
        %swap3A_824 = vector.shape_cast %mul3A_819 : vector<16xf32> to vector<1x16xf32>
        tpu.vector_store %arg16[%swap3A_820, %swap3A_821], %swap3A_824 {strides = array<i32>} : memref<64x128xf32, #tpu.memory_space<vmem>>, vector<1x16xf32>,
        %get3A_825 = arith.index_cast %add3A_780 : i32 to index
        %get3A_826 = arith.constant 64 : index
        %get3A_827 = tpu.vector_load %arg16[%get3A_825, %get3A_826] {strides = array<i32>} : memref<64x128xf32, #tpu.memory_space<vmem>>, vector<1x16xf32>,
        %get3A_828 = vector.shape_cast %get3A_827 : vector<1x16xf32> to vector<16xf32>
        %mul3A_829 = vector.broadcast %squeeze3A_776 : f32 to vector<16xf32>
        %mul3A_830 = arith.mulf %get3A_828, %mul3A_829 : vector<16xf32>
        %swap3A_831 = arith.index_cast %add3A_780 : i32 to index
        %swap3A_832 = arith.constant 64 : index
        %swap3A_833 = tpu.vector_load %arg16[%swap3A_831, %swap3A_832] {strides = array<i32>} : memref<64x128xf32, #tpu.memory_space<vmem>>, vector<1x16xf32>,
        %swap3A_834 = vector.shape_cast %swap3A_833 : vector<1x16xf32> to vector<16xf32>
        %swap3A_835 = vector.shape_cast %mul3A_830 : vector<16xf32> to vector<1x16xf32>
        tpu.vector_store %arg16[%swap3A_831, %swap3A_832], %swap3A_835 {strides = array<i32>} : memref<64x128xf32, #tpu.memory_space<vmem>>, vector<1x16xf32>,
        %get3A_836 = arith.index_cast %add3A_780 : i32 to index
        %get3A_837 = arith.constant 80 : index
        %get3A_838 = tpu.vector_load %arg16[%get3A_836, %get3A_837] {strides = array<i32>} : memref<64x128xf32, #tpu.memory_space<vmem>>, vector<1x16xf32>,
        %get3A_839 = vector.shape_cast %get3A_838 : vector<1x16xf32> to vector<16xf32>
        %mul3A_840 = vector.broadcast %squeeze3A_776 : f32 to vector<16xf32>
        %mul3A_841 = arith.mulf %get3A_839, %mul3A_840 : vector<16xf32>
        %swap3A_842 = arith.index_cast %add3A_780 : i32 to index
        %swap3A_843 = arith.constant 80 : index
        %swap3A_844 = tpu.vector_load %arg16[%swap3A_842, %swap3A_843] {strides = array<i32>} : memref<64x128xf32, #tpu.memory_space<vmem>>, vector<1x16xf32>,
        %swap3A_845 = vector.shape_cast %swap3A_844 : vector<1x16xf32> to vector<16xf32>
        %swap3A_846 = vector.shape_cast %mul3A_841 : vector<16xf32> to vector<1x16xf32>
        tpu.vector_store %arg16[%swap3A_842, %swap3A_843], %swap3A_846 {strides = array<i32>} : memref<64x128xf32, #tpu.memory_space<vmem>>, vector<1x16xf32>,
        %get3A_847 = arith.index_cast %add3A_780 : i32 to index
        %get3A_848 = arith.constant 96 : index
        %get3A_849 = tpu.vector_load %arg16[%get3A_847, %get3A_848] {strides = array<i32>} : memref<64x128xf32, #tpu.memory_space<vmem>>, vector<1x16xf32>,
        %get3A_850 = vector.shape_cast %get3A_849 : vector<1x16xf32> to vector<16xf32>
        %mul3A_851 = vector.broadcast %squeeze3A_776 : f32 to vector<16xf32>
        %mul3A_852 = arith.mulf %get3A_850, %mul3A_851 : vector<16xf32>
        %swap3A_853 = arith.index_cast %add3A_780 : i32 to index
        %swap3A_854 = arith.constant 96 : index
        %swap3A_855 = tpu.vector_load %arg16[%swap3A_853, %swap3A_854] {strides = array<i32>} : memref<64x128xf32, #tpu.memory_space<vmem>>, vector<1x16xf32>,
        %swap3A_856 = vector.shape_cast %swap3A_855 : vector<1x16xf32> to vector<16xf32>
        %swap3A_857 = vector.shape_cast %mul3A_852 : vector<16xf32> to vector<1x16xf32>
        tpu.vector_store %arg16[%swap3A_853, %swap3A_854], %swap3A_857 {strides = array<i32>} : memref<64x128xf32, #tpu.memory_space<vmem>>, vector<1x16xf32>,
        %get3A_858 = arith.index_cast %add3A_780 : i32 to index
        %get3A_859 = arith.constant 112 : index
        %get3A_860 = tpu.vector_load %arg16[%get3A_858, %get3A_859] {strides = array<i32>} : memref<64x128xf32, #tpu.memory_space<vmem>>, vector<1x16xf32>,
        %get3A_861 = vector.shape_cast %get3A_860 : vector<1x16xf32> to vector<16xf32>
        %mul3A_862 = vector.broadcast %squeeze3A_776 : f32 to vector<16xf32>
        %mul3A_863 = arith.mulf %get3A_861, %mul3A_862 : vector<16xf32>
        %swap3A_864 = arith.index_cast %add3A_780 : i32 to index
        %swap3A_865 = arith.constant 112 : index
        %swap3A_866 = tpu.vector_load %arg16[%swap3A_864, %swap3A_865] {strides = array<i32>} : memref<64x128xf32, #tpu.memory_space<vmem>>, vector<1x16xf32>,
        %swap3A_867 = vector.shape_cast %swap3A_866 : vector<1x16xf32> to vector<16xf32>
        %swap3A_868 = vector.shape_cast %mul3A_863 : vector<16xf32> to vector<1x16xf32>
        tpu.vector_store %arg16[%swap3A_864, %swap3A_865], %swap3A_868 {strides = array<i32>} : memref<64x128xf32, #tpu.memory_space<vmem>>, vector<1x16xf32>,
        %slice3A_869 = vector.extract_strided_slice %get3A_494 {offsets = [4], sizes = [1], strides = [1]} : vector<16xf32> to vector<1xf32>
        %squeeze3A_870 = vector.extract %slice3A_869[0] : f32 from vector<1xf32>
        %mul3A_871 = arith.constant 16 : i32
        %mul3A_872 = arith.muli %add3A_487, %mul3A_871 : i32
        %add3A_873 = arith.constant 4 : i32
        %add3A_874 = arith.addi %mul3A_872, %add3A_873 : i32
        %get3A_875 = arith.index_cast %add3A_874 : i32 to index
        %get3A_876 = arith.constant 0 : index
        %get3A_877 = tpu.vector_load %arg16[%get3A_875, %get3A_876] {strides = array<i32>} : memref<64x128xf32, #tpu.memory_space<vmem>>, vector<1x16xf32>,
        %get3A_878 = vector.shape_cast %get3A_877 : vector<1x16xf32> to vector<16xf32>
        %mul3A_879 = vector.broadcast %squeeze3A_870 : f32 to vector<16xf32>
        %mul3A_880 = arith.mulf %get3A_878, %mul3A_879 : vector<16xf32>
        %swap3A_881 = arith.index_cast %add3A_874 : i32 to index
        %swap3A_882 = arith.constant 0 : index
        %swap3A_883 = tpu.vector_load %arg16[%swap3A_881, %swap3A_882] {strides = array<i32>} : memref<64x128xf32, #tpu.memory_space<vmem>>, vector<1x16xf32>,
        %swap3A_884 = vector.shape_cast %swap3A_883 : vector<1x16xf32> to vector<16xf32>
        %swap3A_885 = vector.shape_cast %mul3A_880 : vector<16xf32> to vector<1x16xf32>
        tpu.vector_store %arg16[%swap3A_881, %swap3A_882], %swap3A_885 {strides = array<i32>} : memref<64x128xf32, #tpu.memory_space<vmem>>, vector<1x16xf32>,
        %get3A_886 = arith.index_cast %add3A_874 : i32 to index
        %get3A_887 = arith.constant 16 : index
        %get3A_888 = tpu.vector_load %arg16[%get3A_886, %get3A_887] {strides = array<i32>} : memref<64x128xf32, #tpu.memory_space<vmem>>, vector<1x16xf32>,
        %get3A_889 = vector.shape_cast %get3A_888 : vector<1x16xf32> to vector<16xf32>
        %mul3A_890 = vector.broadcast %squeeze3A_870 : f32 to vector<16xf32>
        %mul3A_891 = arith.mulf %get3A_889, %mul3A_890 : vector<16xf32>
        %swap3A_892 = arith.index_cast %add3A_874 : i32 to index
        %swap3A_893 = arith.constant 16 : index
        %swap3A_894 = tpu.vector_load %arg16[%swap3A_892, %swap3A_893] {strides = array<i32>} : memref<64x128xf32, #tpu.memory_space<vmem>>, vector<1x16xf32>,
        %swap3A_895 = vector.shape_cast %swap3A_894 : vector<1x16xf32> to vector<16xf32>
        %swap3A_896 = vector.shape_cast %mul3A_891 : vector<16xf32> to vector<1x16xf32>
        tpu.vector_store %arg16[%swap3A_892, %swap3A_893], %swap3A_896 {strides = array<i32>} : memref<64x128xf32, #tpu.memory_space<vmem>>, vector<1x16xf32>,
        %get3A_897 = arith.index_cast %add3A_874 : i32 to index
        %get3A_898 = arith.constant 32 : index
        %get3A_899 = tpu.vector_load %arg16[%get3A_897, %get3A_898] {strides = array<i32>} : memref<64x128xf32, #tpu.memory_space<vmem>>, vector<1x16xf32>,
        %get3A_900 = vector.shape_cast %get3A_899 : vector<1x16xf32> to vector<16xf32>
        %mul3A_901 = vector.broadcast %squeeze3A_870 : f32 to vector<16xf32>
        %mul3A_902 = arith.mulf %get3A_900, %mul3A_901 : vector<16xf32>
        %swap3A_903 = arith.index_cast %add3A_874 : i32 to index
        %swap3A_904 = arith.constant 32 : index
        %swap3A_905 = tpu.vector_load %arg16[%swap3A_903, %swap3A_904] {strides = array<i32>} : memref<64x128xf32, #tpu.memory_space<vmem>>, vector<1x16xf32>,
        %swap3A_906 = vector.shape_cast %swap3A_905 : vector<1x16xf32> to vector<16xf32>
        %swap3A_907 = vector.shape_cast %mul3A_902 : vector<16xf32> to vector<1x16xf32>
        tpu.vector_store %arg16[%swap3A_903, %swap3A_904], %swap3A_907 {strides = array<i32>} : memref<64x128xf32, #tpu.memory_space<vmem>>, vector<1x16xf32>,
        %get3A_908 = arith.index_cast %add3A_874 : i32 to index
        %get3A_909 = arith.constant 48 : index
        %get3A_910 = tpu.vector_load %arg16[%get3A_908, %get3A_909] {strides = array<i32>} : memref<64x128xf32, #tpu.memory_space<vmem>>, vector<1x16xf32>,
        %get3A_911 = vector.shape_cast %get3A_910 : vector<1x16xf32> to vector<16xf32>
        %mul3A_912 = vector.broadcast %squeeze3A_870 : f32 to vector<16xf32>
        %mul3A_913 = arith.mulf %get3A_911, %mul3A_912 : vector<16xf32>
        %swap3A_914 = arith.index_cast %add3A_874 : i32 to index
        %swap3A_915 = arith.constant 48 : index
        %swap3A_916 = tpu.vector_load %arg16[%swap3A_914, %swap3A_915] {strides = array<i32>} : memref<64x128xf32, #tpu.memory_space<vmem>>, vector<1x16xf32>,
        %swap3A_917 = vector.shape_cast %swap3A_916 : vector<1x16xf32> to vector<16xf32>
        %swap3A_918 = vector.shape_cast %mul3A_913 : vector<16xf32> to vector<1x16xf32>
        tpu.vector_store %arg16[%swap3A_914, %swap3A_915], %swap3A_918 {strides = array<i32>} : memref<64x128xf32, #tpu.memory_space<vmem>>, vector<1x16xf32>,
        %get3A_919 = arith.index_cast %add3A_874 : i32 to index
        %get3A_920 = arith.constant 64 : index
        %get3A_921 = tpu.vector_load %arg16[%get3A_919, %get3A_920] {strides = array<i32>} : memref<64x128xf32, #tpu.memory_space<vmem>>, vector<1x16xf32>,
        %get3A_922 = vector.shape_cast %get3A_921 : vector<1x16xf32> to vector<16xf32>
        %mul3A_923 = vector.broadcast %squeeze3A_870 : f32 to vector<16xf32>
        %mul3A_924 = arith.mulf %get3A_922, %mul3A_923 : vector<16xf32>
        %swap3A_925 = arith.index_cast %add3A_874 : i32 to index
        %swap3A_926 = arith.constant 64 : index
        %swap3A_927 = tpu.vector_load %arg16[%swap3A_925, %swap3A_926] {strides = array<i32>} : memref<64x128xf32, #tpu.memory_space<vmem>>, vector<1x16xf32>,
        %swap3A_928 = vector.shape_cast %swap3A_927 : vector<1x16xf32> to vector<16xf32>
        %swap3A_929 = vector.shape_cast %mul3A_924 : vector<16xf32> to vector<1x16xf32>
        tpu.vector_store %arg16[%swap3A_925, %swap3A_926], %swap3A_929 {strides = array<i32>} : memref<64x128xf32, #tpu.memory_space<vmem>>, vector<1x16xf32>,
        %get3A_930 = arith.index_cast %add3A_874 : i32 to index
        %get3A_931 = arith.constant 80 : index
        %get3A_932 = tpu.vector_load %arg16[%get3A_930, %get3A_931] {strides = array<i32>} : memref<64x128xf32, #tpu.memory_space<vmem>>, vector<1x16xf32>,
        %get3A_933 = vector.shape_cast %get3A_932 : vector<1x16xf32> to vector<16xf32>
        %mul3A_934 = vector.broadcast %squeeze3A_870 : f32 to vector<16xf32>
        %mul3A_935 = arith.mulf %get3A_933, %mul3A_934 : vector<16xf32>
        %swap3A_936 = arith.index_cast %add3A_874 : i32 to index
        %swap3A_937 = arith.constant 80 : index
        %swap3A_938 = tpu.vector_load %arg16[%swap3A_936, %swap3A_937] {strides = array<i32>} : memref<64x128xf32, #tpu.memory_space<vmem>>, vector<1x16xf32>,
        %swap3A_939 = vector.shape_cast %swap3A_938 : vector<1x16xf32> to vector<16xf32>
        %swap3A_940 = vector.shape_cast %mul3A_935 : vector<16xf32> to vector<1x16xf32>
        tpu.vector_store %arg16[%swap3A_936, %swap3A_937], %swap3A_940 {strides = array<i32>} : memref<64x128xf32, #tpu.memory_space<vmem>>, vector<1x16xf32>,
        %get3A_941 = arith.index_cast %add3A_874 : i32 to index
        %get3A_942 = arith.constant 96 : index
        %get3A_943 = tpu.vector_load %arg16[%get3A_941, %get3A_942] {strides = array<i32>} : memref<64x128xf32, #tpu.memory_space<vmem>>, vector<1x16xf32>,
        %get3A_944 = vector.shape_cast %get3A_943 : vector<1x16xf32> to vector<16xf32>
        %mul3A_945 = vector.broadcast %squeeze3A_870 : f32 to vector<16xf32>
        %mul3A_946 = arith.mulf %get3A_944, %mul3A_945 : vector<16xf32>
        %swap3A_947 = arith.index_cast %add3A_874 : i32 to index
        %swap3A_948 = arith.constant 96 : index
        %swap3A_949 = tpu.vector_load %arg16[%swap3A_947, %swap3A_948] {strides = array<i32>} : memref<64x128xf32, #tpu.memory_space<vmem>>, vector<1x16xf32>,
        %swap3A_950 = vector.shape_cast %swap3A_949 : vector<1x16xf32> to vector<16xf32>
        %swap3A_951 = vector.shape_cast %mul3A_946 : vector<16xf32> to vector<1x16xf32>
        tpu.vector_store %arg16[%swap3A_947, %swap3A_948], %swap3A_951 {strides = array<i32>} : memref<64x128xf32, #tpu.memory_space<vmem>>, vector<1x16xf32>,
        %get3A_952 = arith.index_cast %add3A_874 : i32 to index
        %get3A_953 = arith.constant 112 : index
        %get3A_954 = tpu.vector_load %arg16[%get3A_952, %get3A_953] {strides = array<i32>} : memref<64x128xf32, #tpu.memory_space<vmem>>, vector<1x16xf32>,
        %get3A_955 = vector.shape_cast %get3A_954 : vector<1x16xf32> to vector<16xf32>
        %mul3A_956 = vector.broadcast %squeeze3A_870 : f32 to vector<16xf32>
        %mul3A_957 = arith.mulf %get3A_955, %mul3A_956 : vector<16xf32>
        %swap3A_958 = arith.index_cast %add3A_874 : i32 to index
        %swap3A_959 = arith.constant 112 : index
        %swap3A_960 = tpu.vector_load %arg16[%swap3A_958, %swap3A_959] {strides = array<i32>} : memref<64x128xf32, #tpu.memory_space<vmem>>, vector<1x16xf32>,
        %swap3A_961 = vector.shape_cast %swap3A_960 : vector<1x16xf32> to vector<16xf32>
        %swap3A_962 = vector.shape_cast %mul3A_957 : vector<16xf32> to vector<1x16xf32>
        tpu.vector_store %arg16[%swap3A_958, %swap3A_959], %swap3A_962 {strides = array<i32>} : memref<64x128xf32, #tpu.memory_space<vmem>>, vector<1x16xf32>,
        %slice3A_963 = vector.extract_strided_slice %get3A_494 {offsets = [5], sizes = [1], strides = [1]} : vector<16xf32> to vector<1xf32>
        %squeeze3A_964 = vector.extract %slice3A_963[0] : f32 from vector<1xf32>
        %mul3A_965 = arith.constant 16 : i32
        %mul3A_966 = arith.muli %add3A_487, %mul3A_965 : i32
        %add3A_967 = arith.constant 5 : i32
        %add3A_968 = arith.addi %mul3A_966, %add3A_967 : i32
        %get3A_969 = arith.index_cast %add3A_968 : i32 to index
        %get3A_970 = arith.constant 0 : index
        %get3A_971 = tpu.vector_load %arg16[%get3A_969, %get3A_970] {strides = array<i32>} : memref<64x128xf32, #tpu.memory_space<vmem>>, vector<1x16xf32>,
        %get3A_972 = vector.shape_cast %get3A_971 : vector<1x16xf32> to vector<16xf32>
        %mul3A_973 = vector.broadcast %squeeze3A_964 : f32 to vector<16xf32>
        %mul3A_974 = arith.mulf %get3A_972, %mul3A_973 : vector<16xf32>
        %swap3A_975 = arith.index_cast %add3A_968 : i32 to index
        %swap3A_976 = arith.constant 0 : index
        %swap3A_977 = tpu.vector_load %arg16[%swap3A_975, %swap3A_976] {strides = array<i32>} : memref<64x128xf32, #tpu.memory_space<vmem>>, vector<1x16xf32>,
        %swap3A_978 = vector.shape_cast %swap3A_977 : vector<1x16xf32> to vector<16xf32>
        %swap3A_979 = vector.shape_cast %mul3A_974 : vector<16xf32> to vector<1x16xf32>
        tpu.vector_store %arg16[%swap3A_975, %swap3A_976], %swap3A_979 {strides = array<i32>} : memref<64x128xf32, #tpu.memory_space<vmem>>, vector<1x16xf32>,
        %get3A_980 = arith.index_cast %add3A_968 : i32 to index
        %get3A_981 = arith.constant 16 : index
        %get3A_982 = tpu.vector_load %arg16[%get3A_980, %get3A_981] {strides = array<i32>} : memref<64x128xf32, #tpu.memory_space<vmem>>, vector<1x16xf32>,
        %get3A_983 = vector.shape_cast %get3A_982 : vector<1x16xf32> to vector<16xf32>
        %mul3A_984 = vector.broadcast %squeeze3A_964 : f32 to vector<16xf32>
        %mul3A_985 = arith.mulf %get3A_983, %mul3A_984 : vector<16xf32>
        %swap3A_986 = arith.index_cast %add3A_968 : i32 to index
        %swap3A_987 = arith.constant 16 : index
        %swap3A_988 = tpu.vector_load %arg16[%swap3A_986, %swap3A_987] {strides = array<i32>} : memref<64x128xf32, #tpu.memory_space<vmem>>, vector<1x16xf32>,
        %swap3A_989 = vector.shape_cast %swap3A_988 : vector<1x16xf32> to vector<16xf32>
        %swap3A_990 = vector.shape_cast %mul3A_985 : vector<16xf32> to vector<1x16xf32>
        tpu.vector_store %arg16[%swap3A_986, %swap3A_987], %swap3A_990 {strides = array<i32>} : memref<64x128xf32, #tpu.memory_space<vmem>>, vector<1x16xf32>,
        %get3A_991 = arith.index_cast %add3A_968 : i32 to index
        %get3A_992 = arith.constant 32 : index
        %get3A_993 = tpu.vector_load %arg16[%get3A_991, %get3A_992] {strides = array<i32>} : memref<64x128xf32, #tpu.memory_space<vmem>>, vector<1x16xf32>,
        %get3A_994 = vector.shape_cast %get3A_993 : vector<1x16xf32> to vector<16xf32>
        %mul3A_995 = vector.broadcast %squeeze3A_964 : f32 to vector<16xf32>
        %mul3A_996 = arith.mulf %get3A_994, %mul3A_995 : vector<16xf32>
        %swap3A_997 = arith.index_cast %add3A_968 : i32 to index
        %swap3A_998 = arith.constant 32 : index
        %swap3A_999 = tpu.vector_load %arg16[%swap3A_997, %swap3A_998] {strides = array<i32>} : memref<64x128xf32, #tpu.memory_space<vmem>>, vector<1x16xf32>,
        %swap3A_1000 = vector.shape_cast %swap3A_999 : vector<1x16xf32> to vector<16xf32>
        %swap3A_1001 = vector.shape_cast %mul3A_996 : vector<16xf32> to vector<1x16xf32>
        tpu.vector_store %arg16[%swap3A_997, %swap3A_998], %swap3A_1001 {strides = array<i32>} : memref<64x128xf32, #tpu.memory_space<vmem>>, vector<1x16xf32>,
        %get3A_1002 = arith.index_cast %add3A_968 : i32 to index
        %get3A_1003 = arith.constant 48 : index
        %get3A_1004 = tpu.vector_load %arg16[%get3A_1002, %get3A_1003] {strides = array<i32>} : memref<64x128xf32, #tpu.memory_space<vmem>>, vector<1x16xf32>,
        %get3A_1005 = vector.shape_cast %get3A_1004 : vector<1x16xf32> to vector<16xf32>
        %mul3A_1006 = vector.broadcast %squeeze3A_964 : f32 to vector<16xf32>
        %mul3A_1007 = arith.mulf %get3A_1005, %mul3A_1006 : vector<16xf32>
        %swap3A_1008 = arith.index_cast %add3A_968 : i32 to index
        %swap3A_1009 = arith.constant 48 : index
        %swap3A_1010 = tpu.vector_load %arg16[%swap3A_1008, %swap3A_1009] {strides = array<i32>} : memref<64x128xf32, #tpu.memory_space<vmem>>, vector<1x16xf32>,
        %swap3A_1011 = vector.shape_cast %swap3A_1010 : vector<1x16xf32> to vector<16xf32>
        %swap3A_1012 = vector.shape_cast %mul3A_1007 : vector<16xf32> to vector<1x16xf32>
        tpu.vector_store %arg16[%swap3A_1008, %swap3A_1009], %swap3A_1012 {strides = array<i32>} : memref<64x128xf32, #tpu.memory_space<vmem>>, vector<1x16xf32>,
        %get3A_1013 = arith.index_cast %add3A_968 : i32 to index
        %get3A_1014 = arith.constant 64 : index
        %get3A_1015 = tpu.vector_load %arg16[%get3A_1013, %get3A_1014] {strides = array<i32>} : memref<64x128xf32, #tpu.memory_space<vmem>>, vector<1x16xf32>,
        %get3A_1016 = vector.shape_cast %get3A_1015 : vector<1x16xf32> to vector<16xf32>
        %mul3A_1017 = vector.broadcast %squeeze3A_964 : f32 to vector<16xf32>
        %mul3A_1018 = arith.mulf %get3A_1016, %mul3A_1017 : vector<16xf32>
        %swap3A_1019 = arith.index_cast %add3A_968 : i32 to index
        %swap3A_1020 = arith.constant 64 : index
        %swap3A_1021 = tpu.vector_load %arg16[%swap3A_1019, %swap3A_1020] {strides = array<i32>} : memref<64x128xf32, #tpu.memory_space<vmem>>, vector<1x16xf32>,
        %swap3A_1022 = vector.shape_cast %swap3A_1021 : vector<1x16xf32> to vector<16xf32>
        %swap3A_1023 = vector.shape_cast %mul3A_1018 : vector<16xf32> to vector<1x16xf32>
        tpu.vector_store %arg16[%swap3A_1019, %swap3A_1020], %swap3A_1023 {strides = array<i32>} : memref<64x128xf32, #tpu.memory_space<vmem>>, vector<1x16xf32>,
        %get3A_1024 = arith.index_cast %add3A_968 : i32 to index
        %get3A_1025 = arith.constant 80 : index
        %get3A_1026 = tpu.vector_load %arg16[%get3A_1024, %get3A_1025] {strides = array<i32>} : memref<64x128xf32, #tpu.memory_space<vmem>>, vector<1x16xf32>,
        %get3A_1027 = vector.shape_cast %get3A_1026 : vector<1x16xf32> to vector<16xf32>
        %mul3A_1028 = vector.broadcast %squeeze3A_964 : f32 to vector<16xf32>
        %mul3A_1029 = arith.mulf %get3A_1027, %mul3A_1028 : vector<16xf32>
        %swap3A_1030 = arith.index_cast %add3A_968 : i32 to index
        %swap3A_1031 = arith.constant 80 : index
        %swap3A_1032 = tpu.vector_load %arg16[%swap3A_1030, %swap3A_1031] {strides = array<i32>} : memref<64x128xf32, #tpu.memory_space<vmem>>, vector<1x16xf32>,
        %swap3A_1033 = vector.shape_cast %swap3A_1032 : vector<1x16xf32> to vector<16xf32>
        %swap3A_1034 = vector.shape_cast %mul3A_1029 : vector<16xf32> to vector<1x16xf32>
        tpu.vector_store %arg16[%swap3A_1030, %swap3A_1031], %swap3A_1034 {strides = array<i32>} : memref<64x128xf32, #tpu.memory_space<vmem>>, vector<1x16xf32>,
        %get3A_1035 = arith.index_cast %add3A_968 : i32 to index
        %get3A_1036 = arith.constant 96 : index
        %get3A_1037 = tpu.vector_load %arg16[%get3A_1035, %get3A_1036] {strides = array<i32>} : memref<64x128xf32, #tpu.memory_space<vmem>>, vector<1x16xf32>,
        %get3A_1038 = vector.shape_cast %get3A_1037 : vector<1x16xf32> to vector<16xf32>
        %mul3A_1039 = vector.broadcast %squeeze3A_964 : f32 to vector<16xf32>
        %mul3A_1040 = arith.mulf %get3A_1038, %mul3A_1039 : vector<16xf32>
        %swap3A_1041 = arith.index_cast %add3A_968 : i32 to index
        %swap3A_1042 = arith.constant 96 : index
        %swap3A_1043 = tpu.vector_load %arg16[%swap3A_1041, %swap3A_1042] {strides = array<i32>} : memref<64x128xf32, #tpu.memory_space<vmem>>, vector<1x16xf32>,
        %swap3A_1044 = vector.shape_cast %swap3A_1043 : vector<1x16xf32> to vector<16xf32>
        %swap3A_1045 = vector.shape_cast %mul3A_1040 : vector<16xf32> to vector<1x16xf32>
        tpu.vector_store %arg16[%swap3A_1041, %swap3A_1042], %swap3A_1045 {strides = array<i32>} : memref<64x128xf32, #tpu.memory_space<vmem>>, vector<1x16xf32>,
        %get3A_1046 = arith.index_cast %add3A_968 : i32 to index
        %get3A_1047 = arith.constant 112 : index
        %get3A_1048 = tpu.vector_load %arg16[%get3A_1046, %get3A_1047] {strides = array<i32>} : memref<64x128xf32, #tpu.memory_space<vmem>>, vector<1x16xf32>,
        %get3A_1049 = vector.shape_cast %get3A_1048 : vector<1x16xf32> to vector<16xf32>
        %mul3A_1050 = vector.broadcast %squeeze3A_964 : f32 to vector<16xf32>
        %mul3A_1051 = arith.mulf %get3A_1049, %mul3A_1050 : vector<16xf32>
        %swap3A_1052 = arith.index_cast %add3A_968 : i32 to index
        %swap3A_1053 = arith.constant 112 : index
        %swap3A_1054 = tpu.vector_load %arg16[%swap3A_1052, %swap3A_1053] {strides = array<i32>} : memref<64x128xf32, #tpu.memory_space<vmem>>, vector<1x16xf32>,
        %swap3A_1055 = vector.shape_cast %swap3A_1054 : vector<1x16xf32> to vector<16xf32>
        %swap3A_1056 = vector.shape_cast %mul3A_1051 : vector<16xf32> to vector<1x16xf32>
        tpu.vector_store %arg16[%swap3A_1052, %swap3A_1053], %swap3A_1056 {strides = array<i32>} : memref<64x128xf32, #tpu.memory_space<vmem>>, vector<1x16xf32>,
        %slice3A_1057 = vector.extract_strided_slice %get3A_494 {offsets = [6], sizes = [1], strides = [1]} : vector<16xf32> to vector<1xf32>
        %squeeze3A_1058 = vector.extract %slice3A_1057[0] : f32 from vector<1xf32>
        %mul3A_1059 = arith.constant 16 : i32
        %mul3A_1060 = arith.muli %add3A_487, %mul3A_1059 : i32
        %add3A_1061 = arith.constant 6 : i32
        %add3A_1062 = arith.addi %mul3A_1060, %add3A_1061 : i32
        %get3A_1063 = arith.index_cast %add3A_1062 : i32 to index
        %get3A_1064 = arith.constant 0 : index
        %get3A_1065 = tpu.vector_load %arg16[%get3A_1063, %get3A_1064] {strides = array<i32>} : memref<64x128xf32, #tpu.memory_space<vmem>>, vector<1x16xf32>,
        %get3A_1066 = vector.shape_cast %get3A_1065 : vector<1x16xf32> to vector<16xf32>
        %mul3A_1067 = vector.broadcast %squeeze3A_1058 : f32 to vector<16xf32>
        %mul3A_1068 = arith.mulf %get3A_1066, %mul3A_1067 : vector<16xf32>
        %swap3A_1069 = arith.index_cast %add3A_1062 : i32 to index
        %swap3A_1070 = arith.constant 0 : index
        %swap3A_1071 = tpu.vector_load %arg16[%swap3A_1069, %swap3A_1070] {strides = array<i32>} : memref<64x128xf32, #tpu.memory_space<vmem>>, vector<1x16xf32>,
        %swap3A_1072 = vector.shape_cast %swap3A_1071 : vector<1x16xf32> to vector<16xf32>
        %swap3A_1073 = vector.shape_cast %mul3A_1068 : vector<16xf32> to vector<1x16xf32>
        tpu.vector_store %arg16[%swap3A_1069, %swap3A_1070], %swap3A_1073 {strides = array<i32>} : memref<64x128xf32, #tpu.memory_space<vmem>>, vector<1x16xf32>,
        %get3A_1074 = arith.index_cast %add3A_1062 : i32 to index
        %get3A_1075 = arith.constant 16 : index
        %get3A_1076 = tpu.vector_load %arg16[%get3A_1074, %get3A_1075] {strides = array<i32>} : memref<64x128xf32, #tpu.memory_space<vmem>>, vector<1x16xf32>,
        %get3A_1077 = vector.shape_cast %get3A_1076 : vector<1x16xf32> to vector<16xf32>
        %mul3A_1078 = vector.broadcast %squeeze3A_1058 : f32 to vector<16xf32>
        %mul3A_1079 = arith.mulf %get3A_1077, %mul3A_1078 : vector<16xf32>
        %swap3A_1080 = arith.index_cast %add3A_1062 : i32 to index
        %swap3A_1081 = arith.constant 16 : index
        %swap3A_1082 = tpu.vector_load %arg16[%swap3A_1080, %swap3A_1081] {strides = array<i32>} : memref<64x128xf32, #tpu.memory_space<vmem>>, vector<1x16xf32>,
        %swap3A_1083 = vector.shape_cast %swap3A_1082 : vector<1x16xf32> to vector<16xf32>
        %swap3A_1084 = vector.shape_cast %mul3A_1079 : vector<16xf32> to vector<1x16xf32>
        tpu.vector_store %arg16[%swap3A_1080, %swap3A_1081], %swap3A_1084 {strides = array<i32>} : memref<64x128xf32, #tpu.memory_space<vmem>>, vector<1x16xf32>,
        %get3A_1085 = arith.index_cast %add3A_1062 : i32 to index
        %get3A_1086 = arith.constant 32 : index
        %get3A_1087 = tpu.vector_load %arg16[%get3A_1085, %get3A_1086] {strides = array<i32>} : memref<64x128xf32, #tpu.memory_space<vmem>>, vector<1x16xf32>,
        %get3A_1088 = vector.shape_cast %get3A_1087 : vector<1x16xf32> to vector<16xf32>
        %mul3A_1089 = vector.broadcast %squeeze3A_1058 : f32 to vector<16xf32>
        %mul3A_1090 = arith.mulf %get3A_1088, %mul3A_1089 : vector<16xf32>
        %swap3A_1091 = arith.index_cast %add3A_1062 : i32 to index
        %swap3A_1092 = arith.constant 32 : index
        %swap3A_1093 = tpu.vector_load %arg16[%swap3A_1091, %swap3A_1092] {strides = array<i32>} : memref<64x128xf32, #tpu.memory_space<vmem>>, vector<1x16xf32>,
        %swap3A_1094 = vector.shape_cast %swap3A_1093 : vector<1x16xf32> to vector<16xf32>
        %swap3A_1095 = vector.shape_cast %mul3A_1090 : vector<16xf32> to vector<1x16xf32>
        tpu.vector_store %arg16[%swap3A_1091, %swap3A_1092], %swap3A_1095 {strides = array<i32>} : memref<64x128xf32, #tpu.memory_space<vmem>>, vector<1x16xf32>,
        %get3A_1096 = arith.index_cast %add3A_1062 : i32 to index
        %get3A_1097 = arith.constant 48 : index
        %get3A_1098 = tpu.vector_load %arg16[%get3A_1096, %get3A_1097] {strides = array<i32>} : memref<64x128xf32, #tpu.memory_space<vmem>>, vector<1x16xf32>,
        %get3A_1099 = vector.shape_cast %get3A_1098 : vector<1x16xf32> to vector<16xf32>
        %mul3A_1100 = vector.broadcast %squeeze3A_1058 : f32 to vector<16xf32>
        %mul3A_1101 = arith.mulf %get3A_1099, %mul3A_1100 : vector<16xf32>
        %swap3A_1102 = arith.index_cast %add3A_1062 : i32 to index
        %swap3A_1103 = arith.constant 48 : index
        %swap3A_1104 = tpu.vector_load %arg16[%swap3A_1102, %swap3A_1103] {strides = array<i32>} : memref<64x128xf32, #tpu.memory_space<vmem>>, vector<1x16xf32>,
        %swap3A_1105 = vector.shape_cast %swap3A_1104 : vector<1x16xf32> to vector<16xf32>
        %swap3A_1106 = vector.shape_cast %mul3A_1101 : vector<16xf32> to vector<1x16xf32>
        tpu.vector_store %arg16[%swap3A_1102, %swap3A_1103], %swap3A_1106 {strides = array<i32>} : memref<64x128xf32, #tpu.memory_space<vmem>>, vector<1x16xf32>,
        %get3A_1107 = arith.index_cast %add3A_1062 : i32 to index
        %get3A_1108 = arith.constant 64 : index
        %get3A_1109 = tpu.vector_load %arg16[%get3A_1107, %get3A_1108] {strides = array<i32>} : memref<64x128xf32, #tpu.memory_space<vmem>>, vector<1x16xf32>,
        %get3A_1110 = vector.shape_cast %get3A_1109 : vector<1x16xf32> to vector<16xf32>
        %mul3A_1111 = vector.broadcast %squeeze3A_1058 : f32 to vector<16xf32>
        %mul3A_1112 = arith.mulf %get3A_1110, %mul3A_1111 : vector<16xf32>
        %swap3A_1113 = arith.index_cast %add3A_1062 : i32 to index
        %swap3A_1114 = arith.constant 64 : index
        %swap3A_1115 = tpu.vector_load %arg16[%swap3A_1113, %swap3A_1114] {strides = array<i32>} : memref<64x128xf32, #tpu.memory_space<vmem>>, vector<1x16xf32>,
        %swap3A_1116 = vector.shape_cast %swap3A_1115 : vector<1x16xf32> to vector<16xf32>
        %swap3A_1117 = vector.shape_cast %mul3A_1112 : vector<16xf32> to vector<1x16xf32>
        tpu.vector_store %arg16[%swap3A_1113, %swap3A_1114], %swap3A_1117 {strides = array<i32>} : memref<64x128xf32, #tpu.memory_space<vmem>>, vector<1x16xf32>,
        %get3A_1118 = arith.index_cast %add3A_1062 : i32 to index
        %get3A_1119 = arith.constant 80 : index
        %get3A_1120 = tpu.vector_load %arg16[%get3A_1118, %get3A_1119] {strides = array<i32>} : memref<64x128xf32, #tpu.memory_space<vmem>>, vector<1x16xf32>,
        %get3A_1121 = vector.shape_cast %get3A_1120 : vector<1x16xf32> to vector<16xf32>
        %mul3A_1122 = vector.broadcast %squeeze3A_1058 : f32 to vector<16xf32>
        %mul3A_1123 = arith.mulf %get3A_1121, %mul3A_1122 : vector<16xf32>
        %swap3A_1124 = arith.index_cast %add3A_1062 : i32 to index
        %swap3A_1125 = arith.constant 80 : index
        %swap3A_1126 = tpu.vector_load %arg16[%swap3A_1124, %swap3A_1125] {strides = array<i32>} : memref<64x128xf32, #tpu.memory_space<vmem>>, vector<1x16xf32>,
        %swap3A_1127 = vector.shape_cast %swap3A_1126 : vector<1x16xf32> to vector<16xf32>
        %swap3A_1128 = vector.shape_cast %mul3A_1123 : vector<16xf32> to vector<1x16xf32>
        tpu.vector_store %arg16[%swap3A_1124, %swap3A_1125], %swap3A_1128 {strides = array<i32>} : memref<64x128xf32, #tpu.memory_space<vmem>>, vector<1x16xf32>,
        %get3A_1129 = arith.index_cast %add3A_1062 : i32 to index
        %get3A_1130 = arith.constant 96 : index
        %get3A_1131 = tpu.vector_load %arg16[%get3A_1129, %get3A_1130] {strides = array<i32>} : memref<64x128xf32, #tpu.memory_space<vmem>>, vector<1x16xf32>,
        %get3A_1132 = vector.shape_cast %get3A_1131 : vector<1x16xf32> to vector<16xf32>
        %mul3A_1133 = vector.broadcast %squeeze3A_1058 : f32 to vector<16xf32>
        %mul3A_1134 = arith.mulf %get3A_1132, %mul3A_1133 : vector<16xf32>
        %swap3A_1135 = arith.index_cast %add3A_1062 : i32 to index
        %swap3A_1136 = arith.constant 96 : index
        %swap3A_1137 = tpu.vector_load %arg16[%swap3A_1135, %swap3A_1136] {strides = array<i32>} : memref<64x128xf32, #tpu.memory_space<vmem>>, vector<1x16xf32>,
        %swap3A_1138 = vector.shape_cast %swap3A_1137 : vector<1x16xf32> to vector<16xf32>
        %swap3A_1139 = vector.shape_cast %mul3A_1134 : vector<16xf32> to vector<1x16xf32>
        tpu.vector_store %arg16[%swap3A_1135, %swap3A_1136], %swap3A_1139 {strides = array<i32>} : memref<64x128xf32, #tpu.memory_space<vmem>>, vector<1x16xf32>,
        %get3A_1140 = arith.index_cast %add3A_1062 : i32 to index
        %get3A_1141 = arith.constant 112 : index
        %get3A_1142 = tpu.vector_load %arg16[%get3A_1140, %get3A_1141] {strides = array<i32>} : memref<64x128xf32, #tpu.memory_space<vmem>>, vector<1x16xf32>,
        %get3A_1143 = vector.shape_cast %get3A_1142 : vector<1x16xf32> to vector<16xf32>
        %mul3A_1144 = vector.broadcast %squeeze3A_1058 : f32 to vector<16xf32>
        %mul3A_1145 = arith.mulf %get3A_1143, %mul3A_1144 : vector<16xf32>
        %swap3A_1146 = arith.index_cast %add3A_1062 : i32 to index
        %swap3A_1147 = arith.constant 112 : index
        %swap3A_1148 = tpu.vector_load %arg16[%swap3A_1146, %swap3A_1147] {strides = array<i32>} : memref<64x128xf32, #tpu.memory_space<vmem>>, vector<1x16xf32>,
        %swap3A_1149 = vector.shape_cast %swap3A_1148 : vector<1x16xf32> to vector<16xf32>
        %swap3A_1150 = vector.shape_cast %mul3A_1145 : vector<16xf32> to vector<1x16xf32>
        tpu.vector_store %arg16[%swap3A_1146, %swap3A_1147], %swap3A_1150 {strides = array<i32>} : memref<64x128xf32, #tpu.memory_space<vmem>>, vector<1x16xf32>,
        %slice3A_1151 = vector.extract_strided_slice %get3A_494 {offsets = [7], sizes = [1], strides = [1]} : vector<16xf32> to vector<1xf32>
        %squeeze3A_1152 = vector.extract %slice3A_1151[0] : f32 from vector<1xf32>
        %mul3A_1153 = arith.constant 16 : i32
        %mul3A_1154 = arith.muli %add3A_487, %mul3A_1153 : i32
        %add3A_1155 = arith.constant 7 : i32
        %add3A_1156 = arith.addi %mul3A_1154, %add3A_1155 : i32
        %get3A_1157 = arith.index_cast %add3A_1156 : i32 to index
        %get3A_1158 = arith.constant 0 : index
        %get3A_1159 = tpu.vector_load %arg16[%get3A_1157, %get3A_1158] {strides = array<i32>} : memref<64x128xf32, #tpu.memory_space<vmem>>, vector<1x16xf32>,
        %get3A_1160 = vector.shape_cast %get3A_1159 : vector<1x16xf32> to vector<16xf32>
        %mul3A_1161 = vector.broadcast %squeeze3A_1152 : f32 to vector<16xf32>
        %mul3A_1162 = arith.mulf %get3A_1160, %mul3A_1161 : vector<16xf32>
        %swap3A_1163 = arith.index_cast %add3A_1156 : i32 to index
        %swap3A_1164 = arith.constant 0 : index
        %swap3A_1165 = tpu.vector_load %arg16[%swap3A_1163, %swap3A_1164] {strides = array<i32>} : memref<64x128xf32, #tpu.memory_space<vmem>>, vector<1x16xf32>,
        %swap3A_1166 = vector.shape_cast %swap3A_1165 : vector<1x16xf32> to vector<16xf32>
        %swap3A_1167 = vector.shape_cast %mul3A_1162 : vector<16xf32> to vector<1x16xf32>
        tpu.vector_store %arg16[%swap3A_1163, %swap3A_1164], %swap3A_1167 {strides = array<i32>} : memref<64x128xf32, #tpu.memory_space<vmem>>, vector<1x16xf32>,
        %get3A_1168 = arith.index_cast %add3A_1156 : i32 to index
        %get3A_1169 = arith.constant 16 : index
        %get3A_1170 = tpu.vector_load %arg16[%get3A_1168, %get3A_1169] {strides = array<i32>} : memref<64x128xf32, #tpu.memory_space<vmem>>, vector<1x16xf32>,
        %get3A_1171 = vector.shape_cast %get3A_1170 : vector<1x16xf32> to vector<16xf32>
        %mul3A_1172 = vector.broadcast %squeeze3A_1152 : f32 to vector<16xf32>
        %mul3A_1173 = arith.mulf %get3A_1171, %mul3A_1172 : vector<16xf32>
        %swap3A_1174 = arith.index_cast %add3A_1156 : i32 to index
        %swap3A_1175 = arith.constant 16 : index
        %swap3A_1176 = tpu.vector_load %arg16[%swap3A_1174, %swap3A_1175] {strides = array<i32>} : memref<64x128xf32, #tpu.memory_space<vmem>>, vector<1x16xf32>,
        %swap3A_1177 = vector.shape_cast %swap3A_1176 : vector<1x16xf32> to vector<16xf32>
        %swap3A_1178 = vector.shape_cast %mul3A_1173 : vector<16xf32> to vector<1x16xf32>
        tpu.vector_store %arg16[%swap3A_1174, %swap3A_1175], %swap3A_1178 {strides = array<i32>} : memref<64x128xf32, #tpu.memory_space<vmem>>, vector<1x16xf32>,
        %get3A_1179 = arith.index_cast %add3A_1156 : i32 to index
        %get3A_1180 = arith.constant 32 : index
        %get3A_1181 = tpu.vector_load %arg16[%get3A_1179, %get3A_1180] {strides = array<i32>} : memref<64x128xf32, #tpu.memory_space<vmem>>, vector<1x16xf32>,
        %get3A_1182 = vector.shape_cast %get3A_1181 : vector<1x16xf32> to vector<16xf32>
        %mul3A_1183 = vector.broadcast %squeeze3A_1152 : f32 to vector<16xf32>
        %mul3A_1184 = arith.mulf %get3A_1182, %mul3A_1183 : vector<16xf32>
        %swap3A_1185 = arith.index_cast %add3A_1156 : i32 to index
        %swap3A_1186 = arith.constant 32 : index
        %swap3A_1187 = tpu.vector_load %arg16[%swap3A_1185, %swap3A_1186] {strides = array<i32>} : memref<64x128xf32, #tpu.memory_space<vmem>>, vector<1x16xf32>,
        %swap3A_1188 = vector.shape_cast %swap3A_1187 : vector<1x16xf32> to vector<16xf32>
        %swap3A_1189 = vector.shape_cast %mul3A_1184 : vector<16xf32> to vector<1x16xf32>
        tpu.vector_store %arg16[%swap3A_1185, %swap3A_1186], %swap3A_1189 {strides = array<i32>} : memref<64x128xf32, #tpu.memory_space<vmem>>, vector<1x16xf32>,
        %get3A_1190 = arith.index_cast %add3A_1156 : i32 to index
        %get3A_1191 = arith.constant 48 : index
        %get3A_1192 = tpu.vector_load %arg16[%get3A_1190, %get3A_1191] {strides = array<i32>} : memref<64x128xf32, #tpu.memory_space<vmem>>, vector<1x16xf32>,
        %get3A_1193 = vector.shape_cast %get3A_1192 : vector<1x16xf32> to vector<16xf32>
        %mul3A_1194 = vector.broadcast %squeeze3A_1152 : f32 to vector<16xf32>
        %mul3A_1195 = arith.mulf %get3A_1193, %mul3A_1194 : vector<16xf32>
        %swap3A_1196 = arith.index_cast %add3A_1156 : i32 to index
        %swap3A_1197 = arith.constant 48 : index
        %swap3A_1198 = tpu.vector_load %arg16[%swap3A_1196, %swap3A_1197] {strides = array<i32>} : memref<64x128xf32, #tpu.memory_space<vmem>>, vector<1x16xf32>,
        %swap3A_1199 = vector.shape_cast %swap3A_1198 : vector<1x16xf32> to vector<16xf32>
        %swap3A_1200 = vector.shape_cast %mul3A_1195 : vector<16xf32> to vector<1x16xf32>
        tpu.vector_store %arg16[%swap3A_1196, %swap3A_1197], %swap3A_1200 {strides = array<i32>} : memref<64x128xf32, #tpu.memory_space<vmem>>, vector<1x16xf32>,
        %get3A_1201 = arith.index_cast %add3A_1156 : i32 to index
        %get3A_1202 = arith.constant 64 : index
        %get3A_1203 = tpu.vector_load %arg16[%get3A_1201, %get3A_1202] {strides = array<i32>} : memref<64x128xf32, #tpu.memory_space<vmem>>, vector<1x16xf32>,
        %get3A_1204 = vector.shape_cast %get3A_1203 : vector<1x16xf32> to vector<16xf32>
        %mul3A_1205 = vector.broadcast %squeeze3A_1152 : f32 to vector<16xf32>
        %mul3A_1206 = arith.mulf %get3A_1204, %mul3A_1205 : vector<16xf32>
        %swap3A_1207 = arith.index_cast %add3A_1156 : i32 to index
        %swap3A_1208 = arith.constant 64 : index
        %swap3A_1209 = tpu.vector_load %arg16[%swap3A_1207, %swap3A_1208] {strides = array<i32>} : memref<64x128xf32, #tpu.memory_space<vmem>>, vector<1x16xf32>,
        %swap3A_1210 = vector.shape_cast %swap3A_1209 : vector<1x16xf32> to vector<16xf32>
        %swap3A_1211 = vector.shape_cast %mul3A_1206 : vector<16xf32> to vector<1x16xf32>
        tpu.vector_store %arg16[%swap3A_1207, %swap3A_1208], %swap3A_1211 {strides = array<i32>} : memref<64x128xf32, #tpu.memory_space<vmem>>, vector<1x16xf32>,
        %get3A_1212 = arith.index_cast %add3A_1156 : i32 to index
        %get3A_1213 = arith.constant 80 : index
        %get3A_1214 = tpu.vector_load %arg16[%get3A_1212, %get3A_1213] {strides = array<i32>} : memref<64x128xf32, #tpu.memory_space<vmem>>, vector<1x16xf32>,
        %get3A_1215 = vector.shape_cast %get3A_1214 : vector<1x16xf32> to vector<16xf32>
        %mul3A_1216 = vector.broadcast %squeeze3A_1152 : f32 to vector<16xf32>
        %mul3A_1217 = arith.mulf %get3A_1215, %mul3A_1216 : vector<16xf32>
        %swap3A_1218 = arith.index_cast %add3A_1156 : i32 to index
        %swap3A_1219 = arith.constant 80 : index
        %swap3A_1220 = tpu.vector_load %arg16[%swap3A_1218, %swap3A_1219] {strides = array<i32>} : memref<64x128xf32, #tpu.memory_space<vmem>>, vector<1x16xf32>,
        %swap3A_1221 = vector.shape_cast %swap3A_1220 : vector<1x16xf32> to vector<16xf32>
        %swap3A_1222 = vector.shape_cast %mul3A_1217 : vector<16xf32> to vector<1x16xf32>
        tpu.vector_store %arg16[%swap3A_1218, %swap3A_1219], %swap3A_1222 {strides = array<i32>} : memref<64x128xf32, #tpu.memory_space<vmem>>, vector<1x16xf32>,
        %get3A_1223 = arith.index_cast %add3A_1156 : i32 to index
        %get3A_1224 = arith.constant 96 : index
        %get3A_1225 = tpu.vector_load %arg16[%get3A_1223, %get3A_1224] {strides = array<i32>} : memref<64x128xf32, #tpu.memory_space<vmem>>, vector<1x16xf32>,
        %get3A_1226 = vector.shape_cast %get3A_1225 : vector<1x16xf32> to vector<16xf32>
        %mul3A_1227 = vector.broadcast %squeeze3A_1152 : f32 to vector<16xf32>
        %mul3A_1228 = arith.mulf %get3A_1226, %mul3A_1227 : vector<16xf32>
        %swap3A_1229 = arith.index_cast %add3A_1156 : i32 to index
        %swap3A_1230 = arith.constant 96 : index
        %swap3A_1231 = tpu.vector_load %arg16[%swap3A_1229, %swap3A_1230] {strides = array<i32>} : memref<64x128xf32, #tpu.memory_space<vmem>>, vector<1x16xf32>,
        %swap3A_1232 = vector.shape_cast %swap3A_1231 : vector<1x16xf32> to vector<16xf32>
        %swap3A_1233 = vector.shape_cast %mul3A_1228 : vector<16xf32> to vector<1x16xf32>
        tpu.vector_store %arg16[%swap3A_1229, %swap3A_1230], %swap3A_1233 {strides = array<i32>} : memref<64x128xf32, #tpu.memory_space<vmem>>, vector<1x16xf32>,
        %get3A_1234 = arith.index_cast %add3A_1156 : i32 to index
        %get3A_1235 = arith.constant 112 : index
        %get3A_1236 = tpu.vector_load %arg16[%get3A_1234, %get3A_1235] {strides = array<i32>} : memref<64x128xf32, #tpu.memory_space<vmem>>, vector<1x16xf32>,
        %get3A_1237 = vector.shape_cast %get3A_1236 : vector<1x16xf32> to vector<16xf32>
        %mul3A_1238 = vector.broadcast %squeeze3A_1152 : f32 to vector<16xf32>
        %mul3A_1239 = arith.mulf %get3A_1237, %mul3A_1238 : vector<16xf32>
        %swap3A_1240 = arith.index_cast %add3A_1156 : i32 to index
        %swap3A_1241 = arith.constant 112 : index
        %swap3A_1242 = tpu.vector_load %arg16[%swap3A_1240, %swap3A_1241] {strides = array<i32>} : memref<64x128xf32, #tpu.memory_space<vmem>>, vector<1x16xf32>,
        %swap3A_1243 = vector.shape_cast %swap3A_1242 : vector<1x16xf32> to vector<16xf32>
        %swap3A_1244 = vector.shape_cast %mul3A_1239 : vector<16xf32> to vector<1x16xf32>
        tpu.vector_store %arg16[%swap3A_1240, %swap3A_1241], %swap3A_1244 {strides = array<i32>} : memref<64x128xf32, #tpu.memory_space<vmem>>, vector<1x16xf32>,
        %slice3A_1245 = vector.extract_strided_slice %get3A_494 {offsets = [8], sizes = [1], strides = [1]} : vector<16xf32> to vector<1xf32>
        %squeeze3A_1246 = vector.extract %slice3A_1245[0] : f32 from vector<1xf32>
        %mul3A_1247 = arith.constant 16 : i32
        %mul3A_1248 = arith.muli %add3A_487, %mul3A_1247 : i32
        %add3A_1249 = arith.constant 8 : i32
        %add3A_1250 = arith.addi %mul3A_1248, %add3A_1249 : i32
        %get3A_1251 = arith.index_cast %add3A_1250 : i32 to index
        %get3A_1252 = arith.constant 0 : index
        %get3A_1253 = tpu.vector_load %arg16[%get3A_1251, %get3A_1252] {strides = array<i32>} : memref<64x128xf32, #tpu.memory_space<vmem>>, vector<1x16xf32>,
        %get3A_1254 = vector.shape_cast %get3A_1253 : vector<1x16xf32> to vector<16xf32>
        %mul3A_1255 = vector.broadcast %squeeze3A_1246 : f32 to vector<16xf32>
        %mul3A_1256 = arith.mulf %get3A_1254, %mul3A_1255 : vector<16xf32>
        %swap3A_1257 = arith.index_cast %add3A_1250 : i32 to index
        %swap3A_1258 = arith.constant 0 : index
        %swap3A_1259 = tpu.vector_load %arg16[%swap3A_1257, %swap3A_1258] {strides = array<i32>} : memref<64x128xf32, #tpu.memory_space<vmem>>, vector<1x16xf32>,
        %swap3A_1260 = vector.shape_cast %swap3A_1259 : vector<1x16xf32> to vector<16xf32>
        %swap3A_1261 = vector.shape_cast %mul3A_1256 : vector<16xf32> to vector<1x16xf32>
        tpu.vector_store %arg16[%swap3A_1257, %swap3A_1258], %swap3A_1261 {strides = array<i32>} : memref<64x128xf32, #tpu.memory_space<vmem>>, vector<1x16xf32>,
        %get3A_1262 = arith.index_cast %add3A_1250 : i32 to index
        %get3A_1263 = arith.constant 16 : index
        %get3A_1264 = tpu.vector_load %arg16[%get3A_1262, %get3A_1263] {strides = array<i32>} : memref<64x128xf32, #tpu.memory_space<vmem>>, vector<1x16xf32>,
        %get3A_1265 = vector.shape_cast %get3A_1264 : vector<1x16xf32> to vector<16xf32>
        %mul3A_1266 = vector.broadcast %squeeze3A_1246 : f32 to vector<16xf32>
        %mul3A_1267 = arith.mulf %get3A_1265, %mul3A_1266 : vector<16xf32>
        %swap3A_1268 = arith.index_cast %add3A_1250 : i32 to index
        %swap3A_1269 = arith.constant 16 : index
        %swap3A_1270 = tpu.vector_load %arg16[%swap3A_1268, %swap3A_1269] {strides = array<i32>} : memref<64x128xf32, #tpu.memory_space<vmem>>, vector<1x16xf32>,
        %swap3A_1271 = vector.shape_cast %swap3A_1270 : vector<1x16xf32> to vector<16xf32>
        %swap3A_1272 = vector.shape_cast %mul3A_1267 : vector<16xf32> to vector<1x16xf32>
        tpu.vector_store %arg16[%swap3A_1268, %swap3A_1269], %swap3A_1272 {strides = array<i32>} : memref<64x128xf32, #tpu.memory_space<vmem>>, vector<1x16xf32>,
        %get3A_1273 = arith.index_cast %add3A_1250 : i32 to index
        %get3A_1274 = arith.constant 32 : index
        %get3A_1275 = tpu.vector_load %arg16[%get3A_1273, %get3A_1274] {strides = array<i32>} : memref<64x128xf32, #tpu.memory_space<vmem>>, vector<1x16xf32>,
        %get3A_1276 = vector.shape_cast %get3A_1275 : vector<1x16xf32> to vector<16xf32>
        %mul3A_1277 = vector.broadcast %squeeze3A_1246 : f32 to vector<16xf32>
        %mul3A_1278 = arith.mulf %get3A_1276, %mul3A_1277 : vector<16xf32>
        %swap3A_1279 = arith.index_cast %add3A_1250 : i32 to index
        %swap3A_1280 = arith.constant 32 : index
        %swap3A_1281 = tpu.vector_load %arg16[%swap3A_1279, %swap3A_1280] {strides = array<i32>} : memref<64x128xf32, #tpu.memory_space<vmem>>, vector<1x16xf32>,
        %swap3A_1282 = vector.shape_cast %swap3A_1281 : vector<1x16xf32> to vector<16xf32>
        %swap3A_1283 = vector.shape_cast %mul3A_1278 : vector<16xf32> to vector<1x16xf32>
        tpu.vector_store %arg16[%swap3A_1279, %swap3A_1280], %swap3A_1283 {strides = array<i32>} : memref<64x128xf32, #tpu.memory_space<vmem>>, vector<1x16xf32>,
        %get3A_1284 = arith.index_cast %add3A_1250 : i32 to index
        %get3A_1285 = arith.constant 48 : index
        %get3A_1286 = tpu.vector_load %arg16[%get3A_1284, %get3A_1285] {strides = array<i32>} : memref<64x128xf32, #tpu.memory_space<vmem>>, vector<1x16xf32>,
        %get3A_1287 = vector.shape_cast %get3A_1286 : vector<1x16xf32> to vector<16xf32>
        %mul3A_1288 = vector.broadcast %squeeze3A_1246 : f32 to vector<16xf32>
        %mul3A_1289 = arith.mulf %get3A_1287, %mul3A_1288 : vector<16xf32>
        %swap3A_1290 = arith.index_cast %add3A_1250 : i32 to index
        %swap3A_1291 = arith.constant 48 : index
        %swap3A_1292 = tpu.vector_load %arg16[%swap3A_1290, %swap3A_1291] {strides = array<i32>} : memref<64x128xf32, #tpu.memory_space<vmem>>, vector<1x16xf32>,
        %swap3A_1293 = vector.shape_cast %swap3A_1292 : vector<1x16xf32> to vector<16xf32>
        %swap3A_1294 = vector.shape_cast %mul3A_1289 : vector<16xf32> to vector<1x16xf32>
        tpu.vector_store %arg16[%swap3A_1290, %swap3A_1291], %swap3A_1294 {strides = array<i32>} : memref<64x128xf32, #tpu.memory_space<vmem>>, vector<1x16xf32>,
        %get3A_1295 = arith.index_cast %add3A_1250 : i32 to index
        %get3A_1296 = arith.constant 64 : index
        %get3A_1297 = tpu.vector_load %arg16[%get3A_1295, %get3A_1296] {strides = array<i32>} : memref<64x128xf32, #tpu.memory_space<vmem>>, vector<1x16xf32>,
        %get3A_1298 = vector.shape_cast %get3A_1297 : vector<1x16xf32> to vector<16xf32>
        %mul3A_1299 = vector.broadcast %squeeze3A_1246 : f32 to vector<16xf32>
        %mul3A_1300 = arith.mulf %get3A_1298, %mul3A_1299 : vector<16xf32>
        %swap3A_1301 = arith.index_cast %add3A_1250 : i32 to index
        %swap3A_1302 = arith.constant 64 : index
        %swap3A_1303 = tpu.vector_load %arg16[%swap3A_1301, %swap3A_1302] {strides = array<i32>} : memref<64x128xf32, #tpu.memory_space<vmem>>, vector<1x16xf32>,
        %swap3A_1304 = vector.shape_cast %swap3A_1303 : vector<1x16xf32> to vector<16xf32>
        %swap3A_1305 = vector.shape_cast %mul3A_1300 : vector<16xf32> to vector<1x16xf32>
        tpu.vector_store %arg16[%swap3A_1301, %swap3A_1302], %swap3A_1305 {strides = array<i32>} : memref<64x128xf32, #tpu.memory_space<vmem>>, vector<1x16xf32>,
        %get3A_1306 = arith.index_cast %add3A_1250 : i32 to index
        %get3A_1307 = arith.constant 80 : index
        %get3A_1308 = tpu.vector_load %arg16[%get3A_1306, %get3A_1307] {strides = array<i32>} : memref<64x128xf32, #tpu.memory_space<vmem>>, vector<1x16xf32>,
        %get3A_1309 = vector.shape_cast %get3A_1308 : vector<1x16xf32> to vector<16xf32>
        %mul3A_1310 = vector.broadcast %squeeze3A_1246 : f32 to vector<16xf32>
        %mul3A_1311 = arith.mulf %get3A_1309, %mul3A_1310 : vector<16xf32>
        %swap3A_1312 = arith.index_cast %add3A_1250 : i32 to index
        %swap3A_1313 = arith.constant 80 : index
        %swap3A_1314 = tpu.vector_load %arg16[%swap3A_1312, %swap3A_1313] {strides = array<i32>} : memref<64x128xf32, #tpu.memory_space<vmem>>, vector<1x16xf32>,
        %swap3A_1315 = vector.shape_cast %swap3A_1314 : vector<1x16xf32> to vector<16xf32>
        %swap3A_1316 = vector.shape_cast %mul3A_1311 : vector<16xf32> to vector<1x16xf32>
        tpu.vector_store %arg16[%swap3A_1312, %swap3A_1313], %swap3A_1316 {strides = array<i32>} : memref<64x128xf32, #tpu.memory_space<vmem>>, vector<1x16xf32>,
        %get3A_1317 = arith.index_cast %add3A_1250 : i32 to index
        %get3A_1318 = arith.constant 96 : index
        %get3A_1319 = tpu.vector_load %arg16[%get3A_1317, %get3A_1318] {strides = array<i32>} : memref<64x128xf32, #tpu.memory_space<vmem>>, vector<1x16xf32>,
        %get3A_1320 = vector.shape_cast %get3A_1319 : vector<1x16xf32> to vector<16xf32>
        %mul3A_1321 = vector.broadcast %squeeze3A_1246 : f32 to vector<16xf32>
        %mul3A_1322 = arith.mulf %get3A_1320, %mul3A_1321 : vector<16xf32>
        %swap3A_1323 = arith.index_cast %add3A_1250 : i32 to index
        %swap3A_1324 = arith.constant 96 : index
        %swap3A_1325 = tpu.vector_load %arg16[%swap3A_1323, %swap3A_1324] {strides = array<i32>} : memref<64x128xf32, #tpu.memory_space<vmem>>, vector<1x16xf32>,
        %swap3A_1326 = vector.shape_cast %swap3A_1325 : vector<1x16xf32> to vector<16xf32>
        %swap3A_1327 = vector.shape_cast %mul3A_1322 : vector<16xf32> to vector<1x16xf32>
        tpu.vector_store %arg16[%swap3A_1323, %swap3A_1324], %swap3A_1327 {strides = array<i32>} : memref<64x128xf32, #tpu.memory_space<vmem>>, vector<1x16xf32>,
        %get3A_1328 = arith.index_cast %add3A_1250 : i32 to index
        %get3A_1329 = arith.constant 112 : index
        %get3A_1330 = tpu.vector_load %arg16[%get3A_1328, %get3A_1329] {strides = array<i32>} : memref<64x128xf32, #tpu.memory_space<vmem>>, vector<1x16xf32>,
        %get3A_1331 = vector.shape_cast %get3A_1330 : vector<1x16xf32> to vector<16xf32>
        %mul3A_1332 = vector.broadcast %squeeze3A_1246 : f32 to vector<16xf32>
        %mul3A_1333 = arith.mulf %get3A_1331, %mul3A_1332 : vector<16xf32>
        %swap3A_1334 = arith.index_cast %add3A_1250 : i32 to index
        %swap3A_1335 = arith.constant 112 : index
        %swap3A_1336 = tpu.vector_load %arg16[%swap3A_1334, %swap3A_1335] {strides = array<i32>} : memref<64x128xf32, #tpu.memory_space<vmem>>, vector<1x16xf32>,
        %swap3A_1337 = vector.shape_cast %swap3A_1336 : vector<1x16xf32> to vector<16xf32>
        %swap3A_1338 = vector.shape_cast %mul3A_1333 : vector<16xf32> to vector<1x16xf32>
        tpu.vector_store %arg16[%swap3A_1334, %swap3A_1335], %swap3A_1338 {strides = array<i32>} : memref<64x128xf32, #tpu.memory_space<vmem>>, vector<1x16xf32>,
        %slice3A_1339 = vector.extract_strided_slice %get3A_494 {offsets = [9], sizes = [1], strides = [1]} : vector<16xf32> to vector<1xf32>
        %squeeze3A_1340 = vector.extract %slice3A_1339[0] : f32 from vector<1xf32>
        %mul3A_1341 = arith.constant 16 : i32
        %mul3A_1342 = arith.muli %add3A_487, %mul3A_1341 : i32
        %add3A_1343 = arith.constant 9 : i32
        %add3A_1344 = arith.addi %mul3A_1342, %add3A_1343 : i32
        %get3A_1345 = arith.index_cast %add3A_1344 : i32 to index
        %get3A_1346 = arith.constant 0 : index
        %get3A_1347 = tpu.vector_load %arg16[%get3A_1345, %get3A_1346] {strides = array<i32>} : memref<64x128xf32, #tpu.memory_space<vmem>>, vector<1x16xf32>,
        %get3A_1348 = vector.shape_cast %get3A_1347 : vector<1x16xf32> to vector<16xf32>
        %mul3A_1349 = vector.broadcast %squeeze3A_1340 : f32 to vector<16xf32>
        %mul3A_1350 = arith.mulf %get3A_1348, %mul3A_1349 : vector<16xf32>
        %swap3A_1351 = arith.index_cast %add3A_1344 : i32 to index
        %swap3A_1352 = arith.constant 0 : index
        %swap3A_1353 = tpu.vector_load %arg16[%swap3A_1351, %swap3A_1352] {strides = array<i32>} : memref<64x128xf32, #tpu.memory_space<vmem>>, vector<1x16xf32>,
        %swap3A_1354 = vector.shape_cast %swap3A_1353 : vector<1x16xf32> to vector<16xf32>
        %swap3A_1355 = vector.shape_cast %mul3A_1350 : vector<16xf32> to vector<1x16xf32>
        tpu.vector_store %arg16[%swap3A_1351, %swap3A_1352], %swap3A_1355 {strides = array<i32>} : memref<64x128xf32, #tpu.memory_space<vmem>>, vector<1x16xf32>,
        %get3A_1356 = arith.index_cast %add3A_1344 : i32 to index
        %get3A_1357 = arith.constant 16 : index
        %get3A_1358 = tpu.vector_load %arg16[%get3A_1356, %get3A_1357] {strides = array<i32>} : memref<64x128xf32, #tpu.memory_space<vmem>>, vector<1x16xf32>,
        %get3A_1359 = vector.shape_cast %get3A_1358 : vector<1x16xf32> to vector<16xf32>
        %mul3A_1360 = vector.broadcast %squeeze3A_1340 : f32 to vector<16xf32>
        %mul3A_1361 = arith.mulf %get3A_1359, %mul3A_1360 : vector<16xf32>
        %swap3A_1362 = arith.index_cast %add3A_1344 : i32 to index
        %swap3A_1363 = arith.constant 16 : index
        %swap3A_1364 = tpu.vector_load %arg16[%swap3A_1362, %swap3A_1363] {strides = array<i32>} : memref<64x128xf32, #tpu.memory_space<vmem>>, vector<1x16xf32>,
        %swap3A_1365 = vector.shape_cast %swap3A_1364 : vector<1x16xf32> to vector<16xf32>
        %swap3A_1366 = vector.shape_cast %mul3A_1361 : vector<16xf32> to vector<1x16xf32>
        tpu.vector_store %arg16[%swap3A_1362, %swap3A_1363], %swap3A_1366 {strides = array<i32>} : memref<64x128xf32, #tpu.memory_space<vmem>>, vector<1x16xf32>,
        %get3A_1367 = arith.index_cast %add3A_1344 : i32 to index
        %get3A_1368 = arith.constant 32 : index
        %get3A_1369 = tpu.vector_load %arg16[%get3A_1367, %get3A_1368] {strides = array<i32>} : memref<64x128xf32, #tpu.memory_space<vmem>>, vector<1x16xf32>,
        %get3A_1370 = vector.shape_cast %get3A_1369 : vector<1x16xf32> to vector<16xf32>
        %mul3A_1371 = vector.broadcast %squeeze3A_1340 : f32 to vector<16xf32>
        %mul3A_1372 = arith.mulf %get3A_1370, %mul3A_1371 : vector<16xf32>
        %swap3A_1373 = arith.index_cast %add3A_1344 : i32 to index
        %swap3A_1374 = arith.constant 32 : index
        %swap3A_1375 = tpu.vector_load %arg16[%swap3A_1373, %swap3A_1374] {strides = array<i32>} : memref<64x128xf32, #tpu.memory_space<vmem>>, vector<1x16xf32>,
        %swap3A_1376 = vector.shape_cast %swap3A_1375 : vector<1x16xf32> to vector<16xf32>
        %swap3A_1377 = vector.shape_cast %mul3A_1372 : vector<16xf32> to vector<1x16xf32>
        tpu.vector_store %arg16[%swap3A_1373, %swap3A_1374], %swap3A_1377 {strides = array<i32>} : memref<64x128xf32, #tpu.memory_space<vmem>>, vector<1x16xf32>,
        %get3A_1378 = arith.index_cast %add3A_1344 : i32 to index
        %get3A_1379 = arith.constant 48 : index
        %get3A_1380 = tpu.vector_load %arg16[%get3A_1378, %get3A_1379] {strides = array<i32>} : memref<64x128xf32, #tpu.memory_space<vmem>>, vector<1x16xf32>,
        %get3A_1381 = vector.shape_cast %get3A_1380 : vector<1x16xf32> to vector<16xf32>
        %mul3A_1382 = vector.broadcast %squeeze3A_1340 : f32 to vector<16xf32>
        %mul3A_1383 = arith.mulf %get3A_1381, %mul3A_1382 : vector<16xf32>
        %swap3A_1384 = arith.index_cast %add3A_1344 : i32 to index
        %swap3A_1385 = arith.constant 48 : index
        %swap3A_1386 = tpu.vector_load %arg16[%swap3A_1384, %swap3A_1385] {strides = array<i32>} : memref<64x128xf32, #tpu.memory_space<vmem>>, vector<1x16xf32>,
        %swap3A_1387 = vector.shape_cast %swap3A_1386 : vector<1x16xf32> to vector<16xf32>
        %swap3A_1388 = vector.shape_cast %mul3A_1383 : vector<16xf32> to vector<1x16xf32>
        tpu.vector_store %arg16[%swap3A_1384, %swap3A_1385], %swap3A_1388 {strides = array<i32>} : memref<64x128xf32, #tpu.memory_space<vmem>>, vector<1x16xf32>,
        %get3A_1389 = arith.index_cast %add3A_1344 : i32 to index
        %get3A_1390 = arith.constant 64 : index
        %get3A_1391 = tpu.vector_load %arg16[%get3A_1389, %get3A_1390] {strides = array<i32>} : memref<64x128xf32, #tpu.memory_space<vmem>>, vector<1x16xf32>,
        %get3A_1392 = vector.shape_cast %get3A_1391 : vector<1x16xf32> to vector<16xf32>
        %mul3A_1393 = vector.broadcast %squeeze3A_1340 : f32 to vector<16xf32>
        %mul3A_1394 = arith.mulf %get3A_1392, %mul3A_1393 : vector<16xf32>
        %swap3A_1395 = arith.index_cast %add3A_1344 : i32 to index
        %swap3A_1396 = arith.constant 64 : index
        %swap3A_1397 = tpu.vector_load %arg16[%swap3A_1395, %swap3A_1396] {strides = array<i32>} : memref<64x128xf32, #tpu.memory_space<vmem>>, vector<1x16xf32>,
        %swap3A_1398 = vector.shape_cast %swap3A_1397 : vector<1x16xf32> to vector<16xf32>
        %swap3A_1399 = vector.shape_cast %mul3A_1394 : vector<16xf32> to vector<1x16xf32>
        tpu.vector_store %arg16[%swap3A_1395, %swap3A_1396], %swap3A_1399 {strides = array<i32>} : memref<64x128xf32, #tpu.memory_space<vmem>>, vector<1x16xf32>,
        %get3A_1400 = arith.index_cast %add3A_1344 : i32 to index
        %get3A_1401 = arith.constant 80 : index
        %get3A_1402 = tpu.vector_load %arg16[%get3A_1400, %get3A_1401] {strides = array<i32>} : memref<64x128xf32, #tpu.memory_space<vmem>>, vector<1x16xf32>,
        %get3A_1403 = vector.shape_cast %get3A_1402 : vector<1x16xf32> to vector<16xf32>
        %mul3A_1404 = vector.broadcast %squeeze3A_1340 : f32 to vector<16xf32>
        %mul3A_1405 = arith.mulf %get3A_1403, %mul3A_1404 : vector<16xf32>
        %swap3A_1406 = arith.index_cast %add3A_1344 : i32 to index
        %swap3A_1407 = arith.constant 80 : index
        %swap3A_1408 = tpu.vector_load %arg16[%swap3A_1406, %swap3A_1407] {strides = array<i32>} : memref<64x128xf32, #tpu.memory_space<vmem>>, vector<1x16xf32>,
        %swap3A_1409 = vector.shape_cast %swap3A_1408 : vector<1x16xf32> to vector<16xf32>
        %swap3A_1410 = vector.shape_cast %mul3A_1405 : vector<16xf32> to vector<1x16xf32>
        tpu.vector_store %arg16[%swap3A_1406, %swap3A_1407], %swap3A_1410 {strides = array<i32>} : memref<64x128xf32, #tpu.memory_space<vmem>>, vector<1x16xf32>,
        %get3A_1411 = arith.index_cast %add3A_1344 : i32 to index
        %get3A_1412 = arith.constant 96 : index
        %get3A_1413 = tpu.vector_load %arg16[%get3A_1411, %get3A_1412] {strides = array<i32>} : memref<64x128xf32, #tpu.memory_space<vmem>>, vector<1x16xf32>,
        %get3A_1414 = vector.shape_cast %get3A_1413 : vector<1x16xf32> to vector<16xf32>
        %mul3A_1415 = vector.broadcast %squeeze3A_1340 : f32 to vector<16xf32>
        %mul3A_1416 = arith.mulf %get3A_1414, %mul3A_1415 : vector<16xf32>
        %swap3A_1417 = arith.index_cast %add3A_1344 : i32 to index
        %swap3A_1418 = arith.constant 96 : index
        %swap3A_1419 = tpu.vector_load %arg16[%swap3A_1417, %swap3A_1418] {strides = array<i32>} : memref<64x128xf32, #tpu.memory_space<vmem>>, vector<1x16xf32>,
        %swap3A_1420 = vector.shape_cast %swap3A_1419 : vector<1x16xf32> to vector<16xf32>
        %swap3A_1421 = vector.shape_cast %mul3A_1416 : vector<16xf32> to vector<1x16xf32>
        tpu.vector_store %arg16[%swap3A_1417, %swap3A_1418], %swap3A_1421 {strides = array<i32>} : memref<64x128xf32, #tpu.memory_space<vmem>>, vector<1x16xf32>,
        %get3A_1422 = arith.index_cast %add3A_1344 : i32 to index
        %get3A_1423 = arith.constant 112 : index
        %get3A_1424 = tpu.vector_load %arg16[%get3A_1422, %get3A_1423] {strides = array<i32>} : memref<64x128xf32, #tpu.memory_space<vmem>>, vector<1x16xf32>,
        %get3A_1425 = vector.shape_cast %get3A_1424 : vector<1x16xf32> to vector<16xf32>
        %mul3A_1426 = vector.broadcast %squeeze3A_1340 : f32 to vector<16xf32>
        %mul3A_1427 = arith.mulf %get3A_1425, %mul3A_1426 : vector<16xf32>
        %swap3A_1428 = arith.index_cast %add3A_1344 : i32 to index
        %swap3A_1429 = arith.constant 112 : index
        %swap3A_1430 = tpu.vector_load %arg16[%swap3A_1428, %swap3A_1429] {strides = array<i32>} : memref<64x128xf32, #tpu.memory_space<vmem>>, vector<1x16xf32>,
        %swap3A_1431 = vector.shape_cast %swap3A_1430 : vector<1x16xf32> to vector<16xf32>
        %swap3A_1432 = vector.shape_cast %mul3A_1427 : vector<16xf32> to vector<1x16xf32>
        tpu.vector_store %arg16[%swap3A_1428, %swap3A_1429], %swap3A_1432 {strides = array<i32>} : memref<64x128xf32, #tpu.memory_space<vmem>>, vector<1x16xf32>,
        %slice3A_1433 = vector.extract_strided_slice %get3A_494 {offsets = [10], sizes = [1], strides = [1]} : vector<16xf32> to vector<1xf32>
        %squeeze3A_1434 = vector.extract %slice3A_1433[0] : f32 from vector<1xf32>
        %mul3A_1435 = arith.constant 16 : i32
        %mul3A_1436 = arith.muli %add3A_487, %mul3A_1435 : i32
        %add3A_1437 = arith.constant 10 : i32
        %add3A_1438 = arith.addi %mul3A_1436, %add3A_1437 : i32
        %get3A_1439 = arith.index_cast %add3A_1438 : i32 to index
        %get3A_1440 = arith.constant 0 : index
        %get3A_1441 = tpu.vector_load %arg16[%get3A_1439, %get3A_1440] {strides = array<i32>} : memref<64x128xf32, #tpu.memory_space<vmem>>, vector<1x16xf32>,
        %get3A_1442 = vector.shape_cast %get3A_1441 : vector<1x16xf32> to vector<16xf32>
        %mul3A_1443 = vector.broadcast %squeeze3A_1434 : f32 to vector<16xf32>
        %mul3A_1444 = arith.mulf %get3A_1442, %mul3A_1443 : vector<16xf32>
        %swap3A_1445 = arith.index_cast %add3A_1438 : i32 to index
        %swap3A_1446 = arith.constant 0 : index
        %swap3A_1447 = tpu.vector_load %arg16[%swap3A_1445, %swap3A_1446] {strides = array<i32>} : memref<64x128xf32, #tpu.memory_space<vmem>>, vector<1x16xf32>,
        %swap3A_1448 = vector.shape_cast %swap3A_1447 : vector<1x16xf32> to vector<16xf32>
        %swap3A_1449 = vector.shape_cast %mul3A_1444 : vector<16xf32> to vector<1x16xf32>
        tpu.vector_store %arg16[%swap3A_1445, %swap3A_1446], %swap3A_1449 {strides = array<i32>} : memref<64x128xf32, #tpu.memory_space<vmem>>, vector<1x16xf32>,
        %get3A_1450 = arith.index_cast %add3A_1438 : i32 to index
        %get3A_1451 = arith.constant 16 : index
        %get3A_1452 = tpu.vector_load %arg16[%get3A_1450, %get3A_1451] {strides = array<i32>} : memref<64x128xf32, #tpu.memory_space<vmem>>, vector<1x16xf32>,
        %get3A_1453 = vector.shape_cast %get3A_1452 : vector<1x16xf32> to vector<16xf32>
        %mul3A_1454 = vector.broadcast %squeeze3A_1434 : f32 to vector<16xf32>
        %mul3A_1455 = arith.mulf %get3A_1453, %mul3A_1454 : vector<16xf32>
        %swap3A_1456 = arith.index_cast %add3A_1438 : i32 to index
        %swap3A_1457 = arith.constant 16 : index
        %swap3A_1458 = tpu.vector_load %arg16[%swap3A_1456, %swap3A_1457] {strides = array<i32>} : memref<64x128xf32, #tpu.memory_space<vmem>>, vector<1x16xf32>,
        %swap3A_1459 = vector.shape_cast %swap3A_1458 : vector<1x16xf32> to vector<16xf32>
        %swap3A_1460 = vector.shape_cast %mul3A_1455 : vector<16xf32> to vector<1x16xf32>
        tpu.vector_store %arg16[%swap3A_1456, %swap3A_1457], %swap3A_1460 {strides = array<i32>} : memref<64x128xf32, #tpu.memory_space<vmem>>, vector<1x16xf32>,
        %get3A_1461 = arith.index_cast %add3A_1438 : i32 to index
        %get3A_1462 = arith.constant 32 : index
        %get3A_1463 = tpu.vector_load %arg16[%get3A_1461, %get3A_1462] {strides = array<i32>} : memref<64x128xf32, #tpu.memory_space<vmem>>, vector<1x16xf32>,
        %get3A_1464 = vector.shape_cast %get3A_1463 : vector<1x16xf32> to vector<16xf32>
        %mul3A_1465 = vector.broadcast %squeeze3A_1434 : f32 to vector<16xf32>
        %mul3A_1466 = arith.mulf %get3A_1464, %mul3A_1465 : vector<16xf32>
        %swap3A_1467 = arith.index_cast %add3A_1438 : i32 to index
        %swap3A_1468 = arith.constant 32 : index
        %swap3A_1469 = tpu.vector_load %arg16[%swap3A_1467, %swap3A_1468] {strides = array<i32>} : memref<64x128xf32, #tpu.memory_space<vmem>>, vector<1x16xf32>,
        %swap3A_1470 = vector.shape_cast %swap3A_1469 : vector<1x16xf32> to vector<16xf32>
        %swap3A_1471 = vector.shape_cast %mul3A_1466 : vector<16xf32> to vector<1x16xf32>
        tpu.vector_store %arg16[%swap3A_1467, %swap3A_1468], %swap3A_1471 {strides = array<i32>} : memref<64x128xf32, #tpu.memory_space<vmem>>, vector<1x16xf32>,
        %get3A_1472 = arith.index_cast %add3A_1438 : i32 to index
        %get3A_1473 = arith.constant 48 : index
        %get3A_1474 = tpu.vector_load %arg16[%get3A_1472, %get3A_1473] {strides = array<i32>} : memref<64x128xf32, #tpu.memory_space<vmem>>, vector<1x16xf32>,
        %get3A_1475 = vector.shape_cast %get3A_1474 : vector<1x16xf32> to vector<16xf32>
        %mul3A_1476 = vector.broadcast %squeeze3A_1434 : f32 to vector<16xf32>
        %mul3A_1477 = arith.mulf %get3A_1475, %mul3A_1476 : vector<16xf32>
        %swap3A_1478 = arith.index_cast %add3A_1438 : i32 to index
        %swap3A_1479 = arith.constant 48 : index
        %swap3A_1480 = tpu.vector_load %arg16[%swap3A_1478, %swap3A_1479] {strides = array<i32>} : memref<64x128xf32, #tpu.memory_space<vmem>>, vector<1x16xf32>,
        %swap3A_1481 = vector.shape_cast %swap3A_1480 : vector<1x16xf32> to vector<16xf32>
        %swap3A_1482 = vector.shape_cast %mul3A_1477 : vector<16xf32> to vector<1x16xf32>
        tpu.vector_store %arg16[%swap3A_1478, %swap3A_1479], %swap3A_1482 {strides = array<i32>} : memref<64x128xf32, #tpu.memory_space<vmem>>, vector<1x16xf32>,
        %get3A_1483 = arith.index_cast %add3A_1438 : i32 to index
        %get3A_1484 = arith.constant 64 : index
        %get3A_1485 = tpu.vector_load %arg16[%get3A_1483, %get3A_1484] {strides = array<i32>} : memref<64x128xf32, #tpu.memory_space<vmem>>, vector<1x16xf32>,
        %get3A_1486 = vector.shape_cast %get3A_1485 : vector<1x16xf32> to vector<16xf32>
        %mul3A_1487 = vector.broadcast %squeeze3A_1434 : f32 to vector<16xf32>
        %mul3A_1488 = arith.mulf %get3A_1486, %mul3A_1487 : vector<16xf32>
        %swap3A_1489 = arith.index_cast %add3A_1438 : i32 to index
        %swap3A_1490 = arith.constant 64 : index
        %swap3A_1491 = tpu.vector_load %arg16[%swap3A_1489, %swap3A_1490] {strides = array<i32>} : memref<64x128xf32, #tpu.memory_space<vmem>>, vector<1x16xf32>,
        %swap3A_1492 = vector.shape_cast %swap3A_1491 : vector<1x16xf32> to vector<16xf32>
        %swap3A_1493 = vector.shape_cast %mul3A_1488 : vector<16xf32> to vector<1x16xf32>
        tpu.vector_store %arg16[%swap3A_1489, %swap3A_1490], %swap3A_1493 {strides = array<i32>} : memref<64x128xf32, #tpu.memory_space<vmem>>, vector<1x16xf32>,
        %get3A_1494 = arith.index_cast %add3A_1438 : i32 to index
        %get3A_1495 = arith.constant 80 : index
        %get3A_1496 = tpu.vector_load %arg16[%get3A_1494, %get3A_1495] {strides = array<i32>} : memref<64x128xf32, #tpu.memory_space<vmem>>, vector<1x16xf32>,
        %get3A_1497 = vector.shape_cast %get3A_1496 : vector<1x16xf32> to vector<16xf32>
        %mul3A_1498 = vector.broadcast %squeeze3A_1434 : f32 to vector<16xf32>
        %mul3A_1499 = arith.mulf %get3A_1497, %mul3A_1498 : vector<16xf32>
        %swap3A_1500 = arith.index_cast %add3A_1438 : i32 to index
        %swap3A_1501 = arith.constant 80 : index
        %swap3A_1502 = tpu.vector_load %arg16[%swap3A_1500, %swap3A_1501] {strides = array<i32>} : memref<64x128xf32, #tpu.memory_space<vmem>>, vector<1x16xf32>,
        %swap3A_1503 = vector.shape_cast %swap3A_1502 : vector<1x16xf32> to vector<16xf32>
        %swap3A_1504 = vector.shape_cast %mul3A_1499 : vector<16xf32> to vector<1x16xf32>
        tpu.vector_store %arg16[%swap3A_1500, %swap3A_1501], %swap3A_1504 {strides = array<i32>} : memref<64x128xf32, #tpu.memory_space<vmem>>, vector<1x16xf32>,
        %get3A_1505 = arith.index_cast %add3A_1438 : i32 to index
        %get3A_1506 = arith.constant 96 : index
        %get3A_1507 = tpu.vector_load %arg16[%get3A_1505, %get3A_1506] {strides = array<i32>} : memref<64x128xf32, #tpu.memory_space<vmem>>, vector<1x16xf32>,
        %get3A_1508 = vector.shape_cast %get3A_1507 : vector<1x16xf32> to vector<16xf32>
        %mul3A_1509 = vector.broadcast %squeeze3A_1434 : f32 to vector<16xf32>
        %mul3A_1510 = arith.mulf %get3A_1508, %mul3A_1509 : vector<16xf32>
        %swap3A_1511 = arith.index_cast %add3A_1438 : i32 to index
        %swap3A_1512 = arith.constant 96 : index
        %swap3A_1513 = tpu.vector_load %arg16[%swap3A_1511, %swap3A_1512] {strides = array<i32>} : memref<64x128xf32, #tpu.memory_space<vmem>>, vector<1x16xf32>,
        %swap3A_1514 = vector.shape_cast %swap3A_1513 : vector<1x16xf32> to vector<16xf32>
        %swap3A_1515 = vector.shape_cast %mul3A_1510 : vector<16xf32> to vector<1x16xf32>
        tpu.vector_store %arg16[%swap3A_1511, %swap3A_1512], %swap3A_1515 {strides = array<i32>} : memref<64x128xf32, #tpu.memory_space<vmem>>, vector<1x16xf32>,
        %get3A_1516 = arith.index_cast %add3A_1438 : i32 to index
        %get3A_1517 = arith.constant 112 : index
        %get3A_1518 = tpu.vector_load %arg16[%get3A_1516, %get3A_1517] {strides = array<i32>} : memref<64x128xf32, #tpu.memory_space<vmem>>, vector<1x16xf32>,
        %get3A_1519 = vector.shape_cast %get3A_1518 : vector<1x16xf32> to vector<16xf32>
        %mul3A_1520 = vector.broadcast %squeeze3A_1434 : f32 to vector<16xf32>
        %mul3A_1521 = arith.mulf %get3A_1519, %mul3A_1520 : vector<16xf32>
        %swap3A_1522 = arith.index_cast %add3A_1438 : i32 to index
        %swap3A_1523 = arith.constant 112 : index
        %swap3A_1524 = tpu.vector_load %arg16[%swap3A_1522, %swap3A_1523] {strides = array<i32>} : memref<64x128xf32, #tpu.memory_space<vmem>>, vector<1x16xf32>,
        %swap3A_1525 = vector.shape_cast %swap3A_1524 : vector<1x16xf32> to vector<16xf32>
        %swap3A_1526 = vector.shape_cast %mul3A_1521 : vector<16xf32> to vector<1x16xf32>
        tpu.vector_store %arg16[%swap3A_1522, %swap3A_1523], %swap3A_1526 {strides = array<i32>} : memref<64x128xf32, #tpu.memory_space<vmem>>, vector<1x16xf32>,
        %slice3A_1527 = vector.extract_strided_slice %get3A_494 {offsets = [11], sizes = [1], strides = [1]} : vector<16xf32> to vector<1xf32>
        %squeeze3A_1528 = vector.extract %slice3A_1527[0] : f32 from vector<1xf32>
        %mul3A_1529 = arith.constant 16 : i32
        %mul3A_1530 = arith.muli %add3A_487, %mul3A_1529 : i32
        %add3A_1531 = arith.constant 11 : i32
        %add3A_1532 = arith.addi %mul3A_1530, %add3A_1531 : i32
        %get3A_1533 = arith.index_cast %add3A_1532 : i32 to index
        %get3A_1534 = arith.constant 0 : index
        %get3A_1535 = tpu.vector_load %arg16[%get3A_1533, %get3A_1534] {strides = array<i32>} : memref<64x128xf32, #tpu.memory_space<vmem>>, vector<1x16xf32>,
        %get3A_1536 = vector.shape_cast %get3A_1535 : vector<1x16xf32> to vector<16xf32>
        %mul3A_1537 = vector.broadcast %squeeze3A_1528 : f32 to vector<16xf32>
        %mul3A_1538 = arith.mulf %get3A_1536, %mul3A_1537 : vector<16xf32>
        %swap3A_1539 = arith.index_cast %add3A_1532 : i32 to index
        %swap3A_1540 = arith.constant 0 : index
        %swap3A_1541 = tpu.vector_load %arg16[%swap3A_1539, %swap3A_1540] {strides = array<i32>} : memref<64x128xf32, #tpu.memory_space<vmem>>, vector<1x16xf32>,
        %swap3A_1542 = vector.shape_cast %swap3A_1541 : vector<1x16xf32> to vector<16xf32>
        %swap3A_1543 = vector.shape_cast %mul3A_1538 : vector<16xf32> to vector<1x16xf32>
        tpu.vector_store %arg16[%swap3A_1539, %swap3A_1540], %swap3A_1543 {strides = array<i32>} : memref<64x128xf32, #tpu.memory_space<vmem>>, vector<1x16xf32>,
        %get3A_1544 = arith.index_cast %add3A_1532 : i32 to index
        %get3A_1545 = arith.constant 16 : index
        %get3A_1546 = tpu.vector_load %arg16[%get3A_1544, %get3A_1545] {strides = array<i32>} : memref<64x128xf32, #tpu.memory_space<vmem>>, vector<1x16xf32>,
        %get3A_1547 = vector.shape_cast %get3A_1546 : vector<1x16xf32> to vector<16xf32>
        %mul3A_1548 = vector.broadcast %squeeze3A_1528 : f32 to vector<16xf32>
        %mul3A_1549 = arith.mulf %get3A_1547, %mul3A_1548 : vector<16xf32>
        %swap3A_1550 = arith.index_cast %add3A_1532 : i32 to index
        %swap3A_1551 = arith.constant 16 : index
        %swap3A_1552 = tpu.vector_load %arg16[%swap3A_1550, %swap3A_1551] {strides = array<i32>} : memref<64x128xf32, #tpu.memory_space<vmem>>, vector<1x16xf32>,
        %swap3A_1553 = vector.shape_cast %swap3A_1552 : vector<1x16xf32> to vector<16xf32>
        %swap3A_1554 = vector.shape_cast %mul3A_1549 : vector<16xf32> to vector<1x16xf32>
        tpu.vector_store %arg16[%swap3A_1550, %swap3A_1551], %swap3A_1554 {strides = array<i32>} : memref<64x128xf32, #tpu.memory_space<vmem>>, vector<1x16xf32>,
        %get3A_1555 = arith.index_cast %add3A_1532 : i32 to index
        %get3A_1556 = arith.constant 32 : index
        %get3A_1557 = tpu.vector_load %arg16[%get3A_1555, %get3A_1556] {strides = array<i32>} : memref<64x128xf32, #tpu.memory_space<vmem>>, vector<1x16xf32>,
        %get3A_1558 = vector.shape_cast %get3A_1557 : vector<1x16xf32> to vector<16xf32>
        %mul3A_1559 = vector.broadcast %squeeze3A_1528 : f32 to vector<16xf32>
        %mul3A_1560 = arith.mulf %get3A_1558, %mul3A_1559 : vector<16xf32>
        %swap3A_1561 = arith.index_cast %add3A_1532 : i32 to index
        %swap3A_1562 = arith.constant 32 : index
        %swap3A_1563 = tpu.vector_load %arg16[%swap3A_1561, %swap3A_1562] {strides = array<i32>} : memref<64x128xf32, #tpu.memory_space<vmem>>, vector<1x16xf32>,
        %swap3A_1564 = vector.shape_cast %swap3A_1563 : vector<1x16xf32> to vector<16xf32>
        %swap3A_1565 = vector.shape_cast %mul3A_1560 : vector<16xf32> to vector<1x16xf32>
        tpu.vector_store %arg16[%swap3A_1561, %swap3A_1562], %swap3A_1565 {strides = array<i32>} : memref<64x128xf32, #tpu.memory_space<vmem>>, vector<1x16xf32>,
        %get3A_1566 = arith.index_cast %add3A_1532 : i32 to index
        %get3A_1567 = arith.constant 48 : index
        %get3A_1568 = tpu.vector_load %arg16[%get3A_1566, %get3A_1567] {strides = array<i32>} : memref<64x128xf32, #tpu.memory_space<vmem>>, vector<1x16xf32>,
        %get3A_1569 = vector.shape_cast %get3A_1568 : vector<1x16xf32> to vector<16xf32>
        %mul3A_1570 = vector.broadcast %squeeze3A_1528 : f32 to vector<16xf32>
        %mul3A_1571 = arith.mulf %get3A_1569, %mul3A_1570 : vector<16xf32>
        %swap3A_1572 = arith.index_cast %add3A_1532 : i32 to index
        %swap3A_1573 = arith.constant 48 : index
        %swap3A_1574 = tpu.vector_load %arg16[%swap3A_1572, %swap3A_1573] {strides = array<i32>} : memref<64x128xf32, #tpu.memory_space<vmem>>, vector<1x16xf32>,
        %swap3A_1575 = vector.shape_cast %swap3A_1574 : vector<1x16xf32> to vector<16xf32>
        %swap3A_1576 = vector.shape_cast %mul3A_1571 : vector<16xf32> to vector<1x16xf32>
        tpu.vector_store %arg16[%swap3A_1572, %swap3A_1573], %swap3A_1576 {strides = array<i32>} : memref<64x128xf32, #tpu.memory_space<vmem>>, vector<1x16xf32>,
        %get3A_1577 = arith.index_cast %add3A_1532 : i32 to index
        %get3A_1578 = arith.constant 64 : index
        %get3A_1579 = tpu.vector_load %arg16[%get3A_1577, %get3A_1578] {strides = array<i32>} : memref<64x128xf32, #tpu.memory_space<vmem>>, vector<1x16xf32>,
        %get3A_1580 = vector.shape_cast %get3A_1579 : vector<1x16xf32> to vector<16xf32>
        %mul3A_1581 = vector.broadcast %squeeze3A_1528 : f32 to vector<16xf32>
        %mul3A_1582 = arith.mulf %get3A_1580, %mul3A_1581 : vector<16xf32>
        %swap3A_1583 = arith.index_cast %add3A_1532 : i32 to index
        %swap3A_1584 = arith.constant 64 : index
        %swap3A_1585 = tpu.vector_load %arg16[%swap3A_1583, %swap3A_1584] {strides = array<i32>} : memref<64x128xf32, #tpu.memory_space<vmem>>, vector<1x16xf32>,
        %swap3A_1586 = vector.shape_cast %swap3A_1585 : vector<1x16xf32> to vector<16xf32>
        %swap3A_1587 = vector.shape_cast %mul3A_1582 : vector<16xf32> to vector<1x16xf32>
        tpu.vector_store %arg16[%swap3A_1583, %swap3A_1584], %swap3A_1587 {strides = array<i32>} : memref<64x128xf32, #tpu.memory_space<vmem>>, vector<1x16xf32>,
        %get3A_1588 = arith.index_cast %add3A_1532 : i32 to index
        %get3A_1589 = arith.constant 80 : index
        %get3A_1590 = tpu.vector_load %arg16[%get3A_1588, %get3A_1589] {strides = array<i32>} : memref<64x128xf32, #tpu.memory_space<vmem>>, vector<1x16xf32>,
        %get3A_1591 = vector.shape_cast %get3A_1590 : vector<1x16xf32> to vector<16xf32>
        %mul3A_1592 = vector.broadcast %squeeze3A_1528 : f32 to vector<16xf32>
        %mul3A_1593 = arith.mulf %get3A_1591, %mul3A_1592 : vector<16xf32>
        %swap3A_1594 = arith.index_cast %add3A_1532 : i32 to index
        %swap3A_1595 = arith.constant 80 : index
        %swap3A_1596 = tpu.vector_load %arg16[%swap3A_1594, %swap3A_1595] {strides = array<i32>} : memref<64x128xf32, #tpu.memory_space<vmem>>, vector<1x16xf32>,
        %swap3A_1597 = vector.shape_cast %swap3A_1596 : vector<1x16xf32> to vector<16xf32>
        %swap3A_1598 = vector.shape_cast %mul3A_1593 : vector<16xf32> to vector<1x16xf32>
        tpu.vector_store %arg16[%swap3A_1594, %swap3A_1595], %swap3A_1598 {strides = array<i32>} : memref<64x128xf32, #tpu.memory_space<vmem>>, vector<1x16xf32>,
        %get3A_1599 = arith.index_cast %add3A_1532 : i32 to index
        %get3A_1600 = arith.constant 96 : index
        %get3A_1601 = tpu.vector_load %arg16[%get3A_1599, %get3A_1600] {strides = array<i32>} : memref<64x128xf32, #tpu.memory_space<vmem>>, vector<1x16xf32>,
        %get3A_1602 = vector.shape_cast %get3A_1601 : vector<1x16xf32> to vector<16xf32>
        %mul3A_1603 = vector.broadcast %squeeze3A_1528 : f32 to vector<16xf32>
        %mul3A_1604 = arith.mulf %get3A_1602, %mul3A_1603 : vector<16xf32>
        %swap3A_1605 = arith.index_cast %add3A_1532 : i32 to index
        %swap3A_1606 = arith.constant 96 : index
        %swap3A_1607 = tpu.vector_load %arg16[%swap3A_1605, %swap3A_1606] {strides = array<i32>} : memref<64x128xf32, #tpu.memory_space<vmem>>, vector<1x16xf32>,
        %swap3A_1608 = vector.shape_cast %swap3A_1607 : vector<1x16xf32> to vector<16xf32>
        %swap3A_1609 = vector.shape_cast %mul3A_1604 : vector<16xf32> to vector<1x16xf32>
        tpu.vector_store %arg16[%swap3A_1605, %swap3A_1606], %swap3A_1609 {strides = array<i32>} : memref<64x128xf32, #tpu.memory_space<vmem>>, vector<1x16xf32>,
        %get3A_1610 = arith.index_cast %add3A_1532 : i32 to index
        %get3A_1611 = arith.constant 112 : index
        %get3A_1612 = tpu.vector_load %arg16[%get3A_1610, %get3A_1611] {strides = array<i32>} : memref<64x128xf32, #tpu.memory_space<vmem>>, vector<1x16xf32>,
        %get3A_1613 = vector.shape_cast %get3A_1612 : vector<1x16xf32> to vector<16xf32>
        %mul3A_1614 = vector.broadcast %squeeze3A_1528 : f32 to vector<16xf32>
        %mul3A_1615 = arith.mulf %get3A_1613, %mul3A_1614 : vector<16xf32>
        %swap3A_1616 = arith.index_cast %add3A_1532 : i32 to index
        %swap3A_1617 = arith.constant 112 : index
        %swap3A_1618 = tpu.vector_load %arg16[%swap3A_1616, %swap3A_1617] {strides = array<i32>} : memref<64x128xf32, #tpu.memory_space<vmem>>, vector<1x16xf32>,
        %swap3A_1619 = vector.shape_cast %swap3A_1618 : vector<1x16xf32> to vector<16xf32>
        %swap3A_1620 = vector.shape_cast %mul3A_1615 : vector<16xf32> to vector<1x16xf32>
        tpu.vector_store %arg16[%swap3A_1616, %swap3A_1617], %swap3A_1620 {strides = array<i32>} : memref<64x128xf32, #tpu.memory_space<vmem>>, vector<1x16xf32>,
        %slice3A_1621 = vector.extract_strided_slice %get3A_494 {offsets = [12], sizes = [1], strides = [1]} : vector<16xf32> to vector<1xf32>
        %squeeze3A_1622 = vector.extract %slice3A_1621[0] : f32 from vector<1xf32>
        %mul3A_1623 = arith.constant 16 : i32
        %mul3A_1624 = arith.muli %add3A_487, %mul3A_1623 : i32
        %add3A_1625 = arith.constant 12 : i32
        %add3A_1626 = arith.addi %mul3A_1624, %add3A_1625 : i32
        %get3A_1627 = arith.index_cast %add3A_1626 : i32 to index
        %get3A_1628 = arith.constant 0 : index
        %get3A_1629 = tpu.vector_load %arg16[%get3A_1627, %get3A_1628] {strides = array<i32>} : memref<64x128xf32, #tpu.memory_space<vmem>>, vector<1x16xf32>,
        %get3A_1630 = vector.shape_cast %get3A_1629 : vector<1x16xf32> to vector<16xf32>
        %mul3A_1631 = vector.broadcast %squeeze3A_1622 : f32 to vector<16xf32>
        %mul3A_1632 = arith.mulf %get3A_1630, %mul3A_1631 : vector<16xf32>
        %swap3A_1633 = arith.index_cast %add3A_1626 : i32 to index
        %swap3A_1634 = arith.constant 0 : index
        %swap3A_1635 = tpu.vector_load %arg16[%swap3A_1633, %swap3A_1634] {strides = array<i32>} : memref<64x128xf32, #tpu.memory_space<vmem>>, vector<1x16xf32>,
        %swap3A_1636 = vector.shape_cast %swap3A_1635 : vector<1x16xf32> to vector<16xf32>
        %swap3A_1637 = vector.shape_cast %mul3A_1632 : vector<16xf32> to vector<1x16xf32>
        tpu.vector_store %arg16[%swap3A_1633, %swap3A_1634], %swap3A_1637 {strides = array<i32>} : memref<64x128xf32, #tpu.memory_space<vmem>>, vector<1x16xf32>,
        %get3A_1638 = arith.index_cast %add3A_1626 : i32 to index
        %get3A_1639 = arith.constant 16 : index
        %get3A_1640 = tpu.vector_load %arg16[%get3A_1638, %get3A_1639] {strides = array<i32>} : memref<64x128xf32, #tpu.memory_space<vmem>>, vector<1x16xf32>,
        %get3A_1641 = vector.shape_cast %get3A_1640 : vector<1x16xf32> to vector<16xf32>
        %mul3A_1642 = vector.broadcast %squeeze3A_1622 : f32 to vector<16xf32>
        %mul3A_1643 = arith.mulf %get3A_1641, %mul3A_1642 : vector<16xf32>
        %swap3A_1644 = arith.index_cast %add3A_1626 : i32 to index
        %swap3A_1645 = arith.constant 16 : index
        %swap3A_1646 = tpu.vector_load %arg16[%swap3A_1644, %swap3A_1645] {strides = array<i32>} : memref<64x128xf32, #tpu.memory_space<vmem>>, vector<1x16xf32>,
        %swap3A_1647 = vector.shape_cast %swap3A_1646 : vector<1x16xf32> to vector<16xf32>
        %swap3A_1648 = vector.shape_cast %mul3A_1643 : vector<16xf32> to vector<1x16xf32>
        tpu.vector_store %arg16[%swap3A_1644, %swap3A_1645], %swap3A_1648 {strides = array<i32>} : memref<64x128xf32, #tpu.memory_space<vmem>>, vector<1x16xf32>,
        %get3A_1649 = arith.index_cast %add3A_1626 : i32 to index
        %get3A_1650 = arith.constant 32 : index
        %get3A_1651 = tpu.vector_load %arg16[%get3A_1649, %get3A_1650] {strides = array<i32>} : memref<64x128xf32, #tpu.memory_space<vmem>>, vector<1x16xf32>,
        %get3A_1652 = vector.shape_cast %get3A_1651 : vector<1x16xf32> to vector<16xf32>
        %mul3A_1653 = vector.broadcast %squeeze3A_1622 : f32 to vector<16xf32>
        %mul3A_1654 = arith.mulf %get3A_1652, %mul3A_1653 : vector<16xf32>
        %swap3A_1655 = arith.index_cast %add3A_1626 : i32 to index
        %swap3A_1656 = arith.constant 32 : index
        %swap3A_1657 = tpu.vector_load %arg16[%swap3A_1655, %swap3A_1656] {strides = array<i32>} : memref<64x128xf32, #tpu.memory_space<vmem>>, vector<1x16xf32>,
        %swap3A_1658 = vector.shape_cast %swap3A_1657 : vector<1x16xf32> to vector<16xf32>
        %swap3A_1659 = vector.shape_cast %mul3A_1654 : vector<16xf32> to vector<1x16xf32>
        tpu.vector_store %arg16[%swap3A_1655, %swap3A_1656], %swap3A_1659 {strides = array<i32>} : memref<64x128xf32, #tpu.memory_space<vmem>>, vector<1x16xf32>,
        %get3A_1660 = arith.index_cast %add3A_1626 : i32 to index
        %get3A_1661 = arith.constant 48 : index
        %get3A_1662 = tpu.vector_load %arg16[%get3A_1660, %get3A_1661] {strides = array<i32>} : memref<64x128xf32, #tpu.memory_space<vmem>>, vector<1x16xf32>,
        %get3A_1663 = vector.shape_cast %get3A_1662 : vector<1x16xf32> to vector<16xf32>
        %mul3A_1664 = vector.broadcast %squeeze3A_1622 : f32 to vector<16xf32>
        %mul3A_1665 = arith.mulf %get3A_1663, %mul3A_1664 : vector<16xf32>
        %swap3A_1666 = arith.index_cast %add3A_1626 : i32 to index
        %swap3A_1667 = arith.constant 48 : index
        %swap3A_1668 = tpu.vector_load %arg16[%swap3A_1666, %swap3A_1667] {strides = array<i32>} : memref<64x128xf32, #tpu.memory_space<vmem>>, vector<1x16xf32>,
        %swap3A_1669 = vector.shape_cast %swap3A_1668 : vector<1x16xf32> to vector<16xf32>
        %swap3A_1670 = vector.shape_cast %mul3A_1665 : vector<16xf32> to vector<1x16xf32>
        tpu.vector_store %arg16[%swap3A_1666, %swap3A_1667], %swap3A_1670 {strides = array<i32>} : memref<64x128xf32, #tpu.memory_space<vmem>>, vector<1x16xf32>,
        %get3A_1671 = arith.index_cast %add3A_1626 : i32 to index
        %get3A_1672 = arith.constant 64 : index
        %get3A_1673 = tpu.vector_load %arg16[%get3A_1671, %get3A_1672] {strides = array<i32>} : memref<64x128xf32, #tpu.memory_space<vmem>>, vector<1x16xf32>,
        %get3A_1674 = vector.shape_cast %get3A_1673 : vector<1x16xf32> to vector<16xf32>
        %mul3A_1675 = vector.broadcast %squeeze3A_1622 : f32 to vector<16xf32>
        %mul3A_1676 = arith.mulf %get3A_1674, %mul3A_1675 : vector<16xf32>
        %swap3A_1677 = arith.index_cast %add3A_1626 : i32 to index
        %swap3A_1678 = arith.constant 64 : index
        %swap3A_1679 = tpu.vector_load %arg16[%swap3A_1677, %swap3A_1678] {strides = array<i32>} : memref<64x128xf32, #tpu.memory_space<vmem>>, vector<1x16xf32>,
        %swap3A_1680 = vector.shape_cast %swap3A_1679 : vector<1x16xf32> to vector<16xf32>
        %swap3A_1681 = vector.shape_cast %mul3A_1676 : vector<16xf32> to vector<1x16xf32>
        tpu.vector_store %arg16[%swap3A_1677, %swap3A_1678], %swap3A_1681 {strides = array<i32>} : memref<64x128xf32, #tpu.memory_space<vmem>>, vector<1x16xf32>,
        %get3A_1682 = arith.index_cast %add3A_1626 : i32 to index
        %get3A_1683 = arith.constant 80 : index
        %get3A_1684 = tpu.vector_load %arg16[%get3A_1682, %get3A_1683] {strides = array<i32>} : memref<64x128xf32, #tpu.memory_space<vmem>>, vector<1x16xf32>,
        %get3A_1685 = vector.shape_cast %get3A_1684 : vector<1x16xf32> to vector<16xf32>
        %mul3A_1686 = vector.broadcast %squeeze3A_1622 : f32 to vector<16xf32>
        %mul3A_1687 = arith.mulf %get3A_1685, %mul3A_1686 : vector<16xf32>
        %swap3A_1688 = arith.index_cast %add3A_1626 : i32 to index
        %swap3A_1689 = arith.constant 80 : index
        %swap3A_1690 = tpu.vector_load %arg16[%swap3A_1688, %swap3A_1689] {strides = array<i32>} : memref<64x128xf32, #tpu.memory_space<vmem>>, vector<1x16xf32>,
        %swap3A_1691 = vector.shape_cast %swap3A_1690 : vector<1x16xf32> to vector<16xf32>
        %swap3A_1692 = vector.shape_cast %mul3A_1687 : vector<16xf32> to vector<1x16xf32>
        tpu.vector_store %arg16[%swap3A_1688, %swap3A_1689], %swap3A_1692 {strides = array<i32>} : memref<64x128xf32, #tpu.memory_space<vmem>>, vector<1x16xf32>,
        %get3A_1693 = arith.index_cast %add3A_1626 : i32 to index
        %get3A_1694 = arith.constant 96 : index
        %get3A_1695 = tpu.vector_load %arg16[%get3A_1693, %get3A_1694] {strides = array<i32>} : memref<64x128xf32, #tpu.memory_space<vmem>>, vector<1x16xf32>,
        %get3A_1696 = vector.shape_cast %get3A_1695 : vector<1x16xf32> to vector<16xf32>
        %mul3A_1697 = vector.broadcast %squeeze3A_1622 : f32 to vector<16xf32>
        %mul3A_1698 = arith.mulf %get3A_1696, %mul3A_1697 : vector<16xf32>
        %swap3A_1699 = arith.index_cast %add3A_1626 : i32 to index
        %swap3A_1700 = arith.constant 96 : index
        %swap3A_1701 = tpu.vector_load %arg16[%swap3A_1699, %swap3A_1700] {strides = array<i32>} : memref<64x128xf32, #tpu.memory_space<vmem>>, vector<1x16xf32>,
        %swap3A_1702 = vector.shape_cast %swap3A_1701 : vector<1x16xf32> to vector<16xf32>
        %swap3A_1703 = vector.shape_cast %mul3A_1698 : vector<16xf32> to vector<1x16xf32>
        tpu.vector_store %arg16[%swap3A_1699, %swap3A_1700], %swap3A_1703 {strides = array<i32>} : memref<64x128xf32, #tpu.memory_space<vmem>>, vector<1x16xf32>,
        %get3A_1704 = arith.index_cast %add3A_1626 : i32 to index
        %get3A_1705 = arith.constant 112 : index
        %get3A_1706 = tpu.vector_load %arg16[%get3A_1704, %get3A_1705] {strides = array<i32>} : memref<64x128xf32, #tpu.memory_space<vmem>>, vector<1x16xf32>,
        %get3A_1707 = vector.shape_cast %get3A_1706 : vector<1x16xf32> to vector<16xf32>
        %mul3A_1708 = vector.broadcast %squeeze3A_1622 : f32 to vector<16xf32>
        %mul3A_1709 = arith.mulf %get3A_1707, %mul3A_1708 : vector<16xf32>
        %swap3A_1710 = arith.index_cast %add3A_1626 : i32 to index
        %swap3A_1711 = arith.constant 112 : index
        %swap3A_1712 = tpu.vector_load %arg16[%swap3A_1710, %swap3A_1711] {strides = array<i32>} : memref<64x128xf32, #tpu.memory_space<vmem>>, vector<1x16xf32>,
        %swap3A_1713 = vector.shape_cast %swap3A_1712 : vector<1x16xf32> to vector<16xf32>
        %swap3A_1714 = vector.shape_cast %mul3A_1709 : vector<16xf32> to vector<1x16xf32>
        tpu.vector_store %arg16[%swap3A_1710, %swap3A_1711], %swap3A_1714 {strides = array<i32>} : memref<64x128xf32, #tpu.memory_space<vmem>>, vector<1x16xf32>,
        %slice3A_1715 = vector.extract_strided_slice %get3A_494 {offsets = [13], sizes = [1], strides = [1]} : vector<16xf32> to vector<1xf32>
        %squeeze3A_1716 = vector.extract %slice3A_1715[0] : f32 from vector<1xf32>
        %mul3A_1717 = arith.constant 16 : i32
        %mul3A_1718 = arith.muli %add3A_487, %mul3A_1717 : i32
        %add3A_1719 = arith.constant 13 : i32
        %add3A_1720 = arith.addi %mul3A_1718, %add3A_1719 : i32
        %get3A_1721 = arith.index_cast %add3A_1720 : i32 to index
        %get3A_1722 = arith.constant 0 : index
        %get3A_1723 = tpu.vector_load %arg16[%get3A_1721, %get3A_1722] {strides = array<i32>} : memref<64x128xf32, #tpu.memory_space<vmem>>, vector<1x16xf32>,
        %get3A_1724 = vector.shape_cast %get3A_1723 : vector<1x16xf32> to vector<16xf32>
        %mul3A_1725 = vector.broadcast %squeeze3A_1716 : f32 to vector<16xf32>
        %mul3A_1726 = arith.mulf %get3A_1724, %mul3A_1725 : vector<16xf32>
        %swap3A_1727 = arith.index_cast %add3A_1720 : i32 to index
        %swap3A_1728 = arith.constant 0 : index
        %swap3A_1729 = tpu.vector_load %arg16[%swap3A_1727, %swap3A_1728] {strides = array<i32>} : memref<64x128xf32, #tpu.memory_space<vmem>>, vector<1x16xf32>,
        %swap3A_1730 = vector.shape_cast %swap3A_1729 : vector<1x16xf32> to vector<16xf32>
        %swap3A_1731 = vector.shape_cast %mul3A_1726 : vector<16xf32> to vector<1x16xf32>
        tpu.vector_store %arg16[%swap3A_1727, %swap3A_1728], %swap3A_1731 {strides = array<i32>} : memref<64x128xf32, #tpu.memory_space<vmem>>, vector<1x16xf32>,
        %get3A_1732 = arith.index_cast %add3A_1720 : i32 to index
        %get3A_1733 = arith.constant 16 : index
        %get3A_1734 = tpu.vector_load %arg16[%get3A_1732, %get3A_1733] {strides = array<i32>} : memref<64x128xf32, #tpu.memory_space<vmem>>, vector<1x16xf32>,
        %get3A_1735 = vector.shape_cast %get3A_1734 : vector<1x16xf32> to vector<16xf32>
        %mul3A_1736 = vector.broadcast %squeeze3A_1716 : f32 to vector<16xf32>
        %mul3A_1737 = arith.mulf %get3A_1735, %mul3A_1736 : vector<16xf32>
        %swap3A_1738 = arith.index_cast %add3A_1720 : i32 to index
        %swap3A_1739 = arith.constant 16 : index
        %swap3A_1740 = tpu.vector_load %arg16[%swap3A_1738, %swap3A_1739] {strides = array<i32>} : memref<64x128xf32, #tpu.memory_space<vmem>>, vector<1x16xf32>,
        %swap3A_1741 = vector.shape_cast %swap3A_1740 : vector<1x16xf32> to vector<16xf32>
        %swap3A_1742 = vector.shape_cast %mul3A_1737 : vector<16xf32> to vector<1x16xf32>
        tpu.vector_store %arg16[%swap3A_1738, %swap3A_1739], %swap3A_1742 {strides = array<i32>} : memref<64x128xf32, #tpu.memory_space<vmem>>, vector<1x16xf32>,
        %get3A_1743 = arith.index_cast %add3A_1720 : i32 to index
        %get3A_1744 = arith.constant 32 : index
        %get3A_1745 = tpu.vector_load %arg16[%get3A_1743, %get3A_1744] {strides = array<i32>} : memref<64x128xf32, #tpu.memory_space<vmem>>, vector<1x16xf32>,
        %get3A_1746 = vector.shape_cast %get3A_1745 : vector<1x16xf32> to vector<16xf32>
        %mul3A_1747 = vector.broadcast %squeeze3A_1716 : f32 to vector<16xf32>
        %mul3A_1748 = arith.mulf %get3A_1746, %mul3A_1747 : vector<16xf32>
        %swap3A_1749 = arith.index_cast %add3A_1720 : i32 to index
        %swap3A_1750 = arith.constant 32 : index
        %swap3A_1751 = tpu.vector_load %arg16[%swap3A_1749, %swap3A_1750] {strides = array<i32>} : memref<64x128xf32, #tpu.memory_space<vmem>>, vector<1x16xf32>,
        %swap3A_1752 = vector.shape_cast %swap3A_1751 : vector<1x16xf32> to vector<16xf32>
        %swap3A_1753 = vector.shape_cast %mul3A_1748 : vector<16xf32> to vector<1x16xf32>
        tpu.vector_store %arg16[%swap3A_1749, %swap3A_1750], %swap3A_1753 {strides = array<i32>} : memref<64x128xf32, #tpu.memory_space<vmem>>, vector<1x16xf32>,
        %get3A_1754 = arith.index_cast %add3A_1720 : i32 to index
        %get3A_1755 = arith.constant 48 : index
        %get3A_1756 = tpu.vector_load %arg16[%get3A_1754, %get3A_1755] {strides = array<i32>} : memref<64x128xf32, #tpu.memory_space<vmem>>, vector<1x16xf32>,
        %get3A_1757 = vector.shape_cast %get3A_1756 : vector<1x16xf32> to vector<16xf32>
        %mul3A_1758 = vector.broadcast %squeeze3A_1716 : f32 to vector<16xf32>
        %mul3A_1759 = arith.mulf %get3A_1757, %mul3A_1758 : vector<16xf32>
        %swap3A_1760 = arith.index_cast %add3A_1720 : i32 to index
        %swap3A_1761 = arith.constant 48 : index
        %swap3A_1762 = tpu.vector_load %arg16[%swap3A_1760, %swap3A_1761] {strides = array<i32>} : memref<64x128xf32, #tpu.memory_space<vmem>>, vector<1x16xf32>,
        %swap3A_1763 = vector.shape_cast %swap3A_1762 : vector<1x16xf32> to vector<16xf32>
        %swap3A_1764 = vector.shape_cast %mul3A_1759 : vector<16xf32> to vector<1x16xf32>
        tpu.vector_store %arg16[%swap3A_1760, %swap3A_1761], %swap3A_1764 {strides = array<i32>} : memref<64x128xf32, #tpu.memory_space<vmem>>, vector<1x16xf32>,
        %get3A_1765 = arith.index_cast %add3A_1720 : i32 to index
        %get3A_1766 = arith.constant 64 : index
        %get3A_1767 = tpu.vector_load %arg16[%get3A_1765, %get3A_1766] {strides = array<i32>} : memref<64x128xf32, #tpu.memory_space<vmem>>, vector<1x16xf32>,
        %get3A_1768 = vector.shape_cast %get3A_1767 : vector<1x16xf32> to vector<16xf32>
        %mul3A_1769 = vector.broadcast %squeeze3A_1716 : f32 to vector<16xf32>
        %mul3A_1770 = arith.mulf %get3A_1768, %mul3A_1769 : vector<16xf32>
        %swap3A_1771 = arith.index_cast %add3A_1720 : i32 to index
        %swap3A_1772 = arith.constant 64 : index
        %swap3A_1773 = tpu.vector_load %arg16[%swap3A_1771, %swap3A_1772] {strides = array<i32>} : memref<64x128xf32, #tpu.memory_space<vmem>>, vector<1x16xf32>,
        %swap3A_1774 = vector.shape_cast %swap3A_1773 : vector<1x16xf32> to vector<16xf32>
        %swap3A_1775 = vector.shape_cast %mul3A_1770 : vector<16xf32> to vector<1x16xf32>
        tpu.vector_store %arg16[%swap3A_1771, %swap3A_1772], %swap3A_1775 {strides = array<i32>} : memref<64x128xf32, #tpu.memory_space<vmem>>, vector<1x16xf32>,
        %get3A_1776 = arith.index_cast %add3A_1720 : i32 to index
        %get3A_1777 = arith.constant 80 : index
        %get3A_1778 = tpu.vector_load %arg16[%get3A_1776, %get3A_1777] {strides = array<i32>} : memref<64x128xf32, #tpu.memory_space<vmem>>, vector<1x16xf32>,
        %get3A_1779 = vector.shape_cast %get3A_1778 : vector<1x16xf32> to vector<16xf32>
        %mul3A_1780 = vector.broadcast %squeeze3A_1716 : f32 to vector<16xf32>
        %mul3A_1781 = arith.mulf %get3A_1779, %mul3A_1780 : vector<16xf32>
        %swap3A_1782 = arith.index_cast %add3A_1720 : i32 to index
        %swap3A_1783 = arith.constant 80 : index
        %swap3A_1784 = tpu.vector_load %arg16[%swap3A_1782, %swap3A_1783] {strides = array<i32>} : memref<64x128xf32, #tpu.memory_space<vmem>>, vector<1x16xf32>,
        %swap3A_1785 = vector.shape_cast %swap3A_1784 : vector<1x16xf32> to vector<16xf32>
        %swap3A_1786 = vector.shape_cast %mul3A_1781 : vector<16xf32> to vector<1x16xf32>
        tpu.vector_store %arg16[%swap3A_1782, %swap3A_1783], %swap3A_1786 {strides = array<i32>} : memref<64x128xf32, #tpu.memory_space<vmem>>, vector<1x16xf32>,
        %get3A_1787 = arith.index_cast %add3A_1720 : i32 to index
        %get3A_1788 = arith.constant 96 : index
        %get3A_1789 = tpu.vector_load %arg16[%get3A_1787, %get3A_1788] {strides = array<i32>} : memref<64x128xf32, #tpu.memory_space<vmem>>, vector<1x16xf32>,
        %get3A_1790 = vector.shape_cast %get3A_1789 : vector<1x16xf32> to vector<16xf32>
        %mul3A_1791 = vector.broadcast %squeeze3A_1716 : f32 to vector<16xf32>
        %mul3A_1792 = arith.mulf %get3A_1790, %mul3A_1791 : vector<16xf32>
        %swap3A_1793 = arith.index_cast %add3A_1720 : i32 to index
        %swap3A_1794 = arith.constant 96 : index
        %swap3A_1795 = tpu.vector_load %arg16[%swap3A_1793, %swap3A_1794] {strides = array<i32>} : memref<64x128xf32, #tpu.memory_space<vmem>>, vector<1x16xf32>,
        %swap3A_1796 = vector.shape_cast %swap3A_1795 : vector<1x16xf32> to vector<16xf32>
        %swap3A_1797 = vector.shape_cast %mul3A_1792 : vector<16xf32> to vector<1x16xf32>
        tpu.vector_store %arg16[%swap3A_1793, %swap3A_1794], %swap3A_1797 {strides = array<i32>} : memref<64x128xf32, #tpu.memory_space<vmem>>, vector<1x16xf32>,
        %get3A_1798 = arith.index_cast %add3A_1720 : i32 to index
        %get3A_1799 = arith.constant 112 : index
        %get3A_1800 = tpu.vector_load %arg16[%get3A_1798, %get3A_1799] {strides = array<i32>} : memref<64x128xf32, #tpu.memory_space<vmem>>, vector<1x16xf32>,
        %get3A_1801 = vector.shape_cast %get3A_1800 : vector<1x16xf32> to vector<16xf32>
        %mul3A_1802 = vector.broadcast %squeeze3A_1716 : f32 to vector<16xf32>
        %mul3A_1803 = arith.mulf %get3A_1801, %mul3A_1802 : vector<16xf32>
        %swap3A_1804 = arith.index_cast %add3A_1720 : i32 to index
        %swap3A_1805 = arith.constant 112 : index
        %swap3A_1806 = tpu.vector_load %arg16[%swap3A_1804, %swap3A_1805] {strides = array<i32>} : memref<64x128xf32, #tpu.memory_space<vmem>>, vector<1x16xf32>,
        %swap3A_1807 = vector.shape_cast %swap3A_1806 : vector<1x16xf32> to vector<16xf32>
        %swap3A_1808 = vector.shape_cast %mul3A_1803 : vector<16xf32> to vector<1x16xf32>
        tpu.vector_store %arg16[%swap3A_1804, %swap3A_1805], %swap3A_1808 {strides = array<i32>} : memref<64x128xf32, #tpu.memory_space<vmem>>, vector<1x16xf32>,
        %slice3A_1809 = vector.extract_strided_slice %get3A_494 {offsets = [14], sizes = [1], strides = [1]} : vector<16xf32> to vector<1xf32>
        %squeeze3A_1810 = vector.extract %slice3A_1809[0] : f32 from vector<1xf32>
        %mul3A_1811 = arith.constant 16 : i32
        %mul3A_1812 = arith.muli %add3A_487, %mul3A_1811 : i32
        %add3A_1813 = arith.constant 14 : i32
        %add3A_1814 = arith.addi %mul3A_1812, %add3A_1813 : i32
        %get3A_1815 = arith.index_cast %add3A_1814 : i32 to index
        %get3A_1816 = arith.constant 0 : index
        %get3A_1817 = tpu.vector_load %arg16[%get3A_1815, %get3A_1816] {strides = array<i32>} : memref<64x128xf32, #tpu.memory_space<vmem>>, vector<1x16xf32>,
        %get3A_1818 = vector.shape_cast %get3A_1817 : vector<1x16xf32> to vector<16xf32>
        %mul3A_1819 = vector.broadcast %squeeze3A_1810 : f32 to vector<16xf32>
        %mul3A_1820 = arith.mulf %get3A_1818, %mul3A_1819 : vector<16xf32>
        %swap3A_1821 = arith.index_cast %add3A_1814 : i32 to index
        %swap3A_1822 = arith.constant 0 : index
        %swap3A_1823 = tpu.vector_load %arg16[%swap3A_1821, %swap3A_1822] {strides = array<i32>} : memref<64x128xf32, #tpu.memory_space<vmem>>, vector<1x16xf32>,
        %swap3A_1824 = vector.shape_cast %swap3A_1823 : vector<1x16xf32> to vector<16xf32>
        %swap3A_1825 = vector.shape_cast %mul3A_1820 : vector<16xf32> to vector<1x16xf32>
        tpu.vector_store %arg16[%swap3A_1821, %swap3A_1822], %swap3A_1825 {strides = array<i32>} : memref<64x128xf32, #tpu.memory_space<vmem>>, vector<1x16xf32>,
        %get3A_1826 = arith.index_cast %add3A_1814 : i32 to index
        %get3A_1827 = arith.constant 16 : index
        %get3A_1828 = tpu.vector_load %arg16[%get3A_1826, %get3A_1827] {strides = array<i32>} : memref<64x128xf32, #tpu.memory_space<vmem>>, vector<1x16xf32>,
        %get3A_1829 = vector.shape_cast %get3A_1828 : vector<1x16xf32> to vector<16xf32>
        %mul3A_1830 = vector.broadcast %squeeze3A_1810 : f32 to vector<16xf32>
        %mul3A_1831 = arith.mulf %get3A_1829, %mul3A_1830 : vector<16xf32>
        %swap3A_1832 = arith.index_cast %add3A_1814 : i32 to index
        %swap3A_1833 = arith.constant 16 : index
        %swap3A_1834 = tpu.vector_load %arg16[%swap3A_1832, %swap3A_1833] {strides = array<i32>} : memref<64x128xf32, #tpu.memory_space<vmem>>, vector<1x16xf32>,
        %swap3A_1835 = vector.shape_cast %swap3A_1834 : vector<1x16xf32> to vector<16xf32>
        %swap3A_1836 = vector.shape_cast %mul3A_1831 : vector<16xf32> to vector<1x16xf32>
        tpu.vector_store %arg16[%swap3A_1832, %swap3A_1833], %swap3A_1836 {strides = array<i32>} : memref<64x128xf32, #tpu.memory_space<vmem>>, vector<1x16xf32>,
        %get3A_1837 = arith.index_cast %add3A_1814 : i32 to index
        %get3A_1838 = arith.constant 32 : index
        %get3A_1839 = tpu.vector_load %arg16[%get3A_1837, %get3A_1838] {strides = array<i32>} : memref<64x128xf32, #tpu.memory_space<vmem>>, vector<1x16xf32>,
        %get3A_1840 = vector.shape_cast %get3A_1839 : vector<1x16xf32> to vector<16xf32>
        %mul3A_1841 = vector.broadcast %squeeze3A_1810 : f32 to vector<16xf32>
        %mul3A_1842 = arith.mulf %get3A_1840, %mul3A_1841 : vector<16xf32>
        %swap3A_1843 = arith.index_cast %add3A_1814 : i32 to index
        %swap3A_1844 = arith.constant 32 : index
        %swap3A_1845 = tpu.vector_load %arg16[%swap3A_1843, %swap3A_1844] {strides = array<i32>} : memref<64x128xf32, #tpu.memory_space<vmem>>, vector<1x16xf32>,
        %swap3A_1846 = vector.shape_cast %swap3A_1845 : vector<1x16xf32> to vector<16xf32>
        %swap3A_1847 = vector.shape_cast %mul3A_1842 : vector<16xf32> to vector<1x16xf32>
        tpu.vector_store %arg16[%swap3A_1843, %swap3A_1844], %swap3A_1847 {strides = array<i32>} : memref<64x128xf32, #tpu.memory_space<vmem>>, vector<1x16xf32>,
        %get3A_1848 = arith.index_cast %add3A_1814 : i32 to index
        %get3A_1849 = arith.constant 48 : index
        %get3A_1850 = tpu.vector_load %arg16[%get3A_1848, %get3A_1849] {strides = array<i32>} : memref<64x128xf32, #tpu.memory_space<vmem>>, vector<1x16xf32>,
        %get3A_1851 = vector.shape_cast %get3A_1850 : vector<1x16xf32> to vector<16xf32>
        %mul3A_1852 = vector.broadcast %squeeze3A_1810 : f32 to vector<16xf32>
        %mul3A_1853 = arith.mulf %get3A_1851, %mul3A_1852 : vector<16xf32>
        %swap3A_1854 = arith.index_cast %add3A_1814 : i32 to index
        %swap3A_1855 = arith.constant 48 : index
        %swap3A_1856 = tpu.vector_load %arg16[%swap3A_1854, %swap3A_1855] {strides = array<i32>} : memref<64x128xf32, #tpu.memory_space<vmem>>, vector<1x16xf32>,
        %swap3A_1857 = vector.shape_cast %swap3A_1856 : vector<1x16xf32> to vector<16xf32>
        %swap3A_1858 = vector.shape_cast %mul3A_1853 : vector<16xf32> to vector<1x16xf32>
        tpu.vector_store %arg16[%swap3A_1854, %swap3A_1855], %swap3A_1858 {strides = array<i32>} : memref<64x128xf32, #tpu.memory_space<vmem>>, vector<1x16xf32>,
        %get3A_1859 = arith.index_cast %add3A_1814 : i32 to index
        %get3A_1860 = arith.constant 64 : index
        %get3A_1861 = tpu.vector_load %arg16[%get3A_1859, %get3A_1860] {strides = array<i32>} : memref<64x128xf32, #tpu.memory_space<vmem>>, vector<1x16xf32>,
        %get3A_1862 = vector.shape_cast %get3A_1861 : vector<1x16xf32> to vector<16xf32>
        %mul3A_1863 = vector.broadcast %squeeze3A_1810 : f32 to vector<16xf32>
        %mul3A_1864 = arith.mulf %get3A_1862, %mul3A_1863 : vector<16xf32>
        %swap3A_1865 = arith.index_cast %add3A_1814 : i32 to index
        %swap3A_1866 = arith.constant 64 : index
        %swap3A_1867 = tpu.vector_load %arg16[%swap3A_1865, %swap3A_1866] {strides = array<i32>} : memref<64x128xf32, #tpu.memory_space<vmem>>, vector<1x16xf32>,
        %swap3A_1868 = vector.shape_cast %swap3A_1867 : vector<1x16xf32> to vector<16xf32>
        %swap3A_1869 = vector.shape_cast %mul3A_1864 : vector<16xf32> to vector<1x16xf32>
        tpu.vector_store %arg16[%swap3A_1865, %swap3A_1866], %swap3A_1869 {strides = array<i32>} : memref<64x128xf32, #tpu.memory_space<vmem>>, vector<1x16xf32>,
        %get3A_1870 = arith.index_cast %add3A_1814 : i32 to index
        %get3A_1871 = arith.constant 80 : index
        %get3A_1872 = tpu.vector_load %arg16[%get3A_1870, %get3A_1871] {strides = array<i32>} : memref<64x128xf32, #tpu.memory_space<vmem>>, vector<1x16xf32>,
        %get3A_1873 = vector.shape_cast %get3A_1872 : vector<1x16xf32> to vector<16xf32>
        %mul3A_1874 = vector.broadcast %squeeze3A_1810 : f32 to vector<16xf32>
        %mul3A_1875 = arith.mulf %get3A_1873, %mul3A_1874 : vector<16xf32>
        %swap3A_1876 = arith.index_cast %add3A_1814 : i32 to index
        %swap3A_1877 = arith.constant 80 : index
        %swap3A_1878 = tpu.vector_load %arg16[%swap3A_1876, %swap3A_1877] {strides = array<i32>} : memref<64x128xf32, #tpu.memory_space<vmem>>, vector<1x16xf32>,
        %swap3A_1879 = vector.shape_cast %swap3A_1878 : vector<1x16xf32> to vector<16xf32>
        %swap3A_1880 = vector.shape_cast %mul3A_1875 : vector<16xf32> to vector<1x16xf32>
        tpu.vector_store %arg16[%swap3A_1876, %swap3A_1877], %swap3A_1880 {strides = array<i32>} : memref<64x128xf32, #tpu.memory_space<vmem>>, vector<1x16xf32>,
        %get3A_1881 = arith.index_cast %add3A_1814 : i32 to index
        %get3A_1882 = arith.constant 96 : index
        %get3A_1883 = tpu.vector_load %arg16[%get3A_1881, %get3A_1882] {strides = array<i32>} : memref<64x128xf32, #tpu.memory_space<vmem>>, vector<1x16xf32>,
        %get3A_1884 = vector.shape_cast %get3A_1883 : vector<1x16xf32> to vector<16xf32>
        %mul3A_1885 = vector.broadcast %squeeze3A_1810 : f32 to vector<16xf32>
        %mul3A_1886 = arith.mulf %get3A_1884, %mul3A_1885 : vector<16xf32>
        %swap3A_1887 = arith.index_cast %add3A_1814 : i32 to index
        %swap3A_1888 = arith.constant 96 : index
        %swap3A_1889 = tpu.vector_load %arg16[%swap3A_1887, %swap3A_1888] {strides = array<i32>} : memref<64x128xf32, #tpu.memory_space<vmem>>, vector<1x16xf32>,
        %swap3A_1890 = vector.shape_cast %swap3A_1889 : vector<1x16xf32> to vector<16xf32>
        %swap3A_1891 = vector.shape_cast %mul3A_1886 : vector<16xf32> to vector<1x16xf32>
        tpu.vector_store %arg16[%swap3A_1887, %swap3A_1888], %swap3A_1891 {strides = array<i32>} : memref<64x128xf32, #tpu.memory_space<vmem>>, vector<1x16xf32>,
        %get3A_1892 = arith.index_cast %add3A_1814 : i32 to index
        %get3A_1893 = arith.constant 112 : index
        %get3A_1894 = tpu.vector_load %arg16[%get3A_1892, %get3A_1893] {strides = array<i32>} : memref<64x128xf32, #tpu.memory_space<vmem>>, vector<1x16xf32>,
        %get3A_1895 = vector.shape_cast %get3A_1894 : vector<1x16xf32> to vector<16xf32>
        %mul3A_1896 = vector.broadcast %squeeze3A_1810 : f32 to vector<16xf32>
        %mul3A_1897 = arith.mulf %get3A_1895, %mul3A_1896 : vector<16xf32>
        %swap3A_1898 = arith.index_cast %add3A_1814 : i32 to index
        %swap3A_1899 = arith.constant 112 : index
        %swap3A_1900 = tpu.vector_load %arg16[%swap3A_1898, %swap3A_1899] {strides = array<i32>} : memref<64x128xf32, #tpu.memory_space<vmem>>, vector<1x16xf32>,
        %swap3A_1901 = vector.shape_cast %swap3A_1900 : vector<1x16xf32> to vector<16xf32>
        %swap3A_1902 = vector.shape_cast %mul3A_1897 : vector<16xf32> to vector<1x16xf32>
        tpu.vector_store %arg16[%swap3A_1898, %swap3A_1899], %swap3A_1902 {strides = array<i32>} : memref<64x128xf32, #tpu.memory_space<vmem>>, vector<1x16xf32>,
        %slice3A_1903 = vector.extract_strided_slice %get3A_494 {offsets = [15], sizes = [1], strides = [1]} : vector<16xf32> to vector<1xf32>
        %squeeze3A_1904 = vector.extract %slice3A_1903[0] : f32 from vector<1xf32>
        %mul3A_1905 = arith.constant 16 : i32
        %mul3A_1906 = arith.muli %add3A_487, %mul3A_1905 : i32
        %add3A_1907 = arith.constant 15 : i32
        %add3A_1908 = arith.addi %mul3A_1906, %add3A_1907 : i32
        %get3A_1909 = arith.index_cast %add3A_1908 : i32 to index
        %get3A_1910 = arith.constant 0 : index
        %get3A_1911 = tpu.vector_load %arg16[%get3A_1909, %get3A_1910] {strides = array<i32>} : memref<64x128xf32, #tpu.memory_space<vmem>>, vector<1x16xf32>,
        %get3A_1912 = vector.shape_cast %get3A_1911 : vector<1x16xf32> to vector<16xf32>
        %mul3A_1913 = vector.broadcast %squeeze3A_1904 : f32 to vector<16xf32>
        %mul3A_1914 = arith.mulf %get3A_1912, %mul3A_1913 : vector<16xf32>
        %swap3A_1915 = arith.index_cast %add3A_1908 : i32 to index
        %swap3A_1916 = arith.constant 0 : index
        %swap3A_1917 = tpu.vector_load %arg16[%swap3A_1915, %swap3A_1916] {strides = array<i32>} : memref<64x128xf32, #tpu.memory_space<vmem>>, vector<1x16xf32>,
        %swap3A_1918 = vector.shape_cast %swap3A_1917 : vector<1x16xf32> to vector<16xf32>
        %swap3A_1919 = vector.shape_cast %mul3A_1914 : vector<16xf32> to vector<1x16xf32>
        tpu.vector_store %arg16[%swap3A_1915, %swap3A_1916], %swap3A_1919 {strides = array<i32>} : memref<64x128xf32, #tpu.memory_space<vmem>>, vector<1x16xf32>,
        %get3A_1920 = arith.index_cast %add3A_1908 : i32 to index
        %get3A_1921 = arith.constant 16 : index
        %get3A_1922 = tpu.vector_load %arg16[%get3A_1920, %get3A_1921] {strides = array<i32>} : memref<64x128xf32, #tpu.memory_space<vmem>>, vector<1x16xf32>,
        %get3A_1923 = vector.shape_cast %get3A_1922 : vector<1x16xf32> to vector<16xf32>
        %mul3A_1924 = vector.broadcast %squeeze3A_1904 : f32 to vector<16xf32>
        %mul3A_1925 = arith.mulf %get3A_1923, %mul3A_1924 : vector<16xf32>
        %swap3A_1926 = arith.index_cast %add3A_1908 : i32 to index
        %swap3A_1927 = arith.constant 16 : index
        %swap3A_1928 = tpu.vector_load %arg16[%swap3A_1926, %swap3A_1927] {strides = array<i32>} : memref<64x128xf32, #tpu.memory_space<vmem>>, vector<1x16xf32>,
        %swap3A_1929 = vector.shape_cast %swap3A_1928 : vector<1x16xf32> to vector<16xf32>
        %swap3A_1930 = vector.shape_cast %mul3A_1925 : vector<16xf32> to vector<1x16xf32>
        tpu.vector_store %arg16[%swap3A_1926, %swap3A_1927], %swap3A_1930 {strides = array<i32>} : memref<64x128xf32, #tpu.memory_space<vmem>>, vector<1x16xf32>,
        %get3A_1931 = arith.index_cast %add3A_1908 : i32 to index
        %get3A_1932 = arith.constant 32 : index
        %get3A_1933 = tpu.vector_load %arg16[%get3A_1931, %get3A_1932] {strides = array<i32>} : memref<64x128xf32, #tpu.memory_space<vmem>>, vector<1x16xf32>,
        %get3A_1934 = vector.shape_cast %get3A_1933 : vector<1x16xf32> to vector<16xf32>
        %mul3A_1935 = vector.broadcast %squeeze3A_1904 : f32 to vector<16xf32>
        %mul3A_1936 = arith.mulf %get3A_1934, %mul3A_1935 : vector<16xf32>
        %swap3A_1937 = arith.index_cast %add3A_1908 : i32 to index
        %swap3A_1938 = arith.constant 32 : index
        %swap3A_1939 = tpu.vector_load %arg16[%swap3A_1937, %swap3A_1938] {strides = array<i32>} : memref<64x128xf32, #tpu.memory_space<vmem>>, vector<1x16xf32>,
        %swap3A_1940 = vector.shape_cast %swap3A_1939 : vector<1x16xf32> to vector<16xf32>
        %swap3A_1941 = vector.shape_cast %mul3A_1936 : vector<16xf32> to vector<1x16xf32>
        tpu.vector_store %arg16[%swap3A_1937, %swap3A_1938], %swap3A_1941 {strides = array<i32>} : memref<64x128xf32, #tpu.memory_space<vmem>>, vector<1x16xf32>,
        %get3A_1942 = arith.index_cast %add3A_1908 : i32 to index
        %get3A_1943 = arith.constant 48 : index
        %get3A_1944 = tpu.vector_load %arg16[%get3A_1942, %get3A_1943] {strides = array<i32>} : memref<64x128xf32, #tpu.memory_space<vmem>>, vector<1x16xf32>,
        %get3A_1945 = vector.shape_cast %get3A_1944 : vector<1x16xf32> to vector<16xf32>
        %mul3A_1946 = vector.broadcast %squeeze3A_1904 : f32 to vector<16xf32>
        %mul3A_1947 = arith.mulf %get3A_1945, %mul3A_1946 : vector<16xf32>
        %swap3A_1948 = arith.index_cast %add3A_1908 : i32 to index
        %swap3A_1949 = arith.constant 48 : index
        %swap3A_1950 = tpu.vector_load %arg16[%swap3A_1948, %swap3A_1949] {strides = array<i32>} : memref<64x128xf32, #tpu.memory_space<vmem>>, vector<1x16xf32>,
        %swap3A_1951 = vector.shape_cast %swap3A_1950 : vector<1x16xf32> to vector<16xf32>
        %swap3A_1952 = vector.shape_cast %mul3A_1947 : vector<16xf32> to vector<1x16xf32>
        tpu.vector_store %arg16[%swap3A_1948, %swap3A_1949], %swap3A_1952 {strides = array<i32>} : memref<64x128xf32, #tpu.memory_space<vmem>>, vector<1x16xf32>,
        %get3A_1953 = arith.index_cast %add3A_1908 : i32 to index
        %get3A_1954 = arith.constant 64 : index
        %get3A_1955 = tpu.vector_load %arg16[%get3A_1953, %get3A_1954] {strides = array<i32>} : memref<64x128xf32, #tpu.memory_space<vmem>>, vector<1x16xf32>,
        %get3A_1956 = vector.shape_cast %get3A_1955 : vector<1x16xf32> to vector<16xf32>
        %mul3A_1957 = vector.broadcast %squeeze3A_1904 : f32 to vector<16xf32>
        %mul3A_1958 = arith.mulf %get3A_1956, %mul3A_1957 : vector<16xf32>
        %swap3A_1959 = arith.index_cast %add3A_1908 : i32 to index
        %swap3A_1960 = arith.constant 64 : index
        %swap3A_1961 = tpu.vector_load %arg16[%swap3A_1959, %swap3A_1960] {strides = array<i32>} : memref<64x128xf32, #tpu.memory_space<vmem>>, vector<1x16xf32>,
        %swap3A_1962 = vector.shape_cast %swap3A_1961 : vector<1x16xf32> to vector<16xf32>
        %swap3A_1963 = vector.shape_cast %mul3A_1958 : vector<16xf32> to vector<1x16xf32>
        tpu.vector_store %arg16[%swap3A_1959, %swap3A_1960], %swap3A_1963 {strides = array<i32>} : memref<64x128xf32, #tpu.memory_space<vmem>>, vector<1x16xf32>,
        %get3A_1964 = arith.index_cast %add3A_1908 : i32 to index
        %get3A_1965 = arith.constant 80 : index
        %get3A_1966 = tpu.vector_load %arg16[%get3A_1964, %get3A_1965] {strides = array<i32>} : memref<64x128xf32, #tpu.memory_space<vmem>>, vector<1x16xf32>,
        %get3A_1967 = vector.shape_cast %get3A_1966 : vector<1x16xf32> to vector<16xf32>
        %mul3A_1968 = vector.broadcast %squeeze3A_1904 : f32 to vector<16xf32>
        %mul3A_1969 = arith.mulf %get3A_1967, %mul3A_1968 : vector<16xf32>
        %swap3A_1970 = arith.index_cast %add3A_1908 : i32 to index
        %swap3A_1971 = arith.constant 80 : index
        %swap3A_1972 = tpu.vector_load %arg16[%swap3A_1970, %swap3A_1971] {strides = array<i32>} : memref<64x128xf32, #tpu.memory_space<vmem>>, vector<1x16xf32>,
        %swap3A_1973 = vector.shape_cast %swap3A_1972 : vector<1x16xf32> to vector<16xf32>
        %swap3A_1974 = vector.shape_cast %mul3A_1969 : vector<16xf32> to vector<1x16xf32>
        tpu.vector_store %arg16[%swap3A_1970, %swap3A_1971], %swap3A_1974 {strides = array<i32>} : memref<64x128xf32, #tpu.memory_space<vmem>>, vector<1x16xf32>,
        %get3A_1975 = arith.index_cast %add3A_1908 : i32 to index
        %get3A_1976 = arith.constant 96 : index
        %get3A_1977 = tpu.vector_load %arg16[%get3A_1975, %get3A_1976] {strides = array<i32>} : memref<64x128xf32, #tpu.memory_space<vmem>>, vector<1x16xf32>,
        %get3A_1978 = vector.shape_cast %get3A_1977 : vector<1x16xf32> to vector<16xf32>
        %mul3A_1979 = vector.broadcast %squeeze3A_1904 : f32 to vector<16xf32>
        %mul3A_1980 = arith.mulf %get3A_1978, %mul3A_1979 : vector<16xf32>
        %swap3A_1981 = arith.index_cast %add3A_1908 : i32 to index
        %swap3A_1982 = arith.constant 96 : index
        %swap3A_1983 = tpu.vector_load %arg16[%swap3A_1981, %swap3A_1982] {strides = array<i32>} : memref<64x128xf32, #tpu.memory_space<vmem>>, vector<1x16xf32>,
        %swap3A_1984 = vector.shape_cast %swap3A_1983 : vector<1x16xf32> to vector<16xf32>
        %swap3A_1985 = vector.shape_cast %mul3A_1980 : vector<16xf32> to vector<1x16xf32>
        tpu.vector_store %arg16[%swap3A_1981, %swap3A_1982], %swap3A_1985 {strides = array<i32>} : memref<64x128xf32, #tpu.memory_space<vmem>>, vector<1x16xf32>,
        %get3A_1986 = arith.index_cast %add3A_1908 : i32 to index
        %get3A_1987 = arith.constant 112 : index
        %get3A_1988 = tpu.vector_load %arg16[%get3A_1986, %get3A_1987] {strides = array<i32>} : memref<64x128xf32, #tpu.memory_space<vmem>>, vector<1x16xf32>,
        %get3A_1989 = vector.shape_cast %get3A_1988 : vector<1x16xf32> to vector<16xf32>
        %mul3A_1990 = vector.broadcast %squeeze3A_1904 : f32 to vector<16xf32>
        %mul3A_1991 = arith.mulf %get3A_1989, %mul3A_1990 : vector<16xf32>
        %swap3A_1992 = arith.index_cast %add3A_1908 : i32 to index
        %swap3A_1993 = arith.constant 112 : index
        %swap3A_1994 = tpu.vector_load %arg16[%swap3A_1992, %swap3A_1993] {strides = array<i32>} : memref<64x128xf32, #tpu.memory_space<vmem>>, vector<1x16xf32>,
        %swap3A_1995 = vector.shape_cast %swap3A_1994 : vector<1x16xf32> to vector<16xf32>
        %swap3A_1996 = vector.shape_cast %mul3A_1991 : vector<16xf32> to vector<1x16xf32>
        tpu.vector_store %arg16[%swap3A_1992, %swap3A_1993], %swap3A_1996 {strides = array<i32>} : memref<64x128xf32, #tpu.memory_space<vmem>>, vector<1x16xf32>,
      }
      %scan3A_400 = arith.constant 4 : i32
      %jit3A_401 = arith.constant 2 : i32
      %div3A_402 = arith.divsi %add3A_263, %jit3A_401 : i32
      %sign3A_403 = arith.constant 0 : i32
      %sign3A_404 = arith.cmpi sgt, %add3A_263, %sign3A_403 : i32
      %sign3A_405 = arith.extui %sign3A_404 : i1 to i32
      %sign3A_406 = arith.constant 0 : i32
      %sign3A_407 = arith.cmpi slt, %add3A_263, %sign3A_406 : i32
      %sign3A_408 = arith.extui %sign3A_407 : i1 to i32
      %sign3A_409 = arith.subi %sign3A_405, %sign3A_408 : i32
      %sign3A_410 = arith.constant 0 : i32
      %sign3A_411 = arith.cmpi sgt, %jit3A_401, %sign3A_410 : i32
      %sign3A_412 = arith.extui %sign3A_411 : i1 to i32
      %sign3A_413 = arith.constant 0 : i32
      %sign3A_414 = arith.cmpi slt, %jit3A_401, %sign3A_413 : i32
      %sign3A_415 = arith.extui %sign3A_414 : i1 to i32
      %sign3A_416 = arith.subi %sign3A_412, %sign3A_415 : i32
      %ne3A_417 = arith.cmpi ne, %sign3A_409, %sign3A_416 : i32
      %rem3A_418 = arith.remsi %add3A_263, %jit3A_401 : i32
      %ne3A_419 = arith.constant 0 : i32
      %ne3A_420 = arith.cmpi ne, %rem3A_418, %ne3A_419 : i32
      %and3A_421 = arith.andi %ne3A_417, %ne3A_420 : i1
      %sub3A_422 = arith.constant 1 : i32
      %sub3A_423 = arith.subi %div3A_402, %sub3A_422 : i32
      %select_n3A_424 = arith.select %and3A_421, %sub3A_423, %div3A_402 : i32
      %jit3A_425 = arith.constant 2 : i32
      %eq3A_426 = arith.constant 0 : i32
      %eq3A_427 = arith.cmpi eq, %jit3A_425, %eq3A_426 : i32
      %jit3A_428 = arith.constant 1 : i32
      %select_n3A_429 = arith.select %eq3A_427, %jit3A_428, %jit3A_425 : i32
      %rem3A_430 = arith.remsi %add3A_263, %select_n3A_429 : i32
      %ne3A_431 = arith.constant 0 : i32
      %ne3A_432 = arith.cmpi ne, %rem3A_430, %ne3A_431 : i32
      %lt3A_433 = arith.constant 0 : i32
      %lt3A_434 = arith.cmpi slt, %rem3A_430, %lt3A_433 : i32
      %lt3A_435 = arith.constant 0 : i32
      %lt3A_436 = arith.cmpi slt, %select_n3A_429, %lt3A_435 : i32
      %ne3A_437 = arith.xori %lt3A_434, %lt3A_436 : i1
      %and3A_438 = arith.andi %ne3A_437, %ne3A_432 : i1
      %add3A_439 = arith.addi %rem3A_430, %select_n3A_429 : i32
      %select_n3A_440 = arith.select %and3A_438, %add3A_439, %rem3A_430 : i32
      %mul3A_441 = arith.constant 64 : i32
      %mul3A_442 = arith.muli %select_n3A_440, %mul3A_441 : i32
      %add3A_443 = arith.constant 0 : i32
      %add3A_444 = arith.addi %mul3A_442, %add3A_443 : i32
      %get3A_445 = arith.index_cast %select_n3A_424 : i32 to index
      %get3A_446 = arith.index_cast %add3A_444 : i32 to index
      %get3A_447 = tpu.vector_load %arg9[%get3A_445, %get3A_446] {strides = array<i32>} : memref<80x128xi32, #tpu.memory_space<vmem>>, vector<1x16xi32>,
      %get3A_448 = vector.shape_cast %get3A_447 : vector<1x16xi32> to vector<16xi32>
      %swap3A_449 = arith.constant 0 : index
      %swap3A_450 = tpu.vector_load %arg14[%swap3A_449] {strides = array<i32>} : memref<64xi32, #tpu.memory_space<vmem>>, vector<16xi32>,
      %swap3A_451 = vector.shape_cast %swap3A_450 : vector<16xi32> to vector<16xi32>
      %swap3A_452 = vector.shape_cast %get3A_448 : vector<16xi32> to vector<16xi32>
      tpu.vector_store %arg14[%swap3A_449], %swap3A_452 {strides = array<i32>} : memref<64xi32, #tpu.memory_space<vmem>>, vector<16xi32>,
      %add3A_453 = arith.constant 16 : i32
      %add3A_454 = arith.addi %mul3A_442, %add3A_453 : i32
      %get3A_455 = arith.index_cast %select_n3A_424 : i32 to index
      %get3A_456 = arith.index_cast %add3A_454 : i32 to index
      %get3A_457 = tpu.vector_load %arg9[%get3A_455, %get3A_456] {strides = array<i32>} : memref<80x128xi32, #tpu.memory_space<vmem>>, vector<1x16xi32>,
      %get3A_458 = vector.shape_cast %get3A_457 : vector<1x16xi32> to vector<16xi32>
      %swap3A_459 = arith.constant 16 : index
      %swap3A_460 = tpu.vector_load %arg14[%swap3A_459] {strides = array<i32>} : memref<64xi32, #tpu.memory_space<vmem>>, vector<16xi32>,
      %swap3A_461 = vector.shape_cast %swap3A_460 : vector<16xi32> to vector<16xi32>
      %swap3A_462 = vector.shape_cast %get3A_458 : vector<16xi32> to vector<16xi32>
      tpu.vector_store %arg14[%swap3A_459], %swap3A_462 {strides = array<i32>} : memref<64xi32, #tpu.memory_space<vmem>>, vector<16xi32>,
      %add3A_463 = arith.constant 32 : i32
      %add3A_464 = arith.addi %mul3A_442, %add3A_463 : i32
      %get3A_465 = arith.index_cast %select_n3A_424 : i32 to index
      %get3A_466 = arith.index_cast %add3A_464 : i32 to index
      %get3A_467 = tpu.vector_load %arg9[%get3A_465, %get3A_466] {strides = array<i32>} : memref<80x128xi32, #tpu.memory_space<vmem>>, vector<1x16xi32>,
      %get3A_468 = vector.shape_cast %get3A_467 : vector<1x16xi32> to vector<16xi32>
      %swap3A_469 = arith.constant 32 : index
      %swap3A_470 = tpu.vector_load %arg14[%swap3A_469] {strides = array<i32>} : memref<64xi32, #tpu.memory_space<vmem>>, vector<16xi32>,
      %swap3A_471 = vector.shape_cast %swap3A_470 : vector<16xi32> to vector<16xi32>
      %swap3A_472 = vector.shape_cast %get3A_468 : vector<16xi32> to vector<16xi32>
      tpu.vector_store %arg14[%swap3A_469], %swap3A_472 {strides = array<i32>} : memref<64xi32, #tpu.memory_space<vmem>>, vector<16xi32>,
      %add3A_473 = arith.constant 48 : i32
      %add3A_474 = arith.addi %mul3A_442, %add3A_473 : i32
      %get3A_475 = arith.index_cast %select_n3A_424 : i32 to index
      %get3A_476 = arith.index_cast %add3A_474 : i32 to index
      %get3A_477 = tpu.vector_load %arg9[%get3A_475, %get3A_476] {strides = array<i32>} : memref<80x128xi32, #tpu.memory_space<vmem>>, vector<1x16xi32>,
      %get3A_478 = vector.shape_cast %get3A_477 : vector<1x16xi32> to vector<16xi32>
      %swap3A_479 = arith.constant 48 : index
      %swap3A_480 = tpu.vector_load %arg14[%swap3A_479] {strides = array<i32>} : memref<64xi32, #tpu.memory_space<vmem>>, vector<16xi32>,
      %swap3A_481 = vector.shape_cast %swap3A_480 : vector<16xi32> to vector<16xi32>
      %swap3A_482 = vector.shape_cast %get3A_478 : vector<16xi32> to vector<16xi32>
      tpu.vector_store %arg14[%swap3A_479], %swap3A_482 {strides = array<i32>} : memref<64xi32, #tpu.memory_space<vmem>>, vector<16xi32>,
      "tpu.region"() ({
        %run_scoped3A = tpu.sem_alloc : memref<!tpu.dma_semaphore, #tpu.memory_space<semaphore_mem>>
        %dma_start3A_483 = arith.constant 0 : i32
        %dma_start3A_484 = arith.constant 0 : i32
        %dma_start3A_485 = tpu.memref_slice %arg17[%dma_start3A_483, %dma_start3A_484] : memref<10240x128xf32, #tpu.memory_space<vmem_shared>> -> memref<10240x128xf32, #tpu.memory_space<vmem_shared>>
        tpu.enqueue_indirect_dma source(%arg16 : memref<64x128xf32, #tpu.memory_space<vmem>>) target(%dma_start3A_485 : memref<10240x128xf32, #tpu.memory_space<vmem_shared>>) offsets(%arg14 : memref<64xi32, #tpu.memory_space<vmem>>) semaphore(%run_scoped3A : memref<!tpu.dma_semaphore, #tpu.memory_space<semaphore_mem>>) {add = true}
        %dma_wait3A_486 = arith.constant 0 : i32
        %dma_wait3A_487 = arith.constant 0 : i32
        %dma_wait3A_488 = tpu.memref_slice %arg17[%dma_wait3A_486, %dma_wait3A_487] : memref<10240x128xf32, #tpu.memory_space<vmem_shared>> -> memref<10240x128xf32, #tpu.memory_space<vmem_shared>>
        tpu.wait_indirect_dma semaphore(%run_scoped3A : memref<!tpu.dma_semaphore, #tpu.memory_space<semaphore_mem>>) src(%arg16 : memref<64x128xf32, #tpu.memory_space<vmem>>) dst(%dma_wait3A_488 : memref<10240x128xf32, #tpu.memory_space<vmem_shared>>)
        tpu.yield
      }) : () -> ()
    }
    %scan3A_42 = arith.constant 79 : i32
    %dma_wait3A = arith.constant 0 : i32
    %dma_wait3A_43 = arith.constant 0 : i32
    %dma_wait3A_44 = tpu.memref_slice %arg2[%dma_wait3A, %dma_wait3A_43] : memref<10000x128xf32, #tpu.memory_space<hbm>> -> memref<10000x128xf32, #tpu.memory_space<hbm>>
    tpu.wait_indirect_dma semaphore(%arg18 : memref<!tpu.dma_semaphore, #tpu.memory_space<semaphore_mem>>) src(%dma_wait3A_44 : memref<10000x128xf32, #tpu.memory_space<hbm>>) dst(%arg15 : memref<64x128xf32, #tpu.memory_space<vmem>>)
    %barrier3A_45 = arith.constant 0 : index
    tpu.barrier barrier_id(%barrier3A_45)
    "tpu.region"() ({
      %run_scoped3A = tpu.sem_alloc : memref<!tpu.dma_semaphore, #tpu.memory_space<semaphore_mem>>
      %dma_start3A_46 = arith.constant 0 : i32
      %dma_start3A_47 = tpu.memref_slice %arg7[%arg0, %mul3A_2, %dma_start3A_46] : memref<2x10240x128xf32, #tpu.memory_space<hbm>> -> memref<1x640x128xf32, #tpu.memory_space<hbm>>
      %dma_start3A_48 = tpu.memref_squeeze %dma_start3A_47 : memref<1x640x128xf32, #tpu.memory_space<hbm>> -> memref<640x128xf32, #tpu.memory_space<hbm>>
      %dma_start3A_49 = arith.constant 0 : i32
      %dma_start3A_50 = tpu.memref_slice %arg17[%mul3A_2, %dma_start3A_49] : memref<10240x128xf32, #tpu.memory_space<vmem_shared>> -> memref<640x128xf32, #tpu.memory_space<vmem_shared>>
      tpu.enqueue_dma source(%dma_start3A_50 : memref<640x128xf32, #tpu.memory_space<vmem_shared>>) target(%dma_start3A_48 : memref<640x128xf32, #tpu.memory_space<hbm>>) target_semaphore(%run_scoped3A : memref<!tpu.dma_semaphore, #tpu.memory_space<semaphore_mem>>)
      %dma_wait3A_51 = arith.constant 0 : i32
      %dma_wait3A_52 = tpu.memref_slice %arg7[%arg0, %mul3A_2, %dma_wait3A_51] : memref<2x10240x128xf32, #tpu.memory_space<hbm>> -> memref<1x640x128xf32, #tpu.memory_space<hbm>>
      %dma_wait3A_53 = tpu.memref_squeeze %dma_wait3A_52 : memref<1x640x128xf32, #tpu.memory_space<hbm>> -> memref<640x128xf32, #tpu.memory_space<hbm>>
      %dma_wait3A_54 = arith.constant 0 : i32
      %dma_wait3A_55 = tpu.memref_slice %arg17[%mul3A_2, %dma_wait3A_54] : memref<10240x128xf32, #tpu.memory_space<vmem_shared>> -> memref<640x128xf32, #tpu.memory_space<vmem_shared>>
      tpu.wait_dma2 semaphore(%run_scoped3A : memref<!tpu.dma_semaphore, #tpu.memory_space<semaphore_mem>>) src(%dma_wait3A_55 : memref<640x128xf32, #tpu.memory_space<vmem_shared>>) dst(%dma_wait3A_53 : memref<640x128xf32, #tpu.memory_space<hbm>>)
      tpu.yield
    }) : () -> ()
    return
  }
}

module attributes {stable_mosaic.version = 14 : i64} {
  func.func @_mm_body(%arg0: i32, %arg1: memref<1000x128xf32, #tpu.memory_space<vmem>>, %arg2: memref<128x128xf32, #tpu.memory_space<vmem>>, %arg3: memref<1000x128xf32, #tpu.memory_space<vmem>>) attributes {dimension_semantics = [#tpu.dimension_semantics<arbitrary>], iteration_bounds = array<i64: 10>, scalar_prefetch = 0 : i64, scratch_operands = 0 : i64, tpu.core_type = #tpu.core_type<tc>, window_params = [{transform_indices = @transform_0, window_bounds = array<i64: 1000, 128>}, {pipeline_mode = #tpu.pipeline_mode<synchronous>, transform_indices = @transform_1, window_bounds = array<i64: 128, 128>}, {transform_indices = @transform_2, window_bounds = array<i64: 1000, 128>}]} {
    %get3A = arith.constant 0 : index
    %get3A_0 = arith.constant 0 : index
    %get3A_1 = vector.load %arg1[%get3A, %get3A_0] : memref<1000x128xf32, #tpu.memory_space<vmem>>, vector<1000x128xf32>
    %get3A_2 = arith.constant 0 : index
    %get3A_3 = arith.constant 0 : index
    %get3A_4 = vector.load %arg2[%get3A_2, %get3A_3] : memref<128x128xf32, #tpu.memory_space<vmem>>, vector<128x128xf32>
    %dot_general3A = arith.constant dense<0.000000e+00> : vector<1000x128xf32>
    %dot_general3A_5 = tpu.matmul %get3A_1, %get3A_4, %dot_general3A {dimension_numbers = #tpu.dot_dimension_numbers<[1], [0], [0], [1], [0, 0, 1, 1], [], []>, transpose_lhs_hint = false} : vector<1000x128xf32>, vector<128x128xf32>, vector<1000x128xf32> -> vector<1000x128xf32>
    %swap3A = arith.constant 0 : index
    %swap3A_6 = arith.constant 0 : index
    %swap3A_7 = vector.load %arg3[%swap3A, %swap3A_6] : memref<1000x128xf32, #tpu.memory_space<vmem>>, vector<1000x128xf32>
    tpu.vector_store %arg3[%swap3A, %swap3A_6], %dot_general3A_5 {strides = array<i32>} : memref<1000x128xf32, #tpu.memory_space<vmem>>, vector<1000x128xf32>,
    return
  }
  func.func @transform_0(%arg0: i32) -> (i32, i32) {
    %c0_i32 = arith.constant 0 : i32
    %c0_i32_0 = arith.constant 0 : i32
    return %arg0, %c0_i32 : i32, i32
  }
  func.func @transform_1(%arg0: i32) -> (i32, i32) {
    %c0_i32 = arith.constant 0 : i32
    %c0_i32_0 = arith.constant 0 : i32
    %c0_i32_1 = arith.constant 0 : i32
    return %c0_i32, %c0_i32_0 : i32, i32
  }
  func.func @transform_2(%arg0: i32) -> (i32, i32) {
    %c0_i32 = arith.constant 0 : i32
    %c0_i32_0 = arith.constant 0 : i32
    return %arg0, %c0_i32 : i32, i32
  }
}

module attributes {stable_mosaic.version = 14 : i64} {
  func.func @_add_body(%arg0: i32, %arg1: memref<2x1000x128xf32, #tpu.memory_space<vmem>>, %arg2: memref<1000x128xf32, #tpu.memory_space<vmem>>) attributes {dimension_semantics = [#tpu.dimension_semantics<arbitrary>], iteration_bounds = array<i64: 10>, scalar_prefetch = 0 : i64, scratch_operands = 0 : i64, tpu.core_type = #tpu.core_type<tc>, window_params = [{transform_indices = @transform_0, window_bounds = array<i64: 2, 1000, 128>}, {transform_indices = @transform_1, window_bounds = array<i64: 1000, 128>}]} {
    %get3A = arith.constant 0 : index
    %get3A_0 = arith.constant 0 : index
    %get3A_1 = arith.constant 0 : index
    %get3A_2 = vector.load %arg1[%get3A, %get3A_0, %get3A_1] : memref<2x1000x128xf32, #tpu.memory_space<vmem>>, vector<1x1000x128xf32>
    %get3A_3 = vector.shape_cast %get3A_2 : vector<1x1000x128xf32> to vector<1000x128xf32>
    %get3A_4 = arith.constant 1 : index
    %get3A_5 = arith.constant 0 : index
    %get3A_6 = arith.constant 0 : index
    %get3A_7 = vector.load %arg1[%get3A_4, %get3A_5, %get3A_6] : memref<2x1000x128xf32, #tpu.memory_space<vmem>>, vector<1x1000x128xf32>
    %get3A_8 = vector.shape_cast %get3A_7 : vector<1x1000x128xf32> to vector<1000x128xf32>
    %add3A = arith.addf %get3A_3, %get3A_8 : vector<1000x128xf32>
    %swap3A = arith.constant 0 : index
    %swap3A_9 = arith.constant 0 : index
    %swap3A_10 = vector.load %arg2[%swap3A, %swap3A_9] : memref<1000x128xf32, #tpu.memory_space<vmem>>, vector<1000x128xf32>
    tpu.vector_store %arg2[%swap3A, %swap3A_9], %add3A {strides = array<i32>} : memref<1000x128xf32, #tpu.memory_space<vmem>>, vector<1000x128xf32>,
    return
  }
  func.func @transform_0(%arg0: i32) -> (i32, i32, i32) {
    %c0_i32 = arith.constant 0 : i32
    %c0_i32_0 = arith.constant 0 : i32
    %c0_i32_1 = arith.constant 0 : i32
    return %c0_i32, %arg0, %c0_i32_0 : i32, i32, i32
  }
  func.func @transform_1(%arg0: i32) -> (i32, i32) {
    %c0_i32 = arith.constant 0 : i32
    %c0_i32_0 = arith.constant 0 : i32
    return %arg0, %c0_i32 : i32, i32
  }
}

</mosaic_0001>

<sc_bundles>
// kernel: kernel.5.cloned.1.call-start
scs
__scs_entry_jumppad:
0x0: {  	(pc) =	sbr.rel $0x88, $3  }
0x1: {  	(tag) =	ssettag $0x0;
	lr =	simm.s32 $0x1  }
0x2: {  	[smem:$0x3F9D] =	sst lr;
	_ =	strace $0xD0000000  }
0x3: {  	_ = 	snop  }
0x4: {  	_ = 	snop  }
0x5: {  	_ = 	snop  }
0x6: {  	_ = 	snop  }
0x7: {  	_ = 	snop  }
__scs_overlays_trampoline_lowered:
0x8: {  	[smem:$0x3FAC] =	sst s0  }
0x9: {  	[smem:$0x3FAD] =	sst s1  }
0xa: {  	[smem:$0x3FAE] =	sst s2  }
0xb: {  	[smem:$0x3FAF] =	sst s3  }
0xc: {  	[smem:$0x3FB0] =	sst s4  }
0xd: {  	[smem:$0x3FB1] =	sst s5  }
0xe: {  	[smem:$0x3FB2] =	sst s6  }
0xf: {  	[smem:$0x3FB3] =	sst s7  }
0x10: {  	[smem:$0x3FB4] =	sst s8  }
0x11: {  	[smem:$0x3FB5] =	sst s9;
	s0 =	simm.s32 @!p0 $0x0  }
0x12: {  	s1 =	sld [smem:$0x3F9B];
	s0 =	simm.s32 @p0 $0x1  }
0x13: {  	[smem:$0x3FB6] =	sst s0;
	s0 =	simm.s32 @!p1 $0x0  }
0x14: {  	s2 =	sld [smem:$0x3F9A];
	s0 =	simm.s32 @p1 $0x1  }
0x15: {  	[smem:$0x3FB7] =	sst s0;
	s0 =	simm.s32 @!p2 $0x0  }
0x16: {  	s3 =	sld [smem:$0x3FDB];
	s0 =	simm.s32 @p2 $0x1  }
0x17: {  	s4 =	simm.s32 $0x1BF5;
	[smem:$0x3FB9] =	sst s0  }
0x18: {  	s0 =	sld [smem:$0x3F9C];
	_ =	swait.ge [sflag:s4], $0x0  }
0x19: {  	s7 =	sld [smem:$0x3F9D]  }
0x1a: {  	s8 =	sadd.s32 $0xFFFFE003, lr  }
0x1b: {  	s9 =	sadd.s32 $0xFFFFFEF7, lr;
	s5 =	simm.s32 $0xFFFFFFFF;
	p2 =	slt.u32 s8, $0xFFFFF086  }
0x1c: {  	p1 =	slt.u32 s9, $0xF7A;
	s5 =	simm.s32 @!p2 $0x0  }
0x1d: {  	s5 =	simm.s32 @p1 $0x1;
	p0 =	seq.s32 s7, s2  }
0x1e: {  	s7 =	smul.u32 @!p0 $0xF7A, s2;
	p2 =	seq.s32 @!p0 s5, $0x0  }
0x1f: {  	s9 =	smul.u32 $0xF7A, s1;
	s8 =	simm.s32 @!p0 $0x1BF5;
	p2 =	por !p2, p0  }
0x20: {  	[sflag:s8] =	ssyncset.s32 @!p0 $0xFFFFF086;
	s6 =	sadd.s32 @!p0 s3, s7;
	s7 =	simm.s32 @!p0 $0x108  }
0x21: {  	s3 =	sadd.s32 s3, s9;
	s6 =	sadd.s32 @!p0 $0x88, s6;
	s7 =	simm.s32 @p2 $0x1082  }
0x22: {  	[simem:s7], [sflag:s8] =	dma.local @!p0 [hbm:s6], $0xF7A  }
0x23: {  	s9 =	sor.u32 $0xD0000000, s2;
	s6 =	simm.s32 $0x108;
	_ =	swait.ge @!p0 [sflag:s8], $0x0  }
0x24: {  	s3 =	sadd.s32 $0x88, s3;
	s6 =	simm.s32 @!p1 $0x1082;
	[sflag:s4] =	ssyncset.s32 $0xFFFFF086  }
0x25: {  	[simem:s6], [sflag:s4] =	dma.local [hbm:s3], $0xF7A  }
0x26: {  	[smem:$0x3F9D] =	sst s1;
	(tag) =	ssettag s2;
	_ =	strace s9  }
0x27: {  	s1 =	sld [smem:$0x3FAD]  }
0x28: {  	s2 =	sld [smem:$0x3FAE]  }
0x29: {  	s4 =	sld [smem:$0x3FB0]  }
0x2a: {  	p0 =	seq.s32 s5, $0x0;
	s5 =	sld [smem:$0x3FB1]  }
0x2b: {  	s6 =	sld [smem:$0x3FB2]  }
0x2c: {  	s7 =	sld [smem:$0x3FB3]  }
0x2d: {  	s3 =	simm.s32 $0x108;
	s8 =	sld [smem:$0x3FB4]  }
0x2e: {  	s3 =	simm.s32 @!p0 $0x1082;
	s9 =	sld [smem:$0x3FB5]  }
0x2f: {  	lr =	sadd.s32 s0, s3;
	s0 =	sld [smem:$0x3FAC]  }
0x30: {  	s3 =	sld [smem:$0x3FAF]  }
0x31: {  	[smem:$0x3FB8] =	sst s10  }
0x32: {  	s10 =	sld [smem:$0x3FB6];
	_ =	sdelay $0x3  }
0x33: {  	p0 =	seq.s32 s10, $0x1;
	s10 =	sld [smem:$0x3FB8];
	_ =	sdelay $0x3  }
0x34: {  	[smem:$0x3FB8] =	sst s10  }
0x35: {  	s10 =	sld [smem:$0x3FB7];
	_ =	sdelay $0x3  }
0x36: {  	p1 =	seq.s32 s10, $0x1;
	s10 =	sld [smem:$0x3FB8];
	_ =	sdelay $0x3  }
0x37: {  	[smem:$0x3FB8] =	sst s10  }
0x38: {  	s10 =	sld [smem:$0x3FB9]  }
0x39: {  	_ = 	snop;
	(pc) =	sbr.ind lr, $3  }
0x3a: {  	_ = 	snop  }
0x3b: {  	_ = 	snop  }
0x3c: {  	p2 =	seq.s32 s10, $0x1;
	s10 =	sld [smem:$0x3FB8]  }
0x3d: {  	_ =	shalt  }
0x3e: {  	_ =	shalt  }
0x3f: {  	_ =	shalt  }
0x40: {  	_ =	shalt  }
0x41: {  	_ =	shalt  }
0x42: {  	_ =	shalt  }
0x43: {  	_ =	shalt  }
0x44: {  	_ =	shalt  }
0x45: {  	_ =	shalt  }
0x46: {  	_ =	shalt  }
0x47: {  	_ =	shalt  }
0x48: {  	_ =	shalt  }
0x49: {  	_ =	shalt  }
0x4a: {  	_ =	shalt  }
0x4b: {  	_ =	shalt  }
0x4c: {  	_ =	shalt  }
0x4d: {  	_ =	shalt  }
0x4e: {  	_ =	shalt  }
0x4f: {  	_ =	shalt  }
0x50: {  	_ =	shalt  }
0x51: {  	_ =	shalt  }
0x52: {  	_ =	shalt  }
0x53: {  	_ =	shalt  }
0x54: {  	_ =	shalt  }
0x55: {  	_ =	shalt  }
0x56: {  	_ =	shalt  }
0x57: {  	_ =	shalt  }
0x58: {  	_ =	shalt  }
0x59: {  	_ =	shalt  }
0x5a: {  	_ =	shalt  }
0x5b: {  	_ =	shalt  }
0x5c: {  	_ =	shalt  }
0x5d: {  	_ =	shalt  }
0x5e: {  	_ =	shalt  }
0x5f: {  	_ =	shalt  }
0x60: {  	_ =	shalt  }
0x61: {  	_ =	shalt  }
0x62: {  	_ =	shalt  }
0x63: {  	_ =	shalt  }
0x64: {  	_ =	shalt  }
0x65: {  	_ =	shalt  }
0x66: {  	_ =	shalt  }
0x67: {  	_ =	shalt  }
0x68: {  	_ =	shalt  }
0x69: {  	_ =	shalt  }
0x6a: {  	_ =	shalt  }
0x6b: {  	_ =	shalt  }
0x6c: {  	_ =	shalt  }
0x6d: {  	_ =	shalt  }
0x6e: {  	_ =	shalt  }
0x6f: {  	_ =	shalt  }
0x70: {  	_ =	shalt  }
0x71: {  	_ =	shalt  }
0x72: {  	_ =	shalt  }
0x73: {  	_ =	shalt  }
0x74: {  	_ =	shalt  }
0x75: {  	_ =	shalt  }
0x76: {  	_ =	shalt  }
0x77: {  	_ =	shalt  }
0x78: {  	_ =	shalt  }
0x79: {  	_ =	shalt  }
0x7a: {  	_ =	shalt  }
0x7b: {  	_ =	shalt  }
0x7c: {  	_ =	shalt  }
0x7d: {  	_ =	shalt  }
0x7e: {  	_ =	shalt  }
0x7f: {  	_ =	shalt  }
0x80: {  	_ =	shalt  }
0x81: {  	_ =	shalt  }
0x82: {  	_ =	shalt  }
0x83: {  	_ =	shalt  }
0x84: {  	_ =	shalt  }
0x85: {  	_ =	shalt  }
0x86: {  	_ =	shalt  }
0x87: {  	_ =	shalt  }
.Lfunc_end0:
.L_simem_size_0:
called_computation_lowered:
.L_overlay_start_0:
0x88: {  	s2 =	sld [smem:$0x3FD9]  }
0x89: {  	s3 =	sld [smem:$0x3FFE];
	_ =	sdelay $0x1  }
0x8a: {  	s1 =	srdreg.scid  }
0x8b: {  	s0 =	sand.u32 $0x1, s1  }
0x8c: {  	s14 =	sshll.u32 s0, $0xA;
	s2 =	sadd.s32 s3, s2  }
0x8d: {  	s2 =	sadd.s32 s2, s14  }
0x8e: {  	[smem:$0x3FC4] =	sst s2  }
0x8f: {  	_ = 	snop  }
0x90: {  	s2 =	sld [smem:$0x3FD0];
	_ =	sdelay $0x2  }
0x91: {  	s15 =	simm.s32 $0xA;
	s4 =	simm.s32 $0x10  }
0x92: {  	[smem:s4], [sflag:s15] =	dma.local [hbm:s2], $0x1  }
0x93: {  	_ =	swait.eq [sflag:s15], $0x1  }
0x94: {  	[sflag:s15] =	ssyncset.done $0x0  }
0x95: {  	s16 =	sld [smem:$0x10];
	[sflag:s15] =	ssyncadd.s32 $0xFFFFFFFF  }
0x96: {  	s17 =	sld [smem:$0x11];
	(tm) =	ssettm $0x1  }
0x97: {  	s18 =	sld [smem:$0x3FFB];
	_ =	sdelay $0x3  }
0x98: {  	_ =	strace s18  }
0x99: {  	s4 =	sld [smem:$0x3FFC];
	_ =	sdelay $0x3  }
0x9a: {  	_ =	strace s4  }
0x9b: {  	s4 =	sld [smem:$0x3FFD];
	_ =	sdelay $0x3  }
0x9c: {  	_ =	strace s4  }
0x9d: {  	_ =	strace $0x8FFFFFFF  }
0x9e: {  	s19 =	sld [smem:$0x3FDB];
	_ =	sdelay $0x1  }
0x9f: {  	s5 =	simm.s32 $_scs_section_size  }
0xa0: {  	s6 =	simm.s32 $_size__tile_overlayer_lowered;
	s7 =	simm.s32 $_tile_overlayer_lowered  }
0xa1: {  	s22 =	simm.s32 $0x1BFF;
	s21 =	sshll.u32 s7, $0x1;
	s4 =	sadd.s32 s5, s19  }
0xa2: {  	s8 =	simm.s32 $0x0;
	s20 =	sshll.u32 s6, $0x1;
	s6 =	sadd.s32 s21, s4  }
0xa3: {  	[timem:s8], [sflag:s22] =	dma.local [hbm:s6], s20  }
0xa4: {  	_ =	swait.ge [sflag:s22], s20  }
0xa5: {  	s5 =	ssub.s32 $0x0, s20;
	[sflag:s22] =	ssyncset.done $0x0  }
0xa6: {  	[sflag:s22] =	ssyncadd.s32 s5;
	_ =	sdelay $0x1  }
0xa7: {  	s23 =	simm.s32 $0x1B8B  }
0xa8: {  	_ =	swait.ge [sflag:s23], $0x1  }
0xa9: {  	[sflag:s23] =	ssyncset.done $0x0  }
0xaa: {  	s25 =	simm.s32 $0x1B8E;
	s24 =	sld [smem:$0x3FFE];
	[sflag:s23] =	ssyncadd.s32 $0xFFFFFFFF  }
0xab: {  	s26 =	simm.s32 $execute0_lowered;
	[smem:$0x3FD2] =	sst s25  }
0xac: {  	s6 =	sshll.u32 s26, $0x1;
	_ =	strace $0x80000046;
	[dreg:$0x1] =	wrdreg $0xFFFFFFFF  }
0xad: {  	s28 =	simm.s32 $_size_execute0_lowered;
	s4 =	sadd.s32 s4, s6;
	[dreg:$0x0] =	wrdreg $0x0  }
0xae: {  	s6 =	sshll.u32 s28, $0x1;
	[dreg:$0x2] =	wrdreg s4  }
0xaf: {  	[dreg:$0x3] =	wrdreg s6  }
0xb0: {  	[dreg:$0x4] =	wrdreg $0xC0  }
0xb1: {  	_ =	task [dreg:s8], $0x5FFFF  }
0xb2: {  	[dreg:$0x1] =	wrdreg $0xFFFFFFFF  }
0xb3: {  	[dreg:$0x0] =	wrdreg $0x60  }
0xb4: {  	[dreg:$0x2] =	wrdreg s16  }
0xb5: {  	[dreg:$0x3] =	wrdreg s17  }
0xb6: {  	[dreg:$0x4] =	wrdreg s24  }
0xb7: {  	[dreg:$0x5] =	wrdreg $0xBA000  }
0xb8: {  	[dreg:$0x6] =	wrdreg $0x9  }
0xb9: {  	_ =	task.clear_ibuf [dreg:s8], $0x7FFFF;
	_ =	strace $0x90000046  }
0xba: {  	s29 =	simm.s32 $0x9;
	_ =	strace $0x80000048  }
0xbb: {  	_ =	swait.ge [sflag:s29], $0x1  }
0xbc: {  	[sflag:s29] =	ssyncadd.s32 $0xFFFFFFFF  }
0xbd: {  	_ =	strace $0x90000048  }
0xbe: {  	_ =	sfence  }
0xbf: {  	s30 =	sld [smem:$0x0];
	_ =	sdelay $0x2  }
0xc0: {  	s31 =	sshll.u32 s1, $0xD;
	s1 =	sshrl.u32 s1, $0x2  }
0xc1: {  	s3 =	sand.u32 $0x4000, s31;
	s1 =	sadd.s32 s1, s30  }
0xc2: {  	s0 =	sor.u32 s3, s0;
	s1 =	sshll.u32 s1, $0x11  }
0xc3: {  	s0 =	sor.u32 s1, s0  }
0xc4: {  	s0 =	sadd.s32 $0x8F2B, s0  }
0xc5: {  	[sflag:s0] =	ssyncadd.remote.s32 $0x1  }
0xc6: {  	_ =	sfence.sel $0xFFFF  }
0xc7: {  	[dreg:$0x0] =	wrdreg $0xFFFFFFFF;
	(pc) =	sbr.abs _section_cstart, $3  }
0xc8: {  	[dreg:$0x1] =	wrdreg $0xFFFFFFFF  }
0xc9: {  	_ =	task.clear_ibuf [dreg:s8], $0x2FFFF;
	_ =	strace $0x9FFFFFFF  }
0xca: {  	(tm) =	ssettm $0x7FFFFFFF  }
0xcb: {  	_ =	shalt  }
tec
execute0_lowered:
.L_overlay_start_1:
0x0: {  	(tag) =	ssettag $0x1  }
0x1: {  	s1 =	rddreg [dreg:$0x0]  }
0x2: {  	s7 =	rddreg [dreg:$0x1]  }
0x3: {  	s0 =	srdreg.scid;
	s6 =	rddreg [dreg:$0x2]  }
0x4: {  	s12 =	stileid.u32;
	s3 =	rddreg [dreg:$0x3]  }
0x5: {  	s4 =	simm.s32 $0x0;
	s13 =	simm.s32 $0x3;
	s16 =	simm.s32 $0x40  }
0x6: {  	s17 =	simm.s32 $0x7800;
	s18 =	simm.s32 $0x7A00;
	s19 =	simm.s32 $0x7880  }
0x7: {  	s20 =	simm.s32 $0x9A00;
	s21 =	simm.s32 $0x1;
	s22 =	simm.s32 $0x7900  }
0x8: {  	s23 =	simm.s32 $0x2;
	s24 =	simm.s32 $0x7980;
	s25 =	simm.s32 $0x0  }
0x9: {  	s0 =	sand.u32 $0x1, s0;
	s8 =	smul.u32 $0x14000, s12;
	[smem:$0x7FF] =	sst s4  }
0xa: {  	s10 =	smul.u32 $0x50000, s12;
	s30 =	sshll.u32 s12, $0x6;
	s2 =	sshll.u32 s0, $0x4  }
0xb: {  	s5 =	smul.u32 $0x140000, s0;
	_ =	strace $0x80000047;
	s0 =	ssub.s32 $0x2, s0  }
0xc: {  	s2 =	sor.u32 s12, s2;
	s28 =	sshrl.u32 s0, $0x1;
	s29 =	sshrl.u32 s10, $0x2  }
0xd: {  	s2 =	smul.u32 $0x500, s2;
	s5 =	sadd.s32 s8, s5;
	s0 =	ssub.s32 s0, s28  }
0xe: {  	s31 =	sadd.s32 s29, s3;
	s8 =	sshrl.u32 s5, $0x3;
	s5 =	sadd.s32 $0x14A00, s6  }
0xf: {  	s12 =	sshrl.u32 s31, $0x3;
	s9 =	sadd.s32 s2, s6;
	s11 =	sadd.s32 s8, s6  }
0x10: {  	s6 =	sor.u32 $0x1C03, s30;
	s7 =	sadd.s32 s7, s2;
	s8 =	sadd.s32 $0xAA00, s9  }
0x11: {  	s9 =	sadd.s32 $0xA00, s9;
	s10 =	sadd.s32 $0x17200, s11;
	s11 =	smax.u32 s0, $0x1  }
.LBB2_1:
0x12: {  	[spmem:s12], [sflag:s6] =	dma.local [hbm:s5], $0x2800  }
0x13: {  	_ =	swait.ge [sflag:s13], $0x2800  }
0x14: {  	[sflag:s13] =	ssyncset.done $0x0  }
0x15: {  	[sflag:s13] =	ssyncadd.s32 $0xFFFFD800  }
0x16: {  	[tilespmem:s4], [sflag:$0x3] =	stream.linear.gather [hbm4b:s7+s4], $0x2800, $0x38;
	[tilespmem:$0x1FA00] =	vst v63  }
0x17: {  	_ =	swait.ge [sflag:s13], $0x2800  }
0x18: {  	[sflag:s13] =	ssyncset.done $0x0  }
0x19: {  	s0 =	simm.s32 $0x2800;
	[sflag:s13] =	ssyncadd.s32 $0xFFFFD800  }
0x1a: {  	[tilespmem:s0], [sflag:$0x3] =	stream.linear.gather [hbm4b:s8+s4], $0x2800, $0x38;
	[tilespmem:$0x1FA00] =	vst v63  }
0x1b: {  	_ =	swait.ge [sflag:s13], $0x2800  }
0x1c: {  	[sflag:s13] =	ssyncset.done $0x0  }
0x1d: {  	s31 =	simm.s32 $0x5000;
	[sflag:s13] =	ssyncadd.s32 $0xFFFFD800  }
0x1e: {  	[tilespmem:s31], [sflag:$0x3] =	stream.linear.gather [hbm4b:s9+s4], $0x2800, $0x38;
	[tilespmem:$0x1FA00] =	vst v63  }
0x1f: {  	_ =	swait.ge [sflag:s13], $0x2800  }
0x20: {  	[sflag:s13] =	ssyncset.done $0x0  }
0x21: {  	[sflag:s13] =	ssyncadd.s32 $0xFFFFD800  }
0x22: {  	[bflag:$0x0] =	sbarrier.arrive $0xFFFF  }
0x23: {  	v0 =	vld [tilespmem:$0x0]  }
0x24: {  	v1 =	vld [tilespmem:$0x10]  }
0x25: {  	v2 =	vld [tilespmem:$0x20]  }
0x26: {  	v3 =	vld [tilespmem:$0x30];
	_ =	sdelay $0x1  }
0x27: {  	[tilespmem:$0x7800] =	vst v0  }
0x28: {  	[tilespmem:$0x7810] =	vst v1  }
0x29: {  	[tilespmem:$0x7820] =	vst v2  }
0x2a: {  	s26 =	simm.s32 $0x0;
	[tilespmem:$0x7830] =	vst v3  }
0x2b: {  	[tilespmem:s18], [sflag:$0x1] =	stream.indirect.gather [hbm4b:s1+s16], $0x80, s17, s16, $0xb8;
	[tilespmem:$0x1FA00] =	vst v63  }
.LBB2_2:
0x2c: {  	s2 =	sshll.u32 s26, $0x7  }
0x2d: {  	v0 =	vld [tilespmem:s2+$0x40];
	_ =	sdelay $0x4  }
0x2e: {  	[tilespmem:$0x7880] =	vst v0  }
0x2f: {  	v0 =	vld [tilespmem:s2+$0x50];
	_ =	sdelay $0x4  }
0x30: {  	[tilespmem:$0x7890] =	vst v0  }
0x31: {  	v0 =	vld [tilespmem:s2+$0x60];
	_ =	sdelay $0x4  }
0x32: {  	[tilespmem:$0x78A0] =	vst v0  }
0x33: {  	v0 =	vld [tilespmem:s2+$0x70];
	_ =	sdelay $0x2  }
0x34: {  	s0 =	sand.u32 $0x3FFFFF80, s2  }
0x35: {  	s0 =	sadd.s32 $0x5000, s0  }
0x36: {  	[tilespmem:$0x78B0] =	vst v0;
	v0 =	vmov s0  }
0x37: {  	[tilespmem:s20], [sflag:$0x2] =	stream.indirect.gather [hbm4b:s1+s16], $0x80, s19, s16, $0xb8;
	[tilespmem:$0x1FA00] =	vst v63  }
0x38: {  	_ =	swait.ge [sflag:s21], $0x2000  }
0x39: {  	s15 =	simm.s32 $0x0;
	[sflag:s21] =	ssyncset.done $0x0  }
0x3a: {  	s0 =	sand.u32 $0x3FFFFFF0, s15;
	[sflag:s21] =	ssyncadd.s32 $0xFFFFE000  }
0x3b: {  	s14 =	simm.s32 $0x0;
	v1 =	vld.idx.msk [tilespmem:v0+s0+$0x0 ss:$0x1], $0xffff  }
0x3c: {  	s0 =	sand.u32 $0x3FFFF800, s14  }
0x3d: {  	v3 =	vld [tilespmem:s0+$0x7A20]  }
0x3e: {  	v4 =	vld [tilespmem:s0+$0x7A30]  }
0x3f: {  	v10 =	vld [tilespmem:s0+$0x7A60]  }
0x40: {  	v11 =	vld [tilespmem:s0+$0x7A70];
	v2 =	vbroadcast v1, $0x0  }
0x41: {  	v12 =	vld [tilespmem:s0+$0x7A80]  }
0x42: {  	v13 =	vld [tilespmem:s0+$0x7A90];
	v3 =	vmul.f32 v3, v2  }
0x43: {  	v14 =	vld [tilespmem:s0+$0x7AA0];
	v4 =	vmul.f32 v4, v2  }
0x44: {  	v9 =	vld [tilespmem:s0+$0x7AB0];
	v23 =	vbroadcast v1, $0x1;
	v22 =	vmul.f32 v10, v2;
	[tilespmem:s0+$0x7A20] =	vst v3  }
0x45: {  	v7 =	vld [tilespmem:s0+$0x7AC0];
	v11 =	vmul.f32 v11, v2;
	[tilespmem:s0+$0x7A30] =	vst v4  }
0x46: {  	v8 =	vld [tilespmem:s0+$0x7AD0];
	v12 =	vmul.f32 v12, v23;
	[tilespmem:s0+$0x7A60] =	vst v22  }
0x47: {  	v25 =	vld [tilespmem:s0+$0x7AF0];
	v13 =	vmul.f32 v13, v23;
	[tilespmem:s0+$0x7A70] =	vst v11  }
0x48: {  	v26 =	vld [tilespmem:s0+$0x7B00];
	v14 =	vmul.f32 v14, v23;
	[tilespmem:s0+$0x7A80] =	vst v12  }
0x49: {  	v27 =	vld [tilespmem:s0+$0x7B10];
	v9 =	vmul.f32 v9, v23;
	[tilespmem:s0+$0x7A90] =	vst v13  }
0x4a: {  	v6 =	vld [tilespmem:s0+$0x7F70];
	v7 =	vmul.f32 v7, v23;
	[tilespmem:s0+$0x7AA0] =	vst v14  }
0x4b: {  	v24 =	vld [tilespmem:s0+$0x7AE0];
	v15 =	vbroadcast v1, $0x2;
	v8 =	vmul.f32 v8, v23;
	[tilespmem:s0+$0x7AB0] =	vst v9  }
0x4c: {  	v28 =	vld [tilespmem:s0+$0x7B20];
	v10 =	vmul.f32 v25, v23;
	[tilespmem:s0+$0x7AC0] =	vst v7  }
0x4d: {  	v29 =	vld [tilespmem:s0+$0x7B30];
	v5 =	vbroadcast v1, $0xA;
	v32 =	vmul.f32 v26, v15;
	[tilespmem:s0+$0x7AD0] =	vst v8  }
0x4e: {  	v30 =	vld [tilespmem:s0+$0x7B40];
	v34 =	vmul.f32 v27, v15;
	[tilespmem:s0+$0x7AF0] =	vst v10  }
0x4f: {  	v33 =	vld [tilespmem:s0+$0x7B60];
	v3 =	vmul.f32 v6, v5;
	[tilespmem:s0+$0x7B00] =	vst v32  }
0x50: {  	v35 =	vld [tilespmem:s0+$0x7B70];
	v11 =	vmul.f32 v24, v23;
	[tilespmem:s0+$0x7B10] =	vst v34  }
0x51: {  	v36 =	vld [tilespmem:s0+$0x7B80];
	v9 =	vmul.f32 v28, v15;
	[tilespmem:s0+$0x7F70] =	vst v3  }
0x52: {  	v31 =	vld [tilespmem:s0+$0x7B50];
	v7 =	vmul.f32 v29, v15;
	[tilespmem:s0+$0x7AE0] =	vst v11  }
0x53: {  	v37 =	vld [tilespmem:s0+$0x7B90];
	v8 =	vmul.f32 v30, v15;
	[tilespmem:s0+$0x7B20] =	vst v9  }
0x54: {  	v38 =	vld [tilespmem:s0+$0x7BA0];
	v41 =	vbroadcast v1, $0x3;
	v10 =	vmul.f32 v33, v15;
	[tilespmem:s0+$0x7B30] =	vst v7  }
0x55: {  	v39 =	vld [tilespmem:s0+$0x7BB0];
	v12 =	vmul.f32 v35, v15;
	[tilespmem:s0+$0x7B40] =	vst v8  }
0x56: {  	v42 =	vld [tilespmem:s0+$0x7BD0];
	v13 =	vmul.f32 v36, v41;
	[tilespmem:s0+$0x7B60] =	vst v10  }
0x57: {  	v43 =	vld [tilespmem:s0+$0x7BE0];
	v11 =	vmul.f32 v31, v15;
	[tilespmem:s0+$0x7B70] =	vst v12  }
0x58: {  	v44 =	vld [tilespmem:s0+$0x7BF0];
	v9 =	vmul.f32 v37, v41;
	[tilespmem:s0+$0x7B80] =	vst v13  }
0x59: {  	v40 =	vld [tilespmem:s0+$0x7BC0];
	v7 =	vmul.f32 v38, v41;
	[tilespmem:s0+$0x7B50] =	vst v11  }
0x5a: {  	v45 =	vld [tilespmem:s0+$0x7C00];
	v8 =	vmul.f32 v39, v41;
	[tilespmem:s0+$0x7B90] =	vst v9  }
0x5b: {  	v46 =	vld [tilespmem:s0+$0x7C10];
	v10 =	vmul.f32 v42, v41;
	[tilespmem:s0+$0x7BA0] =	vst v7  }
0x5c: {  	v47 =	vld [tilespmem:s0+$0x7C20];
	v12 =	vmul.f32 v43, v41;
	[tilespmem:s0+$0x7BB0] =	vst v8  }
0x5d: {  	v49 =	vld [tilespmem:s0+$0x7C40];
	v50 =	vbroadcast v1, $0x4;
	v13 =	vmul.f32 v44, v41;
	[tilespmem:s0+$0x7BD0] =	vst v10  }
0x5e: {  	v51 =	vld [tilespmem:s0+$0x7C50];
	v11 =	vmul.f32 v40, v41;
	[tilespmem:s0+$0x7BE0] =	vst v12  }
0x5f: {  	v52 =	vld [tilespmem:s0+$0x7C60];
	v9 =	vmul.f32 v45, v50;
	[tilespmem:s0+$0x7BF0] =	vst v13  }
0x60: {  	v48 =	vld [tilespmem:s0+$0x7C30];
	v7 =	vmul.f32 v46, v50;
	[tilespmem:s0+$0x7BC0] =	vst v11  }
0x61: {  	v53 =	vld [tilespmem:s0+$0x7C70];
	v8 =	vmul.f32 v47, v50;
	[tilespmem:s0+$0x7C00] =	vst v9  }
0x62: {  	v54 =	vld [tilespmem:s0+$0x7C80];
	v10 =	vmul.f32 v49, v50;
	[tilespmem:s0+$0x7C10] =	vst v7  }
0x63: {  	v55 =	vld [tilespmem:s0+$0x7C90];
	v12 =	vmul.f32 v51, v50;
	[tilespmem:s0+$0x7C20] =	vst v8  }
0x64: {  	v57 =	vld [tilespmem:s0+$0x7CB0];
	v13 =	vmul.f32 v52, v50;
	[tilespmem:s0+$0x7C40] =	vst v10  }
0x65: {  	v58 =	vld [tilespmem:s0+$0x7CC0];
	v59 =	vbroadcast v1, $0x5;
	v11 =	vmul.f32 v48, v50;
	[tilespmem:s0+$0x7C50] =	vst v12  }
0x66: {  	v60 =	vld [tilespmem:s0+$0x7CD0];
	v9 =	vmul.f32 v53, v50;
	[tilespmem:s0+$0x7C60] =	vst v13  }
0x67: {  	v56 =	vld [tilespmem:s0+$0x7CA0];
	v7 =	vmul.f32 v54, v59;
	[tilespmem:s0+$0x7C30] =	vst v11  }
0x68: {  	v61 =	vld [tilespmem:s0+$0x7CE0];
	v8 =	vmul.f32 v55, v59;
	[tilespmem:s0+$0x7C70] =	vst v9  }
0x69: {  	v62 =	vld [tilespmem:s0+$0x7CF0];
	v10 =	vmul.f32 v57, v59;
	[tilespmem:s0+$0x7C80] =	vst v7  }
0x6a: {  	v63 =	vld [tilespmem:s0+$0x7D00];
	v12 =	vmul.f32 v58, v59;
	[tilespmem:s0+$0x7C90] =	vst v8  }
0x6b: {  	v19 =	vld [tilespmem:s0+$0x7D20];
	v13 =	vmul.f32 v60, v59;
	[tilespmem:s0+$0x7CB0] =	vst v10  }
0x6c: {  	v20 =	vld [tilespmem:s0+$0x7D30];
	v11 =	vmul.f32 v56, v59;
	[tilespmem:s0+$0x7CC0] =	vst v12  }
0x6d: {  	v21 =	vld [tilespmem:s0+$0x7D40];
	v22 =	vbroadcast v1, $0x6;
	v9 =	vmul.f32 v61, v59;
	[tilespmem:s0+$0x7CD0] =	vst v13  }
0x6e: {  	v18 =	vld [tilespmem:s0+$0x7D10];
	v7 =	vmul.f32 v62, v59;
	[tilespmem:s0+$0x7CA0] =	vst v11  }
0x6f: {  	v23 =	vld [tilespmem:s0+$0x7D50];
	v8 =	vmul.f32 v63, v22;
	[tilespmem:s0+$0x7CE0] =	vst v9  }
0x70: {  	v24 =	vld [tilespmem:s0+$0x7D60];
	v10 =	vmul.f32 v19, v22;
	[tilespmem:s0+$0x7CF0] =	vst v7  }
0x71: {  	v25 =	vld [tilespmem:s0+$0x7D70];
	v12 =	vmul.f32 v20, v22;
	[tilespmem:s0+$0x7D00] =	vst v8  }
0x72: {  	v27 =	vld [tilespmem:s0+$0x7D90];
	v13 =	vmul.f32 v21, v22;
	[tilespmem:s0+$0x7D20] =	vst v10  }
0x73: {  	v28 =	vld [tilespmem:s0+$0x7DA0];
	v11 =	vmul.f32 v18, v22;
	[tilespmem:s0+$0x7D30] =	vst v12  }
0x74: {  	v29 =	vld [tilespmem:s0+$0x7DB0];
	v9 =	vmul.f32 v23, v22;
	[tilespmem:s0+$0x7D40] =	vst v13  }
0x75: {  	v31 =	vbroadcast v1, $0x7;
	v53 =	vld [tilespmem:s0+$0x7F00];
	v7 =	vmul.f32 v24, v22;
	[tilespmem:s0+$0x7D10] =	vst v11  }
0x76: {  	v57 =	vld [tilespmem:s0+$0x7F40];
	v8 =	vmul.f32 v25, v22;
	[tilespmem:s0+$0x7D50] =	vst v9  }
0x77: {  	v58 =	vld [tilespmem:s0+$0x7F50];
	v10 =	vmul.f32 v27, v31;
	[tilespmem:s0+$0x7D60] =	vst v7  }
0x78: {  	v26 =	vld [tilespmem:s0+$0x7D80];
	v12 =	vmul.f32 v28, v31;
	[tilespmem:s0+$0x7D70] =	vst v8  }
0x79: {  	v30 =	vld [tilespmem:s0+$0x7DC0];
	v13 =	vmul.f32 v29, v31;
	[tilespmem:s0+$0x7D90] =	vst v10  }
0x7a: {  	v32 =	vld [tilespmem:s0+$0x7DD0];
	v59 =	vmul.f32 v53, v5;
	[tilespmem:s0+$0x7DA0] =	vst v12  }
0x7b: {  	v33 =	vld [tilespmem:s0+$0x7DE0];
	v18 =	vmul.f32 v57, v5;
	[tilespmem:s0+$0x7DB0] =	vst v13  }
0x7c: {  	v35 =	vld [tilespmem:s0+$0x7E00];
	v20 =	vmul.f32 v58, v5;
	[tilespmem:s0+$0x7F00] =	vst v59  }
0x7d: {  	v36 =	vld [tilespmem:s0+$0x7E10];
	v11 =	vmul.f32 v26, v31;
	[tilespmem:s0+$0x7F40] =	vst v18  }
0x7e: {  	v37 =	vld [tilespmem:s0+$0x7E20];
	v9 =	vmul.f32 v30, v31;
	[tilespmem:s0+$0x7F50] =	vst v20  }
0x7f: {  	v4 =	vld [tilespmem:s0+$0x7F80];
	v40 =	vbroadcast v1, $0x8;
	v7 =	vmul.f32 v32, v31;
	[tilespmem:s0+$0x7D80] =	vst v11  }
0x80: {  	v6 =	vld [tilespmem:s0+$0x7F90];
	v8 =	vmul.f32 v33, v31;
	[tilespmem:s0+$0x7DC0] =	vst v9  }
0x81: {  	v3 =	vld [tilespmem:s0+$0x81D0];
	v10 =	vmul.f32 v35, v40;
	[tilespmem:s0+$0x7DD0] =	vst v7  }
0x82: {  	v61 =	vld [tilespmem:s0+$0x7A00];
	v23 =	vbroadcast v1, $0xB;
	v12 =	vmul.f32 v36, v40;
	[tilespmem:s0+$0x7DE0] =	vst v8  }
0x83: {  	v34 =	vld [tilespmem:s0+$0x7DF0];
	v13 =	vmul.f32 v37, v40;
	[tilespmem:s0+$0x7E00] =	vst v10  }
0x84: {  	v38 =	vld [tilespmem:s0+$0x7E30];
	v27 =	vbroadcast v1, $0xF;
	v4 =	vmul.f32 v4, v23;
	[tilespmem:s0+$0x7E10] =	vst v12  }
0x85: {  	v39 =	vld [tilespmem:s0+$0x7E40];
	v6 =	vmul.f32 v6, v23;
	[tilespmem:s0+$0x7E20] =	vst v13  }
0x86: {  	v41 =	vld [tilespmem:s0+$0x7E50];
	v3 =	vmul.f32 v3, v27;
	[tilespmem:s0+$0x7F80] =	vst v4  }
0x87: {  	v43 =	vld [tilespmem:s0+$0x7E70];
	v24 =	vmul.f32 v2, v61;
	[tilespmem:s0+$0x7F90] =	vst v6  }
0x88: {  	v44 =	vld [tilespmem:s0+$0x7E80];
	v11 =	vmul.f32 v34, v31;
	[tilespmem:s0+$0x81D0] =	vst v3  }
0x89: {  	v45 =	vld [tilespmem:s0+$0x7E90];
	v9 =	vmul.f32 v38, v40;
	[tilespmem:s0+$0x7A00] =	vst v24  }
0x8a: {  	v63 =	vld [tilespmem:s0+$0x7A40];
	v7 =	vmul.f32 v39, v40;
	[tilespmem:s0+$0x7DF0] =	vst v11  }
0x8b: {  	v49 =	vbroadcast v1, $0x9;
	v29 =	vld [tilespmem:s0+$0x7FF0];
	v8 =	vmul.f32 v41, v40;
	[tilespmem:s0+$0x7E30] =	vst v9  }
0x8c: {  	v42 =	vld [tilespmem:s0+$0x7E60];
	v10 =	vmul.f32 v43, v40;
	[tilespmem:s0+$0x7E40] =	vst v7  }
0x8d: {  	v46 =	vld [tilespmem:s0+$0x7EA0];
	v12 =	vmul.f32 v44, v49;
	[tilespmem:s0+$0x7E50] =	vst v8  }
0x8e: {  	v47 =	vld [tilespmem:s0+$0x7EB0];
	v13 =	vmul.f32 v45, v49;
	[tilespmem:s0+$0x7E70] =	vst v10  }
0x8f: {  	v48 =	vld [tilespmem:s0+$0x7EC0];
	v3 =	vmul.f32 v63, v2;
	[tilespmem:s0+$0x7E80] =	vst v12  }
0x90: {  	v51 =	vld [tilespmem:s0+$0x7EE0];
	v6 =	vmul.f32 v29, v23;
	[tilespmem:s0+$0x7E90] =	vst v13  }
0x91: {  	v52 =	vld [tilespmem:s0+$0x7EF0];
	v11 =	vmul.f32 v42, v40;
	[tilespmem:s0+$0x7A40] =	vst v3  }
0x92: {  	v28 =	vld [tilespmem:s0+$0x7FE0];
	v9 =	vmul.f32 v46, v49;
	[tilespmem:s0+$0x7FF0] =	vst v6  }
0x93: {  	v26 =	vld [tilespmem:s0+$0x7FD0];
	v7 =	vmul.f32 v47, v49;
	[tilespmem:s0+$0x7E60] =	vst v11  }
0x94: {  	v30 =	vld [tilespmem:s0+$0x8000];
	v8 =	vmul.f32 v48, v49;
	[tilespmem:s0+$0x7EA0] =	vst v9  }
0x95: {  	v50 =	vld [tilespmem:s0+$0x7ED0];
	v10 =	vmul.f32 v51, v49;
	[tilespmem:s0+$0x7EB0] =	vst v7  }
0x96: {  	v54 =	vld [tilespmem:s0+$0x7F10];
	v12 =	vmul.f32 v52, v49;
	[tilespmem:s0+$0x7EC0] =	vst v8  }
0x97: {  	v55 =	vld [tilespmem:s0+$0x7F20];
	v35 =	vbroadcast v1, $0xC;
	v40 =	vmul.f32 v28, v23;
	[tilespmem:s0+$0x7EE0] =	vst v10  }
0x98: {  	v56 =	vld [tilespmem:s0+$0x7F30];
	v32 =	vmul.f32 v26, v23;
	[tilespmem:s0+$0x7EF0] =	vst v12  }
0x99: {  	v60 =	vld [tilespmem:s0+$0x7F60];
	v15 =	vmul.f32 v30, v35;
	[tilespmem:s0+$0x7FE0] =	vst v40  }
0x9a: {  	v62 =	vld [tilespmem:s0+$0x7A10];
	v11 =	vmul.f32 v50, v49;
	[tilespmem:s0+$0x7FD0] =	vst v32  }
0x9b: {  	v19 =	vld [tilespmem:s0+$0x7A50];
	v9 =	vmul.f32 v54, v5;
	[tilespmem:s0+$0x8000] =	vst v15  }
0x9c: {  	v33 =	vld [tilespmem:s0+$0x8030];
	v7 =	vmul.f32 v55, v5;
	[tilespmem:s0+$0x7ED0] =	vst v11  }
0x9d: {  	v61 =	vld [tilespmem:s0+$0x81F0];
	v8 =	vmul.f32 v56, v5;
	[tilespmem:s0+$0x7F10] =	vst v9  }
0x9e: {  	v38 =	vld [tilespmem:s0+$0x8070];
	v5 =	vmul.f32 v60, v5;
	[tilespmem:s0+$0x7F20] =	vst v7  }
0x9f: {  	v21 =	vld [tilespmem:s0+$0x7FA0];
	v12 =	vmul.f32 v62, v2;
	[tilespmem:s0+$0x7F30] =	vst v8  }
0xa0: {  	v22 =	vld [tilespmem:s0+$0x7FB0];
	v2 =	vmul.f32 v19, v2;
	[tilespmem:s0+$0x7F60] =	vst v5  }
0xa1: {  	v25 =	vld [tilespmem:s0+$0x7FC0];
	v62 =	vmul.f32 v33, v35;
	[tilespmem:s0+$0x7A10] =	vst v12  }
0xa2: {  	v31 =	vld [tilespmem:s0+$0x8010];
	v63 =	vmul.f32 v61, v27;
	[tilespmem:s0+$0x7A50] =	vst v2  }
0xa3: {  	v34 =	vld [tilespmem:s0+$0x8040];
	v15 =	vmul.f32 v38, v35;
	[tilespmem:s0+$0x8030] =	vst v62  }
0xa4: {  	v41 =	vld [tilespmem:s0+$0x80A0];
	v7 =	vmul.f32 v21, v23;
	[tilespmem:s0+$0x81F0] =	vst v63  }
0xa5: {  	v46 =	vld [tilespmem:s0+$0x80E0];
	v8 =	vmul.f32 v22, v23;
	[tilespmem:s0+$0x8070] =	vst v15  }
0xa6: {  	v36 =	vld [tilespmem:s0+$0x8050];
	v5 =	vmul.f32 v25, v23;
	[tilespmem:s0+$0x7FA0] =	vst v7  }
0xa7: {  	v44 =	vbroadcast v1, $0xD;
	v9 =	vmul.f32 v31, v35;
	v2 =	vld [tilespmem:s0+$0x8090];
	[tilespmem:s0+$0x7FB0] =	vst v8  }
0xa8: {  	v37 =	vld [tilespmem:s0+$0x8060];
	v12 =	vmul.f32 v34, v35;
	[tilespmem:s0+$0x7FC0] =	vst v5  }
0xa9: {  	v39 =	vld [tilespmem:s0+$0x8080];
	v11 =	vmul.f32 v41, v44;
	[tilespmem:s0+$0x8010] =	vst v9  }
0xaa: {  	v42 =	vld [tilespmem:s0+$0x80B0];
	v51 =	vmul.f32 v46, v44;
	[tilespmem:s0+$0x8040] =	vst v12  }
0xab: {  	v48 =	vld [tilespmem:s0+$0x8110];
	v8 =	vmul.f32 v36, v35;
	[tilespmem:s0+$0x80A0] =	vst v11  }
0xac: {  	v49 =	vld [tilespmem:s0+$0x8120];
	[tilespmem:s0+$0x80E0] =	vst v51;
	v2 =	vmul.f32 v2, v44  }
0xad: {  	v50 =	vld [tilespmem:s0+$0x8130];
	v5 =	vmul.f32 v37, v35;
	[tilespmem:s0+$0x8050] =	vst v8  }
0xae: {  	v1 =	vbroadcast v1, $0xE;
	v9 =	vmul.f32 v39, v44;
	[tilespmem:s0+$0x8090] =	vst v2;
	v2 =	vld [tilespmem:s0+$0x8100]  }
0xaf: {  	v60 =	vld [tilespmem:s0+$0x81E0];
	v12 =	vmul.f32 v42, v44;
	[tilespmem:s0+$0x8060] =	vst v5  }
0xb0: {  	v45 =	vld [tilespmem:s0+$0x80D0];
	v11 =	vmul.f32 v48, v1;
	[tilespmem:s0+$0x8080] =	vst v9  }
0xb1: {  	v47 =	vld [tilespmem:s0+$0x80F0];
	v10 =	vmul.f32 v49, v1;
	[tilespmem:s0+$0x80B0] =	vst v12  }
0xb2: {  	v43 =	vld [tilespmem:s0+$0x80C0];
	v6 =	vmul.f32 v50, v1;
	[tilespmem:s0+$0x8110] =	vst v11  }
0xb3: {  	v55 =	vld [tilespmem:s0+$0x8180];
	[tilespmem:s0+$0x8120] =	vst v10;
	v2 =	vmul.f32 v2, v1  }
0xb4: {  	v57 =	vld [tilespmem:s0+$0x81A0];
	v4 =	vmul.f32 v60, v27;
	[tilespmem:s0+$0x8130] =	vst v6  }
0xb5: {  	v5 =	vmul.f32 v45, v44;
	[tilespmem:s0+$0x8100] =	vst v2;
	v2 =	vld [tilespmem:s0+$0x8170]  }
0xb6: {  	v52 =	vld [tilespmem:s0+$0x8140];
	v9 =	vmul.f32 v47, v44;
	[tilespmem:s0+$0x81E0] =	vst v4  }
0xb7: {  	v56 =	vld [tilespmem:s0+$0x8190];
	v8 =	vmul.f32 v43, v44;
	[tilespmem:s0+$0x80D0] =	vst v5  }
0xb8: {  	v54 =	vld [tilespmem:s0+$0x8160];
	v11 =	vmul.f32 v55, v27;
	[tilespmem:s0+$0x80F0] =	vst v9  }
0xb9: {  	v58 =	vld [tilespmem:s0+$0x81B0];
	v6 =	vmul.f32 v57, v27;
	[tilespmem:s0+$0x80C0] =	vst v8  }
0xba: {  	v53 =	vld [tilespmem:s0+$0x8150];
	[tilespmem:s0+$0x8180] =	vst v11;
	v2 =	vmul.f32 v2, v1  }
0xbb: {  	v59 =	vld [tilespmem:s0+$0x81C0];
	v5 =	vmul.f32 v52, v1;
	[tilespmem:s0+$0x81A0] =	vst v6  }
0xbc: {  	[tilespmem:s0+$0x8170] =	vst v2;
	v2 =	vmul.f32 v56, v27  }
0xbd: {  	v3 =	vld [tilespmem:s0+$0x8020];
	v9 =	vmul.f32 v54, v1;
	[tilespmem:s0+$0x8140] =	vst v5  }
0xbe: {  	[tilespmem:s0+$0x8190] =	vst v2;
	v2 =	vmul.f32 v58, v27  }
0xbf: {  	[tilespmem:s0+$0x8160] =	vst v9;
	v1 =	vmul.f32 v53, v1  }
0xc0: {  	[tilespmem:s0+$0x81B0] =	vst v2;
	v2 =	vmul.f32 v59, v27  }
0xc1: {  	s31 =	sor.u32 $0x40, s2;
	s29 =	sor.u32 $0x50, s2;
	[tilespmem:s0+$0x8150] =	vst v1  }
0xc2: {  	s30 =	sor.u32 $0x60, s2;
	s28 =	sor.u32 $0x70, s2;
	s14 =	simm.s32 $0x1;
	[tilespmem:s0+$0x81C0] =	vst v2;
	v2 =	vmul.f32 v3, v35  }
.LBB2_3:
0xc3: {  	s15 =	sshll.u32 s14, $0x4  }
0xc4: {  	p0 =	sne.s32 s14, $0x3;
	[tilespmem:s0+$0x8020] =	vst v2;
	s0 =	smov.u32 s14;
	s14 =	sadd.s32 $0x1, s14  }
0xc5: {  	s15 =	sand.u32 $0x3FFFFFF0, s15  }
0xc6: {  	v1 =	vld.idx.msk [tilespmem:v0+s15+$0x0 ss:$0x1], $0xffff  }
0xc7: {  	s0 =	sshll.u32 s0, $0xB  }
0xc8: {  	s0 =	sand.u32 $0x3FFFF800, s0  }
0xc9: {  	v8 =	vld [tilespmem:s0+$0x7AC0]  }
0xca: {  	v9 =	vld [tilespmem:s0+$0x7AD0]  }
0xcb: {  	v10 =	vld [tilespmem:s0+$0x7AB0]  }
0xcc: {  	v2 =	vbroadcast v1, $0x0;
	v7 =	vbroadcast v1, $0x4;
	v3 =	vld [tilespmem:s0+$0x7A20]  }
0xcd: {  	v5 =	vld [tilespmem:s0+$0x7A30]  }
0xce: {  	v6 =	vld [tilespmem:s0+$0x7F70]  }
0xcf: {  	v11 =	vld [tilespmem:s0+$0x7A60]  }
0xd0: {  	v12 =	vld [tilespmem:s0+$0x7A70]  }
0xd1: {  	v4 =	vbroadcast v1, $0xA;
	v3 =	vmul.f32 v3, v2;
	v13 =	vld [tilespmem:s0+$0x7A80]  }
0xd2: {  	v5 =	vmul.f32 v5, v2;
	v14 =	vld [tilespmem:s0+$0x7A90]  }
0xd3: {  	[tilespmem:s0+$0x7A20] =	vst v3;
	v15 =	vld [tilespmem:s0+$0x7AA0];
	v3 =	vmul.f32 v6, v4  }
0xd4: {  	[tilespmem:s0+$0x7A30] =	vst v5;
	v6 =	vmul.f32 v11, v2;
	v11 =	vbroadcast v1, $0x1;
	v5 =	vld [tilespmem:s0+$0x7F80]  }
0xd5: {  	v12 =	vmul.f32 v12, v2;
	[tilespmem:s0+$0x7F70] =	vst v3;
	v3 =	vld [tilespmem:s0+$0x81D0]  }
0xd6: {  	[tilespmem:s0+$0x7A60] =	vst v6;
	v13 =	vmul.f32 v13, v11;
	v6 =	vld [tilespmem:s0+$0x7F90]  }
0xd7: {  	[tilespmem:s0+$0x7A70] =	vst v12;
	v12 =	vmul.f32 v14, v11;
	v14 =	vld [tilespmem:s0+$0x7AE0]  }
0xd8: {  	[tilespmem:s0+$0x7A80] =	vst v13;
	v13 =	vmul.f32 v15, v11;
	v15 =	vld [tilespmem:s0+$0x7AF0]  }
0xd9: {  	v10 =	vmul.f32 v10, v11;
	[tilespmem:s0+$0x7A90] =	vst v12;
	v12 =	vld [tilespmem:s0+$0x7B00]  }
0xda: {  	v8 =	vmul.f32 v8, v11;
	[tilespmem:s0+$0x7AA0] =	vst v13;
	v13 =	vld [tilespmem:s0+$0x7B10]  }
0xdb: {  	v9 =	vmul.f32 v9, v11;
	[tilespmem:s0+$0x7AB0] =	vst v10;
	v10 =	vld [tilespmem:s0+$0x7B20]  }
0xdc: {  	[tilespmem:s0+$0x7AC0] =	vst v8;
	v8 =	vmul.f32 v14, v11;
	v14 =	vbroadcast v1, $0x2;
	v16 =	vld [tilespmem:s0+$0x7B30]  }
0xdd: {  	[tilespmem:s0+$0x7AD0] =	vst v9;
	v9 =	vmul.f32 v15, v11;
	v11 =	vld [tilespmem:s0+$0x7B40]  }
0xde: {  	[tilespmem:s0+$0x7AE0] =	vst v8;
	v8 =	vmul.f32 v12, v14;
	v12 =	vld [tilespmem:s0+$0x7B50]  }
0xdf: {  	[tilespmem:s0+$0x7AF0] =	vst v9;
	v9 =	vmul.f32 v13, v14;
	v13 =	vld [tilespmem:s0+$0x7B60]  }
0xe0: {  	[tilespmem:s0+$0x7B00] =	vst v8;
	v8 =	vmul.f32 v10, v14;
	v10 =	vld [tilespmem:s0+$0x7B70]  }
0xe1: {  	[tilespmem:s0+$0x7B10] =	vst v9;
	v9 =	vmul.f32 v16, v14;
	v15 =	vld [tilespmem:s0+$0x7B80]  }
0xe2: {  	[tilespmem:s0+$0x7B20] =	vst v8;
	v8 =	vmul.f32 v11, v14;
	v11 =	vld [tilespmem:s0+$0x7B90]  }
0xe3: {  	[tilespmem:s0+$0x7B30] =	vst v9;
	v9 =	vmul.f32 v12, v14;
	v12 =	vld [tilespmem:s0+$0x7BA0]  }
0xe4: {  	[tilespmem:s0+$0x7B40] =	vst v8;
	v8 =	vmul.f32 v13, v14;
	v13 =	vbroadcast v1, $0x3;
	v16 =	vld [tilespmem:s0+$0x7BB0]  }
0xe5: {  	[tilespmem:s0+$0x7B50] =	vst v9;
	v9 =	vmul.f32 v10, v14;
	v10 =	vld [tilespmem:s0+$0x7BC0]  }
0xe6: {  	[tilespmem:s0+$0x7B60] =	vst v8;
	v8 =	vmul.f32 v15, v13;
	v14 =	vld [tilespmem:s0+$0x7BD0]  }
0xe7: {  	[tilespmem:s0+$0x7B70] =	vst v9;
	v9 =	vmul.f32 v11, v13;
	v11 =	vld [tilespmem:s0+$0x7BE0]  }
0xe8: {  	[tilespmem:s0+$0x7B80] =	vst v8;
	v8 =	vmul.f32 v12, v13;
	v12 =	vld [tilespmem:s0+$0x7BF0]  }
0xe9: {  	[tilespmem:s0+$0x7B90] =	vst v9;
	v9 =	vmul.f32 v16, v13;
	v15 =	vld [tilespmem:s0+$0x7C00]  }
0xea: {  	[tilespmem:s0+$0x7BA0] =	vst v8;
	v8 =	vmul.f32 v10, v13;
	v10 =	vld [tilespmem:s0+$0x7C10]  }
0xeb: {  	[tilespmem:s0+$0x7BB0] =	vst v9;
	v9 =	vmul.f32 v14, v13;
	v14 =	vld [tilespmem:s0+$0x7C20]  }
0xec: {  	[tilespmem:s0+$0x7BC0] =	vst v8;
	v8 =	vmul.f32 v11, v13;
	v11 =	vld [tilespmem:s0+$0x7C30]  }
0xed: {  	[tilespmem:s0+$0x7BD0] =	vst v9;
	v9 =	vmul.f32 v12, v13;
	v12 =	vld [tilespmem:s0+$0x7C40]  }
0xee: {  	[tilespmem:s0+$0x7BE0] =	vst v8;
	v8 =	vmul.f32 v15, v7;
	v13 =	vld [tilespmem:s0+$0x7C50]  }
0xef: {  	[tilespmem:s0+$0x7BF0] =	vst v9;
	v9 =	vmul.f32 v10, v7;
	v10 =	vld [tilespmem:s0+$0x7C60]  }
0xf0: {  	[tilespmem:s0+$0x7C00] =	vst v8;
	v8 =	vmul.f32 v14, v7;
	v14 =	vld [tilespmem:s0+$0x7C70]  }
0xf1: {  	[tilespmem:s0+$0x7C10] =	vst v9;
	v9 =	vmul.f32 v11, v7;
	v11 =	vld [tilespmem:s0+$0x7C80]  }
0xf2: {  	[tilespmem:s0+$0x7C20] =	vst v8;
	v8 =	vmul.f32 v12, v7;
	v12 =	vld [tilespmem:s0+$0x7C90]  }
0xf3: {  	[tilespmem:s0+$0x7C30] =	vst v9;
	v9 =	vmul.f32 v13, v7;
	v13 =	vld [tilespmem:s0+$0x7CA0]  }
0xf4: {  	[tilespmem:s0+$0x7C40] =	vst v8;
	v8 =	vmul.f32 v10, v7;
	v10 =	vbroadcast v1, $0x5;
	v15 =	vld [tilespmem:s0+$0x7CB0]  }
0xf5: {  	[tilespmem:s0+$0x7C50] =	vst v9;
	v7 =	vmul.f32 v14, v7;
	v9 =	vld [tilespmem:s0+$0x7CC0]  }
0xf6: {  	[tilespmem:s0+$0x7C60] =	vst v8;
	v8 =	vmul.f32 v11, v10;
	v11 =	vld [tilespmem:s0+$0x7CD0]  }
0xf7: {  	[tilespmem:s0+$0x7C70] =	vst v7;
	v7 =	vmul.f32 v12, v10;
	v12 =	vld [tilespmem:s0+$0x7CE0]  }
0xf8: {  	[tilespmem:s0+$0x7C80] =	vst v8;
	v8 =	vmul.f32 v13, v10;
	v13 =	vld [tilespmem:s0+$0x7CF0]  }
0xf9: {  	[tilespmem:s0+$0x7C90] =	vst v7;
	v7 =	vmul.f32 v15, v10;
	v14 =	vld [tilespmem:s0+$0x7D00]  }
0xfa: {  	[tilespmem:s0+$0x7CA0] =	vst v8;
	v8 =	vmul.f32 v9, v10;
	v9 =	vld [tilespmem:s0+$0x7D10]  }
0xfb: {  	[tilespmem:s0+$0x7CB0] =	vst v7;
	v7 =	vmul.f32 v11, v10;
	v11 =	vld [tilespmem:s0+$0x7D20]  }
0xfc: {  	[tilespmem:s0+$0x7CC0] =	vst v8;
	v8 =	vmul.f32 v12, v10;
	v12 =	vbroadcast v1, $0x6;
	v15 =	vld [tilespmem:s0+$0x7D30]  }
0xfd: {  	[tilespmem:s0+$0x7CD0] =	vst v7;
	v7 =	vmul.f32 v13, v10;
	v10 =	vld [tilespmem:s0+$0x7D40]  }
0xfe: {  	[tilespmem:s0+$0x7CE0] =	vst v8;
	v8 =	vmul.f32 v14, v12;
	v13 =	vld [tilespmem:s0+$0x7D50]  }
0xff: {  	[tilespmem:s0+$0x7CF0] =	vst v7;
	v7 =	vmul.f32 v9, v12;
	v9 =	vld [tilespmem:s0+$0x7D60]  }
0x100: {  	[tilespmem:s0+$0x7D00] =	vst v8;
	v8 =	vmul.f32 v11, v12;
	v11 =	vld [tilespmem:s0+$0x7D70]  }
0x101: {  	[tilespmem:s0+$0x7D10] =	vst v7;
	v7 =	vmul.f32 v15, v12;
	v14 =	vld [tilespmem:s0+$0x7D80]  }
0x102: {  	[tilespmem:s0+$0x7D20] =	vst v8;
	v8 =	vmul.f32 v10, v12;
	v10 =	vld [tilespmem:s0+$0x7D90]  }
0x103: {  	[tilespmem:s0+$0x7D30] =	vst v7;
	v7 =	vmul.f32 v13, v12;
	v13 =	vld [tilespmem:s0+$0x7DA0]  }
0x104: {  	[tilespmem:s0+$0x7D40] =	vst v8;
	v8 =	vmul.f32 v9, v12;
	v9 =	vbroadcast v1, $0x7;
	v15 =	vld [tilespmem:s0+$0x7DB0]  }
0x105: {  	[tilespmem:s0+$0x7D50] =	vst v7;
	v7 =	vmul.f32 v11, v12;
	v11 =	vld [tilespmem:s0+$0x7DC0]  }
0x106: {  	[tilespmem:s0+$0x7D60] =	vst v8;
	v8 =	vmul.f32 v14, v9;
	v12 =	vld [tilespmem:s0+$0x7DD0]  }
0x107: {  	[tilespmem:s0+$0x7D70] =	vst v7;
	v7 =	vmul.f32 v10, v9;
	v10 =	vld [tilespmem:s0+$0x7DE0]  }
0x108: {  	[tilespmem:s0+$0x7D80] =	vst v8;
	v8 =	vmul.f32 v13, v9;
	v13 =	vld [tilespmem:s0+$0x7DF0]  }
0x109: {  	[tilespmem:s0+$0x7D90] =	vst v7;
	v7 =	vmul.f32 v15, v9;
	v14 =	vld [tilespmem:s0+$0x7E00]  }
0x10a: {  	[tilespmem:s0+$0x7DA0] =	vst v8;
	v8 =	vmul.f32 v11, v9;
	v11 =	vld [tilespmem:s0+$0x7E10]  }
0x10b: {  	[tilespmem:s0+$0x7DB0] =	vst v7;
	v7 =	vmul.f32 v12, v9;
	v12 =	vld [tilespmem:s0+$0x7E20]  }
0x10c: {  	[tilespmem:s0+$0x7DC0] =	vst v8;
	v8 =	vmul.f32 v10, v9;
	v10 =	vbroadcast v1, $0x8;
	v15 =	vld [tilespmem:s0+$0x7E30]  }
0x10d: {  	[tilespmem:s0+$0x7DD0] =	vst v7;
	v7 =	vmul.f32 v13, v9;
	v9 =	vld [tilespmem:s0+$0x7E40]  }
0x10e: {  	[tilespmem:s0+$0x7DE0] =	vst v8;
	v8 =	vmul.f32 v14, v10;
	v13 =	vld [tilespmem:s0+$0x7E50]  }
0x10f: {  	[tilespmem:s0+$0x7DF0] =	vst v7;
	v7 =	vmul.f32 v11, v10;
	v11 =	vld [tilespmem:s0+$0x7E60]  }
0x110: {  	[tilespmem:s0+$0x7E00] =	vst v8;
	v8 =	vmul.f32 v12, v10;
	v12 =	vld [tilespmem:s0+$0x7E70]  }
0x111: {  	[tilespmem:s0+$0x7E10] =	vst v7;
	v7 =	vmul.f32 v15, v10;
	v14 =	vld [tilespmem:s0+$0x7E80]  }
0x112: {  	[tilespmem:s0+$0x7E20] =	vst v8;
	v8 =	vmul.f32 v9, v10;
	v9 =	vld [tilespmem:s0+$0x7E90]  }
0x113: {  	[tilespmem:s0+$0x7E30] =	vst v7;
	v7 =	vmul.f32 v13, v10;
	v13 =	vld [tilespmem:s0+$0x7EA0]  }
0x114: {  	[tilespmem:s0+$0x7E40] =	vst v8;
	v8 =	vmul.f32 v11, v10;
	v11 =	vbroadcast v1, $0x9;
	v15 =	vld [tilespmem:s0+$0x7EB0]  }
0x115: {  	[tilespmem:s0+$0x7E50] =	vst v7;
	v7 =	vmul.f32 v12, v10;
	v10 =	vld [tilespmem:s0+$0x7EC0]  }
0x116: {  	[tilespmem:s0+$0x7E60] =	vst v8;
	v8 =	vmul.f32 v14, v11;
	v12 =	vld [tilespmem:s0+$0x7ED0]  }
0x117: {  	[tilespmem:s0+$0x7E70] =	vst v7;
	v7 =	vmul.f32 v9, v11;
	v9 =	vld [tilespmem:s0+$0x7EE0]  }
0x118: {  	[tilespmem:s0+$0x7E80] =	vst v8;
	v8 =	vmul.f32 v13, v11;
	v13 =	vld [tilespmem:s0+$0x7EF0]  }
0x119: {  	[tilespmem:s0+$0x7E90] =	vst v7;
	v7 =	vmul.f32 v15, v11;
	v14 =	vld [tilespmem:s0+$0x7F00]  }
0x11a: {  	[tilespmem:s0+$0x7EA0] =	vst v8;
	v8 =	vmul.f32 v10, v11;
	v10 =	vld [tilespmem:s0+$0x7F10]  }
0x11b: {  	[tilespmem:s0+$0x7EB0] =	vst v7;
	v7 =	vmul.f32 v12, v11;
	v12 =	vld [tilespmem:s0+$0x7F20]  }
0x11c: {  	[tilespmem:s0+$0x7EC0] =	vst v8;
	v8 =	vmul.f32 v9, v11;
	v9 =	vld [tilespmem:s0+$0x7F30]  }
0x11d: {  	[tilespmem:s0+$0x7ED0] =	vst v7;
	v7 =	vmul.f32 v13, v11;
	v11 =	vld [tilespmem:s0+$0x7F40]  }
0x11e: {  	[tilespmem:s0+$0x7EE0] =	vst v8;
	v8 =	vmul.f32 v14, v4;
	v13 =	vld [tilespmem:s0+$0x7F50]  }
0x11f: {  	[tilespmem:s0+$0x7EF0] =	vst v7;
	v7 =	vmul.f32 v10, v4;
	v10 =	vld [tilespmem:s0+$0x7F60]  }
0x120: {  	v14 =	vld [tilespmem:s0+$0x7A00];
	[tilespmem:s0+$0x7F00] =	vst v8;
	v8 =	vmul.f32 v12, v4  }
0x121: {  	v12 =	vld [tilespmem:s0+$0x7A10];
	[tilespmem:s0+$0x7F10] =	vst v7;
	v7 =	vmul.f32 v9, v4  }
0x122: {  	v9 =	vld [tilespmem:s0+$0x7A40];
	[tilespmem:s0+$0x7F20] =	vst v8;
	v8 =	vmul.f32 v11, v4  }
0x123: {  	v11 =	vld [tilespmem:s0+$0x7A50];
	[tilespmem:s0+$0x7F30] =	vst v7;
	v7 =	vmul.f32 v13, v4  }
0x124: {  	[tilespmem:s0+$0x7F40] =	vst v8;
	v8 =	vmul.f32 v10, v4;
	v10 =	vbroadcast v1, $0xB;
	v13 =	vld [tilespmem:s0+$0x7FA0]  }
0x125: {  	v4 =	vbroadcast v1, $0xF;
	v14 =	vmul.f32 v2, v14;
	[tilespmem:s0+$0x7F50] =	vst v7;
	v7 =	vld [tilespmem:s0+$0x7FB0]  }
0x126: {  	v12 =	vmul.f32 v12, v2;
	[tilespmem:s0+$0x7F60] =	vst v8;
	v5 =	vmul.f32 v5, v10;
	v8 =	vld [tilespmem:s0+$0x7FC0]  }
0x127: {  	v6 =	vmul.f32 v6, v10;
	[tilespmem:s0+$0x7A00] =	vst v14;
	v9 =	vmul.f32 v9, v2;
	v14 =	vld [tilespmem:s0+$0x7FD0]  }
0x128: {  	v3 =	vmul.f32 v3, v4;
	v11 =	vmul.f32 v11, v2;
	[tilespmem:s0+$0x7F80] =	vst v5;
	v2 =	vld [tilespmem:s0+$0x7FE0]  }
0x129: {  	[tilespmem:s0+$0x7F90] =	vst v6;
	v5 =	vmul.f32 v13, v10;
	v6 =	vld [tilespmem:s0+$0x7FF0]  }
0x12a: {  	v7 =	vmul.f32 v7, v10;
	v13 =	vld [tilespmem:s0+$0x8000];
	[tilespmem:s0+$0x81D0] =	vst v3  }
0x12b: {  	[tilespmem:s0+$0x7A10] =	vst v12;
	v3 =	vmul.f32 v8, v10;
	v8 =	vld [tilespmem:s0+$0x8010]  }
0x12c: {  	[tilespmem:s0+$0x7A40] =	vst v9;
	v9 =	vmul.f32 v14, v10;
	v12 =	vld [tilespmem:s0+$0x8020]  }
0x12d: {  	v14 =	vbroadcast v1, $0xC;
	[tilespmem:s0+$0x7FA0] =	vst v5;
	v5 =	vmul.f32 v2, v10;
	v15 =	vld [tilespmem:s0+$0x8030]  }
0x12e: {  	[tilespmem:s0+$0x7FD0] =	vst v9;
	v6 =	vmul.f32 v6, v10;
	v9 =	vld [tilespmem:s0+$0x8040]  }
0x12f: {  	[tilespmem:s0+$0x7FB0] =	vst v7;
	v2 =	vmul.f32 v13, v14;
	v7 =	vld [tilespmem:s0+$0x8050]  }
0x130: {  	[tilespmem:s0+$0x7FC0] =	vst v3;
	v3 =	vmul.f32 v8, v14;
	v8 =	vld [tilespmem:s0+$0x8060]  }
0x131: {  	[tilespmem:s0+$0x8000] =	vst v2;
	v2 =	vmul.f32 v12, v14;
	v10 =	vld [tilespmem:s0+$0x8070]  }
0x132: {  	[tilespmem:s0+$0x8010] =	vst v3;
	v3 =	vld [tilespmem:s0+$0x8080]  }
0x133: {  	[tilespmem:s0+$0x7A50] =	vst v11;
	v9 =	vmul.f32 v9, v14;
	v11 =	vld [tilespmem:s0+$0x8090]  }
0x134: {  	[tilespmem:s0+$0x7FE0] =	vst v5;
	v5 =	vmul.f32 v7, v14;
	v7 =	vld [tilespmem:s0+$0x80A0]  }
0x135: {  	[tilespmem:s0+$0x8040] =	vst v9;
	v8 =	vmul.f32 v8, v14;
	v9 =	vbroadcast v1, $0xD;
	v12 =	vld [tilespmem:s0+$0x80B0]  }
0x136: {  	[tilespmem:s0+$0x8050] =	vst v5;
	v5 =	vmul.f32 v10, v14;
	v10 =	vld [tilespmem:s0+$0x80C0]  }
0x137: {  	[tilespmem:s0+$0x8060] =	vst v8;
	v3 =	vmul.f32 v3, v9;
	v8 =	vld [tilespmem:s0+$0x80D0]  }
0x138: {  	[tilespmem:s0+$0x8070] =	vst v5;
	v5 =	vmul.f32 v11, v9;
	v11 =	vld [tilespmem:s0+$0x80E0]  }
0x139: {  	[tilespmem:s0+$0x8080] =	vst v3;
	v3 =	vmul.f32 v7, v9;
	v7 =	vld [tilespmem:s0+$0x80F0]  }
0x13a: {  	[tilespmem:s0+$0x8090] =	vst v5;
	v5 =	vmul.f32 v12, v9;
	v12 =	vld [tilespmem:s0+$0x8100]  }
0x13b: {  	[tilespmem:s0+$0x80A0] =	vst v3;
	v3 =	vmul.f32 v10, v9;
	v10 =	vld [tilespmem:s0+$0x8110]  }
0x13c: {  	[tilespmem:s0+$0x80B0] =	vst v5;
	v5 =	vmul.f32 v8, v9;
	v8 =	vld [tilespmem:s0+$0x8120]  }
0x13d: {  	v1 =	vbroadcast v1, $0xE;
	[tilespmem:s0+$0x7FF0] =	vst v6;
	v6 =	vmul.f32 v11, v9;
	v11 =	vld [tilespmem:s0+$0x8130]  }
0x13e: {  	[tilespmem:s0+$0x80D0] =	vst v5;
	v5 =	vmul.f32 v7, v9;
	v7 =	vld [tilespmem:s0+$0x8140]  }
0x13f: {  	[tilespmem:s0+$0x80E0] =	vst v6;
	v6 =	vmul.f32 v12, v1;
	v9 =	vld [tilespmem:s0+$0x8150]  }
0x140: {  	[tilespmem:s0+$0x80F0] =	vst v5;
	v5 =	vmul.f32 v10, v1;
	v10 =	vld [tilespmem:s0+$0x8160]  }
0x141: {  	[tilespmem:s0+$0x8100] =	vst v6;
	v6 =	vmul.f32 v8, v1;
	v8 =	vld [tilespmem:s0+$0x8170]  }
0x142: {  	[tilespmem:s0+$0x8110] =	vst v5;
	v5 =	vmul.f32 v11, v1;
	v11 =	vld [tilespmem:s0+$0x8180]  }
0x143: {  	[tilespmem:s0+$0x8120] =	vst v6;
	v6 =	vmul.f32 v7, v1;
	v7 =	vld [tilespmem:s0+$0x8190]  }
0x144: {  	[tilespmem:s0+$0x8130] =	vst v5;
	v5 =	vmul.f32 v9, v1;
	v9 =	vld [tilespmem:s0+$0x81A0]  }
0x145: {  	[tilespmem:s0+$0x8140] =	vst v6;
	v6 =	vmul.f32 v10, v1;
	v10 =	vld [tilespmem:s0+$0x81B0]  }
0x146: {  	[tilespmem:s0+$0x80C0] =	vst v3;
	v1 =	vmul.f32 v8, v1;
	v3 =	vld [tilespmem:s0+$0x81C0]  }
0x147: {  	[tilespmem:s0+$0x8160] =	vst v6;
	v6 =	vmul.f32 v11, v4;
	v8 =	vld [tilespmem:s0+$0x81E0]  }
0x148: {  	[tilespmem:s0+$0x8170] =	vst v1;
	v1 =	vmul.f32 v7, v4;
	v7 =	vld [tilespmem:s0+$0x81F0]  }
0x149: {  	[tilespmem:s0+$0x8180] =	vst v6;
	v6 =	vmul.f32 v9, v4  }
0x14a: {  	[tilespmem:s0+$0x8190] =	vst v1;
	v1 =	vmul.f32 v10, v4  }
0x14b: {  	v9 =	vmul.f32 v15, v14;
	[tilespmem:s0+$0x81A0] =	vst v6  }
0x14c: {  	[tilespmem:s0+$0x81B0] =	vst v1;
	v1 =	vmul.f32 v3, v4  }
.Ltmp0:
0x14d: {  	[tilespmem:s0+$0x8030] =	vst v9;
	v3 =	vmul.f32 v7, v4;
	(pc) =	sbr.rel @p0 .LBB2_3-.Ltmp0, $4  }
0x14e: {  	[tilespmem:s0+$0x81C0] =	vst v1  }
0x14f: {  	v1 =	vmul.f32 v8, v4;
	[tilespmem:s0+$0x81F0] =	vst v3  }
0x150: {  	[tilespmem:s0+$0x8150] =	vst v5  }
0x151: {  	[tilespmem:s0+$0x81E0] =	vst v1  }
0x152: {  	[tilespmem:s0+$0x8020] =	vst v2  }
0x153: {  	v0 =	vld [tilespmem:s2+$0x2800];
	_ =	sdelay $0x4  }
0x154: {  	[tilespmem:$0x7900] =	vst v0  }
0x155: {  	v0 =	vld [tilespmem:s2+$0x2810];
	_ =	sdelay $0x4  }
0x156: {  	[tilespmem:$0x7910] =	vst v0  }
0x157: {  	v0 =	vld [tilespmem:s2+$0x2820];
	_ =	sdelay $0x4  }
0x158: {  	[tilespmem:$0x7920] =	vst v0  }
0x159: {  	v0 =	vld [tilespmem:s2+$0x2830];
	_ =	sdelay $0x4  }
0x15a: {  	[tilespmem:$0x7930] =	vst v0  }
0x15b: {  	[spmem:s3] =	stream.indirect.scatter.add.f32 [tilespmem:s18], [sflag:$0x3], $0x80, s22, s16, $0xb8;
	[tilespmem:$0x1FA00] =	vst v63  }
0x15c: {  	_ =	swait.ge [sflag:s13], $0x2000  }
0x15d: {  	[sflag:s13] =	ssyncset.done $0x0  }
0x15e: {  	[sflag:s13] =	ssyncadd.s32 $0xFFFFE000  }
0x15f: {  	v0 =	vld [tilespmem:s2+$0x80];
	_ =	sdelay $0x4  }
0x160: {  	[tilespmem:$0x7800] =	vst v0  }
0x161: {  	v0 =	vld [tilespmem:s2+$0x90];
	_ =	sdelay $0x4  }
0x162: {  	[tilespmem:$0x7810] =	vst v0  }
0x163: {  	v0 =	vld [tilespmem:s2+$0xA0];
	_ =	sdelay $0x4  }
0x164: {  	[tilespmem:$0x7820] =	vst v0  }
0x165: {  	v0 =	vld [tilespmem:s2+$0xB0];
	_ =	sdelay $0x3  }
0x166: {  	s2 =	sadd.s32 $0x5000, s2  }
0x167: {  	[tilespmem:$0x7830] =	vst v0;
	v0 =	vmov s2  }
0x168: {  	[tilespmem:s18], [sflag:$0x1] =	stream.indirect.gather [hbm4b:s1+s16], $0x80, s17, s16, $0xb8;
	[tilespmem:$0x1FA00] =	vst v63  }
0x169: {  	_ =	swait.ge [sflag:s23], $0x2000  }
0x16a: {  	s14 =	simm.s32 $0x0;
	[sflag:s23] =	ssyncset.done $0x0  }
0x16b: {  	s0 =	sand.u32 $0x3FFFFFF0, s14;
	[sflag:s23] =	ssyncadd.s32 $0xFFFFE000  }
0x16c: {  	s15 =	simm.s32 $0x0;
	v1 =	vld.idx.msk [tilespmem:v0+s0+$0x40 ss:$0x1], $0xffff  }
0x16d: {  	s0 =	sand.u32 $0x3FFFF800, s15  }
0x16e: {  	v3 =	vld [tilespmem:s0+$0x9A20]  }
0x16f: {  	v4 =	vld [tilespmem:s0+$0x9A30]  }
0x170: {  	v10 =	vld [tilespmem:s0+$0x9A60]  }
0x171: {  	v11 =	vld [tilespmem:s0+$0x9A70];
	v2 =	vbroadcast v1, $0x0  }
0x172: {  	v12 =	vld [tilespmem:s0+$0x9A80]  }
0x173: {  	v13 =	vld [tilespmem:s0+$0x9A90];
	v3 =	vmul.f32 v3, v2  }
0x174: {  	v14 =	vld [tilespmem:s0+$0x9AA0];
	v4 =	vmul.f32 v4, v2  }
0x175: {  	v9 =	vld [tilespmem:s0+$0x9AB0];
	v23 =	vbroadcast v1, $0x1;
	v22 =	vmul.f32 v10, v2;
	[tilespmem:s0+$0x9A20] =	vst v3  }
0x176: {  	v7 =	vld [tilespmem:s0+$0x9AC0];
	v11 =	vmul.f32 v11, v2;
	[tilespmem:s0+$0x9A30] =	vst v4  }
0x177: {  	v8 =	vld [tilespmem:s0+$0x9AD0];
	v12 =	vmul.f32 v12, v23;
	[tilespmem:s0+$0x9A60] =	vst v22  }
0x178: {  	v25 =	vld [tilespmem:s0+$0x9AF0];
	v13 =	vmul.f32 v13, v23;
	[tilespmem:s0+$0x9A70] =	vst v11  }
0x179: {  	v26 =	vld [tilespmem:s0+$0x9B00];
	v14 =	vmul.f32 v14, v23;
	[tilespmem:s0+$0x9A80] =	vst v12  }
0x17a: {  	v27 =	vld [tilespmem:s0+$0x9B10];
	v9 =	vmul.f32 v9, v23;
	[tilespmem:s0+$0x9A90] =	vst v13  }
0x17b: {  	v6 =	vld [tilespmem:s0+$0x9F70];
	v7 =	vmul.f32 v7, v23;
	[tilespmem:s0+$0x9AA0] =	vst v14  }
0x17c: {  	v24 =	vld [tilespmem:s0+$0x9AE0];
	v15 =	vbroadcast v1, $0x2;
	v8 =	vmul.f32 v8, v23;
	[tilespmem:s0+$0x9AB0] =	vst v9  }
0x17d: {  	v28 =	vld [tilespmem:s0+$0x9B20];
	v10 =	vmul.f32 v25, v23;
	[tilespmem:s0+$0x9AC0] =	vst v7  }
0x17e: {  	v29 =	vld [tilespmem:s0+$0x9B30];
	v5 =	vbroadcast v1, $0xA;
	v32 =	vmul.f32 v26, v15;
	[tilespmem:s0+$0x9AD0] =	vst v8  }
0x17f: {  	v30 =	vld [tilespmem:s0+$0x9B40];
	v34 =	vmul.f32 v27, v15;
	[tilespmem:s0+$0x9AF0] =	vst v10  }
0x180: {  	v33 =	vld [tilespmem:s0+$0x9B60];
	v3 =	vmul.f32 v6, v5;
	[tilespmem:s0+$0x9B00] =	vst v32  }
0x181: {  	v35 =	vld [tilespmem:s0+$0x9B70];
	v11 =	vmul.f32 v24, v23;
	[tilespmem:s0+$0x9B10] =	vst v34  }
0x182: {  	v36 =	vld [tilespmem:s0+$0x9B80];
	v9 =	vmul.f32 v28, v15;
	[tilespmem:s0+$0x9F70] =	vst v3  }
0x183: {  	v31 =	vld [tilespmem:s0+$0x9B50];
	v7 =	vmul.f32 v29, v15;
	[tilespmem:s0+$0x9AE0] =	vst v11  }
0x184: {  	v37 =	vld [tilespmem:s0+$0x9B90];
	v8 =	vmul.f32 v30, v15;
	[tilespmem:s0+$0x9B20] =	vst v9  }
0x185: {  	v38 =	vld [tilespmem:s0+$0x9BA0];
	v41 =	vbroadcast v1, $0x3;
	v10 =	vmul.f32 v33, v15;
	[tilespmem:s0+$0x9B30] =	vst v7  }
0x186: {  	v39 =	vld [tilespmem:s0+$0x9BB0];
	v12 =	vmul.f32 v35, v15;
	[tilespmem:s0+$0x9B40] =	vst v8  }
0x187: {  	v42 =	vld [tilespmem:s0+$0x9BD0];
	v13 =	vmul.f32 v36, v41;
	[tilespmem:s0+$0x9B60] =	vst v10  }
0x188: {  	v43 =	vld [tilespmem:s0+$0x9BE0];
	v11 =	vmul.f32 v31, v15;
	[tilespmem:s0+$0x9B70] =	vst v12  }
0x189: {  	v44 =	vld [tilespmem:s0+$0x9BF0];
	v9 =	vmul.f32 v37, v41;
	[tilespmem:s0+$0x9B80] =	vst v13  }
0x18a: {  	v40 =	vld [tilespmem:s0+$0x9BC0];
	v7 =	vmul.f32 v38, v41;
	[tilespmem:s0+$0x9B50] =	vst v11  }
0x18b: {  	v45 =	vld [tilespmem:s0+$0x9C00];
	v8 =	vmul.f32 v39, v41;
	[tilespmem:s0+$0x9B90] =	vst v9  }
0x18c: {  	v46 =	vld [tilespmem:s0+$0x9C10];
	v10 =	vmul.f32 v42, v41;
	[tilespmem:s0+$0x9BA0] =	vst v7  }
0x18d: {  	v47 =	vld [tilespmem:s0+$0x9C20];
	v12 =	vmul.f32 v43, v41;
	[tilespmem:s0+$0x9BB0] =	vst v8  }
0x18e: {  	v49 =	vld [tilespmem:s0+$0x9C40];
	v50 =	vbroadcast v1, $0x4;
	v13 =	vmul.f32 v44, v41;
	[tilespmem:s0+$0x9BD0] =	vst v10  }
0x18f: {  	v51 =	vld [tilespmem:s0+$0x9C50];
	v11 =	vmul.f32 v40, v41;
	[tilespmem:s0+$0x9BE0] =	vst v12  }
0x190: {  	v52 =	vld [tilespmem:s0+$0x9C60];
	v9 =	vmul.f32 v45, v50;
	[tilespmem:s0+$0x9BF0] =	vst v13  }
0x191: {  	v48 =	vld [tilespmem:s0+$0x9C30];
	v7 =	vmul.f32 v46, v50;
	[tilespmem:s0+$0x9BC0] =	vst v11  }
0x192: {  	v53 =	vld [tilespmem:s0+$0x9C70];
	v8 =	vmul.f32 v47, v50;
	[tilespmem:s0+$0x9C00] =	vst v9  }
0x193: {  	v54 =	vld [tilespmem:s0+$0x9C80];
	v10 =	vmul.f32 v49, v50;
	[tilespmem:s0+$0x9C10] =	vst v7  }
0x194: {  	v55 =	vld [tilespmem:s0+$0x9C90];
	v12 =	vmul.f32 v51, v50;
	[tilespmem:s0+$0x9C20] =	vst v8  }
0x195: {  	v57 =	vld [tilespmem:s0+$0x9CB0];
	v13 =	vmul.f32 v52, v50;
	[tilespmem:s0+$0x9C40] =	vst v10  }
0x196: {  	v58 =	vld [tilespmem:s0+$0x9CC0];
	v59 =	vbroadcast v1, $0x5;
	v11 =	vmul.f32 v48, v50;
	[tilespmem:s0+$0x9C50] =	vst v12  }
0x197: {  	v60 =	vld [tilespmem:s0+$0x9CD0];
	v9 =	vmul.f32 v53, v50;
	[tilespmem:s0+$0x9C60] =	vst v13  }
0x198: {  	v56 =	vld [tilespmem:s0+$0x9CA0];
	v7 =	vmul.f32 v54, v59;
	[tilespmem:s0+$0x9C30] =	vst v11  }
0x199: {  	v61 =	vld [tilespmem:s0+$0x9CE0];
	v8 =	vmul.f32 v55, v59;
	[tilespmem:s0+$0x9C70] =	vst v9  }
0x19a: {  	v62 =	vld [tilespmem:s0+$0x9CF0];
	v10 =	vmul.f32 v57, v59;
	[tilespmem:s0+$0x9C80] =	vst v7  }
0x19b: {  	v63 =	vld [tilespmem:s0+$0x9D00];
	v12 =	vmul.f32 v58, v59;
	[tilespmem:s0+$0x9C90] =	vst v8  }
0x19c: {  	v19 =	vld [tilespmem:s0+$0x9D20];
	v13 =	vmul.f32 v60, v59;
	[tilespmem:s0+$0x9CB0] =	vst v10  }
0x19d: {  	v20 =	vld [tilespmem:s0+$0x9D30];
	v11 =	vmul.f32 v56, v59;
	[tilespmem:s0+$0x9CC0] =	vst v12  }
0x19e: {  	v21 =	vld [tilespmem:s0+$0x9D40];
	v22 =	vbroadcast v1, $0x6;
	v9 =	vmul.f32 v61, v59;
	[tilespmem:s0+$0x9CD0] =	vst v13  }
0x19f: {  	v18 =	vld [tilespmem:s0+$0x9D10];
	v7 =	vmul.f32 v62, v59;
	[tilespmem:s0+$0x9CA0] =	vst v11  }
0x1a0: {  	v23 =	vld [tilespmem:s0+$0x9D50];
	v8 =	vmul.f32 v63, v22;
	[tilespmem:s0+$0x9CE0] =	vst v9  }
0x1a1: {  	v24 =	vld [tilespmem:s0+$0x9D60];
	v10 =	vmul.f32 v19, v22;
	[tilespmem:s0+$0x9CF0] =	vst v7  }
0x1a2: {  	v25 =	vld [tilespmem:s0+$0x9D70];
	v12 =	vmul.f32 v20, v22;
	[tilespmem:s0+$0x9D00] =	vst v8  }
0x1a3: {  	v27 =	vld [tilespmem:s0+$0x9D90];
	v13 =	vmul.f32 v21, v22;
	[tilespmem:s0+$0x9D20] =	vst v10  }
0x1a4: {  	v28 =	vld [tilespmem:s0+$0x9DA0];
	v11 =	vmul.f32 v18, v22;
	[tilespmem:s0+$0x9D30] =	vst v12  }
0x1a5: {  	v29 =	vld [tilespmem:s0+$0x9DB0];
	v9 =	vmul.f32 v23, v22;
	[tilespmem:s0+$0x9D40] =	vst v13  }
0x1a6: {  	v31 =	vbroadcast v1, $0x7;
	v53 =	vld [tilespmem:s0+$0x9F00];
	v7 =	vmul.f32 v24, v22;
	[tilespmem:s0+$0x9D10] =	vst v11  }
0x1a7: {  	v57 =	vld [tilespmem:s0+$0x9F40];
	v8 =	vmul.f32 v25, v22;
	[tilespmem:s0+$0x9D50] =	vst v9  }
0x1a8: {  	v58 =	vld [tilespmem:s0+$0x9F50];
	v10 =	vmul.f32 v27, v31;
	[tilespmem:s0+$0x9D60] =	vst v7  }
0x1a9: {  	v26 =	vld [tilespmem:s0+$0x9D80];
	v12 =	vmul.f32 v28, v31;
	[tilespmem:s0+$0x9D70] =	vst v8  }
0x1aa: {  	v30 =	vld [tilespmem:s0+$0x9DC0];
	v13 =	vmul.f32 v29, v31;
	[tilespmem:s0+$0x9D90] =	vst v10  }
0x1ab: {  	v32 =	vld [tilespmem:s0+$0x9DD0];
	v59 =	vmul.f32 v53, v5;
	[tilespmem:s0+$0x9DA0] =	vst v12  }
0x1ac: {  	v33 =	vld [tilespmem:s0+$0x9DE0];
	v18 =	vmul.f32 v57, v5;
	[tilespmem:s0+$0x9DB0] =	vst v13  }
0x1ad: {  	v35 =	vld [tilespmem:s0+$0x9E00];
	v20 =	vmul.f32 v58, v5;
	[tilespmem:s0+$0x9F00] =	vst v59  }
0x1ae: {  	v36 =	vld [tilespmem:s0+$0x9E10];
	v11 =	vmul.f32 v26, v31;
	[tilespmem:s0+$0x9F40] =	vst v18  }
0x1af: {  	v37 =	vld [tilespmem:s0+$0x9E20];
	v9 =	vmul.f32 v30, v31;
	[tilespmem:s0+$0x9F50] =	vst v20  }
0x1b0: {  	v4 =	vld [tilespmem:s0+$0x9F80];
	v40 =	vbroadcast v1, $0x8;
	v7 =	vmul.f32 v32, v31;
	[tilespmem:s0+$0x9D80] =	vst v11  }
0x1b1: {  	v6 =	vld [tilespmem:s0+$0x9F90];
	v8 =	vmul.f32 v33, v31;
	[tilespmem:s0+$0x9DC0] =	vst v9  }
0x1b2: {  	v3 =	vld [tilespmem:s0+$0xA1D0];
	v10 =	vmul.f32 v35, v40;
	[tilespmem:s0+$0x9DD0] =	vst v7  }
0x1b3: {  	v61 =	vld [tilespmem:s0+$0x9A00];
	v23 =	vbroadcast v1, $0xB;
	v12 =	vmul.f32 v36, v40;
	[tilespmem:s0+$0x9DE0] =	vst v8  }
0x1b4: {  	v34 =	vld [tilespmem:s0+$0x9DF0];
	v13 =	vmul.f32 v37, v40;
	[tilespmem:s0+$0x9E00] =	vst v10  }
0x1b5: {  	v38 =	vld [tilespmem:s0+$0x9E30];
	v27 =	vbroadcast v1, $0xF;
	v4 =	vmul.f32 v4, v23;
	[tilespmem:s0+$0x9E10] =	vst v12  }
0x1b6: {  	v39 =	vld [tilespmem:s0+$0x9E40];
	v6 =	vmul.f32 v6, v23;
	[tilespmem:s0+$0x9E20] =	vst v13  }
0x1b7: {  	v41 =	vld [tilespmem:s0+$0x9E50];
	v3 =	vmul.f32 v3, v27;
	[tilespmem:s0+$0x9F80] =	vst v4  }
0x1b8: {  	v43 =	vld [tilespmem:s0+$0x9E70];
	v24 =	vmul.f32 v2, v61;
	[tilespmem:s0+$0x9F90] =	vst v6  }
0x1b9: {  	v44 =	vld [tilespmem:s0+$0x9E80];
	v11 =	vmul.f32 v34, v31;
	[tilespmem:s0+$0xA1D0] =	vst v3  }
0x1ba: {  	v45 =	vld [tilespmem:s0+$0x9E90];
	v9 =	vmul.f32 v38, v40;
	[tilespmem:s0+$0x9A00] =	vst v24  }
0x1bb: {  	v63 =	vld [tilespmem:s0+$0x9A40];
	v7 =	vmul.f32 v39, v40;
	[tilespmem:s0+$0x9DF0] =	vst v11  }
0x1bc: {  	v49 =	vbroadcast v1, $0x9;
	v29 =	vld [tilespmem:s0+$0x9FF0];
	v8 =	vmul.f32 v41, v40;
	[tilespmem:s0+$0x9E30] =	vst v9  }
0x1bd: {  	v42 =	vld [tilespmem:s0+$0x9E60];
	v10 =	vmul.f32 v43, v40;
	[tilespmem:s0+$0x9E40] =	vst v7  }
0x1be: {  	v46 =	vld [tilespmem:s0+$0x9EA0];
	v12 =	vmul.f32 v44, v49;
	[tilespmem:s0+$0x9E50] =	vst v8  }
0x1bf: {  	v47 =	vld [tilespmem:s0+$0x9EB0];
	v13 =	vmul.f32 v45, v49;
	[tilespmem:s0+$0x9E70] =	vst v10  }
0x1c0: {  	v48 =	vld [tilespmem:s0+$0x9EC0];
	v3 =	vmul.f32 v63, v2;
	[tilespmem:s0+$0x9E80] =	vst v12  }
0x1c1: {  	v51 =	vld [tilespmem:s0+$0x9EE0];
	v6 =	vmul.f32 v29, v23;
	[tilespmem:s0+$0x9E90] =	vst v13  }
0x1c2: {  	v52 =	vld [tilespmem:s0+$0x9EF0];
	v11 =	vmul.f32 v42, v40;
	[tilespmem:s0+$0x9A40] =	vst v3  }
0x1c3: {  	v28 =	vld [tilespmem:s0+$0x9FE0];
	v9 =	vmul.f32 v46, v49;
	[tilespmem:s0+$0x9FF0] =	vst v6  }
0x1c4: {  	v26 =	vld [tilespmem:s0+$0x9FD0];
	v7 =	vmul.f32 v47, v49;
	[tilespmem:s0+$0x9E60] =	vst v11  }
0x1c5: {  	v30 =	vld [tilespmem:s0+$0xA000];
	v8 =	vmul.f32 v48, v49;
	[tilespmem:s0+$0x9EA0] =	vst v9  }
0x1c6: {  	v50 =	vld [tilespmem:s0+$0x9ED0];
	v10 =	vmul.f32 v51, v49;
	[tilespmem:s0+$0x9EB0] =	vst v7  }
0x1c7: {  	v54 =	vld [tilespmem:s0+$0x9F10];
	v12 =	vmul.f32 v52, v49;
	[tilespmem:s0+$0x9EC0] =	vst v8  }
0x1c8: {  	v55 =	vld [tilespmem:s0+$0x9F20];
	v35 =	vbroadcast v1, $0xC;
	v40 =	vmul.f32 v28, v23;
	[tilespmem:s0+$0x9EE0] =	vst v10  }
0x1c9: {  	v56 =	vld [tilespmem:s0+$0x9F30];
	v32 =	vmul.f32 v26, v23;
	[tilespmem:s0+$0x9EF0] =	vst v12  }
0x1ca: {  	v60 =	vld [tilespmem:s0+$0x9F60];
	v15 =	vmul.f32 v30, v35;
	[tilespmem:s0+$0x9FE0] =	vst v40  }
0x1cb: {  	v62 =	vld [tilespmem:s0+$0x9A10];
	v11 =	vmul.f32 v50, v49;
	[tilespmem:s0+$0x9FD0] =	vst v32  }
0x1cc: {  	v19 =	vld [tilespmem:s0+$0x9A50];
	v9 =	vmul.f32 v54, v5;
	[tilespmem:s0+$0xA000] =	vst v15  }
0x1cd: {  	v33 =	vld [tilespmem:s0+$0xA030];
	v7 =	vmul.f32 v55, v5;
	[tilespmem:s0+$0x9ED0] =	vst v11  }
0x1ce: {  	v61 =	vld [tilespmem:s0+$0xA1F0];
	v8 =	vmul.f32 v56, v5;
	[tilespmem:s0+$0x9F10] =	vst v9  }
0x1cf: {  	v38 =	vld [tilespmem:s0+$0xA070];
	v5 =	vmul.f32 v60, v5;
	[tilespmem:s0+$0x9F20] =	vst v7  }
0x1d0: {  	v21 =	vld [tilespmem:s0+$0x9FA0];
	v12 =	vmul.f32 v62, v2;
	[tilespmem:s0+$0x9F30] =	vst v8  }
0x1d1: {  	v22 =	vld [tilespmem:s0+$0x9FB0];
	v2 =	vmul.f32 v19, v2;
	[tilespmem:s0+$0x9F60] =	vst v5  }
0x1d2: {  	v25 =	vld [tilespmem:s0+$0x9FC0];
	v62 =	vmul.f32 v33, v35;
	[tilespmem:s0+$0x9A10] =	vst v12  }
0x1d3: {  	v31 =	vld [tilespmem:s0+$0xA010];
	v63 =	vmul.f32 v61, v27;
	[tilespmem:s0+$0x9A50] =	vst v2  }
0x1d4: {  	v34 =	vld [tilespmem:s0+$0xA040];
	v15 =	vmul.f32 v38, v35;
	[tilespmem:s0+$0xA030] =	vst v62  }
0x1d5: {  	v41 =	vld [tilespmem:s0+$0xA0A0];
	v7 =	vmul.f32 v21, v23;
	[tilespmem:s0+$0xA1F0] =	vst v63  }
0x1d6: {  	v46 =	vld [tilespmem:s0+$0xA0E0];
	v8 =	vmul.f32 v22, v23;
	[tilespmem:s0+$0xA070] =	vst v15  }
0x1d7: {  	v36 =	vld [tilespmem:s0+$0xA050];
	v5 =	vmul.f32 v25, v23;
	[tilespmem:s0+$0x9FA0] =	vst v7  }
0x1d8: {  	v44 =	vbroadcast v1, $0xD;
	v9 =	vmul.f32 v31, v35;
	v2 =	vld [tilespmem:s0+$0xA090];
	[tilespmem:s0+$0x9FB0] =	vst v8  }
0x1d9: {  	v37 =	vld [tilespmem:s0+$0xA060];
	v12 =	vmul.f32 v34, v35;
	[tilespmem:s0+$0x9FC0] =	vst v5  }
0x1da: {  	v39 =	vld [tilespmem:s0+$0xA080];
	v11 =	vmul.f32 v41, v44;
	[tilespmem:s0+$0xA010] =	vst v9  }
0x1db: {  	v42 =	vld [tilespmem:s0+$0xA0B0];
	v51 =	vmul.f32 v46, v44;
	[tilespmem:s0+$0xA040] =	vst v12  }
0x1dc: {  	v48 =	vld [tilespmem:s0+$0xA110];
	v8 =	vmul.f32 v36, v35;
	[tilespmem:s0+$0xA0A0] =	vst v11  }
0x1dd: {  	v49 =	vld [tilespmem:s0+$0xA120];
	[tilespmem:s0+$0xA0E0] =	vst v51;
	v2 =	vmul.f32 v2, v44  }
0x1de: {  	v50 =	vld [tilespmem:s0+$0xA130];
	v5 =	vmul.f32 v37, v35;
	[tilespmem:s0+$0xA050] =	vst v8  }
0x1df: {  	v1 =	vbroadcast v1, $0xE;
	v9 =	vmul.f32 v39, v44;
	[tilespmem:s0+$0xA090] =	vst v2;
	v2 =	vld [tilespmem:s0+$0xA100]  }
0x1e0: {  	v60 =	vld [tilespmem:s0+$0xA1E0];
	v12 =	vmul.f32 v42, v44;
	[tilespmem:s0+$0xA060] =	vst v5  }
0x1e1: {  	v45 =	vld [tilespmem:s0+$0xA0D0];
	v11 =	vmul.f32 v48, v1;
	[tilespmem:s0+$0xA080] =	vst v9  }
0x1e2: {  	v47 =	vld [tilespmem:s0+$0xA0F0];
	v10 =	vmul.f32 v49, v1;
	[tilespmem:s0+$0xA0B0] =	vst v12  }
0x1e3: {  	v43 =	vld [tilespmem:s0+$0xA0C0];
	v6 =	vmul.f32 v50, v1;
	[tilespmem:s0+$0xA110] =	vst v11  }
0x1e4: {  	v55 =	vld [tilespmem:s0+$0xA180];
	[tilespmem:s0+$0xA120] =	vst v10;
	v2 =	vmul.f32 v2, v1  }
0x1e5: {  	v57 =	vld [tilespmem:s0+$0xA1A0];
	v4 =	vmul.f32 v60, v27;
	[tilespmem:s0+$0xA130] =	vst v6  }
0x1e6: {  	v5 =	vmul.f32 v45, v44;
	[tilespmem:s0+$0xA100] =	vst v2;
	v2 =	vld [tilespmem:s0+$0xA170]  }
0x1e7: {  	v52 =	vld [tilespmem:s0+$0xA140];
	v9 =	vmul.f32 v47, v44;
	[tilespmem:s0+$0xA1E0] =	vst v4  }
0x1e8: {  	v56 =	vld [tilespmem:s0+$0xA190];
	v8 =	vmul.f32 v43, v44;
	[tilespmem:s0+$0xA0D0] =	vst v5  }
0x1e9: {  	v54 =	vld [tilespmem:s0+$0xA160];
	v11 =	vmul.f32 v55, v27;
	[tilespmem:s0+$0xA0F0] =	vst v9  }
0x1ea: {  	v58 =	vld [tilespmem:s0+$0xA1B0];
	v6 =	vmul.f32 v57, v27;
	[tilespmem:s0+$0xA0C0] =	vst v8  }
0x1eb: {  	v53 =	vld [tilespmem:s0+$0xA150];
	[tilespmem:s0+$0xA180] =	vst v11;
	v2 =	vmul.f32 v2, v1  }
0x1ec: {  	v59 =	vld [tilespmem:s0+$0xA1C0];
	v5 =	vmul.f32 v52, v1;
	[tilespmem:s0+$0xA1A0] =	vst v6  }
0x1ed: {  	[tilespmem:s0+$0xA170] =	vst v2;
	v2 =	vmul.f32 v56, v27  }
0x1ee: {  	v3 =	vld [tilespmem:s0+$0xA020];
	v9 =	vmul.f32 v54, v1;
	[tilespmem:s0+$0xA140] =	vst v5  }
0x1ef: {  	[tilespmem:s0+$0xA190] =	vst v2;
	v2 =	vmul.f32 v58, v27  }
0x1f0: {  	[tilespmem:s0+$0xA160] =	vst v9;
	v1 =	vmul.f32 v53, v1  }
0x1f1: {  	[tilespmem:s0+$0xA1B0] =	vst v2;
	v2 =	vmul.f32 v59, v27  }
0x1f2: {  	[tilespmem:s0+$0xA150] =	vst v1  }
0x1f3: {  	s2 =	simm.s32 $0x1;
	[tilespmem:s0+$0xA1C0] =	vst v2;
	v2 =	vmul.f32 v3, v35  }
.LBB2_5:
0x1f4: {  	s14 =	sshll.u32 s2, $0x4  }
0x1f5: {  	p0 =	sne.s32 s2, $0x3;
	[tilespmem:s0+$0xA020] =	vst v2;
	s0 =	smov.u32 s2;
	s2 =	sadd.s32 $0x1, s2  }
0x1f6: {  	s14 =	sand.u32 $0x3FFFFFF0, s14  }
0x1f7: {  	v1 =	vld.idx.msk [tilespmem:v0+s14+$0x40 ss:$0x1], $0xffff  }
0x1f8: {  	s0 =	sshll.u32 s0, $0xB  }
0x1f9: {  	s0 =	sand.u32 $0x3FFFF800, s0  }
0x1fa: {  	v8 =	vld [tilespmem:s0+$0x9AC0]  }
0x1fb: {  	v9 =	vld [tilespmem:s0+$0x9AD0]  }
0x1fc: {  	v10 =	vld [tilespmem:s0+$0x9AB0]  }
0x1fd: {  	v2 =	vbroadcast v1, $0x0;
	v7 =	vbroadcast v1, $0x4;
	v3 =	vld [tilespmem:s0+$0x9A20]  }
0x1fe: {  	v5 =	vld [tilespmem:s0+$0x9A30]  }
0x1ff: {  	v6 =	vld [tilespmem:s0+$0x9F70]  }
0x200: {  	v11 =	vld [tilespmem:s0+$0x9A60]  }
0x201: {  	v12 =	vld [tilespmem:s0+$0x9A70]  }
0x202: {  	v4 =	vbroadcast v1, $0xA;
	v3 =	vmul.f32 v3, v2;
	v13 =	vld [tilespmem:s0+$0x9A80]  }
0x203: {  	v5 =	vmul.f32 v5, v2;
	v14 =	vld [tilespmem:s0+$0x9A90]  }
0x204: {  	[tilespmem:s0+$0x9A20] =	vst v3;
	v15 =	vld [tilespmem:s0+$0x9AA0];
	v3 =	vmul.f32 v6, v4  }
0x205: {  	[tilespmem:s0+$0x9A30] =	vst v5;
	v6 =	vmul.f32 v11, v2;
	v11 =	vbroadcast v1, $0x1;
	v5 =	vld [tilespmem:s0+$0x9F80]  }
0x206: {  	v12 =	vmul.f32 v12, v2;
	[tilespmem:s0+$0x9F70] =	vst v3;
	v3 =	vld [tilespmem:s0+$0xA1D0]  }
0x207: {  	[tilespmem:s0+$0x9A60] =	vst v6;
	v13 =	vmul.f32 v13, v11;
	v6 =	vld [tilespmem:s0+$0x9F90]  }
0x208: {  	[tilespmem:s0+$0x9A70] =	vst v12;
	v12 =	vmul.f32 v14, v11;
	v14 =	vld [tilespmem:s0+$0x9AE0]  }
0x209: {  	[tilespmem:s0+$0x9A80] =	vst v13;
	v13 =	vmul.f32 v15, v11;
	v15 =	vld [tilespmem:s0+$0x9AF0]  }
0x20a: {  	v10 =	vmul.f32 v10, v11;
	[tilespmem:s0+$0x9A90] =	vst v12;
	v12 =	vld [tilespmem:s0+$0x9B00]  }
0x20b: {  	v8 =	vmul.f32 v8, v11;
	[tilespmem:s0+$0x9AA0] =	vst v13;
	v13 =	vld [tilespmem:s0+$0x9B10]  }
0x20c: {  	v9 =	vmul.f32 v9, v11;
	[tilespmem:s0+$0x9AB0] =	vst v10;
	v10 =	vld [tilespmem:s0+$0x9B20]  }
0x20d: {  	[tilespmem:s0+$0x9AC0] =	vst v8;
	v8 =	vmul.f32 v14, v11;
	v14 =	vbroadcast v1, $0x2;
	v16 =	vld [tilespmem:s0+$0x9B30]  }
0x20e: {  	[tilespmem:s0+$0x9AD0] =	vst v9;
	v9 =	vmul.f32 v15, v11;
	v11 =	vld [tilespmem:s0+$0x9B40]  }
0x20f: {  	[tilespmem:s0+$0x9AE0] =	vst v8;
	v8 =	vmul.f32 v12, v14;
	v12 =	vld [tilespmem:s0+$0x9B50]  }
0x210: {  	[tilespmem:s0+$0x9AF0] =	vst v9;
	v9 =	vmul.f32 v13, v14;
	v13 =	vld [tilespmem:s0+$0x9B60]  }
0x211: {  	[tilespmem:s0+$0x9B00] =	vst v8;
	v8 =	vmul.f32 v10, v14;
	v10 =	vld [tilespmem:s0+$0x9B70]  }
0x212: {  	[tilespmem:s0+$0x9B10] =	vst v9;
	v9 =	vmul.f32 v16, v14;
	v15 =	vld [tilespmem:s0+$0x9B80]  }
0x213: {  	[tilespmem:s0+$0x9B20] =	vst v8;
	v8 =	vmul.f32 v11, v14;
	v11 =	vld [tilespmem:s0+$0x9B90]  }
0x214: {  	[tilespmem:s0+$0x9B30] =	vst v9;
	v9 =	vmul.f32 v12, v14;
	v12 =	vld [tilespmem:s0+$0x9BA0]  }
0x215: {  	[tilespmem:s0+$0x9B40] =	vst v8;
	v8 =	vmul.f32 v13, v14;
	v13 =	vbroadcast v1, $0x3;
	v16 =	vld [tilespmem:s0+$0x9BB0]  }
0x216: {  	[tilespmem:s0+$0x9B50] =	vst v9;
	v9 =	vmul.f32 v10, v14;
	v10 =	vld [tilespmem:s0+$0x9BC0]  }
0x217: {  	[tilespmem:s0+$0x9B60] =	vst v8;
	v8 =	vmul.f32 v15, v13;
	v14 =	vld [tilespmem:s0+$0x9BD0]  }
0x218: {  	[tilespmem:s0+$0x9B70] =	vst v9;
	v9 =	vmul.f32 v11, v13;
	v11 =	vld [tilespmem:s0+$0x9BE0]  }
0x219: {  	[tilespmem:s0+$0x9B80] =	vst v8;
	v8 =	vmul.f32 v12, v13;
	v12 =	vld [tilespmem:s0+$0x9BF0]  }
0x21a: {  	[tilespmem:s0+$0x9B90] =	vst v9;
	v9 =	vmul.f32 v16, v13;
	v15 =	vld [tilespmem:s0+$0x9C00]  }
0x21b: {  	[tilespmem:s0+$0x9BA0] =	vst v8;
	v8 =	vmul.f32 v10, v13;
	v10 =	vld [tilespmem:s0+$0x9C10]  }
0x21c: {  	[tilespmem:s0+$0x9BB0] =	vst v9;
	v9 =	vmul.f32 v14, v13;
	v14 =	vld [tilespmem:s0+$0x9C20]  }
0x21d: {  	[tilespmem:s0+$0x9BC0] =	vst v8;
	v8 =	vmul.f32 v11, v13;
	v11 =	vld [tilespmem:s0+$0x9C30]  }
0x21e: {  	[tilespmem:s0+$0x9BD0] =	vst v9;
	v9 =	vmul.f32 v12, v13;
	v12 =	vld [tilespmem:s0+$0x9C40]  }
0x21f: {  	[tilespmem:s0+$0x9BE0] =	vst v8;
	v8 =	vmul.f32 v15, v7;
	v13 =	vld [tilespmem:s0+$0x9C50]  }
0x220: {  	[tilespmem:s0+$0x9BF0] =	vst v9;
	v9 =	vmul.f32 v10, v7;
	v10 =	vld [tilespmem:s0+$0x9C60]  }
0x221: {  	[tilespmem:s0+$0x9C00] =	vst v8;
	v8 =	vmul.f32 v14, v7;
	v14 =	vld [tilespmem:s0+$0x9C70]  }
0x222: {  	[tilespmem:s0+$0x9C10] =	vst v9;
	v9 =	vmul.f32 v11, v7;
	v11 =	vld [tilespmem:s0+$0x9C80]  }
0x223: {  	[tilespmem:s0+$0x9C20] =	vst v8;
	v8 =	vmul.f32 v12, v7;
	v12 =	vld [tilespmem:s0+$0x9C90]  }
0x224: {  	[tilespmem:s0+$0x9C30] =	vst v9;
	v9 =	vmul.f32 v13, v7;
	v13 =	vld [tilespmem:s0+$0x9CA0]  }
0x225: {  	[tilespmem:s0+$0x9C40] =	vst v8;
	v8 =	vmul.f32 v10, v7;
	v10 =	vbroadcast v1, $0x5;
	v15 =	vld [tilespmem:s0+$0x9CB0]  }
0x226: {  	[tilespmem:s0+$0x9C50] =	vst v9;
	v7 =	vmul.f32 v14, v7;
	v9 =	vld [tilespmem:s0+$0x9CC0]  }
0x227: {  	[tilespmem:s0+$0x9C60] =	vst v8;
	v8 =	vmul.f32 v11, v10;
	v11 =	vld [tilespmem:s0+$0x9CD0]  }
0x228: {  	[tilespmem:s0+$0x9C70] =	vst v7;
	v7 =	vmul.f32 v12, v10;
	v12 =	vld [tilespmem:s0+$0x9CE0]  }
0x229: {  	[tilespmem:s0+$0x9C80] =	vst v8;
	v8 =	vmul.f32 v13, v10;
	v13 =	vld [tilespmem:s0+$0x9CF0]  }
0x22a: {  	[tilespmem:s0+$0x9C90] =	vst v7;
	v7 =	vmul.f32 v15, v10;
	v14 =	vld [tilespmem:s0+$0x9D00]  }
0x22b: {  	[tilespmem:s0+$0x9CA0] =	vst v8;
	v8 =	vmul.f32 v9, v10;
	v9 =	vld [tilespmem:s0+$0x9D10]  }
0x22c: {  	[tilespmem:s0+$0x9CB0] =	vst v7;
	v7 =	vmul.f32 v11, v10;
	v11 =	vld [tilespmem:s0+$0x9D20]  }
0x22d: {  	[tilespmem:s0+$0x9CC0] =	vst v8;
	v8 =	vmul.f32 v12, v10;
	v12 =	vbroadcast v1, $0x6;
	v15 =	vld [tilespmem:s0+$0x9D30]  }
0x22e: {  	[tilespmem:s0+$0x9CD0] =	vst v7;
	v7 =	vmul.f32 v13, v10;
	v10 =	vld [tilespmem:s0+$0x9D40]  }
0x22f: {  	[tilespmem:s0+$0x9CE0] =	vst v8;
	v8 =	vmul.f32 v14, v12;
	v13 =	vld [tilespmem:s0+$0x9D50]  }
0x230: {  	[tilespmem:s0+$0x9CF0] =	vst v7;
	v7 =	vmul.f32 v9, v12;
	v9 =	vld [tilespmem:s0+$0x9D60]  }
0x231: {  	[tilespmem:s0+$0x9D00] =	vst v8;
	v8 =	vmul.f32 v11, v12;
	v11 =	vld [tilespmem:s0+$0x9D70]  }
0x232: {  	[tilespmem:s0+$0x9D10] =	vst v7;
	v7 =	vmul.f32 v15, v12;
	v14 =	vld [tilespmem:s0+$0x9D80]  }
0x233: {  	[tilespmem:s0+$0x9D20] =	vst v8;
	v8 =	vmul.f32 v10, v12;
	v10 =	vld [tilespmem:s0+$0x9D90]  }
0x234: {  	[tilespmem:s0+$0x9D30] =	vst v7;
	v7 =	vmul.f32 v13, v12;
	v13 =	vld [tilespmem:s0+$0x9DA0]  }
0x235: {  	[tilespmem:s0+$0x9D40] =	vst v8;
	v8 =	vmul.f32 v9, v12;
	v9 =	vbroadcast v1, $0x7;
	v15 =	vld [tilespmem:s0+$0x9DB0]  }
0x236: {  	[tilespmem:s0+$0x9D50] =	vst v7;
	v7 =	vmul.f32 v11, v12;
	v11 =	vld [tilespmem:s0+$0x9DC0]  }
0x237: {  	[tilespmem:s0+$0x9D60] =	vst v8;
	v8 =	vmul.f32 v14, v9;
	v12 =	vld [tilespmem:s0+$0x9DD0]  }
0x238: {  	[tilespmem:s0+$0x9D70] =	vst v7;
	v7 =	vmul.f32 v10, v9;
	v10 =	vld [tilespmem:s0+$0x9DE0]  }
0x239: {  	[tilespmem:s0+$0x9D80] =	vst v8;
	v8 =	vmul.f32 v13, v9;
	v13 =	vld [tilespmem:s0+$0x9DF0]  }
0x23a: {  	[tilespmem:s0+$0x9D90] =	vst v7;
	v7 =	vmul.f32 v15, v9;
	v14 =	vld [tilespmem:s0+$0x9E00]  }
0x23b: {  	[tilespmem:s0+$0x9DA0] =	vst v8;
	v8 =	vmul.f32 v11, v9;
	v11 =	vld [tilespmem:s0+$0x9E10]  }
0x23c: {  	[tilespmem:s0+$0x9DB0] =	vst v7;
	v7 =	vmul.f32 v12, v9;
	v12 =	vld [tilespmem:s0+$0x9E20]  }
0x23d: {  	[tilespmem:s0+$0x9DC0] =	vst v8;
	v8 =	vmul.f32 v10, v9;
	v10 =	vbroadcast v1, $0x8;
	v15 =	vld [tilespmem:s0+$0x9E30]  }
0x23e: {  	[tilespmem:s0+$0x9DD0] =	vst v7;
	v7 =	vmul.f32 v13, v9;
	v9 =	vld [tilespmem:s0+$0x9E40]  }
0x23f: {  	[tilespmem:s0+$0x9DE0] =	vst v8;
	v8 =	vmul.f32 v14, v10;
	v13 =	vld [tilespmem:s0+$0x9E50]  }
0x240: {  	[tilespmem:s0+$0x9DF0] =	vst v7;
	v7 =	vmul.f32 v11, v10;
	v11 =	vld [tilespmem:s0+$0x9E60]  }
0x241: {  	[tilespmem:s0+$0x9E00] =	vst v8;
	v8 =	vmul.f32 v12, v10;
	v12 =	vld [tilespmem:s0+$0x9E70]  }
0x242: {  	[tilespmem:s0+$0x9E10] =	vst v7;
	v7 =	vmul.f32 v15, v10;
	v14 =	vld [tilespmem:s0+$0x9E80]  }
0x243: {  	[tilespmem:s0+$0x9E20] =	vst v8;
	v8 =	vmul.f32 v9, v10;
	v9 =	vld [tilespmem:s0+$0x9E90]  }
0x244: {  	[tilespmem:s0+$0x9E30] =	vst v7;
	v7 =	vmul.f32 v13, v10;
	v13 =	vld [tilespmem:s0+$0x9EA0]  }
0x245: {  	[tilespmem:s0+$0x9E40] =	vst v8;
	v8 =	vmul.f32 v11, v10;
	v11 =	vbroadcast v1, $0x9;
	v15 =	vld [tilespmem:s0+$0x9EB0]  }
0x246: {  	[tilespmem:s0+$0x9E50] =	vst v7;
	v7 =	vmul.f32 v12, v10;
	v10 =	vld [tilespmem:s0+$0x9EC0]  }
0x247: {  	[tilespmem:s0+$0x9E60] =	vst v8;
	v8 =	vmul.f32 v14, v11;
	v12 =	vld [tilespmem:s0+$0x9ED0]  }
0x248: {  	[tilespmem:s0+$0x9E70] =	vst v7;
	v7 =	vmul.f32 v9, v11;
	v9 =	vld [tilespmem:s0+$0x9EE0]  }
0x249: {  	[tilespmem:s0+$0x9E80] =	vst v8;
	v8 =	vmul.f32 v13, v11;
	v13 =	vld [tilespmem:s0+$0x9EF0]  }
0x24a: {  	[tilespmem:s0+$0x9E90] =	vst v7;
	v7 =	vmul.f32 v15, v11;
	v14 =	vld [tilespmem:s0+$0x9F00]  }
0x24b: {  	[tilespmem:s0+$0x9EA0] =	vst v8;
	v8 =	vmul.f32 v10, v11;
	v10 =	vld [tilespmem:s0+$0x9F10]  }
0x24c: {  	[tilespmem:s0+$0x9EB0] =	vst v7;
	v7 =	vmul.f32 v12, v11;
	v12 =	vld [tilespmem:s0+$0x9F20]  }
0x24d: {  	[tilespmem:s0+$0x9EC0] =	vst v8;
	v8 =	vmul.f32 v9, v11;
	v9 =	vld [tilespmem:s0+$0x9F30]  }
0x24e: {  	[tilespmem:s0+$0x9ED0] =	vst v7;
	v7 =	vmul.f32 v13, v11;
	v11 =	vld [tilespmem:s0+$0x9F40]  }
0x24f: {  	[tilespmem:s0+$0x9EE0] =	vst v8;
	v8 =	vmul.f32 v14, v4;
	v13 =	vld [tilespmem:s0+$0x9F50]  }
0x250: {  	[tilespmem:s0+$0x9EF0] =	vst v7;
	v7 =	vmul.f32 v10, v4;
	v10 =	vld [tilespmem:s0+$0x9F60]  }
0x251: {  	v14 =	vld [tilespmem:s0+$0x9A00];
	[tilespmem:s0+$0x9F00] =	vst v8;
	v8 =	vmul.f32 v12, v4  }
0x252: {  	v12 =	vld [tilespmem:s0+$0x9A10];
	[tilespmem:s0+$0x9F10] =	vst v7;
	v7 =	vmul.f32 v9, v4  }
0x253: {  	v9 =	vld [tilespmem:s0+$0x9A40];
	[tilespmem:s0+$0x9F20] =	vst v8;
	v8 =	vmul.f32 v11, v4  }
0x254: {  	v11 =	vld [tilespmem:s0+$0x9A50];
	[tilespmem:s0+$0x9F30] =	vst v7;
	v7 =	vmul.f32 v13, v4  }
0x255: {  	[tilespmem:s0+$0x9F40] =	vst v8;
	v8 =	vmul.f32 v10, v4;
	v10 =	vbroadcast v1, $0xB;
	v13 =	vld [tilespmem:s0+$0x9FA0]  }
0x256: {  	v4 =	vbroadcast v1, $0xF;
	v14 =	vmul.f32 v2, v14;
	[tilespmem:s0+$0x9F50] =	vst v7;
	v7 =	vld [tilespmem:s0+$0x9FB0]  }
0x257: {  	v12 =	vmul.f32 v12, v2;
	[tilespmem:s0+$0x9F60] =	vst v8;
	v5 =	vmul.f32 v5, v10;
	v8 =	vld [tilespmem:s0+$0x9FC0]  }
0x258: {  	v6 =	vmul.f32 v6, v10;
	[tilespmem:s0+$0x9A00] =	vst v14;
	v9 =	vmul.f32 v9, v2;
	v14 =	vld [tilespmem:s0+$0x9FD0]  }
0x259: {  	v3 =	vmul.f32 v3, v4;
	v11 =	vmul.f32 v11, v2;
	[tilespmem:s0+$0x9F80] =	vst v5;
	v2 =	vld [tilespmem:s0+$0x9FE0]  }
0x25a: {  	[tilespmem:s0+$0x9F90] =	vst v6;
	v5 =	vmul.f32 v13, v10;
	v6 =	vld [tilespmem:s0+$0x9FF0]  }
0x25b: {  	v7 =	vmul.f32 v7, v10;
	v13 =	vld [tilespmem:s0+$0xA000];
	[tilespmem:s0+$0xA1D0] =	vst v3  }
0x25c: {  	[tilespmem:s0+$0x9A10] =	vst v12;
	v3 =	vmul.f32 v8, v10;
	v8 =	vld [tilespmem:s0+$0xA010]  }
0x25d: {  	[tilespmem:s0+$0x9A40] =	vst v9;
	v9 =	vmul.f32 v14, v10;
	v12 =	vld [tilespmem:s0+$0xA020]  }
0x25e: {  	v14 =	vbroadcast v1, $0xC;
	[tilespmem:s0+$0x9FA0] =	vst v5;
	v5 =	vmul.f32 v2, v10;
	v15 =	vld [tilespmem:s0+$0xA030]  }
0x25f: {  	[tilespmem:s0+$0x9FD0] =	vst v9;
	v6 =	vmul.f32 v6, v10;
	v9 =	vld [tilespmem:s0+$0xA040]  }
0x260: {  	[tilespmem:s0+$0x9FB0] =	vst v7;
	v2 =	vmul.f32 v13, v14;
	v7 =	vld [tilespmem:s0+$0xA050]  }
0x261: {  	[tilespmem:s0+$0x9FC0] =	vst v3;
	v3 =	vmul.f32 v8, v14;
	v8 =	vld [tilespmem:s0+$0xA060]  }
0x262: {  	[tilespmem:s0+$0xA000] =	vst v2;
	v2 =	vmul.f32 v12, v14;
	v10 =	vld [tilespmem:s0+$0xA070]  }
0x263: {  	[tilespmem:s0+$0xA010] =	vst v3;
	v3 =	vld [tilespmem:s0+$0xA080]  }
0x264: {  	[tilespmem:s0+$0x9A50] =	vst v11;
	v9 =	vmul.f32 v9, v14;
	v11 =	vld [tilespmem:s0+$0xA090]  }
0x265: {  	[tilespmem:s0+$0x9FE0] =	vst v5;
	v5 =	vmul.f32 v7, v14;
	v7 =	vld [tilespmem:s0+$0xA0A0]  }
0x266: {  	[tilespmem:s0+$0xA040] =	vst v9;
	v8 =	vmul.f32 v8, v14;
	v9 =	vbroadcast v1, $0xD;
	v12 =	vld [tilespmem:s0+$0xA0B0]  }
0x267: {  	[tilespmem:s0+$0xA050] =	vst v5;
	v5 =	vmul.f32 v10, v14;
	v10 =	vld [tilespmem:s0+$0xA0C0]  }
0x268: {  	[tilespmem:s0+$0xA060] =	vst v8;
	v3 =	vmul.f32 v3, v9;
	v8 =	vld [tilespmem:s0+$0xA0D0]  }
0x269: {  	[tilespmem:s0+$0xA070] =	vst v5;
	v5 =	vmul.f32 v11, v9;
	v11 =	vld [tilespmem:s0+$0xA0E0]  }
0x26a: {  	[tilespmem:s0+$0xA080] =	vst v3;
	v3 =	vmul.f32 v7, v9;
	v7 =	vld [tilespmem:s0+$0xA0F0]  }
0x26b: {  	[tilespmem:s0+$0xA090] =	vst v5;
	v5 =	vmul.f32 v12, v9;
	v12 =	vld [tilespmem:s0+$0xA100]  }
0x26c: {  	[tilespmem:s0+$0xA0A0] =	vst v3;
	v3 =	vmul.f32 v10, v9;
	v10 =	vld [tilespmem:s0+$0xA110]  }
0x26d: {  	[tilespmem:s0+$0xA0B0] =	vst v5;
	v5 =	vmul.f32 v8, v9;
	v8 =	vld [tilespmem:s0+$0xA120]  }
0x26e: {  	v1 =	vbroadcast v1, $0xE;
	[tilespmem:s0+$0x9FF0] =	vst v6;
	v6 =	vmul.f32 v11, v9;
	v11 =	vld [tilespmem:s0+$0xA130]  }
0x26f: {  	[tilespmem:s0+$0xA0D0] =	vst v5;
	v5 =	vmul.f32 v7, v9;
	v7 =	vld [tilespmem:s0+$0xA140]  }
0x270: {  	[tilespmem:s0+$0xA0E0] =	vst v6;
	v6 =	vmul.f32 v12, v1;
	v9 =	vld [tilespmem:s0+$0xA150]  }
0x271: {  	[tilespmem:s0+$0xA0F0] =	vst v5;
	v5 =	vmul.f32 v10, v1;
	v10 =	vld [tilespmem:s0+$0xA160]  }
0x272: {  	[tilespmem:s0+$0xA100] =	vst v6;
	v6 =	vmul.f32 v8, v1;
	v8 =	vld [tilespmem:s0+$0xA170]  }
0x273: {  	[tilespmem:s0+$0xA110] =	vst v5;
	v5 =	vmul.f32 v11, v1;
	v11 =	vld [tilespmem:s0+$0xA180]  }
0x274: {  	[tilespmem:s0+$0xA120] =	vst v6;
	v6 =	vmul.f32 v7, v1;
	v7 =	vld [tilespmem:s0+$0xA190]  }
0x275: {  	[tilespmem:s0+$0xA130] =	vst v5;
	v5 =	vmul.f32 v9, v1;
	v9 =	vld [tilespmem:s0+$0xA1A0]  }
0x276: {  	[tilespmem:s0+$0xA140] =	vst v6;
	v6 =	vmul.f32 v10, v1;
	v10 =	vld [tilespmem:s0+$0xA1B0]  }
0x277: {  	[tilespmem:s0+$0xA0C0] =	vst v3;
	v1 =	vmul.f32 v8, v1;
	v3 =	vld [tilespmem:s0+$0xA1C0]  }
0x278: {  	[tilespmem:s0+$0xA160] =	vst v6;
	v6 =	vmul.f32 v11, v4;
	v8 =	vld [tilespmem:s0+$0xA1E0]  }
0x279: {  	[tilespmem:s0+$0xA170] =	vst v1;
	v1 =	vmul.f32 v7, v4;
	v7 =	vld [tilespmem:s0+$0xA1F0]  }
0x27a: {  	[tilespmem:s0+$0xA180] =	vst v6;
	v6 =	vmul.f32 v9, v4  }
0x27b: {  	[tilespmem:s0+$0xA190] =	vst v1;
	v1 =	vmul.f32 v10, v4  }
0x27c: {  	v9 =	vmul.f32 v15, v14;
	[tilespmem:s0+$0xA1A0] =	vst v6  }
0x27d: {  	[tilespmem:s0+$0xA1B0] =	vst v1;
	v1 =	vmul.f32 v3, v4  }
.Ltmp1:
0x27e: {  	[tilespmem:s0+$0xA030] =	vst v9;
	v3 =	vmul.f32 v7, v4;
	(pc) =	sbr.rel @p0 .LBB2_5-.Ltmp1, $4  }
0x27f: {  	[tilespmem:s0+$0xA1C0] =	vst v1  }
0x280: {  	v1 =	vmul.f32 v8, v4;
	[tilespmem:s0+$0xA1F0] =	vst v3  }
0x281: {  	[tilespmem:s0+$0xA150] =	vst v5  }
0x282: {  	[tilespmem:s0+$0xA1E0] =	vst v1  }
0x283: {  	[tilespmem:s0+$0xA020] =	vst v2  }
0x284: {  	v0 =	vld [tilespmem:s31+$0x2800];
	_ =	sdelay $0x4  }
0x285: {  	[tilespmem:$0x7980] =	vst v0  }
0x286: {  	v0 =	vld [tilespmem:s29+$0x2800];
	_ =	sdelay $0x4  }
0x287: {  	[tilespmem:$0x7990] =	vst v0  }
0x288: {  	v0 =	vld [tilespmem:s30+$0x2800];
	_ =	sdelay $0x4  }
0x289: {  	[tilespmem:$0x79A0] =	vst v0  }
0x28a: {  	v0 =	vld [tilespmem:s28+$0x2800];
	_ =	sdelay $0x2  }
0x28b: {  	s26 =	sadd.s32 $0x1, s26  }
0x28c: {  	p0 =	sne.s32 s26, $0x4F  }
.Ltmp2:
0x28d: {  	[tilespmem:$0x79B0] =	vst v0;
	(pc) =	sbr.rel @p0 .LBB2_2-.Ltmp2, $4  }
0x28e: {  	[spmem:s3] =	stream.indirect.scatter.add.f32 [tilespmem:s20], [sflag:$0x3], $0x80, s24, s16, $0xb8;
	[tilespmem:$0x1FA00] =	vst v63  }
0x28f: {  	_ =	swait.ge [sflag:s13], $0x2000  }
0x290: {  	[sflag:s13] =	ssyncset.done $0x0  }
0x291: {  	[sflag:s13] =	ssyncadd.s32 $0xFFFFE000  }
0x292: {  	_ =	swait.ge [sflag:s21], $0x2000  }
0x293: {  	s25 =	sadd.s32 $0x1, s25;
	[sflag:s21] =	ssyncset.done $0x0  }
0x294: {  	p0 =	sne.s32 s25, s11;
	[sflag:s21] =	ssyncadd.s32 $0xFFFFE000  }
.Ltmp3:
0x295: {  	[bflag:$0x0] =	sbarrier.arrive $0xFFFF;
	(pc) =	sbr.rel @p0 .LBB2_1-.Ltmp3, $4  }
0x296: {  	[hbm:s10], [sflag:s6] =	dma.local [spmem:s12], $0x2800  }
0x297: {  	_ =	swait.ge [sflag:s13], $0x2800  }
0x298: {  	[sflag:s13] =	ssyncset.done $0x0  }
0x299: {  	[sflag:s13] =	ssyncadd.s32 $0xFFFFD800  }
0x29a: {  	_ =	sfence.sel $0x180000  }
0x29b: {  	[bflag:$0x0] =	sbarrier.arrive $0xFFFF  }
0x29c: {  	_ =	strace $0x90000047  }
0x29d: {  	s0 =	stileid.u32;
	[bflag:$0x2] =	sbarrier.arrive $0xFFFF  }
0x29e: {  	p0 =	sne.s32 s0, $0x0;
	s0 =	rddreg [dreg:$0x4]  }
0x29f: {  	s0 =	sadd.s32 @!p0 $0x100000, s0  }
0x2a0: {  	[sflag:s0] =	ssyncadd.tile.s32 @!p0 $0x1;
	_ =	shalt  }
.Lfunc_end2:
_tile_overlayer_lowered:
.L_overlay_start_2:
0x2a1: {  	(tag) =	ssettag $0x2  }
0x2a2: {  	s0 =	rddreg [dreg:$0x0];
	s2 =	stileid.u32  }
0x2a3: {  	s1 =	rddreg [dreg:$0x1];
	p0 =	sne.s32 s2, $0x0  }
0x2a4: {  	s3 =	rddreg [dreg:$0x2];
	[bflag:$0x3] =	sbarrier.arrive $0xFFFF;
	s2 =	simm.s32 @!p0 $0x1C03  }
0x2a5: {  	[timem:s3], [sflag:s2] =	dma.local @!p0 [hbm:s0], s1  }
0x2a6: {  	s0 =	simm.s32 @!p0 $0x3  }
0x2a7: {  	_ =	swait.ge @!p0 [sflag:s0], s1  }
0x2a8: {  	s1 =	ssub.s32 @!p0 $0x0, s1;
	[sflag:s0] =	ssyncset.done @!p0 $0x0  }
0x2a9: {  	[sflag:s0] =	ssyncadd.s32 @!p0 s1  }
0x2aa: {  	[bflag:$0x3] =	sbarrier.arrive $0xFFFF  }
0x2ab: {  	_ =	shalt  }

</sc_bundles>
